<compile_context>
chip_gen: v7x
topology: tpu7x:2x2x1
jax: 0.10.2.dev20260603
libtpu: 0.0.44.dev20260713+nightly
codegen_flags: <defaults>
</compile_context>

<pallas_src>
import functools

import jax
import jax.numpy as jnp
from jax import lax
from jax.experimental import pallas as pl
from jax.experimental.pallas import tpu as pltpu
from jax.experimental.pallas import tpu_sc as plsc

LANES = 16
N_PARTS = 1


@functools.lru_cache(maxsize=None)
def _make_gather_sum(n_nodes, d, b, fan, nc, ns, n_parts, part):
    nw = nc * ns
    bp = b // n_parts
    b_per_w = bp // nw
    sb = max(1, 128 // fan)
    while b_per_w % sb:
        sb -= 1
    n_chunks = b_per_w // sb
    idxw = sb * fan
    part_chunk0 = part * (bp // sb)

    mesh = plsc.VectorSubcoreMesh(core_axis_name="c", subcore_axis_name="s")

    nbuf = 2
    assert n_chunks % nbuf == 0 and n_chunks >= nbuf

    @functools.partial(
        pl.kernel,
        mesh=mesh,
        out_type=jax.ShapeDtypeStruct((bp, d), jnp.float32),
        scratch_types=[
            pltpu.VMEM((n_chunks, idxw), jnp.int32),
        ] + [pltpu.VMEM((idxw, d), jnp.float32) for _ in range(nbuf)] + [
            pltpu.VMEM((b_per_w, d), jnp.float32),
        ] + [pltpu.SemaphoreType.DMA for _ in range(nbuf + 2)],
    )
    def gather_sum(neigh_hbm, feats_hbm, out_hbm, idx_v, *rest):
        bufs = rest[:nbuf]
        acc_v = rest[nbuf]
        sems = rest[nbuf + 1:nbuf + 1 + nbuf]
        isem = rest[-2]
        osem = rest[-1]
        cid = lax.axis_index("c")
        sid = lax.axis_index("s")
        wid = sid * nc + cid
        base = (part_chunk0 + wid * n_chunks) * idxw
        for k in range(n_chunks):
            pltpu.async_copy(
                neigh_hbm.at[pl.ds(base + k * idxw, idxw)], idx_v.at[k], isem)
        for k in range(n_chunks):
            pltpu.make_async_copy(
                neigh_hbm.at[pl.ds(0, idxw)], idx_v.at[0], isem).wait()
        for k in range(nbuf - 1):
            pltpu.async_copy(feats_hbm.at[idx_v.at[k]], bufs[k], sems[k])

        def acc_chunk(k, buf):
            @plsc.parallel_loop(0, sb)
            def d_body(dst):
                for c in range(d // LANES):
                    cs = pl.ds(c * LANES, LANES)
                    v = buf[dst * fan, cs]
                    for j in range(1, fan):
                        v = v + buf[dst * fan + j, cs]
                    acc_v[k * sb + dst, cs] = v

        def ring_body(i, carry):
            for u in range(nbuf):
                k = nbuf * i + u
                ahead = k + nbuf - 1
                nxt = (u + nbuf - 1) % nbuf

                @pl.when(ahead < n_chunks)
                def _():
                    pltpu.async_copy(
                        feats_hbm.at[idx_v.at[ahead]], bufs[nxt], sems[nxt])

                pltpu.make_async_copy(
                    feats_hbm.at[idx_v.at[0]], bufs[u], sems[u]).wait()
                acc_chunk(k, bufs[u])
                pltpu.async_copy(
                    acc_v.at[pl.ds(k * sb, sb)],
                    out_hbm.at[pl.ds(wid * b_per_w + k * sb, sb)], osem)
            return carry

        lax.fori_loop(0, n_chunks // nbuf, ring_body, 0)
        for k in range(n_chunks):
            pltpu.make_async_copy(
                acc_v.at[pl.ds(0, sb)],
                out_hbm.at[pl.ds(0, sb)], osem).wait()

    return gather_sum


def _tc_body(inv, x_ref, s_ref, w_ref, b_ref, *refs):
    o_ref = refs[-1]
    x = x_ref[...]
    agg = (x + s_ref[...]) * inv
    h = jnp.concatenate([x, agg], axis=1)
    acc = lax.dot_general(
        h, w_ref[...], (((1,), (1,)), ((), ())),
        preferred_element_type=jnp.float32)
    o_ref[...] = jnp.maximum(acc + b_ref[...], 0.0)[:, None, :]


@functools.lru_cache(maxsize=None)
def _make_fused_linear(b, d, h, fan, bm, n_parts, part):
    bp = b // n_parts
    grid_n = bp // bm
    i0 = part * grid_n
    in_specs = [
        pl.BlockSpec((bm, d), lambda i: (i0 + i, 0)),
        pl.BlockSpec((bm, d), lambda i: (i, 0)),
        pl.BlockSpec((h, 2 * d), lambda i: (0, 0)),
        pl.BlockSpec((1, h), lambda i: (0, 0)),
    ]
    kwargs = {}
    if part > 0:
        in_specs.append(pl.BlockSpec((8, 1, 128), lambda i: (0, 0, 0)))
        kwargs["input_output_aliases"] = {4: 0}
    return pl.pallas_call(
        functools.partial(_tc_body, 1.0 / (fan + 1)),
        grid=(grid_n,),
        in_specs=in_specs,
        out_specs=pl.BlockSpec((bm, 1, h), lambda i: (i0 + i, 0, 0)),
        out_shape=jax.ShapeDtypeStruct((b, 1, h), jnp.float32),
        **kwargs,
    )


def kernel(x, nodes, feats, neigh0, neigh1, W0, b0, W1, b1):
    b, d = x.shape
    fan = neigh1.shape[1]
    n_nodes = feats.shape[0]
    h = W1.shape[0]

    info = plsc.get_sparse_core_info()
    nc, ns = info.num_cores, info.num_subcores
    nw = nc * ns
    b_per_w = b // (nw * N_PARTS)
    sb = max(1, 128 // fan)
    while b_per_w % sb:
        sb -= 1
    idxw = sb * fan

    neigh_rows = neigh1.reshape(b * fan)
    b1r = b1.reshape(1, h)

    sums = [
        _make_gather_sum(n_nodes, d, b, fan, nc, ns, N_PARTS, p)(
            neigh_rows, feats)
        for p in range(N_PARTS)
    ]
    out = None
    for p in range(N_PARTS):
        fused = _make_fused_linear(b, d, h, fan, 512, N_PARTS, p)
        args = (x, sums[p], W1, b1r) + (() if p == 0 else (out,))
        out = fused(*args)
    return out

# --- scband reference (transcript-rebuilt; emitter-appended) ---
"""Pipeline reference for scband-graph-sage-25177098289728 (READ-ONLY COPY).

The authoritative reference and input builder live on the scoring server;
editing this copy changes nothing except your own understanding.
"""

import jax, jax.numpy as jnp
import numpy as np

N_NODES = 50000
D = 256
B = 4096
FAN0 = 25
FAN1 = 10
H = 512  # concat doubles layer sizes: [512, 512, 512]


def setup_inputs(seed: int = 0) -> dict:
    key = jax.random.key(seed)
    ks = jax.random.split(key, 10)
    x = jax.random.normal(ks[0], (B, D), dtype=jnp.float32)
    nodes = jax.random.randint(ks[1], (B,), 0, N_NODES, dtype=jnp.int32)
    # dataloader state: global node feature table + sampled neighbor ids per hop
    feats = jax.random.normal(ks[2], (N_NODES, D), dtype=jnp.float32)
    neigh0 = jax.random.randint(ks[3], (B, FAN0), 0, N_NODES, dtype=jnp.int32)
    neigh1 = jax.random.randint(ks[4], (B, FAN1), 0, N_NODES, dtype=jnp.int32)
    # nn.Linear params: W[out, in], b[out]; in = 2*D = 512 (concat), out = 512
    s = 1.0 / np.sqrt(H)
    W0 = jax.random.uniform(ks[5], (H, H), dtype=jnp.float32, minval=-s, maxval=s)
    b0 = jax.random.uniform(ks[6], (H,), dtype=jnp.float32, minval=-s, maxval=s)
    W1 = jax.random.uniform(ks[7], (H, H), dtype=jnp.float32, minval=-s, maxval=s)
    b1 = jax.random.uniform(ks[8], (H,), dtype=jnp.float32, minval=-s, maxval=s)
    return {"x": x, "nodes": nodes, "feats": feats, "neigh0": neigh0,
            "neigh1": neigh1, "W0": W0, "b0": b0, "W1": W1, "b1": b1}


def reference(x, nodes, feats, neigh0, neigh1, W0, b0, W1, b1):
    # h_prev = x.detach().clone(); view to [B, 1, D]. NOTE: original forward
    # never reassigns h_prev inside the loop, so every layer aggregates raw
    # input features with that layer's sampled neighbor features.
    h_prev = jax.lax.stop_gradient(x)[:, None, :]  # [B, 1, D]

    # --- layer 0 ---
    nf0 = jnp.take(feats, neigh0, axis=0)  # gather: [B, FAN0, D]
    agg0 = jnp.concatenate([h_prev, nf0], axis=1).mean(axis=1)[:, None, :]  # [B,1,D]
    h = jnp.concatenate([h_prev, agg0], axis=-1)  # [B,1,2D]
    h = jax.nn.relu(jnp.einsum('bld,od->blo', h, W0) + b0)  # [B,1,512]

    # --- layer 1 --- (h from layer 0 is overwritten, faithful to original)
    nf1 = jnp.take(feats, neigh1, axis=0)  # gather: [B, FAN1, D]
    agg1 = jnp.concatenate([h_prev, nf1], axis=1).mean(axis=1)[:, None, :]
    h = jnp.concatenate([h_prev, agg1], axis=-1)
    h = jax.nn.relu(jnp.einsum('bld,od->blo', h, W1) + b1)  # [B,1,512]
    return h

if __name__ == "__main__":
    import jax
    _d = setup_inputs()
    print(jax.jit(kernel)(*tuple(_d.values())))

</pallas_src>

<mosaic_0001>
#map = affine_map<(d0, d1) -> (0)>
#map1 = affine_map<(d0, d1) -> (0, 0)>
module attributes {stable_mosaic.version = 14 : i64} {
  func.func @gather_sum(%arg0: i32, %arg1: i32, %arg2: memref<40960xi32, #tpu.memory_space<hbm>>, %arg3: memref<50000x256xf32, #tpu.memory_space<hbm>>, %arg4: memref<4096x256xf32, #tpu.memory_space<hbm>>, %arg5: memref<16x80xi32, #tpu.memory_space<vmem>>, %arg6: memref<80x256xf32, #tpu.memory_space<vmem>>, %arg7: memref<80x256xf32, #tpu.memory_space<vmem>>, %arg8: memref<128x256xf32, #tpu.memory_space<vmem>>, %arg9: memref<!tpu.dma_semaphore, #tpu.memory_space<semaphore_mem>>, %arg10: memref<!tpu.dma_semaphore, #tpu.memory_space<semaphore_mem>>, %arg11: memref<!tpu.dma_semaphore, #tpu.memory_space<semaphore_mem>>, %arg12: memref<!tpu.dma_semaphore, #tpu.memory_space<semaphore_mem>>) attributes {dimension_semantics = [#tpu.dimension_semantics<core_parallel>, #tpu.dimension_semantics<subcore_parallel>], iteration_bounds = array<i64: 2, 16>, scalar_prefetch = 0 : i64, scratch_operands = 8 : i64, tpu.core_type = #tpu.core_type<sc_vector_subcore>, window_params = [{transform_indices = #map}, {transform_indices = #map1}, {transform_indices = #map1}]} {
    %mul3A = arith.constant 2 : i32
    %mul3A_0 = arith.muli %arg1, %mul3A : i32
    %add3A = arith.addi %mul3A_0, %arg0 : i32
    %mul3A_1 = arith.constant 16 : i32
    %mul3A_2 = arith.muli %add3A, %mul3A_1 : i32
    %add3A_3 = arith.constant 0 : i32
    %add3A_4 = arith.addi %add3A_3, %mul3A_2 : i32
    %mul3A_5 = arith.constant 80 : i32
    %mul3A_6 = arith.muli %add3A_4, %mul3A_5 : i32
    %add3A_7 = arith.constant 0 : i32
    %add3A_8 = arith.addi %mul3A_6, %add3A_7 : i32
    %dma_start3A = arith.constant 0 : i32
    %dma_start3A_9 = arith.constant 0 : i32
    %dma_start3A_10 = tpu.memref_slice %arg5[%dma_start3A, %dma_start3A_9] : memref<16x80xi32, #tpu.memory_space<vmem>> -> memref<1x80xi32, #tpu.memory_space<vmem>>
    %dma_start3A_11 = tpu.memref_squeeze %dma_start3A_10 : memref<1x80xi32, #tpu.memory_space<vmem>> -> memref<80xi32, #tpu.memory_space<vmem>>
    %dma_start3A_12 = tpu.memref_slice %arg2[%add3A_8] : memref<40960xi32, #tpu.memory_space<hbm>> -> memref<80xi32, #tpu.memory_space<hbm>>
    %dma_start3A_13 = arith.constant 0 : i32
    %dma_start3A_14 = tpu.memref_slice %arg5[%dma_start3A, %dma_start3A_13] : memref<16x80xi32, #tpu.memory_space<vmem>> -> memref<1x80xi32, #tpu.memory_space<vmem>>
    %dma_start3A_15 = tpu.memref_squeeze %dma_start3A_14 : memref<1x80xi32, #tpu.memory_space<vmem>> -> memref<80xi32, #tpu.memory_space<vmem>>
    %dma_start3A_16 = tpu.memref_slice %arg2[%add3A_8] : memref<40960xi32, #tpu.memory_space<hbm>> -> memref<80xi32, #tpu.memory_space<hbm>>
    tpu.enqueue_dma source(%dma_start3A_16 : memref<80xi32, #tpu.memory_space<hbm>>) target(%dma_start3A_15 : memref<80xi32, #tpu.memory_space<vmem>>) target_semaphore(%arg11 : memref<!tpu.dma_semaphore, #tpu.memory_space<semaphore_mem>>)
    %add3A_17 = arith.constant 80 : i32
    %add3A_18 = arith.addi %mul3A_6, %add3A_17 : i32
    %dma_start3A_19 = arith.constant 1 : i32
    %dma_start3A_20 = arith.constant 0 : i32
    %dma_start3A_21 = tpu.memref_slice %arg5[%dma_start3A_19, %dma_start3A_20] : memref<16x80xi32, #tpu.memory_space<vmem>> -> memref<1x80xi32, #tpu.memory_space<vmem>>
    %dma_start3A_22 = tpu.memref_squeeze %dma_start3A_21 : memref<1x80xi32, #tpu.memory_space<vmem>> -> memref<80xi32, #tpu.memory_space<vmem>>
    %dma_start3A_23 = tpu.memref_slice %arg2[%add3A_18] : memref<40960xi32, #tpu.memory_space<hbm>> -> memref<80xi32, #tpu.memory_space<hbm>>
    %dma_start3A_24 = arith.constant 0 : i32
    %dma_start3A_25 = tpu.memref_slice %arg5[%dma_start3A_19, %dma_start3A_24] : memref<16x80xi32, #tpu.memory_space<vmem>> -> memref<1x80xi32, #tpu.memory_space<vmem>>
    %dma_start3A_26 = tpu.memref_squeeze %dma_start3A_25 : memref<1x80xi32, #tpu.memory_space<vmem>> -> memref<80xi32, #tpu.memory_space<vmem>>
    %dma_start3A_27 = tpu.memref_slice %arg2[%add3A_18] : memref<40960xi32, #tpu.memory_space<hbm>> -> memref<80xi32, #tpu.memory_space<hbm>>
    tpu.enqueue_dma source(%dma_start3A_27 : memref<80xi32, #tpu.memory_space<hbm>>) target(%dma_start3A_26 : memref<80xi32, #tpu.memory_space<vmem>>) target_semaphore(%arg11 : memref<!tpu.dma_semaphore, #tpu.memory_space<semaphore_mem>>)
    %add3A_28 = arith.constant 160 : i32
    %add3A_29 = arith.addi %mul3A_6, %add3A_28 : i32
    %dma_start3A_30 = arith.constant 2 : i32
    %dma_start3A_31 = arith.constant 0 : i32
    %dma_start3A_32 = tpu.memref_slice %arg5[%dma_start3A_30, %dma_start3A_31] : memref<16x80xi32, #tpu.memory_space<vmem>> -> memref<1x80xi32, #tpu.memory_space<vmem>>
    %dma_start3A_33 = tpu.memref_squeeze %dma_start3A_32 : memref<1x80xi32, #tpu.memory_space<vmem>> -> memref<80xi32, #tpu.memory_space<vmem>>
    %dma_start3A_34 = tpu.memref_slice %arg2[%add3A_29] : memref<40960xi32, #tpu.memory_space<hbm>> -> memref<80xi32, #tpu.memory_space<hbm>>
    %dma_start3A_35 = arith.constant 0 : i32
    %dma_start3A_36 = tpu.memref_slice %arg5[%dma_start3A_30, %dma_start3A_35] : memref<16x80xi32, #tpu.memory_space<vmem>> -> memref<1x80xi32, #tpu.memory_space<vmem>>
    %dma_start3A_37 = tpu.memref_squeeze %dma_start3A_36 : memref<1x80xi32, #tpu.memory_space<vmem>> -> memref<80xi32, #tpu.memory_space<vmem>>
    %dma_start3A_38 = tpu.memref_slice %arg2[%add3A_29] : memref<40960xi32, #tpu.memory_space<hbm>> -> memref<80xi32, #tpu.memory_space<hbm>>
    tpu.enqueue_dma source(%dma_start3A_38 : memref<80xi32, #tpu.memory_space<hbm>>) target(%dma_start3A_37 : memref<80xi32, #tpu.memory_space<vmem>>) target_semaphore(%arg11 : memref<!tpu.dma_semaphore, #tpu.memory_space<semaphore_mem>>)
    %add3A_39 = arith.constant 240 : i32
    %add3A_40 = arith.addi %mul3A_6, %add3A_39 : i32
    %dma_start3A_41 = arith.constant 3 : i32
    %dma_start3A_42 = arith.constant 0 : i32
    %dma_start3A_43 = tpu.memref_slice %arg5[%dma_start3A_41, %dma_start3A_42] : memref<16x80xi32, #tpu.memory_space<vmem>> -> memref<1x80xi32, #tpu.memory_space<vmem>>
    %dma_start3A_44 = tpu.memref_squeeze %dma_start3A_43 : memref<1x80xi32, #tpu.memory_space<vmem>> -> memref<80xi32, #tpu.memory_space<vmem>>
    %dma_start3A_45 = tpu.memref_slice %arg2[%add3A_40] : memref<40960xi32, #tpu.memory_space<hbm>> -> memref<80xi32, #tpu.memory_space<hbm>>
    %dma_start3A_46 = arith.constant 0 : i32
    %dma_start3A_47 = tpu.memref_slice %arg5[%dma_start3A_41, %dma_start3A_46] : memref<16x80xi32, #tpu.memory_space<vmem>> -> memref<1x80xi32, #tpu.memory_space<vmem>>
    %dma_start3A_48 = tpu.memref_squeeze %dma_start3A_47 : memref<1x80xi32, #tpu.memory_space<vmem>> -> memref<80xi32, #tpu.memory_space<vmem>>
    %dma_start3A_49 = tpu.memref_slice %arg2[%add3A_40] : memref<40960xi32, #tpu.memory_space<hbm>> -> memref<80xi32, #tpu.memory_space<hbm>>
    tpu.enqueue_dma source(%dma_start3A_49 : memref<80xi32, #tpu.memory_space<hbm>>) target(%dma_start3A_48 : memref<80xi32, #tpu.memory_space<vmem>>) target_semaphore(%arg11 : memref<!tpu.dma_semaphore, #tpu.memory_space<semaphore_mem>>)
    %add3A_50 = arith.constant 320 : i32
    %add3A_51 = arith.addi %mul3A_6, %add3A_50 : i32
    %dma_start3A_52 = arith.constant 4 : i32
    %dma_start3A_53 = arith.constant 0 : i32
    %dma_start3A_54 = tpu.memref_slice %arg5[%dma_start3A_52, %dma_start3A_53] : memref<16x80xi32, #tpu.memory_space<vmem>> -> memref<1x80xi32, #tpu.memory_space<vmem>>
    %dma_start3A_55 = tpu.memref_squeeze %dma_start3A_54 : memref<1x80xi32, #tpu.memory_space<vmem>> -> memref<80xi32, #tpu.memory_space<vmem>>
    %dma_start3A_56 = tpu.memref_slice %arg2[%add3A_51] : memref<40960xi32, #tpu.memory_space<hbm>> -> memref<80xi32, #tpu.memory_space<hbm>>
    %dma_start3A_57 = arith.constant 0 : i32
    %dma_start3A_58 = tpu.memref_slice %arg5[%dma_start3A_52, %dma_start3A_57] : memref<16x80xi32, #tpu.memory_space<vmem>> -> memref<1x80xi32, #tpu.memory_space<vmem>>
    %dma_start3A_59 = tpu.memref_squeeze %dma_start3A_58 : memref<1x80xi32, #tpu.memory_space<vmem>> -> memref<80xi32, #tpu.memory_space<vmem>>
    %dma_start3A_60 = tpu.memref_slice %arg2[%add3A_51] : memref<40960xi32, #tpu.memory_space<hbm>> -> memref<80xi32, #tpu.memory_space<hbm>>
    tpu.enqueue_dma source(%dma_start3A_60 : memref<80xi32, #tpu.memory_space<hbm>>) target(%dma_start3A_59 : memref<80xi32, #tpu.memory_space<vmem>>) target_semaphore(%arg11 : memref<!tpu.dma_semaphore, #tpu.memory_space<semaphore_mem>>)
    %add3A_61 = arith.constant 400 : i32
    %add3A_62 = arith.addi %mul3A_6, %add3A_61 : i32
    %dma_start3A_63 = arith.constant 5 : i32
    %dma_start3A_64 = arith.constant 0 : i32
    %dma_start3A_65 = tpu.memref_slice %arg5[%dma_start3A_63, %dma_start3A_64] : memref<16x80xi32, #tpu.memory_space<vmem>> -> memref<1x80xi32, #tpu.memory_space<vmem>>
    %dma_start3A_66 = tpu.memref_squeeze %dma_start3A_65 : memref<1x80xi32, #tpu.memory_space<vmem>> -> memref<80xi32, #tpu.memory_space<vmem>>
    %dma_start3A_67 = tpu.memref_slice %arg2[%add3A_62] : memref<40960xi32, #tpu.memory_space<hbm>> -> memref<80xi32, #tpu.memory_space<hbm>>
    %dma_start3A_68 = arith.constant 0 : i32
    %dma_start3A_69 = tpu.memref_slice %arg5[%dma_start3A_63, %dma_start3A_68] : memref<16x80xi32, #tpu.memory_space<vmem>> -> memref<1x80xi32, #tpu.memory_space<vmem>>
    %dma_start3A_70 = tpu.memref_squeeze %dma_start3A_69 : memref<1x80xi32, #tpu.memory_space<vmem>> -> memref<80xi32, #tpu.memory_space<vmem>>
    %dma_start3A_71 = tpu.memref_slice %arg2[%add3A_62] : memref<40960xi32, #tpu.memory_space<hbm>> -> memref<80xi32, #tpu.memory_space<hbm>>
    tpu.enqueue_dma source(%dma_start3A_71 : memref<80xi32, #tpu.memory_space<hbm>>) target(%dma_start3A_70 : memref<80xi32, #tpu.memory_space<vmem>>) target_semaphore(%arg11 : memref<!tpu.dma_semaphore, #tpu.memory_space<semaphore_mem>>)
    %add3A_72 = arith.constant 480 : i32
    %add3A_73 = arith.addi %mul3A_6, %add3A_72 : i32
    %dma_start3A_74 = arith.constant 6 : i32
    %dma_start3A_75 = arith.constant 0 : i32
    %dma_start3A_76 = tpu.memref_slice %arg5[%dma_start3A_74, %dma_start3A_75] : memref<16x80xi32, #tpu.memory_space<vmem>> -> memref<1x80xi32, #tpu.memory_space<vmem>>
    %dma_start3A_77 = tpu.memref_squeeze %dma_start3A_76 : memref<1x80xi32, #tpu.memory_space<vmem>> -> memref<80xi32, #tpu.memory_space<vmem>>
    %dma_start3A_78 = tpu.memref_slice %arg2[%add3A_73] : memref<40960xi32, #tpu.memory_space<hbm>> -> memref<80xi32, #tpu.memory_space<hbm>>
    %dma_start3A_79 = arith.constant 0 : i32
    %dma_start3A_80 = tpu.memref_slice %arg5[%dma_start3A_74, %dma_start3A_79] : memref<16x80xi32, #tpu.memory_space<vmem>> -> memref<1x80xi32, #tpu.memory_space<vmem>>
    %dma_start3A_81 = tpu.memref_squeeze %dma_start3A_80 : memref<1x80xi32, #tpu.memory_space<vmem>> -> memref<80xi32, #tpu.memory_space<vmem>>
    %dma_start3A_82 = tpu.memref_slice %arg2[%add3A_73] : memref<40960xi32, #tpu.memory_space<hbm>> -> memref<80xi32, #tpu.memory_space<hbm>>
    tpu.enqueue_dma source(%dma_start3A_82 : memref<80xi32, #tpu.memory_space<hbm>>) target(%dma_start3A_81 : memref<80xi32, #tpu.memory_space<vmem>>) target_semaphore(%arg11 : memref<!tpu.dma_semaphore, #tpu.memory_space<semaphore_mem>>)
    %add3A_83 = arith.constant 560 : i32
    %add3A_84 = arith.addi %mul3A_6, %add3A_83 : i32
    %dma_start3A_85 = arith.constant 7 : i32
    %dma_start3A_86 = arith.constant 0 : i32
    %dma_start3A_87 = tpu.memref_slice %arg5[%dma_start3A_85, %dma_start3A_86] : memref<16x80xi32, #tpu.memory_space<vmem>> -> memref<1x80xi32, #tpu.memory_space<vmem>>
    %dma_start3A_88 = tpu.memref_squeeze %dma_start3A_87 : memref<1x80xi32, #tpu.memory_space<vmem>> -> memref<80xi32, #tpu.memory_space<vmem>>
    %dma_start3A_89 = tpu.memref_slice %arg2[%add3A_84] : memref<40960xi32, #tpu.memory_space<hbm>> -> memref<80xi32, #tpu.memory_space<hbm>>
    %dma_start3A_90 = arith.constant 0 : i32
    %dma_start3A_91 = tpu.memref_slice %arg5[%dma_start3A_85, %dma_start3A_90] : memref<16x80xi32, #tpu.memory_space<vmem>> -> memref<1x80xi32, #tpu.memory_space<vmem>>
    %dma_start3A_92 = tpu.memref_squeeze %dma_start3A_91 : memref<1x80xi32, #tpu.memory_space<vmem>> -> memref<80xi32, #tpu.memory_space<vmem>>
    %dma_start3A_93 = tpu.memref_slice %arg2[%add3A_84] : memref<40960xi32, #tpu.memory_space<hbm>> -> memref<80xi32, #tpu.memory_space<hbm>>
    tpu.enqueue_dma source(%dma_start3A_93 : memref<80xi32, #tpu.memory_space<hbm>>) target(%dma_start3A_92 : memref<80xi32, #tpu.memory_space<vmem>>) target_semaphore(%arg11 : memref<!tpu.dma_semaphore, #tpu.memory_space<semaphore_mem>>)
    %add3A_94 = arith.constant 640 : i32
    %add3A_95 = arith.addi %mul3A_6, %add3A_94 : i32
    %dma_start3A_96 = arith.constant 8 : i32
    %dma_start3A_97 = arith.constant 0 : i32
    %dma_start3A_98 = tpu.memref_slice %arg5[%dma_start3A_96, %dma_start3A_97] : memref<16x80xi32, #tpu.memory_space<vmem>> -> memref<1x80xi32, #tpu.memory_space<vmem>>
    %dma_start3A_99 = tpu.memref_squeeze %dma_start3A_98 : memref<1x80xi32, #tpu.memory_space<vmem>> -> memref<80xi32, #tpu.memory_space<vmem>>
    %dma_start3A_100 = tpu.memref_slice %arg2[%add3A_95] : memref<40960xi32, #tpu.memory_space<hbm>> -> memref<80xi32, #tpu.memory_space<hbm>>
    %dma_start3A_101 = arith.constant 0 : i32
    %dma_start3A_102 = tpu.memref_slice %arg5[%dma_start3A_96, %dma_start3A_101] : memref<16x80xi32, #tpu.memory_space<vmem>> -> memref<1x80xi32, #tpu.memory_space<vmem>>
    %dma_start3A_103 = tpu.memref_squeeze %dma_start3A_102 : memref<1x80xi32, #tpu.memory_space<vmem>> -> memref<80xi32, #tpu.memory_space<vmem>>
    %dma_start3A_104 = tpu.memref_slice %arg2[%add3A_95] : memref<40960xi32, #tpu.memory_space<hbm>> -> memref<80xi32, #tpu.memory_space<hbm>>
    tpu.enqueue_dma source(%dma_start3A_104 : memref<80xi32, #tpu.memory_space<hbm>>) target(%dma_start3A_103 : memref<80xi32, #tpu.memory_space<vmem>>) target_semaphore(%arg11 : memref<!tpu.dma_semaphore, #tpu.memory_space<semaphore_mem>>)
    %add3A_105 = arith.constant 720 : i32
    %add3A_106 = arith.addi %mul3A_6, %add3A_105 : i32
    %dma_start3A_107 = arith.constant 9 : i32
    %dma_start3A_108 = arith.constant 0 : i32
    %dma_start3A_109 = tpu.memref_slice %arg5[%dma_start3A_107, %dma_start3A_108] : memref<16x80xi32, #tpu.memory_space<vmem>> -> memref<1x80xi32, #tpu.memory_space<vmem>>
    %dma_start3A_110 = tpu.memref_squeeze %dma_start3A_109 : memref<1x80xi32, #tpu.memory_space<vmem>> -> memref<80xi32, #tpu.memory_space<vmem>>
    %dma_start3A_111 = tpu.memref_slice %arg2[%add3A_106] : memref<40960xi32, #tpu.memory_space<hbm>> -> memref<80xi32, #tpu.memory_space<hbm>>
    %dma_start3A_112 = arith.constant 0 : i32
    %dma_start3A_113 = tpu.memref_slice %arg5[%dma_start3A_107, %dma_start3A_112] : memref<16x80xi32, #tpu.memory_space<vmem>> -> memref<1x80xi32, #tpu.memory_space<vmem>>
    %dma_start3A_114 = tpu.memref_squeeze %dma_start3A_113 : memref<1x80xi32, #tpu.memory_space<vmem>> -> memref<80xi32, #tpu.memory_space<vmem>>
    %dma_start3A_115 = tpu.memref_slice %arg2[%add3A_106] : memref<40960xi32, #tpu.memory_space<hbm>> -> memref<80xi32, #tpu.memory_space<hbm>>
    tpu.enqueue_dma source(%dma_start3A_115 : memref<80xi32, #tpu.memory_space<hbm>>) target(%dma_start3A_114 : memref<80xi32, #tpu.memory_space<vmem>>) target_semaphore(%arg11 : memref<!tpu.dma_semaphore, #tpu.memory_space<semaphore_mem>>)
    %add3A_116 = arith.constant 800 : i32
    %add3A_117 = arith.addi %mul3A_6, %add3A_116 : i32
    %dma_start3A_118 = arith.constant 10 : i32
    %dma_start3A_119 = arith.constant 0 : i32
    %dma_start3A_120 = tpu.memref_slice %arg5[%dma_start3A_118, %dma_start3A_119] : memref<16x80xi32, #tpu.memory_space<vmem>> -> memref<1x80xi32, #tpu.memory_space<vmem>>
    %dma_start3A_121 = tpu.memref_squeeze %dma_start3A_120 : memref<1x80xi32, #tpu.memory_space<vmem>> -> memref<80xi32, #tpu.memory_space<vmem>>
    %dma_start3A_122 = tpu.memref_slice %arg2[%add3A_117] : memref<40960xi32, #tpu.memory_space<hbm>> -> memref<80xi32, #tpu.memory_space<hbm>>
    %dma_start3A_123 = arith.constant 0 : i32
    %dma_start3A_124 = tpu.memref_slice %arg5[%dma_start3A_118, %dma_start3A_123] : memref<16x80xi32, #tpu.memory_space<vmem>> -> memref<1x80xi32, #tpu.memory_space<vmem>>
    %dma_start3A_125 = tpu.memref_squeeze %dma_start3A_124 : memref<1x80xi32, #tpu.memory_space<vmem>> -> memref<80xi32, #tpu.memory_space<vmem>>
    %dma_start3A_126 = tpu.memref_slice %arg2[%add3A_117] : memref<40960xi32, #tpu.memory_space<hbm>> -> memref<80xi32, #tpu.memory_space<hbm>>
    tpu.enqueue_dma source(%dma_start3A_126 : memref<80xi32, #tpu.memory_space<hbm>>) target(%dma_start3A_125 : memref<80xi32, #tpu.memory_space<vmem>>) target_semaphore(%arg11 : memref<!tpu.dma_semaphore, #tpu.memory_space<semaphore_mem>>)
    %add3A_127 = arith.constant 880 : i32
    %add3A_128 = arith.addi %mul3A_6, %add3A_127 : i32
    %dma_start3A_129 = arith.constant 11 : i32
    %dma_start3A_130 = arith.constant 0 : i32
    %dma_start3A_131 = tpu.memref_slice %arg5[%dma_start3A_129, %dma_start3A_130] : memref<16x80xi32, #tpu.memory_space<vmem>> -> memref<1x80xi32, #tpu.memory_space<vmem>>
    %dma_start3A_132 = tpu.memref_squeeze %dma_start3A_131 : memref<1x80xi32, #tpu.memory_space<vmem>> -> memref<80xi32, #tpu.memory_space<vmem>>
    %dma_start3A_133 = tpu.memref_slice %arg2[%add3A_128] : memref<40960xi32, #tpu.memory_space<hbm>> -> memref<80xi32, #tpu.memory_space<hbm>>
    %dma_start3A_134 = arith.constant 0 : i32
    %dma_start3A_135 = tpu.memref_slice %arg5[%dma_start3A_129, %dma_start3A_134] : memref<16x80xi32, #tpu.memory_space<vmem>> -> memref<1x80xi32, #tpu.memory_space<vmem>>
    %dma_start3A_136 = tpu.memref_squeeze %dma_start3A_135 : memref<1x80xi32, #tpu.memory_space<vmem>> -> memref<80xi32, #tpu.memory_space<vmem>>
    %dma_start3A_137 = tpu.memref_slice %arg2[%add3A_128] : memref<40960xi32, #tpu.memory_space<hbm>> -> memref<80xi32, #tpu.memory_space<hbm>>
    tpu.enqueue_dma source(%dma_start3A_137 : memref<80xi32, #tpu.memory_space<hbm>>) target(%dma_start3A_136 : memref<80xi32, #tpu.memory_space<vmem>>) target_semaphore(%arg11 : memref<!tpu.dma_semaphore, #tpu.memory_space<semaphore_mem>>)
    %add3A_138 = arith.constant 960 : i32
    %add3A_139 = arith.addi %mul3A_6, %add3A_138 : i32
    %dma_start3A_140 = arith.constant 12 : i32
    %dma_start3A_141 = arith.constant 0 : i32
    %dma_start3A_142 = tpu.memref_slice %arg5[%dma_start3A_140, %dma_start3A_141] : memref<16x80xi32, #tpu.memory_space<vmem>> -> memref<1x80xi32, #tpu.memory_space<vmem>>
    %dma_start3A_143 = tpu.memref_squeeze %dma_start3A_142 : memref<1x80xi32, #tpu.memory_space<vmem>> -> memref<80xi32, #tpu.memory_space<vmem>>
    %dma_start3A_144 = tpu.memref_slice %arg2[%add3A_139] : memref<40960xi32, #tpu.memory_space<hbm>> -> memref<80xi32, #tpu.memory_space<hbm>>
    %dma_start3A_145 = arith.constant 0 : i32
    %dma_start3A_146 = tpu.memref_slice %arg5[%dma_start3A_140, %dma_start3A_145] : memref<16x80xi32, #tpu.memory_space<vmem>> -> memref<1x80xi32, #tpu.memory_space<vmem>>
    %dma_start3A_147 = tpu.memref_squeeze %dma_start3A_146 : memref<1x80xi32, #tpu.memory_space<vmem>> -> memref<80xi32, #tpu.memory_space<vmem>>
    %dma_start3A_148 = tpu.memref_slice %arg2[%add3A_139] : memref<40960xi32, #tpu.memory_space<hbm>> -> memref<80xi32, #tpu.memory_space<hbm>>
    tpu.enqueue_dma source(%dma_start3A_148 : memref<80xi32, #tpu.memory_space<hbm>>) target(%dma_start3A_147 : memref<80xi32, #tpu.memory_space<vmem>>) target_semaphore(%arg11 : memref<!tpu.dma_semaphore, #tpu.memory_space<semaphore_mem>>)
    %add3A_149 = arith.constant 1040 : i32
    %add3A_150 = arith.addi %mul3A_6, %add3A_149 : i32
    %dma_start3A_151 = arith.constant 13 : i32
    %dma_start3A_152 = arith.constant 0 : i32
    %dma_start3A_153 = tpu.memref_slice %arg5[%dma_start3A_151, %dma_start3A_152] : memref<16x80xi32, #tpu.memory_space<vmem>> -> memref<1x80xi32, #tpu.memory_space<vmem>>
    %dma_start3A_154 = tpu.memref_squeeze %dma_start3A_153 : memref<1x80xi32, #tpu.memory_space<vmem>> -> memref<80xi32, #tpu.memory_space<vmem>>
    %dma_start3A_155 = tpu.memref_slice %arg2[%add3A_150] : memref<40960xi32, #tpu.memory_space<hbm>> -> memref<80xi32, #tpu.memory_space<hbm>>
    %dma_start3A_156 = arith.constant 0 : i32
    %dma_start3A_157 = tpu.memref_slice %arg5[%dma_start3A_151, %dma_start3A_156] : memref<16x80xi32, #tpu.memory_space<vmem>> -> memref<1x80xi32, #tpu.memory_space<vmem>>
    %dma_start3A_158 = tpu.memref_squeeze %dma_start3A_157 : memref<1x80xi32, #tpu.memory_space<vmem>> -> memref<80xi32, #tpu.memory_space<vmem>>
    %dma_start3A_159 = tpu.memref_slice %arg2[%add3A_150] : memref<40960xi32, #tpu.memory_space<hbm>> -> memref<80xi32, #tpu.memory_space<hbm>>
    tpu.enqueue_dma source(%dma_start3A_159 : memref<80xi32, #tpu.memory_space<hbm>>) target(%dma_start3A_158 : memref<80xi32, #tpu.memory_space<vmem>>) target_semaphore(%arg11 : memref<!tpu.dma_semaphore, #tpu.memory_space<semaphore_mem>>)
    %add3A_160 = arith.constant 1120 : i32
    %add3A_161 = arith.addi %mul3A_6, %add3A_160 : i32
    %dma_start3A_162 = arith.constant 14 : i32
    %dma_start3A_163 = arith.constant 0 : i32
    %dma_start3A_164 = tpu.memref_slice %arg5[%dma_start3A_162, %dma_start3A_163] : memref<16x80xi32, #tpu.memory_space<vmem>> -> memref<1x80xi32, #tpu.memory_space<vmem>>
    %dma_start3A_165 = tpu.memref_squeeze %dma_start3A_164 : memref<1x80xi32, #tpu.memory_space<vmem>> -> memref<80xi32, #tpu.memory_space<vmem>>
    %dma_start3A_166 = tpu.memref_slice %arg2[%add3A_161] : memref<40960xi32, #tpu.memory_space<hbm>> -> memref<80xi32, #tpu.memory_space<hbm>>
    %dma_start3A_167 = arith.constant 0 : i32
    %dma_start3A_168 = tpu.memref_slice %arg5[%dma_start3A_162, %dma_start3A_167] : memref<16x80xi32, #tpu.memory_space<vmem>> -> memref<1x80xi32, #tpu.memory_space<vmem>>
    %dma_start3A_169 = tpu.memref_squeeze %dma_start3A_168 : memref<1x80xi32, #tpu.memory_space<vmem>> -> memref<80xi32, #tpu.memory_space<vmem>>
    %dma_start3A_170 = tpu.memref_slice %arg2[%add3A_161] : memref<40960xi32, #tpu.memory_space<hbm>> -> memref<80xi32, #tpu.memory_space<hbm>>
    tpu.enqueue_dma source(%dma_start3A_170 : memref<80xi32, #tpu.memory_space<hbm>>) target(%dma_start3A_169 : memref<80xi32, #tpu.memory_space<vmem>>) target_semaphore(%arg11 : memref<!tpu.dma_semaphore, #tpu.memory_space<semaphore_mem>>)
    %add3A_171 = arith.constant 1200 : i32
    %add3A_172 = arith.addi %mul3A_6, %add3A_171 : i32
    %dma_start3A_173 = arith.constant 15 : i32
    %dma_start3A_174 = arith.constant 0 : i32
    %dma_start3A_175 = tpu.memref_slice %arg5[%dma_start3A_173, %dma_start3A_174] : memref<16x80xi32, #tpu.memory_space<vmem>> -> memref<1x80xi32, #tpu.memory_space<vmem>>
    %dma_start3A_176 = tpu.memref_squeeze %dma_start3A_175 : memref<1x80xi32, #tpu.memory_space<vmem>> -> memref<80xi32, #tpu.memory_space<vmem>>
    %dma_start3A_177 = tpu.memref_slice %arg2[%add3A_172] : memref<40960xi32, #tpu.memory_space<hbm>> -> memref<80xi32, #tpu.memory_space<hbm>>
    %dma_start3A_178 = arith.constant 0 : i32
    %dma_start3A_179 = tpu.memref_slice %arg5[%dma_start3A_173, %dma_start3A_178] : memref<16x80xi32, #tpu.memory_space<vmem>> -> memref<1x80xi32, #tpu.memory_space<vmem>>
    %dma_start3A_180 = tpu.memref_squeeze %dma_start3A_179 : memref<1x80xi32, #tpu.memory_space<vmem>> -> memref<80xi32, #tpu.memory_space<vmem>>
    %dma_start3A_181 = tpu.memref_slice %arg2[%add3A_172] : memref<40960xi32, #tpu.memory_space<hbm>> -> memref<80xi32, #tpu.memory_space<hbm>>
    tpu.enqueue_dma source(%dma_start3A_181 : memref<80xi32, #tpu.memory_space<hbm>>) target(%dma_start3A_180 : memref<80xi32, #tpu.memory_space<vmem>>) target_semaphore(%arg11 : memref<!tpu.dma_semaphore, #tpu.memory_space<semaphore_mem>>)
    %dma_wait3A = arith.constant 0 : i32
    %dma_wait3A_182 = arith.constant 0 : i32
    %dma_wait3A_183 = tpu.memref_slice %arg5[%dma_wait3A, %dma_wait3A_182] : memref<16x80xi32, #tpu.memory_space<vmem>> -> memref<1x80xi32, #tpu.memory_space<vmem>>
    %dma_wait3A_184 = tpu.memref_squeeze %dma_wait3A_183 : memref<1x80xi32, #tpu.memory_space<vmem>> -> memref<80xi32, #tpu.memory_space<vmem>>
    %dma_wait3A_185 = arith.constant 0 : i32
    %dma_wait3A_186 = tpu.memref_slice %arg2[%dma_wait3A_185] : memref<40960xi32, #tpu.memory_space<hbm>> -> memref<80xi32, #tpu.memory_space<hbm>>
    %dma_wait3A_187 = arith.constant 0 : i32
    %dma_wait3A_188 = tpu.memref_slice %arg5[%dma_wait3A, %dma_wait3A_187] : memref<16x80xi32, #tpu.memory_space<vmem>> -> memref<1x80xi32, #tpu.memory_space<vmem>>
    %dma_wait3A_189 = tpu.memref_squeeze %dma_wait3A_188 : memref<1x80xi32, #tpu.memory_space<vmem>> -> memref<80xi32, #tpu.memory_space<vmem>>
    %dma_wait3A_190 = arith.constant 0 : i32
    %dma_wait3A_191 = tpu.memref_slice %arg2[%dma_wait3A_190] : memref<40960xi32, #tpu.memory_space<hbm>> -> memref<80xi32, #tpu.memory_space<hbm>>
    tpu.wait_dma2 semaphore(%arg11 : memref<!tpu.dma_semaphore, #tpu.memory_space<semaphore_mem>>) src(%dma_wait3A_191 : memref<80xi32, #tpu.memory_space<hbm>>) dst(%dma_wait3A_189 : memref<80xi32, #tpu.memory_space<vmem>>)
    %dma_wait3A_192 = arith.constant 0 : i32
    %dma_wait3A_193 = arith.constant 0 : i32
    %dma_wait3A_194 = tpu.memref_slice %arg5[%dma_wait3A_192, %dma_wait3A_193] : memref<16x80xi32, #tpu.memory_space<vmem>> -> memref<1x80xi32, #tpu.memory_space<vmem>>
    %dma_wait3A_195 = tpu.memref_squeeze %dma_wait3A_194 : memref<1x80xi32, #tpu.memory_space<vmem>> -> memref<80xi32, #tpu.memory_space<vmem>>
    %dma_wait3A_196 = arith.constant 0 : i32
    %dma_wait3A_197 = tpu.memref_slice %arg2[%dma_wait3A_196] : memref<40960xi32, #tpu.memory_space<hbm>> -> memref<80xi32, #tpu.memory_space<hbm>>
    %dma_wait3A_198 = arith.constant 0 : i32
    %dma_wait3A_199 = tpu.memref_slice %arg5[%dma_wait3A_192, %dma_wait3A_198] : memref<16x80xi32, #tpu.memory_space<vmem>> -> memref<1x80xi32, #tpu.memory_space<vmem>>
    %dma_wait3A_200 = tpu.memref_squeeze %dma_wait3A_199 : memref<1x80xi32, #tpu.memory_space<vmem>> -> memref<80xi32, #tpu.memory_space<vmem>>
    %dma_wait3A_201 = arith.constant 0 : i32
    %dma_wait3A_202 = tpu.memref_slice %arg2[%dma_wait3A_201] : memref<40960xi32, #tpu.memory_space<hbm>> -> memref<80xi32, #tpu.memory_space<hbm>>
    tpu.wait_dma2 semaphore(%arg11 : memref<!tpu.dma_semaphore, #tpu.memory_space<semaphore_mem>>) src(%dma_wait3A_202 : memref<80xi32, #tpu.memory_space<hbm>>) dst(%dma_wait3A_200 : memref<80xi32, #tpu.memory_space<vmem>>)
    %dma_wait3A_203 = arith.constant 0 : i32
    %dma_wait3A_204 = arith.constant 0 : i32
    %dma_wait3A_205 = tpu.memref_slice %arg5[%dma_wait3A_203, %dma_wait3A_204] : memref<16x80xi32, #tpu.memory_space<vmem>> -> memref<1x80xi32, #tpu.memory_space<vmem>>
    %dma_wait3A_206 = tpu.memref_squeeze %dma_wait3A_205 : memref<1x80xi32, #tpu.memory_space<vmem>> -> memref<80xi32, #tpu.memory_space<vmem>>
    %dma_wait3A_207 = arith.constant 0 : i32
    %dma_wait3A_208 = tpu.memref_slice %arg2[%dma_wait3A_207] : memref<40960xi32, #tpu.memory_space<hbm>> -> memref<80xi32, #tpu.memory_space<hbm>>
    %dma_wait3A_209 = arith.constant 0 : i32
    %dma_wait3A_210 = tpu.memref_slice %arg5[%dma_wait3A_203, %dma_wait3A_209] : memref<16x80xi32, #tpu.memory_space<vmem>> -> memref<1x80xi32, #tpu.memory_space<vmem>>
    %dma_wait3A_211 = tpu.memref_squeeze %dma_wait3A_210 : memref<1x80xi32, #tpu.memory_space<vmem>> -> memref<80xi32, #tpu.memory_space<vmem>>
    %dma_wait3A_212 = arith.constant 0 : i32
    %dma_wait3A_213 = tpu.memref_slice %arg2[%dma_wait3A_212] : memref<40960xi32, #tpu.memory_space<hbm>> -> memref<80xi32, #tpu.memory_space<hbm>>
    tpu.wait_dma2 semaphore(%arg11 : memref<!tpu.dma_semaphore, #tpu.memory_space<semaphore_mem>>) src(%dma_wait3A_213 : memref<80xi32, #tpu.memory_space<hbm>>) dst(%dma_wait3A_211 : memref<80xi32, #tpu.memory_space<vmem>>)
    %dma_wait3A_214 = arith.constant 0 : i32
    %dma_wait3A_215 = arith.constant 0 : i32
    %dma_wait3A_216 = tpu.memref_slice %arg5[%dma_wait3A_214, %dma_wait3A_215] : memref<16x80xi32, #tpu.memory_space<vmem>> -> memref<1x80xi32, #tpu.memory_space<vmem>>
    %dma_wait3A_217 = tpu.memref_squeeze %dma_wait3A_216 : memref<1x80xi32, #tpu.memory_space<vmem>> -> memref<80xi32, #tpu.memory_space<vmem>>
    %dma_wait3A_218 = arith.constant 0 : i32
    %dma_wait3A_219 = tpu.memref_slice %arg2[%dma_wait3A_218] : memref<40960xi32, #tpu.memory_space<hbm>> -> memref<80xi32, #tpu.memory_space<hbm>>
    %dma_wait3A_220 = arith.constant 0 : i32
    %dma_wait3A_221 = tpu.memref_slice %arg5[%dma_wait3A_214, %dma_wait3A_220] : memref<16x80xi32, #tpu.memory_space<vmem>> -> memref<1x80xi32, #tpu.memory_space<vmem>>
    %dma_wait3A_222 = tpu.memref_squeeze %dma_wait3A_221 : memref<1x80xi32, #tpu.memory_space<vmem>> -> memref<80xi32, #tpu.memory_space<vmem>>
    %dma_wait3A_223 = arith.constant 0 : i32
    %dma_wait3A_224 = tpu.memref_slice %arg2[%dma_wait3A_223] : memref<40960xi32, #tpu.memory_space<hbm>> -> memref<80xi32, #tpu.memory_space<hbm>>
    tpu.wait_dma2 semaphore(%arg11 : memref<!tpu.dma_semaphore, #tpu.memory_space<semaphore_mem>>) src(%dma_wait3A_224 : memref<80xi32, #tpu.memory_space<hbm>>) dst(%dma_wait3A_222 : memref<80xi32, #tpu.memory_space<vmem>>)
    %dma_wait3A_225 = arith.constant 0 : i32
    %dma_wait3A_226 = arith.constant 0 : i32
    %dma_wait3A_227 = tpu.memref_slice %arg5[%dma_wait3A_225, %dma_wait3A_226] : memref<16x80xi32, #tpu.memory_space<vmem>> -> memref<1x80xi32, #tpu.memory_space<vmem>>
    %dma_wait3A_228 = tpu.memref_squeeze %dma_wait3A_227 : memref<1x80xi32, #tpu.memory_space<vmem>> -> memref<80xi32, #tpu.memory_space<vmem>>
    %dma_wait3A_229 = arith.constant 0 : i32
    %dma_wait3A_230 = tpu.memref_slice %arg2[%dma_wait3A_229] : memref<40960xi32, #tpu.memory_space<hbm>> -> memref<80xi32, #tpu.memory_space<hbm>>
    %dma_wait3A_231 = arith.constant 0 : i32
    %dma_wait3A_232 = tpu.memref_slice %arg5[%dma_wait3A_225, %dma_wait3A_231] : memref<16x80xi32, #tpu.memory_space<vmem>> -> memref<1x80xi32, #tpu.memory_space<vmem>>
    %dma_wait3A_233 = tpu.memref_squeeze %dma_wait3A_232 : memref<1x80xi32, #tpu.memory_space<vmem>> -> memref<80xi32, #tpu.memory_space<vmem>>
    %dma_wait3A_234 = arith.constant 0 : i32
    %dma_wait3A_235 = tpu.memref_slice %arg2[%dma_wait3A_234] : memref<40960xi32, #tpu.memory_space<hbm>> -> memref<80xi32, #tpu.memory_space<hbm>>
    tpu.wait_dma2 semaphore(%arg11 : memref<!tpu.dma_semaphore, #tpu.memory_space<semaphore_mem>>) src(%dma_wait3A_235 : memref<80xi32, #tpu.memory_space<hbm>>) dst(%dma_wait3A_233 : memref<80xi32, #tpu.memory_space<vmem>>)
    %dma_wait3A_236 = arith.constant 0 : i32
    %dma_wait3A_237 = arith.constant 0 : i32
    %dma_wait3A_238 = tpu.memref_slice %arg5[%dma_wait3A_236, %dma_wait3A_237] : memref<16x80xi32, #tpu.memory_space<vmem>> -> memref<1x80xi32, #tpu.memory_space<vmem>>
    %dma_wait3A_239 = tpu.memref_squeeze %dma_wait3A_238 : memref<1x80xi32, #tpu.memory_space<vmem>> -> memref<80xi32, #tpu.memory_space<vmem>>
    %dma_wait3A_240 = arith.constant 0 : i32
    %dma_wait3A_241 = tpu.memref_slice %arg2[%dma_wait3A_240] : memref<40960xi32, #tpu.memory_space<hbm>> -> memref<80xi32, #tpu.memory_space<hbm>>
    %dma_wait3A_242 = arith.constant 0 : i32
    %dma_wait3A_243 = tpu.memref_slice %arg5[%dma_wait3A_236, %dma_wait3A_242] : memref<16x80xi32, #tpu.memory_space<vmem>> -> memref<1x80xi32, #tpu.memory_space<vmem>>
    %dma_wait3A_244 = tpu.memref_squeeze %dma_wait3A_243 : memref<1x80xi32, #tpu.memory_space<vmem>> -> memref<80xi32, #tpu.memory_space<vmem>>
    %dma_wait3A_245 = arith.constant 0 : i32
    %dma_wait3A_246 = tpu.memref_slice %arg2[%dma_wait3A_245] : memref<40960xi32, #tpu.memory_space<hbm>> -> memref<80xi32, #tpu.memory_space<hbm>>
    tpu.wait_dma2 semaphore(%arg11 : memref<!tpu.dma_semaphore, #tpu.memory_space<semaphore_mem>>) src(%dma_wait3A_246 : memref<80xi32, #tpu.memory_space<hbm>>) dst(%dma_wait3A_244 : memref<80xi32, #tpu.memory_space<vmem>>)
    %dma_wait3A_247 = arith.constant 0 : i32
    %dma_wait3A_248 = arith.constant 0 : i32
    %dma_wait3A_249 = tpu.memref_slice %arg5[%dma_wait3A_247, %dma_wait3A_248] : memref<16x80xi32, #tpu.memory_space<vmem>> -> memref<1x80xi32, #tpu.memory_space<vmem>>
    %dma_wait3A_250 = tpu.memref_squeeze %dma_wait3A_249 : memref<1x80xi32, #tpu.memory_space<vmem>> -> memref<80xi32, #tpu.memory_space<vmem>>
    %dma_wait3A_251 = arith.constant 0 : i32
    %dma_wait3A_252 = tpu.memref_slice %arg2[%dma_wait3A_251] : memref<40960xi32, #tpu.memory_space<hbm>> -> memref<80xi32, #tpu.memory_space<hbm>>
    %dma_wait3A_253 = arith.constant 0 : i32
    %dma_wait3A_254 = tpu.memref_slice %arg5[%dma_wait3A_247, %dma_wait3A_253] : memref<16x80xi32, #tpu.memory_space<vmem>> -> memref<1x80xi32, #tpu.memory_space<vmem>>
    %dma_wait3A_255 = tpu.memref_squeeze %dma_wait3A_254 : memref<1x80xi32, #tpu.memory_space<vmem>> -> memref<80xi32, #tpu.memory_space<vmem>>
    %dma_wait3A_256 = arith.constant 0 : i32
    %dma_wait3A_257 = tpu.memref_slice %arg2[%dma_wait3A_256] : memref<40960xi32, #tpu.memory_space<hbm>> -> memref<80xi32, #tpu.memory_space<hbm>>
    tpu.wait_dma2 semaphore(%arg11 : memref<!tpu.dma_semaphore, #tpu.memory_space<semaphore_mem>>) src(%dma_wait3A_257 : memref<80xi32, #tpu.memory_space<hbm>>) dst(%dma_wait3A_255 : memref<80xi32, #tpu.memory_space<vmem>>)
    %dma_wait3A_258 = arith.constant 0 : i32
    %dma_wait3A_259 = arith.constant 0 : i32
    %dma_wait3A_260 = tpu.memref_slice %arg5[%dma_wait3A_258, %dma_wait3A_259] : memref<16x80xi32, #tpu.memory_space<vmem>> -> memref<1x80xi32, #tpu.memory_space<vmem>>
    %dma_wait3A_261 = tpu.memref_squeeze %dma_wait3A_260 : memref<1x80xi32, #tpu.memory_space<vmem>> -> memref<80xi32, #tpu.memory_space<vmem>>
    %dma_wait3A_262 = arith.constant 0 : i32
    %dma_wait3A_263 = tpu.memref_slice %arg2[%dma_wait3A_262] : memref<40960xi32, #tpu.memory_space<hbm>> -> memref<80xi32, #tpu.memory_space<hbm>>
    %dma_wait3A_264 = arith.constant 0 : i32
    %dma_wait3A_265 = tpu.memref_slice %arg5[%dma_wait3A_258, %dma_wait3A_264] : memref<16x80xi32, #tpu.memory_space<vmem>> -> memref<1x80xi32, #tpu.memory_space<vmem>>
    %dma_wait3A_266 = tpu.memref_squeeze %dma_wait3A_265 : memref<1x80xi32, #tpu.memory_space<vmem>> -> memref<80xi32, #tpu.memory_space<vmem>>
    %dma_wait3A_267 = arith.constant 0 : i32
    %dma_wait3A_268 = tpu.memref_slice %arg2[%dma_wait3A_267] : memref<40960xi32, #tpu.memory_space<hbm>> -> memref<80xi32, #tpu.memory_space<hbm>>
    tpu.wait_dma2 semaphore(%arg11 : memref<!tpu.dma_semaphore, #tpu.memory_space<semaphore_mem>>) src(%dma_wait3A_268 : memref<80xi32, #tpu.memory_space<hbm>>) dst(%dma_wait3A_266 : memref<80xi32, #tpu.memory_space<vmem>>)
    %dma_wait3A_269 = arith.constant 0 : i32
    %dma_wait3A_270 = arith.constant 0 : i32
    %dma_wait3A_271 = tpu.memref_slice %arg5[%dma_wait3A_269, %dma_wait3A_270] : memref<16x80xi32, #tpu.memory_space<vmem>> -> memref<1x80xi32, #tpu.memory_space<vmem>>
    %dma_wait3A_272 = tpu.memref_squeeze %dma_wait3A_271 : memref<1x80xi32, #tpu.memory_space<vmem>> -> memref<80xi32, #tpu.memory_space<vmem>>
    %dma_wait3A_273 = arith.constant 0 : i32
    %dma_wait3A_274 = tpu.memref_slice %arg2[%dma_wait3A_273] : memref<40960xi32, #tpu.memory_space<hbm>> -> memref<80xi32, #tpu.memory_space<hbm>>
    %dma_wait3A_275 = arith.constant 0 : i32
    %dma_wait3A_276 = tpu.memref_slice %arg5[%dma_wait3A_269, %dma_wait3A_275] : memref<16x80xi32, #tpu.memory_space<vmem>> -> memref<1x80xi32, #tpu.memory_space<vmem>>
    %dma_wait3A_277 = tpu.memref_squeeze %dma_wait3A_276 : memref<1x80xi32, #tpu.memory_space<vmem>> -> memref<80xi32, #tpu.memory_space<vmem>>
    %dma_wait3A_278 = arith.constant 0 : i32
    %dma_wait3A_279 = tpu.memref_slice %arg2[%dma_wait3A_278] : memref<40960xi32, #tpu.memory_space<hbm>> -> memref<80xi32, #tpu.memory_space<hbm>>
    tpu.wait_dma2 semaphore(%arg11 : memref<!tpu.dma_semaphore, #tpu.memory_space<semaphore_mem>>) src(%dma_wait3A_279 : memref<80xi32, #tpu.memory_space<hbm>>) dst(%dma_wait3A_277 : memref<80xi32, #tpu.memory_space<vmem>>)
    %dma_wait3A_280 = arith.constant 0 : i32
    %dma_wait3A_281 = arith.constant 0 : i32
    %dma_wait3A_282 = tpu.memref_slice %arg5[%dma_wait3A_280, %dma_wait3A_281] : memref<16x80xi32, #tpu.memory_space<vmem>> -> memref<1x80xi32, #tpu.memory_space<vmem>>
    %dma_wait3A_283 = tpu.memref_squeeze %dma_wait3A_282 : memref<1x80xi32, #tpu.memory_space<vmem>> -> memref<80xi32, #tpu.memory_space<vmem>>
    %dma_wait3A_284 = arith.constant 0 : i32
    %dma_wait3A_285 = tpu.memref_slice %arg2[%dma_wait3A_284] : memref<40960xi32, #tpu.memory_space<hbm>> -> memref<80xi32, #tpu.memory_space<hbm>>
    %dma_wait3A_286 = arith.constant 0 : i32
    %dma_wait3A_287 = tpu.memref_slice %arg5[%dma_wait3A_280, %dma_wait3A_286] : memref<16x80xi32, #tpu.memory_space<vmem>> -> memref<1x80xi32, #tpu.memory_space<vmem>>
    %dma_wait3A_288 = tpu.memref_squeeze %dma_wait3A_287 : memref<1x80xi32, #tpu.memory_space<vmem>> -> memref<80xi32, #tpu.memory_space<vmem>>
    %dma_wait3A_289 = arith.constant 0 : i32
    %dma_wait3A_290 = tpu.memref_slice %arg2[%dma_wait3A_289] : memref<40960xi32, #tpu.memory_space<hbm>> -> memref<80xi32, #tpu.memory_space<hbm>>
    tpu.wait_dma2 semaphore(%arg11 : memref<!tpu.dma_semaphore, #tpu.memory_space<semaphore_mem>>) src(%dma_wait3A_290 : memref<80xi32, #tpu.memory_space<hbm>>) dst(%dma_wait3A_288 : memref<80xi32, #tpu.memory_space<vmem>>)
    %dma_wait3A_291 = arith.constant 0 : i32
    %dma_wait3A_292 = arith.constant 0 : i32
    %dma_wait3A_293 = tpu.memref_slice %arg5[%dma_wait3A_291, %dma_wait3A_292] : memref<16x80xi32, #tpu.memory_space<vmem>> -> memref<1x80xi32, #tpu.memory_space<vmem>>
    %dma_wait3A_294 = tpu.memref_squeeze %dma_wait3A_293 : memref<1x80xi32, #tpu.memory_space<vmem>> -> memref<80xi32, #tpu.memory_space<vmem>>
    %dma_wait3A_295 = arith.constant 0 : i32
    %dma_wait3A_296 = tpu.memref_slice %arg2[%dma_wait3A_295] : memref<40960xi32, #tpu.memory_space<hbm>> -> memref<80xi32, #tpu.memory_space<hbm>>
    %dma_wait3A_297 = arith.constant 0 : i32
    %dma_wait3A_298 = tpu.memref_slice %arg5[%dma_wait3A_291, %dma_wait3A_297] : memref<16x80xi32, #tpu.memory_space<vmem>> -> memref<1x80xi32, #tpu.memory_space<vmem>>
    %dma_wait3A_299 = tpu.memref_squeeze %dma_wait3A_298 : memref<1x80xi32, #tpu.memory_space<vmem>> -> memref<80xi32, #tpu.memory_space<vmem>>
    %dma_wait3A_300 = arith.constant 0 : i32
    %dma_wait3A_301 = tpu.memref_slice %arg2[%dma_wait3A_300] : memref<40960xi32, #tpu.memory_space<hbm>> -> memref<80xi32, #tpu.memory_space<hbm>>
    tpu.wait_dma2 semaphore(%arg11 : memref<!tpu.dma_semaphore, #tpu.memory_space<semaphore_mem>>) src(%dma_wait3A_301 : memref<80xi32, #tpu.memory_space<hbm>>) dst(%dma_wait3A_299 : memref<80xi32, #tpu.memory_space<vmem>>)
    %dma_wait3A_302 = arith.constant 0 : i32
    %dma_wait3A_303 = arith.constant 0 : i32
    %dma_wait3A_304 = tpu.memref_slice %arg5[%dma_wait3A_302, %dma_wait3A_303] : memref<16x80xi32, #tpu.memory_space<vmem>> -> memref<1x80xi32, #tpu.memory_space<vmem>>
    %dma_wait3A_305 = tpu.memref_squeeze %dma_wait3A_304 : memref<1x80xi32, #tpu.memory_space<vmem>> -> memref<80xi32, #tpu.memory_space<vmem>>
    %dma_wait3A_306 = arith.constant 0 : i32
    %dma_wait3A_307 = tpu.memref_slice %arg2[%dma_wait3A_306] : memref<40960xi32, #tpu.memory_space<hbm>> -> memref<80xi32, #tpu.memory_space<hbm>>
    %dma_wait3A_308 = arith.constant 0 : i32
    %dma_wait3A_309 = tpu.memref_slice %arg5[%dma_wait3A_302, %dma_wait3A_308] : memref<16x80xi32, #tpu.memory_space<vmem>> -> memref<1x80xi32, #tpu.memory_space<vmem>>
    %dma_wait3A_310 = tpu.memref_squeeze %dma_wait3A_309 : memref<1x80xi32, #tpu.memory_space<vmem>> -> memref<80xi32, #tpu.memory_space<vmem>>
    %dma_wait3A_311 = arith.constant 0 : i32
    %dma_wait3A_312 = tpu.memref_slice %arg2[%dma_wait3A_311] : memref<40960xi32, #tpu.memory_space<hbm>> -> memref<80xi32, #tpu.memory_space<hbm>>
    tpu.wait_dma2 semaphore(%arg11 : memref<!tpu.dma_semaphore, #tpu.memory_space<semaphore_mem>>) src(%dma_wait3A_312 : memref<80xi32, #tpu.memory_space<hbm>>) dst(%dma_wait3A_310 : memref<80xi32, #tpu.memory_space<vmem>>)
    %dma_wait3A_313 = arith.constant 0 : i32
    %dma_wait3A_314 = arith.constant 0 : i32
    %dma_wait3A_315 = tpu.memref_slice %arg5[%dma_wait3A_313, %dma_wait3A_314] : memref<16x80xi32, #tpu.memory_space<vmem>> -> memref<1x80xi32, #tpu.memory_space<vmem>>
    %dma_wait3A_316 = tpu.memref_squeeze %dma_wait3A_315 : memref<1x80xi32, #tpu.memory_space<vmem>> -> memref<80xi32, #tpu.memory_space<vmem>>
    %dma_wait3A_317 = arith.constant 0 : i32
    %dma_wait3A_318 = tpu.memref_slice %arg2[%dma_wait3A_317] : memref<40960xi32, #tpu.memory_space<hbm>> -> memref<80xi32, #tpu.memory_space<hbm>>
    %dma_wait3A_319 = arith.constant 0 : i32
    %dma_wait3A_320 = tpu.memref_slice %arg5[%dma_wait3A_313, %dma_wait3A_319] : memref<16x80xi32, #tpu.memory_space<vmem>> -> memref<1x80xi32, #tpu.memory_space<vmem>>
    %dma_wait3A_321 = tpu.memref_squeeze %dma_wait3A_320 : memref<1x80xi32, #tpu.memory_space<vmem>> -> memref<80xi32, #tpu.memory_space<vmem>>
    %dma_wait3A_322 = arith.constant 0 : i32
    %dma_wait3A_323 = tpu.memref_slice %arg2[%dma_wait3A_322] : memref<40960xi32, #tpu.memory_space<hbm>> -> memref<80xi32, #tpu.memory_space<hbm>>
    tpu.wait_dma2 semaphore(%arg11 : memref<!tpu.dma_semaphore, #tpu.memory_space<semaphore_mem>>) src(%dma_wait3A_323 : memref<80xi32, #tpu.memory_space<hbm>>) dst(%dma_wait3A_321 : memref<80xi32, #tpu.memory_space<vmem>>)
    %dma_wait3A_324 = arith.constant 0 : i32
    %dma_wait3A_325 = arith.constant 0 : i32
    %dma_wait3A_326 = tpu.memref_slice %arg5[%dma_wait3A_324, %dma_wait3A_325] : memref<16x80xi32, #tpu.memory_space<vmem>> -> memref<1x80xi32, #tpu.memory_space<vmem>>
    %dma_wait3A_327 = tpu.memref_squeeze %dma_wait3A_326 : memref<1x80xi32, #tpu.memory_space<vmem>> -> memref<80xi32, #tpu.memory_space<vmem>>
    %dma_wait3A_328 = arith.constant 0 : i32
    %dma_wait3A_329 = tpu.memref_slice %arg2[%dma_wait3A_328] : memref<40960xi32, #tpu.memory_space<hbm>> -> memref<80xi32, #tpu.memory_space<hbm>>
    %dma_wait3A_330 = arith.constant 0 : i32
    %dma_wait3A_331 = tpu.memref_slice %arg5[%dma_wait3A_324, %dma_wait3A_330] : memref<16x80xi32, #tpu.memory_space<vmem>> -> memref<1x80xi32, #tpu.memory_space<vmem>>
    %dma_wait3A_332 = tpu.memref_squeeze %dma_wait3A_331 : memref<1x80xi32, #tpu.memory_space<vmem>> -> memref<80xi32, #tpu.memory_space<vmem>>
    %dma_wait3A_333 = arith.constant 0 : i32
    %dma_wait3A_334 = tpu.memref_slice %arg2[%dma_wait3A_333] : memref<40960xi32, #tpu.memory_space<hbm>> -> memref<80xi32, #tpu.memory_space<hbm>>
    tpu.wait_dma2 semaphore(%arg11 : memref<!tpu.dma_semaphore, #tpu.memory_space<semaphore_mem>>) src(%dma_wait3A_334 : memref<80xi32, #tpu.memory_space<hbm>>) dst(%dma_wait3A_332 : memref<80xi32, #tpu.memory_space<vmem>>)
    %dma_wait3A_335 = arith.constant 0 : i32
    %dma_wait3A_336 = arith.constant 0 : i32
    %dma_wait3A_337 = tpu.memref_slice %arg5[%dma_wait3A_335, %dma_wait3A_336] : memref<16x80xi32, #tpu.memory_space<vmem>> -> memref<1x80xi32, #tpu.memory_space<vmem>>
    %dma_wait3A_338 = tpu.memref_squeeze %dma_wait3A_337 : memref<1x80xi32, #tpu.memory_space<vmem>> -> memref<80xi32, #tpu.memory_space<vmem>>
    %dma_wait3A_339 = arith.constant 0 : i32
    %dma_wait3A_340 = tpu.memref_slice %arg2[%dma_wait3A_339] : memref<40960xi32, #tpu.memory_space<hbm>> -> memref<80xi32, #tpu.memory_space<hbm>>
    %dma_wait3A_341 = arith.constant 0 : i32
    %dma_wait3A_342 = tpu.memref_slice %arg5[%dma_wait3A_335, %dma_wait3A_341] : memref<16x80xi32, #tpu.memory_space<vmem>> -> memref<1x80xi32, #tpu.memory_space<vmem>>
    %dma_wait3A_343 = tpu.memref_squeeze %dma_wait3A_342 : memref<1x80xi32, #tpu.memory_space<vmem>> -> memref<80xi32, #tpu.memory_space<vmem>>
    %dma_wait3A_344 = arith.constant 0 : i32
    %dma_wait3A_345 = tpu.memref_slice %arg2[%dma_wait3A_344] : memref<40960xi32, #tpu.memory_space<hbm>> -> memref<80xi32, #tpu.memory_space<hbm>>
    tpu.wait_dma2 semaphore(%arg11 : memref<!tpu.dma_semaphore, #tpu.memory_space<semaphore_mem>>) src(%dma_wait3A_345 : memref<80xi32, #tpu.memory_space<hbm>>) dst(%dma_wait3A_343 : memref<80xi32, #tpu.memory_space<vmem>>)
    %dma_wait3A_346 = arith.constant 0 : i32
    %dma_wait3A_347 = arith.constant 0 : i32
    %dma_wait3A_348 = tpu.memref_slice %arg5[%dma_wait3A_346, %dma_wait3A_347] : memref<16x80xi32, #tpu.memory_space<vmem>> -> memref<1x80xi32, #tpu.memory_space<vmem>>
    %dma_wait3A_349 = tpu.memref_squeeze %dma_wait3A_348 : memref<1x80xi32, #tpu.memory_space<vmem>> -> memref<80xi32, #tpu.memory_space<vmem>>
    %dma_wait3A_350 = arith.constant 0 : i32
    %dma_wait3A_351 = tpu.memref_slice %arg2[%dma_wait3A_350] : memref<40960xi32, #tpu.memory_space<hbm>> -> memref<80xi32, #tpu.memory_space<hbm>>
    %dma_wait3A_352 = arith.constant 0 : i32
    %dma_wait3A_353 = tpu.memref_slice %arg5[%dma_wait3A_346, %dma_wait3A_352] : memref<16x80xi32, #tpu.memory_space<vmem>> -> memref<1x80xi32, #tpu.memory_space<vmem>>
    %dma_wait3A_354 = tpu.memref_squeeze %dma_wait3A_353 : memref<1x80xi32, #tpu.memory_space<vmem>> -> memref<80xi32, #tpu.memory_space<vmem>>
    %dma_wait3A_355 = arith.constant 0 : i32
    %dma_wait3A_356 = tpu.memref_slice %arg2[%dma_wait3A_355] : memref<40960xi32, #tpu.memory_space<hbm>> -> memref<80xi32, #tpu.memory_space<hbm>>
    tpu.wait_dma2 semaphore(%arg11 : memref<!tpu.dma_semaphore, #tpu.memory_space<semaphore_mem>>) src(%dma_wait3A_356 : memref<80xi32, #tpu.memory_space<hbm>>) dst(%dma_wait3A_354 : memref<80xi32, #tpu.memory_space<vmem>>)
    %dma_start3A_357 = arith.constant 0 : i32
    %dma_start3A_358 = arith.constant 0 : i32
    %dma_start3A_359 = tpu.memref_slice %arg5[%dma_start3A_357, %dma_start3A_358] : memref<16x80xi32, #tpu.memory_space<vmem>> -> memref<1x80xi32, #tpu.memory_space<vmem>>
    %dma_start3A_360 = tpu.memref_squeeze %dma_start3A_359 : memref<1x80xi32, #tpu.memory_space<vmem>> -> memref<80xi32, #tpu.memory_space<vmem>>
    %dma_start3A_361 = arith.constant 0 : i32
    %dma_start3A_362 = arith.constant 0 : i32
    %dma_start3A_363 = tpu.memref_slice %arg3[%dma_start3A_361, %dma_start3A_362] : memref<50000x256xf32, #tpu.memory_space<hbm>> -> memref<50000x256xf32, #tpu.memory_space<hbm>>
    tpu.enqueue_indirect_dma source(%dma_start3A_363 : memref<50000x256xf32, #tpu.memory_space<hbm>>) target(%arg6 : memref<80x256xf32, #tpu.memory_space<vmem>>) offsets(%dma_start3A_360 : memref<80xi32, #tpu.memory_space<vmem>>) semaphore(%arg9 : memref<!tpu.dma_semaphore, #tpu.memory_space<semaphore_mem>>)
    %scan3A = arith.constant 0 : i32
    %scan3A_364 = arith.constant 0 : i32
    %scan3A_365 = arith.constant 8 : i32
    %scan3A_366 = arith.addi %scan3A_364, %scan3A_365 : i32
    %scan3A_367 = arith.constant 1 : i32
    scf.for %scan3A_561 = %scan3A_364 to %scan3A_366 step %scan3A_367  : i32 {
      %mul3A_562 = arith.constant 2 : i32
      %mul3A_563 = arith.muli %mul3A_562, %scan3A_561 : i32
      %add3A_564 = arith.constant 0 : i32
      %add3A_565 = arith.addi %mul3A_563, %add3A_564 : i32
      %add3A_566 = arith.constant 2 : i32
      %add3A_567 = arith.addi %add3A_565, %add3A_566 : i32
      %sub3A = arith.constant 1 : i32
      %sub3A_568 = arith.subi %add3A_567, %sub3A : i32
      %lt3A = arith.constant 16 : i32
      %lt3A_569 = arith.cmpi slt, %sub3A_568, %lt3A : i32
      %convert_element_type3A = arith.extui %lt3A_569 : i1 to i32
      %cond3A = arith.constant 0 : i32
      %cond3A_570 = arith.cmpi ne, %convert_element_type3A, %cond3A : i32
      scf.if %cond3A_570 {
        %dma_start3A_633 = arith.constant 0 : i32
        %dma_start3A_634 = tpu.memref_slice %arg5[%sub3A_568, %dma_start3A_633] : memref<16x80xi32, #tpu.memory_space<vmem>> -> memref<1x80xi32, #tpu.memory_space<vmem>>
        %dma_start3A_635 = tpu.memref_squeeze %dma_start3A_634 : memref<1x80xi32, #tpu.memory_space<vmem>> -> memref<80xi32, #tpu.memory_space<vmem>>
        %dma_start3A_636 = arith.constant 0 : i32
        %dma_start3A_637 = arith.constant 0 : i32
        %dma_start3A_638 = tpu.memref_slice %arg3[%dma_start3A_636, %dma_start3A_637] : memref<50000x256xf32, #tpu.memory_space<hbm>> -> memref<50000x256xf32, #tpu.memory_space<hbm>>
        tpu.enqueue_indirect_dma source(%dma_start3A_638 : memref<50000x256xf32, #tpu.memory_space<hbm>>) target(%arg7 : memref<80x256xf32, #tpu.memory_space<vmem>>) offsets(%dma_start3A_635 : memref<80xi32, #tpu.memory_space<vmem>>) semaphore(%arg10 : memref<!tpu.dma_semaphore, #tpu.memory_space<semaphore_mem>>)
      } else {
      }
      %dma_wait3A_571 = arith.constant 0 : i32
      %dma_wait3A_572 = arith.constant 0 : i32
      %dma_wait3A_573 = tpu.memref_slice %arg5[%dma_wait3A_571, %dma_wait3A_572] : memref<16x80xi32, #tpu.memory_space<vmem>> -> memref<1x80xi32, #tpu.memory_space<vmem>>
      %dma_wait3A_574 = tpu.memref_squeeze %dma_wait3A_573 : memref<1x80xi32, #tpu.memory_space<vmem>> -> memref<80xi32, #tpu.memory_space<vmem>>
      %dma_wait3A_575 = arith.constant 0 : i32
      %dma_wait3A_576 = arith.constant 0 : i32
      %dma_wait3A_577 = tpu.memref_slice %arg3[%dma_wait3A_575, %dma_wait3A_576] : memref<50000x256xf32, #tpu.memory_space<hbm>> -> memref<50000x256xf32, #tpu.memory_space<hbm>>
      tpu.wait_indirect_dma semaphore(%arg9 : memref<!tpu.dma_semaphore, #tpu.memory_space<semaphore_mem>>) src(%dma_wait3A_577 : memref<50000x256xf32, #tpu.memory_space<hbm>>) dst(%arg6 : memref<80x256xf32, #tpu.memory_space<vmem>>)
      %parallel_loop3A = arith.constant 0 : i32
      %parallel_loop3A_578 = arith.constant 8 : i32
      %parallel_loop3A_579 = arith.constant 1 : i32
      scf.for %parallel_loop3A_633 = %parallel_loop3A to %parallel_loop3A_578 step %parallel_loop3A_579  : i32 {
        %parallel_loop3A_634 = arith.constant 10 : i32
        %parallel_loop3A_635 = arith.muli %parallel_loop3A_633, %parallel_loop3A_634 : i32
        %parallel_loop3A_636 = arith.index_cast %parallel_loop3A_635 : i32 to index
        %parallel_loop3A_637 = arith.constant 0 : index
        %parallel_loop3A_638 = tpu.vector_load %arg6[%parallel_loop3A_636, %parallel_loop3A_637] {strides = array<i32>} : memref<80x256xf32, #tpu.memory_space<vmem>>, vector<1x16xf32>,
        %parallel_loop3A_639 = vector.shape_cast %parallel_loop3A_638 : vector<1x16xf32> to vector<16xf32>
        %parallel_loop3A_640 = arith.constant 10 : i32
        %parallel_loop3A_641 = arith.muli %parallel_loop3A_633, %parallel_loop3A_640 : i32
        %parallel_loop3A_642 = arith.constant 1 : i32
        %parallel_loop3A_643 = arith.addi %parallel_loop3A_641, %parallel_loop3A_642 : i32
        %parallel_loop3A_644 = arith.index_cast %parallel_loop3A_643 : i32 to index
        %parallel_loop3A_645 = arith.constant 0 : index
        %parallel_loop3A_646 = tpu.vector_load %arg6[%parallel_loop3A_644, %parallel_loop3A_645] {strides = array<i32>} : memref<80x256xf32, #tpu.memory_space<vmem>>, vector<1x16xf32>,
        %parallel_loop3A_647 = vector.shape_cast %parallel_loop3A_646 : vector<1x16xf32> to vector<16xf32>
        %parallel_loop3A_648 = arith.addf %parallel_loop3A_639, %parallel_loop3A_647 : vector<16xf32>
        %parallel_loop3A_649 = arith.constant 10 : i32
        %parallel_loop3A_650 = arith.muli %parallel_loop3A_633, %parallel_loop3A_649 : i32
        %parallel_loop3A_651 = arith.constant 2 : i32
        %parallel_loop3A_652 = arith.addi %parallel_loop3A_650, %parallel_loop3A_651 : i32
        %parallel_loop3A_653 = arith.index_cast %parallel_loop3A_652 : i32 to index
        %parallel_loop3A_654 = arith.constant 0 : index
        %parallel_loop3A_655 = tpu.vector_load %arg6[%parallel_loop3A_653, %parallel_loop3A_654] {strides = array<i32>} : memref<80x256xf32, #tpu.memory_space<vmem>>, vector<1x16xf32>,
        %parallel_loop3A_656 = vector.shape_cast %parallel_loop3A_655 : vector<1x16xf32> to vector<16xf32>
        %parallel_loop3A_657 = arith.addf %parallel_loop3A_648, %parallel_loop3A_656 : vector<16xf32>
        %parallel_loop3A_658 = arith.constant 10 : i32
        %parallel_loop3A_659 = arith.muli %parallel_loop3A_633, %parallel_loop3A_658 : i32
        %parallel_loop3A_660 = arith.constant 3 : i32
        %parallel_loop3A_661 = arith.addi %parallel_loop3A_659, %parallel_loop3A_660 : i32
        %parallel_loop3A_662 = arith.index_cast %parallel_loop3A_661 : i32 to index
        %parallel_loop3A_663 = arith.constant 0 : index
        %parallel_loop3A_664 = tpu.vector_load %arg6[%parallel_loop3A_662, %parallel_loop3A_663] {strides = array<i32>} : memref<80x256xf32, #tpu.memory_space<vmem>>, vector<1x16xf32>,
        %parallel_loop3A_665 = vector.shape_cast %parallel_loop3A_664 : vector<1x16xf32> to vector<16xf32>
        %parallel_loop3A_666 = arith.addf %parallel_loop3A_657, %parallel_loop3A_665 : vector<16xf32>
        %parallel_loop3A_667 = arith.constant 10 : i32
        %parallel_loop3A_668 = arith.muli %parallel_loop3A_633, %parallel_loop3A_667 : i32
        %parallel_loop3A_669 = arith.constant 4 : i32
        %parallel_loop3A_670 = arith.addi %parallel_loop3A_668, %parallel_loop3A_669 : i32
        %parallel_loop3A_671 = arith.index_cast %parallel_loop3A_670 : i32 to index
        %parallel_loop3A_672 = arith.constant 0 : index
        %parallel_loop3A_673 = tpu.vector_load %arg6[%parallel_loop3A_671, %parallel_loop3A_672] {strides = array<i32>} : memref<80x256xf32, #tpu.memory_space<vmem>>, vector<1x16xf32>,
        %parallel_loop3A_674 = vector.shape_cast %parallel_loop3A_673 : vector<1x16xf32> to vector<16xf32>
        %parallel_loop3A_675 = arith.addf %parallel_loop3A_666, %parallel_loop3A_674 : vector<16xf32>
        %parallel_loop3A_676 = arith.constant 10 : i32
        %parallel_loop3A_677 = arith.muli %parallel_loop3A_633, %parallel_loop3A_676 : i32
        %parallel_loop3A_678 = arith.constant 5 : i32
        %parallel_loop3A_679 = arith.addi %parallel_loop3A_677, %parallel_loop3A_678 : i32
        %parallel_loop3A_680 = arith.index_cast %parallel_loop3A_679 : i32 to index
        %parallel_loop3A_681 = arith.constant 0 : index
        %parallel_loop3A_682 = tpu.vector_load %arg6[%parallel_loop3A_680, %parallel_loop3A_681] {strides = array<i32>} : memref<80x256xf32, #tpu.memory_space<vmem>>, vector<1x16xf32>,
        %parallel_loop3A_683 = vector.shape_cast %parallel_loop3A_682 : vector<1x16xf32> to vector<16xf32>
        %parallel_loop3A_684 = arith.addf %parallel_loop3A_675, %parallel_loop3A_683 : vector<16xf32>
        %parallel_loop3A_685 = arith.constant 10 : i32
        %parallel_loop3A_686 = arith.muli %parallel_loop3A_633, %parallel_loop3A_685 : i32
        %parallel_loop3A_687 = arith.constant 6 : i32
        %parallel_loop3A_688 = arith.addi %parallel_loop3A_686, %parallel_loop3A_687 : i32
        %parallel_loop3A_689 = arith.index_cast %parallel_loop3A_688 : i32 to index
        %parallel_loop3A_690 = arith.constant 0 : index
        %parallel_loop3A_691 = tpu.vector_load %arg6[%parallel_loop3A_689, %parallel_loop3A_690] {strides = array<i32>} : memref<80x256xf32, #tpu.memory_space<vmem>>, vector<1x16xf32>,
        %parallel_loop3A_692 = vector.shape_cast %parallel_loop3A_691 : vector<1x16xf32> to vector<16xf32>
        %parallel_loop3A_693 = arith.addf %parallel_loop3A_684, %parallel_loop3A_692 : vector<16xf32>
        %parallel_loop3A_694 = arith.constant 10 : i32
        %parallel_loop3A_695 = arith.muli %parallel_loop3A_633, %parallel_loop3A_694 : i32
        %parallel_loop3A_696 = arith.constant 7 : i32
        %parallel_loop3A_697 = arith.addi %parallel_loop3A_695, %parallel_loop3A_696 : i32
        %parallel_loop3A_698 = arith.index_cast %parallel_loop3A_697 : i32 to index
        %parallel_loop3A_699 = arith.constant 0 : index
        %parallel_loop3A_700 = tpu.vector_load %arg6[%parallel_loop3A_698, %parallel_loop3A_699] {strides = array<i32>} : memref<80x256xf32, #tpu.memory_space<vmem>>, vector<1x16xf32>,
        %parallel_loop3A_701 = vector.shape_cast %parallel_loop3A_700 : vector<1x16xf32> to vector<16xf32>
        %parallel_loop3A_702 = arith.addf %parallel_loop3A_693, %parallel_loop3A_701 : vector<16xf32>
        %parallel_loop3A_703 = arith.constant 10 : i32
        %parallel_loop3A_704 = arith.muli %parallel_loop3A_633, %parallel_loop3A_703 : i32
        %parallel_loop3A_705 = arith.constant 8 : i32
        %parallel_loop3A_706 = arith.addi %parallel_loop3A_704, %parallel_loop3A_705 : i32
        %parallel_loop3A_707 = arith.index_cast %parallel_loop3A_706 : i32 to index
        %parallel_loop3A_708 = arith.constant 0 : index
        %parallel_loop3A_709 = tpu.vector_load %arg6[%parallel_loop3A_707, %parallel_loop3A_708] {strides = array<i32>} : memref<80x256xf32, #tpu.memory_space<vmem>>, vector<1x16xf32>,
        %parallel_loop3A_710 = vector.shape_cast %parallel_loop3A_709 : vector<1x16xf32> to vector<16xf32>
        %parallel_loop3A_711 = arith.addf %parallel_loop3A_702, %parallel_loop3A_710 : vector<16xf32>
        %parallel_loop3A_712 = arith.constant 10 : i32
        %parallel_loop3A_713 = arith.muli %parallel_loop3A_633, %parallel_loop3A_712 : i32
        %parallel_loop3A_714 = arith.constant 9 : i32
        %parallel_loop3A_715 = arith.addi %parallel_loop3A_713, %parallel_loop3A_714 : i32
        %parallel_loop3A_716 = arith.index_cast %parallel_loop3A_715 : i32 to index
        %parallel_loop3A_717 = arith.constant 0 : index
        %parallel_loop3A_718 = tpu.vector_load %arg6[%parallel_loop3A_716, %parallel_loop3A_717] {strides = array<i32>} : memref<80x256xf32, #tpu.memory_space<vmem>>, vector<1x16xf32>,
        %parallel_loop3A_719 = vector.shape_cast %parallel_loop3A_718 : vector<1x16xf32> to vector<16xf32>
        %parallel_loop3A_720 = arith.addf %parallel_loop3A_711, %parallel_loop3A_719 : vector<16xf32>
        %parallel_loop3A_721 = arith.constant 8 : i32
        %parallel_loop3A_722 = arith.muli %add3A_565, %parallel_loop3A_721 : i32
        %parallel_loop3A_723 = arith.addi %parallel_loop3A_722, %parallel_loop3A_633 : i32
        %parallel_loop3A_724 = arith.index_cast %parallel_loop3A_723 : i32 to index
        %parallel_loop3A_725 = arith.constant 0 : index
        %parallel_loop3A_726 = tpu.vector_load %arg8[%parallel_loop3A_724, %parallel_loop3A_725] {strides = array<i32>} : memref<128x256xf32, #tpu.memory_space<vmem>>, vector<1x16xf32>,
        %parallel_loop3A_727 = vector.shape_cast %parallel_loop3A_726 : vector<1x16xf32> to vector<16xf32>
        %parallel_loop3A_728 = vector.shape_cast %parallel_loop3A_720 : vector<16xf32> to vector<1x16xf32>
        tpu.vector_store %arg8[%parallel_loop3A_724, %parallel_loop3A_725], %parallel_loop3A_728 {strides = array<i32>} : memref<128x256xf32, #tpu.memory_space<vmem>>, vector<1x16xf32>,
        %parallel_loop3A_729 = arith.constant 10 : i32
        %parallel_loop3A_730 = arith.muli %parallel_loop3A_633, %parallel_loop3A_729 : i32
        %parallel_loop3A_731 = arith.index_cast %parallel_loop3A_730 : i32 to index
        %parallel_loop3A_732 = arith.constant 16 : index
        %parallel_loop3A_733 = tpu.vector_load %arg6[%parallel_loop3A_731, %parallel_loop3A_732] {strides = array<i32>} : memref<80x256xf32, #tpu.memory_space<vmem>>, vector<1x16xf32>,
        %parallel_loop3A_734 = vector.shape_cast %parallel_loop3A_733 : vector<1x16xf32> to vector<16xf32>
        %parallel_loop3A_735 = arith.constant 10 : i32
        %parallel_loop3A_736 = arith.muli %parallel_loop3A_633, %parallel_loop3A_735 : i32
        %parallel_loop3A_737 = arith.constant 1 : i32
        %parallel_loop3A_738 = arith.addi %parallel_loop3A_736, %parallel_loop3A_737 : i32
        %parallel_loop3A_739 = arith.index_cast %parallel_loop3A_738 : i32 to index
        %parallel_loop3A_740 = arith.constant 16 : index
        %parallel_loop3A_741 = tpu.vector_load %arg6[%parallel_loop3A_739, %parallel_loop3A_740] {strides = array<i32>} : memref<80x256xf32, #tpu.memory_space<vmem>>, vector<1x16xf32>,
        %parallel_loop3A_742 = vector.shape_cast %parallel_loop3A_741 : vector<1x16xf32> to vector<16xf32>
        %parallel_loop3A_743 = arith.addf %parallel_loop3A_734, %parallel_loop3A_742 : vector<16xf32>
        %parallel_loop3A_744 = arith.constant 10 : i32
        %parallel_loop3A_745 = arith.muli %parallel_loop3A_633, %parallel_loop3A_744 : i32
        %parallel_loop3A_746 = arith.constant 2 : i32
        %parallel_loop3A_747 = arith.addi %parallel_loop3A_745, %parallel_loop3A_746 : i32
        %parallel_loop3A_748 = arith.index_cast %parallel_loop3A_747 : i32 to index
        %parallel_loop3A_749 = arith.constant 16 : index
        %parallel_loop3A_750 = tpu.vector_load %arg6[%parallel_loop3A_748, %parallel_loop3A_749] {strides = array<i32>} : memref<80x256xf32, #tpu.memory_space<vmem>>, vector<1x16xf32>,
        %parallel_loop3A_751 = vector.shape_cast %parallel_loop3A_750 : vector<1x16xf32> to vector<16xf32>
        %parallel_loop3A_752 = arith.addf %parallel_loop3A_743, %parallel_loop3A_751 : vector<16xf32>
        %parallel_loop3A_753 = arith.constant 10 : i32
        %parallel_loop3A_754 = arith.muli %parallel_loop3A_633, %parallel_loop3A_753 : i32
        %parallel_loop3A_755 = arith.constant 3 : i32
        %parallel_loop3A_756 = arith.addi %parallel_loop3A_754, %parallel_loop3A_755 : i32
        %parallel_loop3A_757 = arith.index_cast %parallel_loop3A_756 : i32 to index
        %parallel_loop3A_758 = arith.constant 16 : index
        %parallel_loop3A_759 = tpu.vector_load %arg6[%parallel_loop3A_757, %parallel_loop3A_758] {strides = array<i32>} : memref<80x256xf32, #tpu.memory_space<vmem>>, vector<1x16xf32>,
        %parallel_loop3A_760 = vector.shape_cast %parallel_loop3A_759 : vector<1x16xf32> to vector<16xf32>
        %parallel_loop3A_761 = arith.addf %parallel_loop3A_752, %parallel_loop3A_760 : vector<16xf32>
        %parallel_loop3A_762 = arith.constant 10 : i32
        %parallel_loop3A_763 = arith.muli %parallel_loop3A_633, %parallel_loop3A_762 : i32
        %parallel_loop3A_764 = arith.constant 4 : i32
        %parallel_loop3A_765 = arith.addi %parallel_loop3A_763, %parallel_loop3A_764 : i32
        %parallel_loop3A_766 = arith.index_cast %parallel_loop3A_765 : i32 to index
        %parallel_loop3A_767 = arith.constant 16 : index
        %parallel_loop3A_768 = tpu.vector_load %arg6[%parallel_loop3A_766, %parallel_loop3A_767] {strides = array<i32>} : memref<80x256xf32, #tpu.memory_space<vmem>>, vector<1x16xf32>,
        %parallel_loop3A_769 = vector.shape_cast %parallel_loop3A_768 : vector<1x16xf32> to vector<16xf32>
        %parallel_loop3A_770 = arith.addf %parallel_loop3A_761, %parallel_loop3A_769 : vector<16xf32>
        %parallel_loop3A_771 = arith.constant 10 : i32
        %parallel_loop3A_772 = arith.muli %parallel_loop3A_633, %parallel_loop3A_771 : i32
        %parallel_loop3A_773 = arith.constant 5 : i32
        %parallel_loop3A_774 = arith.addi %parallel_loop3A_772, %parallel_loop3A_773 : i32
        %parallel_loop3A_775 = arith.index_cast %parallel_loop3A_774 : i32 to index
        %parallel_loop3A_776 = arith.constant 16 : index
        %parallel_loop3A_777 = tpu.vector_load %arg6[%parallel_loop3A_775, %parallel_loop3A_776] {strides = array<i32>} : memref<80x256xf32, #tpu.memory_space<vmem>>, vector<1x16xf32>,
        %parallel_loop3A_778 = vector.shape_cast %parallel_loop3A_777 : vector<1x16xf32> to vector<16xf32>
        %parallel_loop3A_779 = arith.addf %parallel_loop3A_770, %parallel_loop3A_778 : vector<16xf32>
        %parallel_loop3A_780 = arith.constant 10 : i32
        %parallel_loop3A_781 = arith.muli %parallel_loop3A_633, %parallel_loop3A_780 : i32
        %parallel_loop3A_782 = arith.constant 6 : i32
        %parallel_loop3A_783 = arith.addi %parallel_loop3A_781, %parallel_loop3A_782 : i32
        %parallel_loop3A_784 = arith.index_cast %parallel_loop3A_783 : i32 to index
        %parallel_loop3A_785 = arith.constant 16 : index
        %parallel_loop3A_786 = tpu.vector_load %arg6[%parallel_loop3A_784, %parallel_loop3A_785] {strides = array<i32>} : memref<80x256xf32, #tpu.memory_space<vmem>>, vector<1x16xf32>,
        %parallel_loop3A_787 = vector.shape_cast %parallel_loop3A_786 : vector<1x16xf32> to vector<16xf32>
        %parallel_loop3A_788 = arith.addf %parallel_loop3A_779, %parallel_loop3A_787 : vector<16xf32>
        %parallel_loop3A_789 = arith.constant 10 : i32
        %parallel_loop3A_790 = arith.muli %parallel_loop3A_633, %parallel_loop3A_789 : i32
        %parallel_loop3A_791 = arith.constant 7 : i32
        %parallel_loop3A_792 = arith.addi %parallel_loop3A_790, %parallel_loop3A_791 : i32
        %parallel_loop3A_793 = arith.index_cast %parallel_loop3A_792 : i32 to index
        %parallel_loop3A_794 = arith.constant 16 : index
        %parallel_loop3A_795 = tpu.vector_load %arg6[%parallel_loop3A_793, %parallel_loop3A_794] {strides = array<i32>} : memref<80x256xf32, #tpu.memory_space<vmem>>, vector<1x16xf32>,
        %parallel_loop3A_796 = vector.shape_cast %parallel_loop3A_795 : vector<1x16xf32> to vector<16xf32>
        %parallel_loop3A_797 = arith.addf %parallel_loop3A_788, %parallel_loop3A_796 : vector<16xf32>
        %parallel_loop3A_798 = arith.constant 10 : i32
        %parallel_loop3A_799 = arith.muli %parallel_loop3A_633, %parallel_loop3A_798 : i32
        %parallel_loop3A_800 = arith.constant 8 : i32
        %parallel_loop3A_801 = arith.addi %parallel_loop3A_799, %parallel_loop3A_800 : i32
        %parallel_loop3A_802 = arith.index_cast %parallel_loop3A_801 : i32 to index
        %parallel_loop3A_803 = arith.constant 16 : index
        %parallel_loop3A_804 = tpu.vector_load %arg6[%parallel_loop3A_802, %parallel_loop3A_803] {strides = array<i32>} : memref<80x256xf32, #tpu.memory_space<vmem>>, vector<1x16xf32>,
        %parallel_loop3A_805 = vector.shape_cast %parallel_loop3A_804 : vector<1x16xf32> to vector<16xf32>
        %parallel_loop3A_806 = arith.addf %parallel_loop3A_797, %parallel_loop3A_805 : vector<16xf32>
        %parallel_loop3A_807 = arith.constant 10 : i32
        %parallel_loop3A_808 = arith.muli %parallel_loop3A_633, %parallel_loop3A_807 : i32
        %parallel_loop3A_809 = arith.constant 9 : i32
        %parallel_loop3A_810 = arith.addi %parallel_loop3A_808, %parallel_loop3A_809 : i32
        %parallel_loop3A_811 = arith.index_cast %parallel_loop3A_810 : i32 to index
        %parallel_loop3A_812 = arith.constant 16 : index
        %parallel_loop3A_813 = tpu.vector_load %arg6[%parallel_loop3A_811, %parallel_loop3A_812] {strides = array<i32>} : memref<80x256xf32, #tpu.memory_space<vmem>>, vector<1x16xf32>,
        %parallel_loop3A_814 = vector.shape_cast %parallel_loop3A_813 : vector<1x16xf32> to vector<16xf32>
        %parallel_loop3A_815 = arith.addf %parallel_loop3A_806, %parallel_loop3A_814 : vector<16xf32>
        %parallel_loop3A_816 = arith.constant 8 : i32
        %parallel_loop3A_817 = arith.muli %add3A_565, %parallel_loop3A_816 : i32
        %parallel_loop3A_818 = arith.addi %parallel_loop3A_817, %parallel_loop3A_633 : i32
        %parallel_loop3A_819 = arith.index_cast %parallel_loop3A_818 : i32 to index
        %parallel_loop3A_820 = arith.constant 16 : index
        %parallel_loop3A_821 = tpu.vector_load %arg8[%parallel_loop3A_819, %parallel_loop3A_820] {strides = array<i32>} : memref<128x256xf32, #tpu.memory_space<vmem>>, vector<1x16xf32>,
        %parallel_loop3A_822 = vector.shape_cast %parallel_loop3A_821 : vector<1x16xf32> to vector<16xf32>
        %parallel_loop3A_823 = vector.shape_cast %parallel_loop3A_815 : vector<16xf32> to vector<1x16xf32>
        tpu.vector_store %arg8[%parallel_loop3A_819, %parallel_loop3A_820], %parallel_loop3A_823 {strides = array<i32>} : memref<128x256xf32, #tpu.memory_space<vmem>>, vector<1x16xf32>,
        %parallel_loop3A_824 = arith.constant 10 : i32
        %parallel_loop3A_825 = arith.muli %parallel_loop3A_633, %parallel_loop3A_824 : i32
        %parallel_loop3A_826 = arith.index_cast %parallel_loop3A_825 : i32 to index
        %parallel_loop3A_827 = arith.constant 32 : index
        %parallel_loop3A_828 = tpu.vector_load %arg6[%parallel_loop3A_826, %parallel_loop3A_827] {strides = array<i32>} : memref<80x256xf32, #tpu.memory_space<vmem>>, vector<1x16xf32>,
        %parallel_loop3A_829 = vector.shape_cast %parallel_loop3A_828 : vector<1x16xf32> to vector<16xf32>
        %parallel_loop3A_830 = arith.constant 10 : i32
        %parallel_loop3A_831 = arith.muli %parallel_loop3A_633, %parallel_loop3A_830 : i32
        %parallel_loop3A_832 = arith.constant 1 : i32
        %parallel_loop3A_833 = arith.addi %parallel_loop3A_831, %parallel_loop3A_832 : i32
        %parallel_loop3A_834 = arith.index_cast %parallel_loop3A_833 : i32 to index
        %parallel_loop3A_835 = arith.constant 32 : index
        %parallel_loop3A_836 = tpu.vector_load %arg6[%parallel_loop3A_834, %parallel_loop3A_835] {strides = array<i32>} : memref<80x256xf32, #tpu.memory_space<vmem>>, vector<1x16xf32>,
        %parallel_loop3A_837 = vector.shape_cast %parallel_loop3A_836 : vector<1x16xf32> to vector<16xf32>
        %parallel_loop3A_838 = arith.addf %parallel_loop3A_829, %parallel_loop3A_837 : vector<16xf32>
        %parallel_loop3A_839 = arith.constant 10 : i32
        %parallel_loop3A_840 = arith.muli %parallel_loop3A_633, %parallel_loop3A_839 : i32
        %parallel_loop3A_841 = arith.constant 2 : i32
        %parallel_loop3A_842 = arith.addi %parallel_loop3A_840, %parallel_loop3A_841 : i32
        %parallel_loop3A_843 = arith.index_cast %parallel_loop3A_842 : i32 to index
        %parallel_loop3A_844 = arith.constant 32 : index
        %parallel_loop3A_845 = tpu.vector_load %arg6[%parallel_loop3A_843, %parallel_loop3A_844] {strides = array<i32>} : memref<80x256xf32, #tpu.memory_space<vmem>>, vector<1x16xf32>,
        %parallel_loop3A_846 = vector.shape_cast %parallel_loop3A_845 : vector<1x16xf32> to vector<16xf32>
        %parallel_loop3A_847 = arith.addf %parallel_loop3A_838, %parallel_loop3A_846 : vector<16xf32>
        %parallel_loop3A_848 = arith.constant 10 : i32
        %parallel_loop3A_849 = arith.muli %parallel_loop3A_633, %parallel_loop3A_848 : i32
        %parallel_loop3A_850 = arith.constant 3 : i32
        %parallel_loop3A_851 = arith.addi %parallel_loop3A_849, %parallel_loop3A_850 : i32
        %parallel_loop3A_852 = arith.index_cast %parallel_loop3A_851 : i32 to index
        %parallel_loop3A_853 = arith.constant 32 : index
        %parallel_loop3A_854 = tpu.vector_load %arg6[%parallel_loop3A_852, %parallel_loop3A_853] {strides = array<i32>} : memref<80x256xf32, #tpu.memory_space<vmem>>, vector<1x16xf32>,
        %parallel_loop3A_855 = vector.shape_cast %parallel_loop3A_854 : vector<1x16xf32> to vector<16xf32>
        %parallel_loop3A_856 = arith.addf %parallel_loop3A_847, %parallel_loop3A_855 : vector<16xf32>
        %parallel_loop3A_857 = arith.constant 10 : i32
        %parallel_loop3A_858 = arith.muli %parallel_loop3A_633, %parallel_loop3A_857 : i32
        %parallel_loop3A_859 = arith.constant 4 : i32
        %parallel_loop3A_860 = arith.addi %parallel_loop3A_858, %parallel_loop3A_859 : i32
        %parallel_loop3A_861 = arith.index_cast %parallel_loop3A_860 : i32 to index
        %parallel_loop3A_862 = arith.constant 32 : index
        %parallel_loop3A_863 = tpu.vector_load %arg6[%parallel_loop3A_861, %parallel_loop3A_862] {strides = array<i32>} : memref<80x256xf32, #tpu.memory_space<vmem>>, vector<1x16xf32>,
        %parallel_loop3A_864 = vector.shape_cast %parallel_loop3A_863 : vector<1x16xf32> to vector<16xf32>
        %parallel_loop3A_865 = arith.addf %parallel_loop3A_856, %parallel_loop3A_864 : vector<16xf32>
        %parallel_loop3A_866 = arith.constant 10 : i32
        %parallel_loop3A_867 = arith.muli %parallel_loop3A_633, %parallel_loop3A_866 : i32
        %parallel_loop3A_868 = arith.constant 5 : i32
        %parallel_loop3A_869 = arith.addi %parallel_loop3A_867, %parallel_loop3A_868 : i32
        %parallel_loop3A_870 = arith.index_cast %parallel_loop3A_869 : i32 to index
        %parallel_loop3A_871 = arith.constant 32 : index
        %parallel_loop3A_872 = tpu.vector_load %arg6[%parallel_loop3A_870, %parallel_loop3A_871] {strides = array<i32>} : memref<80x256xf32, #tpu.memory_space<vmem>>, vector<1x16xf32>,
        %parallel_loop3A_873 = vector.shape_cast %parallel_loop3A_872 : vector<1x16xf32> to vector<16xf32>
        %parallel_loop3A_874 = arith.addf %parallel_loop3A_865, %parallel_loop3A_873 : vector<16xf32>
        %parallel_loop3A_875 = arith.constant 10 : i32
        %parallel_loop3A_876 = arith.muli %parallel_loop3A_633, %parallel_loop3A_875 : i32
        %parallel_loop3A_877 = arith.constant 6 : i32
        %parallel_loop3A_878 = arith.addi %parallel_loop3A_876, %parallel_loop3A_877 : i32
        %parallel_loop3A_879 = arith.index_cast %parallel_loop3A_878 : i32 to index
        %parallel_loop3A_880 = arith.constant 32 : index
        %parallel_loop3A_881 = tpu.vector_load %arg6[%parallel_loop3A_879, %parallel_loop3A_880] {strides = array<i32>} : memref<80x256xf32, #tpu.memory_space<vmem>>, vector<1x16xf32>,
        %parallel_loop3A_882 = vector.shape_cast %parallel_loop3A_881 : vector<1x16xf32> to vector<16xf32>
        %parallel_loop3A_883 = arith.addf %parallel_loop3A_874, %parallel_loop3A_882 : vector<16xf32>
        %parallel_loop3A_884 = arith.constant 10 : i32
        %parallel_loop3A_885 = arith.muli %parallel_loop3A_633, %parallel_loop3A_884 : i32
        %parallel_loop3A_886 = arith.constant 7 : i32
        %parallel_loop3A_887 = arith.addi %parallel_loop3A_885, %parallel_loop3A_886 : i32
        %parallel_loop3A_888 = arith.index_cast %parallel_loop3A_887 : i32 to index
        %parallel_loop3A_889 = arith.constant 32 : index
        %parallel_loop3A_890 = tpu.vector_load %arg6[%parallel_loop3A_888, %parallel_loop3A_889] {strides = array<i32>} : memref<80x256xf32, #tpu.memory_space<vmem>>, vector<1x16xf32>,
        %parallel_loop3A_891 = vector.shape_cast %parallel_loop3A_890 : vector<1x16xf32> to vector<16xf32>
        %parallel_loop3A_892 = arith.addf %parallel_loop3A_883, %parallel_loop3A_891 : vector<16xf32>
        %parallel_loop3A_893 = arith.constant 10 : i32
        %parallel_loop3A_894 = arith.muli %parallel_loop3A_633, %parallel_loop3A_893 : i32
        %parallel_loop3A_895 = arith.constant 8 : i32
        %parallel_loop3A_896 = arith.addi %parallel_loop3A_894, %parallel_loop3A_895 : i32
        %parallel_loop3A_897 = arith.index_cast %parallel_loop3A_896 : i32 to index
        %parallel_loop3A_898 = arith.constant 32 : index
        %parallel_loop3A_899 = tpu.vector_load %arg6[%parallel_loop3A_897, %parallel_loop3A_898] {strides = array<i32>} : memref<80x256xf32, #tpu.memory_space<vmem>>, vector<1x16xf32>,
        %parallel_loop3A_900 = vector.shape_cast %parallel_loop3A_899 : vector<1x16xf32> to vector<16xf32>
        %parallel_loop3A_901 = arith.addf %parallel_loop3A_892, %parallel_loop3A_900 : vector<16xf32>
        %parallel_loop3A_902 = arith.constant 10 : i32
        %parallel_loop3A_903 = arith.muli %parallel_loop3A_633, %parallel_loop3A_902 : i32
        %parallel_loop3A_904 = arith.constant 9 : i32
        %parallel_loop3A_905 = arith.addi %parallel_loop3A_903, %parallel_loop3A_904 : i32
        %parallel_loop3A_906 = arith.index_cast %parallel_loop3A_905 : i32 to index
        %parallel_loop3A_907 = arith.constant 32 : index
        %parallel_loop3A_908 = tpu.vector_load %arg6[%parallel_loop3A_906, %parallel_loop3A_907] {strides = array<i32>} : memref<80x256xf32, #tpu.memory_space<vmem>>, vector<1x16xf32>,
        %parallel_loop3A_909 = vector.shape_cast %parallel_loop3A_908 : vector<1x16xf32> to vector<16xf32>
        %parallel_loop3A_910 = arith.addf %parallel_loop3A_901, %parallel_loop3A_909 : vector<16xf32>
        %parallel_loop3A_911 = arith.constant 8 : i32
        %parallel_loop3A_912 = arith.muli %add3A_565, %parallel_loop3A_911 : i32
        %parallel_loop3A_913 = arith.addi %parallel_loop3A_912, %parallel_loop3A_633 : i32
        %parallel_loop3A_914 = arith.index_cast %parallel_loop3A_913 : i32 to index
        %parallel_loop3A_915 = arith.constant 32 : index
        %parallel_loop3A_916 = tpu.vector_load %arg8[%parallel_loop3A_914, %parallel_loop3A_915] {strides = array<i32>} : memref<128x256xf32, #tpu.memory_space<vmem>>, vector<1x16xf32>,
        %parallel_loop3A_917 = vector.shape_cast %parallel_loop3A_916 : vector<1x16xf32> to vector<16xf32>
        %parallel_loop3A_918 = vector.shape_cast %parallel_loop3A_910 : vector<16xf32> to vector<1x16xf32>
        tpu.vector_store %arg8[%parallel_loop3A_914, %parallel_loop3A_915], %parallel_loop3A_918 {strides = array<i32>} : memref<128x256xf32, #tpu.memory_space<vmem>>, vector<1x16xf32>,
        %parallel_loop3A_919 = arith.constant 10 : i32
        %parallel_loop3A_920 = arith.muli %parallel_loop3A_633, %parallel_loop3A_919 : i32
        %parallel_loop3A_921 = arith.index_cast %parallel_loop3A_920 : i32 to index
        %parallel_loop3A_922 = arith.constant 48 : index
        %parallel_loop3A_923 = tpu.vector_load %arg6[%parallel_loop3A_921, %parallel_loop3A_922] {strides = array<i32>} : memref<80x256xf32, #tpu.memory_space<vmem>>, vector<1x16xf32>,
        %parallel_loop3A_924 = vector.shape_cast %parallel_loop3A_923 : vector<1x16xf32> to vector<16xf32>
        %parallel_loop3A_925 = arith.constant 10 : i32
        %parallel_loop3A_926 = arith.muli %parallel_loop3A_633, %parallel_loop3A_925 : i32
        %parallel_loop3A_927 = arith.constant 1 : i32
        %parallel_loop3A_928 = arith.addi %parallel_loop3A_926, %parallel_loop3A_927 : i32
        %parallel_loop3A_929 = arith.index_cast %parallel_loop3A_928 : i32 to index
        %parallel_loop3A_930 = arith.constant 48 : index
        %parallel_loop3A_931 = tpu.vector_load %arg6[%parallel_loop3A_929, %parallel_loop3A_930] {strides = array<i32>} : memref<80x256xf32, #tpu.memory_space<vmem>>, vector<1x16xf32>,
        %parallel_loop3A_932 = vector.shape_cast %parallel_loop3A_931 : vector<1x16xf32> to vector<16xf32>
        %parallel_loop3A_933 = arith.addf %parallel_loop3A_924, %parallel_loop3A_932 : vector<16xf32>
        %parallel_loop3A_934 = arith.constant 10 : i32
        %parallel_loop3A_935 = arith.muli %parallel_loop3A_633, %parallel_loop3A_934 : i32
        %parallel_loop3A_936 = arith.constant 2 : i32
        %parallel_loop3A_937 = arith.addi %parallel_loop3A_935, %parallel_loop3A_936 : i32
        %parallel_loop3A_938 = arith.index_cast %parallel_loop3A_937 : i32 to index
        %parallel_loop3A_939 = arith.constant 48 : index
        %parallel_loop3A_940 = tpu.vector_load %arg6[%parallel_loop3A_938, %parallel_loop3A_939] {strides = array<i32>} : memref<80x256xf32, #tpu.memory_space<vmem>>, vector<1x16xf32>,
        %parallel_loop3A_941 = vector.shape_cast %parallel_loop3A_940 : vector<1x16xf32> to vector<16xf32>
        %parallel_loop3A_942 = arith.addf %parallel_loop3A_933, %parallel_loop3A_941 : vector<16xf32>
        %parallel_loop3A_943 = arith.constant 10 : i32
        %parallel_loop3A_944 = arith.muli %parallel_loop3A_633, %parallel_loop3A_943 : i32
        %parallel_loop3A_945 = arith.constant 3 : i32
        %parallel_loop3A_946 = arith.addi %parallel_loop3A_944, %parallel_loop3A_945 : i32
        %parallel_loop3A_947 = arith.index_cast %parallel_loop3A_946 : i32 to index
        %parallel_loop3A_948 = arith.constant 48 : index
        %parallel_loop3A_949 = tpu.vector_load %arg6[%parallel_loop3A_947, %parallel_loop3A_948] {strides = array<i32>} : memref<80x256xf32, #tpu.memory_space<vmem>>, vector<1x16xf32>,
        %parallel_loop3A_950 = vector.shape_cast %parallel_loop3A_949 : vector<1x16xf32> to vector<16xf32>
        %parallel_loop3A_951 = arith.addf %parallel_loop3A_942, %parallel_loop3A_950 : vector<16xf32>
        %parallel_loop3A_952 = arith.constant 10 : i32
        %parallel_loop3A_953 = arith.muli %parallel_loop3A_633, %parallel_loop3A_952 : i32
        %parallel_loop3A_954 = arith.constant 4 : i32
        %parallel_loop3A_955 = arith.addi %parallel_loop3A_953, %parallel_loop3A_954 : i32
        %parallel_loop3A_956 = arith.index_cast %parallel_loop3A_955 : i32 to index
        %parallel_loop3A_957 = arith.constant 48 : index
        %parallel_loop3A_958 = tpu.vector_load %arg6[%parallel_loop3A_956, %parallel_loop3A_957] {strides = array<i32>} : memref<80x256xf32, #tpu.memory_space<vmem>>, vector<1x16xf32>,
        %parallel_loop3A_959 = vector.shape_cast %parallel_loop3A_958 : vector<1x16xf32> to vector<16xf32>
        %parallel_loop3A_960 = arith.addf %parallel_loop3A_951, %parallel_loop3A_959 : vector<16xf32>
        %parallel_loop3A_961 = arith.constant 10 : i32
        %parallel_loop3A_962 = arith.muli %parallel_loop3A_633, %parallel_loop3A_961 : i32
        %parallel_loop3A_963 = arith.constant 5 : i32
        %parallel_loop3A_964 = arith.addi %parallel_loop3A_962, %parallel_loop3A_963 : i32
        %parallel_loop3A_965 = arith.index_cast %parallel_loop3A_964 : i32 to index
        %parallel_loop3A_966 = arith.constant 48 : index
        %parallel_loop3A_967 = tpu.vector_load %arg6[%parallel_loop3A_965, %parallel_loop3A_966] {strides = array<i32>} : memref<80x256xf32, #tpu.memory_space<vmem>>, vector<1x16xf32>,
        %parallel_loop3A_968 = vector.shape_cast %parallel_loop3A_967 : vector<1x16xf32> to vector<16xf32>
        %parallel_loop3A_969 = arith.addf %parallel_loop3A_960, %parallel_loop3A_968 : vector<16xf32>
        %parallel_loop3A_970 = arith.constant 10 : i32
        %parallel_loop3A_971 = arith.muli %parallel_loop3A_633, %parallel_loop3A_970 : i32
        %parallel_loop3A_972 = arith.constant 6 : i32
        %parallel_loop3A_973 = arith.addi %parallel_loop3A_971, %parallel_loop3A_972 : i32
        %parallel_loop3A_974 = arith.index_cast %parallel_loop3A_973 : i32 to index
        %parallel_loop3A_975 = arith.constant 48 : index
        %parallel_loop3A_976 = tpu.vector_load %arg6[%parallel_loop3A_974, %parallel_loop3A_975] {strides = array<i32>} : memref<80x256xf32, #tpu.memory_space<vmem>>, vector<1x16xf32>,
        %parallel_loop3A_977 = vector.shape_cast %parallel_loop3A_976 : vector<1x16xf32> to vector<16xf32>
        %parallel_loop3A_978 = arith.addf %parallel_loop3A_969, %parallel_loop3A_977 : vector<16xf32>
        %parallel_loop3A_979 = arith.constant 10 : i32
        %parallel_loop3A_980 = arith.muli %parallel_loop3A_633, %parallel_loop3A_979 : i32
        %parallel_loop3A_981 = arith.constant 7 : i32
        %parallel_loop3A_982 = arith.addi %parallel_loop3A_980, %parallel_loop3A_981 : i32
        %parallel_loop3A_983 = arith.index_cast %parallel_loop3A_982 : i32 to index
        %parallel_loop3A_984 = arith.constant 48 : index
        %parallel_loop3A_985 = tpu.vector_load %arg6[%parallel_loop3A_983, %parallel_loop3A_984] {strides = array<i32>} : memref<80x256xf32, #tpu.memory_space<vmem>>, vector<1x16xf32>,
        %parallel_loop3A_986 = vector.shape_cast %parallel_loop3A_985 : vector<1x16xf32> to vector<16xf32>
        %parallel_loop3A_987 = arith.addf %parallel_loop3A_978, %parallel_loop3A_986 : vector<16xf32>
        %parallel_loop3A_988 = arith.constant 10 : i32
        %parallel_loop3A_989 = arith.muli %parallel_loop3A_633, %parallel_loop3A_988 : i32
        %parallel_loop3A_990 = arith.constant 8 : i32
        %parallel_loop3A_991 = arith.addi %parallel_loop3A_989, %parallel_loop3A_990 : i32
        %parallel_loop3A_992 = arith.index_cast %parallel_loop3A_991 : i32 to index
        %parallel_loop3A_993 = arith.constant 48 : index
        %parallel_loop3A_994 = tpu.vector_load %arg6[%parallel_loop3A_992, %parallel_loop3A_993] {strides = array<i32>} : memref<80x256xf32, #tpu.memory_space<vmem>>, vector<1x16xf32>,
        %parallel_loop3A_995 = vector.shape_cast %parallel_loop3A_994 : vector<1x16xf32> to vector<16xf32>
        %parallel_loop3A_996 = arith.addf %parallel_loop3A_987, %parallel_loop3A_995 : vector<16xf32>
        %parallel_loop3A_997 = arith.constant 10 : i32
        %parallel_loop3A_998 = arith.muli %parallel_loop3A_633, %parallel_loop3A_997 : i32
        %parallel_loop3A_999 = arith.constant 9 : i32
        %parallel_loop3A_1000 = arith.addi %parallel_loop3A_998, %parallel_loop3A_999 : i32
        %parallel_loop3A_1001 = arith.index_cast %parallel_loop3A_1000 : i32 to index
        %parallel_loop3A_1002 = arith.constant 48 : index
        %parallel_loop3A_1003 = tpu.vector_load %arg6[%parallel_loop3A_1001, %parallel_loop3A_1002] {strides = array<i32>} : memref<80x256xf32, #tpu.memory_space<vmem>>, vector<1x16xf32>,
        %parallel_loop3A_1004 = vector.shape_cast %parallel_loop3A_1003 : vector<1x16xf32> to vector<16xf32>
        %parallel_loop3A_1005 = arith.addf %parallel_loop3A_996, %parallel_loop3A_1004 : vector<16xf32>
        %parallel_loop3A_1006 = arith.constant 8 : i32
        %parallel_loop3A_1007 = arith.muli %add3A_565, %parallel_loop3A_1006 : i32
        %parallel_loop3A_1008 = arith.addi %parallel_loop3A_1007, %parallel_loop3A_633 : i32
        %parallel_loop3A_1009 = arith.index_cast %parallel_loop3A_1008 : i32 to index
        %parallel_loop3A_1010 = arith.constant 48 : index
        %parallel_loop3A_1011 = tpu.vector_load %arg8[%parallel_loop3A_1009, %parallel_loop3A_1010] {strides = array<i32>} : memref<128x256xf32, #tpu.memory_space<vmem>>, vector<1x16xf32>,
        %parallel_loop3A_1012 = vector.shape_cast %parallel_loop3A_1011 : vector<1x16xf32> to vector<16xf32>
        %parallel_loop3A_1013 = vector.shape_cast %parallel_loop3A_1005 : vector<16xf32> to vector<1x16xf32>
        tpu.vector_store %arg8[%parallel_loop3A_1009, %parallel_loop3A_1010], %parallel_loop3A_1013 {strides = array<i32>} : memref<128x256xf32, #tpu.memory_space<vmem>>, vector<1x16xf32>,
        %parallel_loop3A_1014 = arith.constant 10 : i32
        %parallel_loop3A_1015 = arith.muli %parallel_loop3A_633, %parallel_loop3A_1014 : i32
        %parallel_loop3A_1016 = arith.index_cast %parallel_loop3A_1015 : i32 to index
        %parallel_loop3A_1017 = arith.constant 64 : index
        %parallel_loop3A_1018 = tpu.vector_load %arg6[%parallel_loop3A_1016, %parallel_loop3A_1017] {strides = array<i32>} : memref<80x256xf32, #tpu.memory_space<vmem>>, vector<1x16xf32>,
        %parallel_loop3A_1019 = vector.shape_cast %parallel_loop3A_1018 : vector<1x16xf32> to vector<16xf32>
        %parallel_loop3A_1020 = arith.constant 10 : i32
        %parallel_loop3A_1021 = arith.muli %parallel_loop3A_633, %parallel_loop3A_1020 : i32
        %parallel_loop3A_1022 = arith.constant 1 : i32
        %parallel_loop3A_1023 = arith.addi %parallel_loop3A_1021, %parallel_loop3A_1022 : i32
        %parallel_loop3A_1024 = arith.index_cast %parallel_loop3A_1023 : i32 to index
        %parallel_loop3A_1025 = arith.constant 64 : index
        %parallel_loop3A_1026 = tpu.vector_load %arg6[%parallel_loop3A_1024, %parallel_loop3A_1025] {strides = array<i32>} : memref<80x256xf32, #tpu.memory_space<vmem>>, vector<1x16xf32>,
        %parallel_loop3A_1027 = vector.shape_cast %parallel_loop3A_1026 : vector<1x16xf32> to vector<16xf32>
        %parallel_loop3A_1028 = arith.addf %parallel_loop3A_1019, %parallel_loop3A_1027 : vector<16xf32>
        %parallel_loop3A_1029 = arith.constant 10 : i32
        %parallel_loop3A_1030 = arith.muli %parallel_loop3A_633, %parallel_loop3A_1029 : i32
        %parallel_loop3A_1031 = arith.constant 2 : i32
        %parallel_loop3A_1032 = arith.addi %parallel_loop3A_1030, %parallel_loop3A_1031 : i32
        %parallel_loop3A_1033 = arith.index_cast %parallel_loop3A_1032 : i32 to index
        %parallel_loop3A_1034 = arith.constant 64 : index
        %parallel_loop3A_1035 = tpu.vector_load %arg6[%parallel_loop3A_1033, %parallel_loop3A_1034] {strides = array<i32>} : memref<80x256xf32, #tpu.memory_space<vmem>>, vector<1x16xf32>,
        %parallel_loop3A_1036 = vector.shape_cast %parallel_loop3A_1035 : vector<1x16xf32> to vector<16xf32>
        %parallel_loop3A_1037 = arith.addf %parallel_loop3A_1028, %parallel_loop3A_1036 : vector<16xf32>
        %parallel_loop3A_1038 = arith.constant 10 : i32
        %parallel_loop3A_1039 = arith.muli %parallel_loop3A_633, %parallel_loop3A_1038 : i32
        %parallel_loop3A_1040 = arith.constant 3 : i32
        %parallel_loop3A_1041 = arith.addi %parallel_loop3A_1039, %parallel_loop3A_1040 : i32
        %parallel_loop3A_1042 = arith.index_cast %parallel_loop3A_1041 : i32 to index
        %parallel_loop3A_1043 = arith.constant 64 : index
        %parallel_loop3A_1044 = tpu.vector_load %arg6[%parallel_loop3A_1042, %parallel_loop3A_1043] {strides = array<i32>} : memref<80x256xf32, #tpu.memory_space<vmem>>, vector<1x16xf32>,
        %parallel_loop3A_1045 = vector.shape_cast %parallel_loop3A_1044 : vector<1x16xf32> to vector<16xf32>
        %parallel_loop3A_1046 = arith.addf %parallel_loop3A_1037, %parallel_loop3A_1045 : vector<16xf32>
        %parallel_loop3A_1047 = arith.constant 10 : i32
        %parallel_loop3A_1048 = arith.muli %parallel_loop3A_633, %parallel_loop3A_1047 : i32
        %parallel_loop3A_1049 = arith.constant 4 : i32
        %parallel_loop3A_1050 = arith.addi %parallel_loop3A_1048, %parallel_loop3A_1049 : i32
        %parallel_loop3A_1051 = arith.index_cast %parallel_loop3A_1050 : i32 to index
        %parallel_loop3A_1052 = arith.constant 64 : index
        %parallel_loop3A_1053 = tpu.vector_load %arg6[%parallel_loop3A_1051, %parallel_loop3A_1052] {strides = array<i32>} : memref<80x256xf32, #tpu.memory_space<vmem>>, vector<1x16xf32>,
        %parallel_loop3A_1054 = vector.shape_cast %parallel_loop3A_1053 : vector<1x16xf32> to vector<16xf32>
        %parallel_loop3A_1055 = arith.addf %parallel_loop3A_1046, %parallel_loop3A_1054 : vector<16xf32>
        %parallel_loop3A_1056 = arith.constant 10 : i32
        %parallel_loop3A_1057 = arith.muli %parallel_loop3A_633, %parallel_loop3A_1056 : i32
        %parallel_loop3A_1058 = arith.constant 5 : i32
        %parallel_loop3A_1059 = arith.addi %parallel_loop3A_1057, %parallel_loop3A_1058 : i32
        %parallel_loop3A_1060 = arith.index_cast %parallel_loop3A_1059 : i32 to index
        %parallel_loop3A_1061 = arith.constant 64 : index
        %parallel_loop3A_1062 = tpu.vector_load %arg6[%parallel_loop3A_1060, %parallel_loop3A_1061] {strides = array<i32>} : memref<80x256xf32, #tpu.memory_space<vmem>>, vector<1x16xf32>,
        %parallel_loop3A_1063 = vector.shape_cast %parallel_loop3A_1062 : vector<1x16xf32> to vector<16xf32>
        %parallel_loop3A_1064 = arith.addf %parallel_loop3A_1055, %parallel_loop3A_1063 : vector<16xf32>
        %parallel_loop3A_1065 = arith.constant 10 : i32
        %parallel_loop3A_1066 = arith.muli %parallel_loop3A_633, %parallel_loop3A_1065 : i32
        %parallel_loop3A_1067 = arith.constant 6 : i32
        %parallel_loop3A_1068 = arith.addi %parallel_loop3A_1066, %parallel_loop3A_1067 : i32
        %parallel_loop3A_1069 = arith.index_cast %parallel_loop3A_1068 : i32 to index
        %parallel_loop3A_1070 = arith.constant 64 : index
        %parallel_loop3A_1071 = tpu.vector_load %arg6[%parallel_loop3A_1069, %parallel_loop3A_1070] {strides = array<i32>} : memref<80x256xf32, #tpu.memory_space<vmem>>, vector<1x16xf32>,
        %parallel_loop3A_1072 = vector.shape_cast %parallel_loop3A_1071 : vector<1x16xf32> to vector<16xf32>
        %parallel_loop3A_1073 = arith.addf %parallel_loop3A_1064, %parallel_loop3A_1072 : vector<16xf32>
        %parallel_loop3A_1074 = arith.constant 10 : i32
        %parallel_loop3A_1075 = arith.muli %parallel_loop3A_633, %parallel_loop3A_1074 : i32
        %parallel_loop3A_1076 = arith.constant 7 : i32
        %parallel_loop3A_1077 = arith.addi %parallel_loop3A_1075, %parallel_loop3A_1076 : i32
        %parallel_loop3A_1078 = arith.index_cast %parallel_loop3A_1077 : i32 to index
        %parallel_loop3A_1079 = arith.constant 64 : index
        %parallel_loop3A_1080 = tpu.vector_load %arg6[%parallel_loop3A_1078, %parallel_loop3A_1079] {strides = array<i32>} : memref<80x256xf32, #tpu.memory_space<vmem>>, vector<1x16xf32>,
        %parallel_loop3A_1081 = vector.shape_cast %parallel_loop3A_1080 : vector<1x16xf32> to vector<16xf32>
        %parallel_loop3A_1082 = arith.addf %parallel_loop3A_1073, %parallel_loop3A_1081 : vector<16xf32>
        %parallel_loop3A_1083 = arith.constant 10 : i32
        %parallel_loop3A_1084 = arith.muli %parallel_loop3A_633, %parallel_loop3A_1083 : i32
        %parallel_loop3A_1085 = arith.constant 8 : i32
        %parallel_loop3A_1086 = arith.addi %parallel_loop3A_1084, %parallel_loop3A_1085 : i32
        %parallel_loop3A_1087 = arith.index_cast %parallel_loop3A_1086 : i32 to index
        %parallel_loop3A_1088 = arith.constant 64 : index
        %parallel_loop3A_1089 = tpu.vector_load %arg6[%parallel_loop3A_1087, %parallel_loop3A_1088] {strides = array<i32>} : memref<80x256xf32, #tpu.memory_space<vmem>>, vector<1x16xf32>,
        %parallel_loop3A_1090 = vector.shape_cast %parallel_loop3A_1089 : vector<1x16xf32> to vector<16xf32>
        %parallel_loop3A_1091 = arith.addf %parallel_loop3A_1082, %parallel_loop3A_1090 : vector<16xf32>
        %parallel_loop3A_1092 = arith.constant 10 : i32
        %parallel_loop3A_1093 = arith.muli %parallel_loop3A_633, %parallel_loop3A_1092 : i32
        %parallel_loop3A_1094 = arith.constant 9 : i32
        %parallel_loop3A_1095 = arith.addi %parallel_loop3A_1093, %parallel_loop3A_1094 : i32
        %parallel_loop3A_1096 = arith.index_cast %parallel_loop3A_1095 : i32 to index
        %parallel_loop3A_1097 = arith.constant 64 : index
        %parallel_loop3A_1098 = tpu.vector_load %arg6[%parallel_loop3A_1096, %parallel_loop3A_1097] {strides = array<i32>} : memref<80x256xf32, #tpu.memory_space<vmem>>, vector<1x16xf32>,
        %parallel_loop3A_1099 = vector.shape_cast %parallel_loop3A_1098 : vector<1x16xf32> to vector<16xf32>
        %parallel_loop3A_1100 = arith.addf %parallel_loop3A_1091, %parallel_loop3A_1099 : vector<16xf32>
        %parallel_loop3A_1101 = arith.constant 8 : i32
        %parallel_loop3A_1102 = arith.muli %add3A_565, %parallel_loop3A_1101 : i32
        %parallel_loop3A_1103 = arith.addi %parallel_loop3A_1102, %parallel_loop3A_633 : i32
        %parallel_loop3A_1104 = arith.index_cast %parallel_loop3A_1103 : i32 to index
        %parallel_loop3A_1105 = arith.constant 64 : index
        %parallel_loop3A_1106 = tpu.vector_load %arg8[%parallel_loop3A_1104, %parallel_loop3A_1105] {strides = array<i32>} : memref<128x256xf32, #tpu.memory_space<vmem>>, vector<1x16xf32>,
        %parallel_loop3A_1107 = vector.shape_cast %parallel_loop3A_1106 : vector<1x16xf32> to vector<16xf32>
        %parallel_loop3A_1108 = vector.shape_cast %parallel_loop3A_1100 : vector<16xf32> to vector<1x16xf32>
        tpu.vector_store %arg8[%parallel_loop3A_1104, %parallel_loop3A_1105], %parallel_loop3A_1108 {strides = array<i32>} : memref<128x256xf32, #tpu.memory_space<vmem>>, vector<1x16xf32>,
        %parallel_loop3A_1109 = arith.constant 10 : i32
        %parallel_loop3A_1110 = arith.muli %parallel_loop3A_633, %parallel_loop3A_1109 : i32
        %parallel_loop3A_1111 = arith.index_cast %parallel_loop3A_1110 : i32 to index
        %parallel_loop3A_1112 = arith.constant 80 : index
        %parallel_loop3A_1113 = tpu.vector_load %arg6[%parallel_loop3A_1111, %parallel_loop3A_1112] {strides = array<i32>} : memref<80x256xf32, #tpu.memory_space<vmem>>, vector<1x16xf32>,
        %parallel_loop3A_1114 = vector.shape_cast %parallel_loop3A_1113 : vector<1x16xf32> to vector<16xf32>
        %parallel_loop3A_1115 = arith.constant 10 : i32
        %parallel_loop3A_1116 = arith.muli %parallel_loop3A_633, %parallel_loop3A_1115 : i32
        %parallel_loop3A_1117 = arith.constant 1 : i32
        %parallel_loop3A_1118 = arith.addi %parallel_loop3A_1116, %parallel_loop3A_1117 : i32
        %parallel_loop3A_1119 = arith.index_cast %parallel_loop3A_1118 : i32 to index
        %parallel_loop3A_1120 = arith.constant 80 : index
        %parallel_loop3A_1121 = tpu.vector_load %arg6[%parallel_loop3A_1119, %parallel_loop3A_1120] {strides = array<i32>} : memref<80x256xf32, #tpu.memory_space<vmem>>, vector<1x16xf32>,
        %parallel_loop3A_1122 = vector.shape_cast %parallel_loop3A_1121 : vector<1x16xf32> to vector<16xf32>
        %parallel_loop3A_1123 = arith.addf %parallel_loop3A_1114, %parallel_loop3A_1122 : vector<16xf32>
        %parallel_loop3A_1124 = arith.constant 10 : i32
        %parallel_loop3A_1125 = arith.muli %parallel_loop3A_633, %parallel_loop3A_1124 : i32
        %parallel_loop3A_1126 = arith.constant 2 : i32
        %parallel_loop3A_1127 = arith.addi %parallel_loop3A_1125, %parallel_loop3A_1126 : i32
        %parallel_loop3A_1128 = arith.index_cast %parallel_loop3A_1127 : i32 to index
        %parallel_loop3A_1129 = arith.constant 80 : index
        %parallel_loop3A_1130 = tpu.vector_load %arg6[%parallel_loop3A_1128, %parallel_loop3A_1129] {strides = array<i32>} : memref<80x256xf32, #tpu.memory_space<vmem>>, vector<1x16xf32>,
        %parallel_loop3A_1131 = vector.shape_cast %parallel_loop3A_1130 : vector<1x16xf32> to vector<16xf32>
        %parallel_loop3A_1132 = arith.addf %parallel_loop3A_1123, %parallel_loop3A_1131 : vector<16xf32>
        %parallel_loop3A_1133 = arith.constant 10 : i32
        %parallel_loop3A_1134 = arith.muli %parallel_loop3A_633, %parallel_loop3A_1133 : i32
        %parallel_loop3A_1135 = arith.constant 3 : i32
        %parallel_loop3A_1136 = arith.addi %parallel_loop3A_1134, %parallel_loop3A_1135 : i32
        %parallel_loop3A_1137 = arith.index_cast %parallel_loop3A_1136 : i32 to index
        %parallel_loop3A_1138 = arith.constant 80 : index
        %parallel_loop3A_1139 = tpu.vector_load %arg6[%parallel_loop3A_1137, %parallel_loop3A_1138] {strides = array<i32>} : memref<80x256xf32, #tpu.memory_space<vmem>>, vector<1x16xf32>,
        %parallel_loop3A_1140 = vector.shape_cast %parallel_loop3A_1139 : vector<1x16xf32> to vector<16xf32>
        %parallel_loop3A_1141 = arith.addf %parallel_loop3A_1132, %parallel_loop3A_1140 : vector<16xf32>
        %parallel_loop3A_1142 = arith.constant 10 : i32
        %parallel_loop3A_1143 = arith.muli %parallel_loop3A_633, %parallel_loop3A_1142 : i32
        %parallel_loop3A_1144 = arith.constant 4 : i32
        %parallel_loop3A_1145 = arith.addi %parallel_loop3A_1143, %parallel_loop3A_1144 : i32
        %parallel_loop3A_1146 = arith.index_cast %parallel_loop3A_1145 : i32 to index
        %parallel_loop3A_1147 = arith.constant 80 : index
        %parallel_loop3A_1148 = tpu.vector_load %arg6[%parallel_loop3A_1146, %parallel_loop3A_1147] {strides = array<i32>} : memref<80x256xf32, #tpu.memory_space<vmem>>, vector<1x16xf32>,
        %parallel_loop3A_1149 = vector.shape_cast %parallel_loop3A_1148 : vector<1x16xf32> to vector<16xf32>
        %parallel_loop3A_1150 = arith.addf %parallel_loop3A_1141, %parallel_loop3A_1149 : vector<16xf32>
        %parallel_loop3A_1151 = arith.constant 10 : i32
        %parallel_loop3A_1152 = arith.muli %parallel_loop3A_633, %parallel_loop3A_1151 : i32
        %parallel_loop3A_1153 = arith.constant 5 : i32
        %parallel_loop3A_1154 = arith.addi %parallel_loop3A_1152, %parallel_loop3A_1153 : i32
        %parallel_loop3A_1155 = arith.index_cast %parallel_loop3A_1154 : i32 to index
        %parallel_loop3A_1156 = arith.constant 80 : index
        %parallel_loop3A_1157 = tpu.vector_load %arg6[%parallel_loop3A_1155, %parallel_loop3A_1156] {strides = array<i32>} : memref<80x256xf32, #tpu.memory_space<vmem>>, vector<1x16xf32>,
        %parallel_loop3A_1158 = vector.shape_cast %parallel_loop3A_1157 : vector<1x16xf32> to vector<16xf32>
        %parallel_loop3A_1159 = arith.addf %parallel_loop3A_1150, %parallel_loop3A_1158 : vector<16xf32>
        %parallel_loop3A_1160 = arith.constant 10 : i32
        %parallel_loop3A_1161 = arith.muli %parallel_loop3A_633, %parallel_loop3A_1160 : i32
        %parallel_loop3A_1162 = arith.constant 6 : i32
        %parallel_loop3A_1163 = arith.addi %parallel_loop3A_1161, %parallel_loop3A_1162 : i32
        %parallel_loop3A_1164 = arith.index_cast %parallel_loop3A_1163 : i32 to index
        %parallel_loop3A_1165 = arith.constant 80 : index
        %parallel_loop3A_1166 = tpu.vector_load %arg6[%parallel_loop3A_1164, %parallel_loop3A_1165] {strides = array<i32>} : memref<80x256xf32, #tpu.memory_space<vmem>>, vector<1x16xf32>,
        %parallel_loop3A_1167 = vector.shape_cast %parallel_loop3A_1166 : vector<1x16xf32> to vector<16xf32>
        %parallel_loop3A_1168 = arith.addf %parallel_loop3A_1159, %parallel_loop3A_1167 : vector<16xf32>
        %parallel_loop3A_1169 = arith.constant 10 : i32
        %parallel_loop3A_1170 = arith.muli %parallel_loop3A_633, %parallel_loop3A_1169 : i32
        %parallel_loop3A_1171 = arith.constant 7 : i32
        %parallel_loop3A_1172 = arith.addi %parallel_loop3A_1170, %parallel_loop3A_1171 : i32
        %parallel_loop3A_1173 = arith.index_cast %parallel_loop3A_1172 : i32 to index
        %parallel_loop3A_1174 = arith.constant 80 : index
        %parallel_loop3A_1175 = tpu.vector_load %arg6[%parallel_loop3A_1173, %parallel_loop3A_1174] {strides = array<i32>} : memref<80x256xf32, #tpu.memory_space<vmem>>, vector<1x16xf32>,
        %parallel_loop3A_1176 = vector.shape_cast %parallel_loop3A_1175 : vector<1x16xf32> to vector<16xf32>
        %parallel_loop3A_1177 = arith.addf %parallel_loop3A_1168, %parallel_loop3A_1176 : vector<16xf32>
        %parallel_loop3A_1178 = arith.constant 10 : i32
        %parallel_loop3A_1179 = arith.muli %parallel_loop3A_633, %parallel_loop3A_1178 : i32
        %parallel_loop3A_1180 = arith.constant 8 : i32
        %parallel_loop3A_1181 = arith.addi %parallel_loop3A_1179, %parallel_loop3A_1180 : i32
        %parallel_loop3A_1182 = arith.index_cast %parallel_loop3A_1181 : i32 to index
        %parallel_loop3A_1183 = arith.constant 80 : index
        %parallel_loop3A_1184 = tpu.vector_load %arg6[%parallel_loop3A_1182, %parallel_loop3A_1183] {strides = array<i32>} : memref<80x256xf32, #tpu.memory_space<vmem>>, vector<1x16xf32>,
        %parallel_loop3A_1185 = vector.shape_cast %parallel_loop3A_1184 : vector<1x16xf32> to vector<16xf32>
        %parallel_loop3A_1186 = arith.addf %parallel_loop3A_1177, %parallel_loop3A_1185 : vector<16xf32>
        %parallel_loop3A_1187 = arith.constant 10 : i32
        %parallel_loop3A_1188 = arith.muli %parallel_loop3A_633, %parallel_loop3A_1187 : i32
        %parallel_loop3A_1189 = arith.constant 9 : i32
        %parallel_loop3A_1190 = arith.addi %parallel_loop3A_1188, %parallel_loop3A_1189 : i32
        %parallel_loop3A_1191 = arith.index_cast %parallel_loop3A_1190 : i32 to index
        %parallel_loop3A_1192 = arith.constant 80 : index
        %parallel_loop3A_1193 = tpu.vector_load %arg6[%parallel_loop3A_1191, %parallel_loop3A_1192] {strides = array<i32>} : memref<80x256xf32, #tpu.memory_space<vmem>>, vector<1x16xf32>,
        %parallel_loop3A_1194 = vector.shape_cast %parallel_loop3A_1193 : vector<1x16xf32> to vector<16xf32>
        %parallel_loop3A_1195 = arith.addf %parallel_loop3A_1186, %parallel_loop3A_1194 : vector<16xf32>
        %parallel_loop3A_1196 = arith.constant 8 : i32
        %parallel_loop3A_1197 = arith.muli %add3A_565, %parallel_loop3A_1196 : i32
        %parallel_loop3A_1198 = arith.addi %parallel_loop3A_1197, %parallel_loop3A_633 : i32
        %parallel_loop3A_1199 = arith.index_cast %parallel_loop3A_1198 : i32 to index
        %parallel_loop3A_1200 = arith.constant 80 : index
        %parallel_loop3A_1201 = tpu.vector_load %arg8[%parallel_loop3A_1199, %parallel_loop3A_1200] {strides = array<i32>} : memref<128x256xf32, #tpu.memory_space<vmem>>, vector<1x16xf32>,
        %parallel_loop3A_1202 = vector.shape_cast %parallel_loop3A_1201 : vector<1x16xf32> to vector<16xf32>
        %parallel_loop3A_1203 = vector.shape_cast %parallel_loop3A_1195 : vector<16xf32> to vector<1x16xf32>
        tpu.vector_store %arg8[%parallel_loop3A_1199, %parallel_loop3A_1200], %parallel_loop3A_1203 {strides = array<i32>} : memref<128x256xf32, #tpu.memory_space<vmem>>, vector<1x16xf32>,
        %parallel_loop3A_1204 = arith.constant 10 : i32
        %parallel_loop3A_1205 = arith.muli %parallel_loop3A_633, %parallel_loop3A_1204 : i32
        %parallel_loop3A_1206 = arith.index_cast %parallel_loop3A_1205 : i32 to index
        %parallel_loop3A_1207 = arith.constant 96 : index
        %parallel_loop3A_1208 = tpu.vector_load %arg6[%parallel_loop3A_1206, %parallel_loop3A_1207] {strides = array<i32>} : memref<80x256xf32, #tpu.memory_space<vmem>>, vector<1x16xf32>,
        %parallel_loop3A_1209 = vector.shape_cast %parallel_loop3A_1208 : vector<1x16xf32> to vector<16xf32>
        %parallel_loop3A_1210 = arith.constant 10 : i32
        %parallel_loop3A_1211 = arith.muli %parallel_loop3A_633, %parallel_loop3A_1210 : i32
        %parallel_loop3A_1212 = arith.constant 1 : i32
        %parallel_loop3A_1213 = arith.addi %parallel_loop3A_1211, %parallel_loop3A_1212 : i32
        %parallel_loop3A_1214 = arith.index_cast %parallel_loop3A_1213 : i32 to index
        %parallel_loop3A_1215 = arith.constant 96 : index
        %parallel_loop3A_1216 = tpu.vector_load %arg6[%parallel_loop3A_1214, %parallel_loop3A_1215] {strides = array<i32>} : memref<80x256xf32, #tpu.memory_space<vmem>>, vector<1x16xf32>,
        %parallel_loop3A_1217 = vector.shape_cast %parallel_loop3A_1216 : vector<1x16xf32> to vector<16xf32>
        %parallel_loop3A_1218 = arith.addf %parallel_loop3A_1209, %parallel_loop3A_1217 : vector<16xf32>
        %parallel_loop3A_1219 = arith.constant 10 : i32
        %parallel_loop3A_1220 = arith.muli %parallel_loop3A_633, %parallel_loop3A_1219 : i32
        %parallel_loop3A_1221 = arith.constant 2 : i32
        %parallel_loop3A_1222 = arith.addi %parallel_loop3A_1220, %parallel_loop3A_1221 : i32
        %parallel_loop3A_1223 = arith.index_cast %parallel_loop3A_1222 : i32 to index
        %parallel_loop3A_1224 = arith.constant 96 : index
        %parallel_loop3A_1225 = tpu.vector_load %arg6[%parallel_loop3A_1223, %parallel_loop3A_1224] {strides = array<i32>} : memref<80x256xf32, #tpu.memory_space<vmem>>, vector<1x16xf32>,
        %parallel_loop3A_1226 = vector.shape_cast %parallel_loop3A_1225 : vector<1x16xf32> to vector<16xf32>
        %parallel_loop3A_1227 = arith.addf %parallel_loop3A_1218, %parallel_loop3A_1226 : vector<16xf32>
        %parallel_loop3A_1228 = arith.constant 10 : i32
        %parallel_loop3A_1229 = arith.muli %parallel_loop3A_633, %parallel_loop3A_1228 : i32
        %parallel_loop3A_1230 = arith.constant 3 : i32
        %parallel_loop3A_1231 = arith.addi %parallel_loop3A_1229, %parallel_loop3A_1230 : i32
        %parallel_loop3A_1232 = arith.index_cast %parallel_loop3A_1231 : i32 to index
        %parallel_loop3A_1233 = arith.constant 96 : index
        %parallel_loop3A_1234 = tpu.vector_load %arg6[%parallel_loop3A_1232, %parallel_loop3A_1233] {strides = array<i32>} : memref<80x256xf32, #tpu.memory_space<vmem>>, vector<1x16xf32>,
        %parallel_loop3A_1235 = vector.shape_cast %parallel_loop3A_1234 : vector<1x16xf32> to vector<16xf32>
        %parallel_loop3A_1236 = arith.addf %parallel_loop3A_1227, %parallel_loop3A_1235 : vector<16xf32>
        %parallel_loop3A_1237 = arith.constant 10 : i32
        %parallel_loop3A_1238 = arith.muli %parallel_loop3A_633, %parallel_loop3A_1237 : i32
        %parallel_loop3A_1239 = arith.constant 4 : i32
        %parallel_loop3A_1240 = arith.addi %parallel_loop3A_1238, %parallel_loop3A_1239 : i32
        %parallel_loop3A_1241 = arith.index_cast %parallel_loop3A_1240 : i32 to index
        %parallel_loop3A_1242 = arith.constant 96 : index
        %parallel_loop3A_1243 = tpu.vector_load %arg6[%parallel_loop3A_1241, %parallel_loop3A_1242] {strides = array<i32>} : memref<80x256xf32, #tpu.memory_space<vmem>>, vector<1x16xf32>,
        %parallel_loop3A_1244 = vector.shape_cast %parallel_loop3A_1243 : vector<1x16xf32> to vector<16xf32>
        %parallel_loop3A_1245 = arith.addf %parallel_loop3A_1236, %parallel_loop3A_1244 : vector<16xf32>
        %parallel_loop3A_1246 = arith.constant 10 : i32
        %parallel_loop3A_1247 = arith.muli %parallel_loop3A_633, %parallel_loop3A_1246 : i32
        %parallel_loop3A_1248 = arith.constant 5 : i32
        %parallel_loop3A_1249 = arith.addi %parallel_loop3A_1247, %parallel_loop3A_1248 : i32
        %parallel_loop3A_1250 = arith.index_cast %parallel_loop3A_1249 : i32 to index
        %parallel_loop3A_1251 = arith.constant 96 : index
        %parallel_loop3A_1252 = tpu.vector_load %arg6[%parallel_loop3A_1250, %parallel_loop3A_1251] {strides = array<i32>} : memref<80x256xf32, #tpu.memory_space<vmem>>, vector<1x16xf32>,
        %parallel_loop3A_1253 = vector.shape_cast %parallel_loop3A_1252 : vector<1x16xf32> to vector<16xf32>
        %parallel_loop3A_1254 = arith.addf %parallel_loop3A_1245, %parallel_loop3A_1253 : vector<16xf32>
        %parallel_loop3A_1255 = arith.constant 10 : i32
        %parallel_loop3A_1256 = arith.muli %parallel_loop3A_633, %parallel_loop3A_1255 : i32
        %parallel_loop3A_1257 = arith.constant 6 : i32
        %parallel_loop3A_1258 = arith.addi %parallel_loop3A_1256, %parallel_loop3A_1257 : i32
        %parallel_loop3A_1259 = arith.index_cast %parallel_loop3A_1258 : i32 to index
        %parallel_loop3A_1260 = arith.constant 96 : index
        %parallel_loop3A_1261 = tpu.vector_load %arg6[%parallel_loop3A_1259, %parallel_loop3A_1260] {strides = array<i32>} : memref<80x256xf32, #tpu.memory_space<vmem>>, vector<1x16xf32>,
        %parallel_loop3A_1262 = vector.shape_cast %parallel_loop3A_1261 : vector<1x16xf32> to vector<16xf32>
        %parallel_loop3A_1263 = arith.addf %parallel_loop3A_1254, %parallel_loop3A_1262 : vector<16xf32>
        %parallel_loop3A_1264 = arith.constant 10 : i32
        %parallel_loop3A_1265 = arith.muli %parallel_loop3A_633, %parallel_loop3A_1264 : i32
        %parallel_loop3A_1266 = arith.constant 7 : i32
        %parallel_loop3A_1267 = arith.addi %parallel_loop3A_1265, %parallel_loop3A_1266 : i32
        %parallel_loop3A_1268 = arith.index_cast %parallel_loop3A_1267 : i32 to index
        %parallel_loop3A_1269 = arith.constant 96 : index
        %parallel_loop3A_1270 = tpu.vector_load %arg6[%parallel_loop3A_1268, %parallel_loop3A_1269] {strides = array<i32>} : memref<80x256xf32, #tpu.memory_space<vmem>>, vector<1x16xf32>,
        %parallel_loop3A_1271 = vector.shape_cast %parallel_loop3A_1270 : vector<1x16xf32> to vector<16xf32>
        %parallel_loop3A_1272 = arith.addf %parallel_loop3A_1263, %parallel_loop3A_1271 : vector<16xf32>
        %parallel_loop3A_1273 = arith.constant 10 : i32
        %parallel_loop3A_1274 = arith.muli %parallel_loop3A_633, %parallel_loop3A_1273 : i32
        %parallel_loop3A_1275 = arith.constant 8 : i32
        %parallel_loop3A_1276 = arith.addi %parallel_loop3A_1274, %parallel_loop3A_1275 : i32
        %parallel_loop3A_1277 = arith.index_cast %parallel_loop3A_1276 : i32 to index
        %parallel_loop3A_1278 = arith.constant 96 : index
        %parallel_loop3A_1279 = tpu.vector_load %arg6[%parallel_loop3A_1277, %parallel_loop3A_1278] {strides = array<i32>} : memref<80x256xf32, #tpu.memory_space<vmem>>, vector<1x16xf32>,
        %parallel_loop3A_1280 = vector.shape_cast %parallel_loop3A_1279 : vector<1x16xf32> to vector<16xf32>
        %parallel_loop3A_1281 = arith.addf %parallel_loop3A_1272, %parallel_loop3A_1280 : vector<16xf32>
        %parallel_loop3A_1282 = arith.constant 10 : i32
        %parallel_loop3A_1283 = arith.muli %parallel_loop3A_633, %parallel_loop3A_1282 : i32
        %parallel_loop3A_1284 = arith.constant 9 : i32
        %parallel_loop3A_1285 = arith.addi %parallel_loop3A_1283, %parallel_loop3A_1284 : i32
        %parallel_loop3A_1286 = arith.index_cast %parallel_loop3A_1285 : i32 to index
        %parallel_loop3A_1287 = arith.constant 96 : index
        %parallel_loop3A_1288 = tpu.vector_load %arg6[%parallel_loop3A_1286, %parallel_loop3A_1287] {strides = array<i32>} : memref<80x256xf32, #tpu.memory_space<vmem>>, vector<1x16xf32>,
        %parallel_loop3A_1289 = vector.shape_cast %parallel_loop3A_1288 : vector<1x16xf32> to vector<16xf32>
        %parallel_loop3A_1290 = arith.addf %parallel_loop3A_1281, %parallel_loop3A_1289 : vector<16xf32>
        %parallel_loop3A_1291 = arith.constant 8 : i32
        %parallel_loop3A_1292 = arith.muli %add3A_565, %parallel_loop3A_1291 : i32
        %parallel_loop3A_1293 = arith.addi %parallel_loop3A_1292, %parallel_loop3A_633 : i32
        %parallel_loop3A_1294 = arith.index_cast %parallel_loop3A_1293 : i32 to index
        %parallel_loop3A_1295 = arith.constant 96 : index
        %parallel_loop3A_1296 = tpu.vector_load %arg8[%parallel_loop3A_1294, %parallel_loop3A_1295] {strides = array<i32>} : memref<128x256xf32, #tpu.memory_space<vmem>>, vector<1x16xf32>,
        %parallel_loop3A_1297 = vector.shape_cast %parallel_loop3A_1296 : vector<1x16xf32> to vector<16xf32>
        %parallel_loop3A_1298 = vector.shape_cast %parallel_loop3A_1290 : vector<16xf32> to vector<1x16xf32>
        tpu.vector_store %arg8[%parallel_loop3A_1294, %parallel_loop3A_1295], %parallel_loop3A_1298 {strides = array<i32>} : memref<128x256xf32, #tpu.memory_space<vmem>>, vector<1x16xf32>,
        %parallel_loop3A_1299 = arith.constant 10 : i32
        %parallel_loop3A_1300 = arith.muli %parallel_loop3A_633, %parallel_loop3A_1299 : i32
        %parallel_loop3A_1301 = arith.index_cast %parallel_loop3A_1300 : i32 to index
        %parallel_loop3A_1302 = arith.constant 112 : index
        %parallel_loop3A_1303 = tpu.vector_load %arg6[%parallel_loop3A_1301, %parallel_loop3A_1302] {strides = array<i32>} : memref<80x256xf32, #tpu.memory_space<vmem>>, vector<1x16xf32>,
        %parallel_loop3A_1304 = vector.shape_cast %parallel_loop3A_1303 : vector<1x16xf32> to vector<16xf32>
        %parallel_loop3A_1305 = arith.constant 10 : i32
        %parallel_loop3A_1306 = arith.muli %parallel_loop3A_633, %parallel_loop3A_1305 : i32
        %parallel_loop3A_1307 = arith.constant 1 : i32
        %parallel_loop3A_1308 = arith.addi %parallel_loop3A_1306, %parallel_loop3A_1307 : i32
        %parallel_loop3A_1309 = arith.index_cast %parallel_loop3A_1308 : i32 to index
        %parallel_loop3A_1310 = arith.constant 112 : index
        %parallel_loop3A_1311 = tpu.vector_load %arg6[%parallel_loop3A_1309, %parallel_loop3A_1310] {strides = array<i32>} : memref<80x256xf32, #tpu.memory_space<vmem>>, vector<1x16xf32>,
        %parallel_loop3A_1312 = vector.shape_cast %parallel_loop3A_1311 : vector<1x16xf32> to vector<16xf32>
        %parallel_loop3A_1313 = arith.addf %parallel_loop3A_1304, %parallel_loop3A_1312 : vector<16xf32>
        %parallel_loop3A_1314 = arith.constant 10 : i32
        %parallel_loop3A_1315 = arith.muli %parallel_loop3A_633, %parallel_loop3A_1314 : i32
        %parallel_loop3A_1316 = arith.constant 2 : i32
        %parallel_loop3A_1317 = arith.addi %parallel_loop3A_1315, %parallel_loop3A_1316 : i32
        %parallel_loop3A_1318 = arith.index_cast %parallel_loop3A_1317 : i32 to index
        %parallel_loop3A_1319 = arith.constant 112 : index
        %parallel_loop3A_1320 = tpu.vector_load %arg6[%parallel_loop3A_1318, %parallel_loop3A_1319] {strides = array<i32>} : memref<80x256xf32, #tpu.memory_space<vmem>>, vector<1x16xf32>,
        %parallel_loop3A_1321 = vector.shape_cast %parallel_loop3A_1320 : vector<1x16xf32> to vector<16xf32>
        %parallel_loop3A_1322 = arith.addf %parallel_loop3A_1313, %parallel_loop3A_1321 : vector<16xf32>
        %parallel_loop3A_1323 = arith.constant 10 : i32
        %parallel_loop3A_1324 = arith.muli %parallel_loop3A_633, %parallel_loop3A_1323 : i32
        %parallel_loop3A_1325 = arith.constant 3 : i32
        %parallel_loop3A_1326 = arith.addi %parallel_loop3A_1324, %parallel_loop3A_1325 : i32
        %parallel_loop3A_1327 = arith.index_cast %parallel_loop3A_1326 : i32 to index
        %parallel_loop3A_1328 = arith.constant 112 : index
        %parallel_loop3A_1329 = tpu.vector_load %arg6[%parallel_loop3A_1327, %parallel_loop3A_1328] {strides = array<i32>} : memref<80x256xf32, #tpu.memory_space<vmem>>, vector<1x16xf32>,
        %parallel_loop3A_1330 = vector.shape_cast %parallel_loop3A_1329 : vector<1x16xf32> to vector<16xf32>
        %parallel_loop3A_1331 = arith.addf %parallel_loop3A_1322, %parallel_loop3A_1330 : vector<16xf32>
        %parallel_loop3A_1332 = arith.constant 10 : i32
        %parallel_loop3A_1333 = arith.muli %parallel_loop3A_633, %parallel_loop3A_1332 : i32
        %parallel_loop3A_1334 = arith.constant 4 : i32
        %parallel_loop3A_1335 = arith.addi %parallel_loop3A_1333, %parallel_loop3A_1334 : i32
        %parallel_loop3A_1336 = arith.index_cast %parallel_loop3A_1335 : i32 to index
        %parallel_loop3A_1337 = arith.constant 112 : index
        %parallel_loop3A_1338 = tpu.vector_load %arg6[%parallel_loop3A_1336, %parallel_loop3A_1337] {strides = array<i32>} : memref<80x256xf32, #tpu.memory_space<vmem>>, vector<1x16xf32>,
        %parallel_loop3A_1339 = vector.shape_cast %parallel_loop3A_1338 : vector<1x16xf32> to vector<16xf32>
        %parallel_loop3A_1340 = arith.addf %parallel_loop3A_1331, %parallel_loop3A_1339 : vector<16xf32>
        %parallel_loop3A_1341 = arith.constant 10 : i32
        %parallel_loop3A_1342 = arith.muli %parallel_loop3A_633, %parallel_loop3A_1341 : i32
        %parallel_loop3A_1343 = arith.constant 5 : i32
        %parallel_loop3A_1344 = arith.addi %parallel_loop3A_1342, %parallel_loop3A_1343 : i32
        %parallel_loop3A_1345 = arith.index_cast %parallel_loop3A_1344 : i32 to index
        %parallel_loop3A_1346 = arith.constant 112 : index
        %parallel_loop3A_1347 = tpu.vector_load %arg6[%parallel_loop3A_1345, %parallel_loop3A_1346] {strides = array<i32>} : memref<80x256xf32, #tpu.memory_space<vmem>>, vector<1x16xf32>,
        %parallel_loop3A_1348 = vector.shape_cast %parallel_loop3A_1347 : vector<1x16xf32> to vector<16xf32>
        %parallel_loop3A_1349 = arith.addf %parallel_loop3A_1340, %parallel_loop3A_1348 : vector<16xf32>
        %parallel_loop3A_1350 = arith.constant 10 : i32
        %parallel_loop3A_1351 = arith.muli %parallel_loop3A_633, %parallel_loop3A_1350 : i32
        %parallel_loop3A_1352 = arith.constant 6 : i32
        %parallel_loop3A_1353 = arith.addi %parallel_loop3A_1351, %parallel_loop3A_1352 : i32
        %parallel_loop3A_1354 = arith.index_cast %parallel_loop3A_1353 : i32 to index
        %parallel_loop3A_1355 = arith.constant 112 : index
        %parallel_loop3A_1356 = tpu.vector_load %arg6[%parallel_loop3A_1354, %parallel_loop3A_1355] {strides = array<i32>} : memref<80x256xf32, #tpu.memory_space<vmem>>, vector<1x16xf32>,
        %parallel_loop3A_1357 = vector.shape_cast %parallel_loop3A_1356 : vector<1x16xf32> to vector<16xf32>
        %parallel_loop3A_1358 = arith.addf %parallel_loop3A_1349, %parallel_loop3A_1357 : vector<16xf32>
        %parallel_loop3A_1359 = arith.constant 10 : i32
        %parallel_loop3A_1360 = arith.muli %parallel_loop3A_633, %parallel_loop3A_1359 : i32
        %parallel_loop3A_1361 = arith.constant 7 : i32
        %parallel_loop3A_1362 = arith.addi %parallel_loop3A_1360, %parallel_loop3A_1361 : i32
        %parallel_loop3A_1363 = arith.index_cast %parallel_loop3A_1362 : i32 to index
        %parallel_loop3A_1364 = arith.constant 112 : index
        %parallel_loop3A_1365 = tpu.vector_load %arg6[%parallel_loop3A_1363, %parallel_loop3A_1364] {strides = array<i32>} : memref<80x256xf32, #tpu.memory_space<vmem>>, vector<1x16xf32>,
        %parallel_loop3A_1366 = vector.shape_cast %parallel_loop3A_1365 : vector<1x16xf32> to vector<16xf32>
        %parallel_loop3A_1367 = arith.addf %parallel_loop3A_1358, %parallel_loop3A_1366 : vector<16xf32>
        %parallel_loop3A_1368 = arith.constant 10 : i32
        %parallel_loop3A_1369 = arith.muli %parallel_loop3A_633, %parallel_loop3A_1368 : i32
        %parallel_loop3A_1370 = arith.constant 8 : i32
        %parallel_loop3A_1371 = arith.addi %parallel_loop3A_1369, %parallel_loop3A_1370 : i32
        %parallel_loop3A_1372 = arith.index_cast %parallel_loop3A_1371 : i32 to index
        %parallel_loop3A_1373 = arith.constant 112 : index
        %parallel_loop3A_1374 = tpu.vector_load %arg6[%parallel_loop3A_1372, %parallel_loop3A_1373] {strides = array<i32>} : memref<80x256xf32, #tpu.memory_space<vmem>>, vector<1x16xf32>,
        %parallel_loop3A_1375 = vector.shape_cast %parallel_loop3A_1374 : vector<1x16xf32> to vector<16xf32>
        %parallel_loop3A_1376 = arith.addf %parallel_loop3A_1367, %parallel_loop3A_1375 : vector<16xf32>
        %parallel_loop3A_1377 = arith.constant 10 : i32
        %parallel_loop3A_1378 = arith.muli %parallel_loop3A_633, %parallel_loop3A_1377 : i32
        %parallel_loop3A_1379 = arith.constant 9 : i32
        %parallel_loop3A_1380 = arith.addi %parallel_loop3A_1378, %parallel_loop3A_1379 : i32
        %parallel_loop3A_1381 = arith.index_cast %parallel_loop3A_1380 : i32 to index
        %parallel_loop3A_1382 = arith.constant 112 : index
        %parallel_loop3A_1383 = tpu.vector_load %arg6[%parallel_loop3A_1381, %parallel_loop3A_1382] {strides = array<i32>} : memref<80x256xf32, #tpu.memory_space<vmem>>, vector<1x16xf32>,
        %parallel_loop3A_1384 = vector.shape_cast %parallel_loop3A_1383 : vector<1x16xf32> to vector<16xf32>
        %parallel_loop3A_1385 = arith.addf %parallel_loop3A_1376, %parallel_loop3A_1384 : vector<16xf32>
        %parallel_loop3A_1386 = arith.constant 8 : i32
        %parallel_loop3A_1387 = arith.muli %add3A_565, %parallel_loop3A_1386 : i32
        %parallel_loop3A_1388 = arith.addi %parallel_loop3A_1387, %parallel_loop3A_633 : i32
        %parallel_loop3A_1389 = arith.index_cast %parallel_loop3A_1388 : i32 to index
        %parallel_loop3A_1390 = arith.constant 112 : index
        %parallel_loop3A_1391 = tpu.vector_load %arg8[%parallel_loop3A_1389, %parallel_loop3A_1390] {strides = array<i32>} : memref<128x256xf32, #tpu.memory_space<vmem>>, vector<1x16xf32>,
        %parallel_loop3A_1392 = vector.shape_cast %parallel_loop3A_1391 : vector<1x16xf32> to vector<16xf32>
        %parallel_loop3A_1393 = vector.shape_cast %parallel_loop3A_1385 : vector<16xf32> to vector<1x16xf32>
        tpu.vector_store %arg8[%parallel_loop3A_1389, %parallel_loop3A_1390], %parallel_loop3A_1393 {strides = array<i32>} : memref<128x256xf32, #tpu.memory_space<vmem>>, vector<1x16xf32>,
        %parallel_loop3A_1394 = arith.constant 10 : i32
        %parallel_loop3A_1395 = arith.muli %parallel_loop3A_633, %parallel_loop3A_1394 : i32
        %parallel_loop3A_1396 = arith.index_cast %parallel_loop3A_1395 : i32 to index
        %parallel_loop3A_1397 = arith.constant 128 : index
        %parallel_loop3A_1398 = tpu.vector_load %arg6[%parallel_loop3A_1396, %parallel_loop3A_1397] {strides = array<i32>} : memref<80x256xf32, #tpu.memory_space<vmem>>, vector<1x16xf32>,
        %parallel_loop3A_1399 = vector.shape_cast %parallel_loop3A_1398 : vector<1x16xf32> to vector<16xf32>
        %parallel_loop3A_1400 = arith.constant 10 : i32
        %parallel_loop3A_1401 = arith.muli %parallel_loop3A_633, %parallel_loop3A_1400 : i32
        %parallel_loop3A_1402 = arith.constant 1 : i32
        %parallel_loop3A_1403 = arith.addi %parallel_loop3A_1401, %parallel_loop3A_1402 : i32
        %parallel_loop3A_1404 = arith.index_cast %parallel_loop3A_1403 : i32 to index
        %parallel_loop3A_1405 = arith.constant 128 : index
        %parallel_loop3A_1406 = tpu.vector_load %arg6[%parallel_loop3A_1404, %parallel_loop3A_1405] {strides = array<i32>} : memref<80x256xf32, #tpu.memory_space<vmem>>, vector<1x16xf32>,
        %parallel_loop3A_1407 = vector.shape_cast %parallel_loop3A_1406 : vector<1x16xf32> to vector<16xf32>
        %parallel_loop3A_1408 = arith.addf %parallel_loop3A_1399, %parallel_loop3A_1407 : vector<16xf32>
        %parallel_loop3A_1409 = arith.constant 10 : i32
        %parallel_loop3A_1410 = arith.muli %parallel_loop3A_633, %parallel_loop3A_1409 : i32
        %parallel_loop3A_1411 = arith.constant 2 : i32
        %parallel_loop3A_1412 = arith.addi %parallel_loop3A_1410, %parallel_loop3A_1411 : i32
        %parallel_loop3A_1413 = arith.index_cast %parallel_loop3A_1412 : i32 to index
        %parallel_loop3A_1414 = arith.constant 128 : index
        %parallel_loop3A_1415 = tpu.vector_load %arg6[%parallel_loop3A_1413, %parallel_loop3A_1414] {strides = array<i32>} : memref<80x256xf32, #tpu.memory_space<vmem>>, vector<1x16xf32>,
        %parallel_loop3A_1416 = vector.shape_cast %parallel_loop3A_1415 : vector<1x16xf32> to vector<16xf32>
        %parallel_loop3A_1417 = arith.addf %parallel_loop3A_1408, %parallel_loop3A_1416 : vector<16xf32>
        %parallel_loop3A_1418 = arith.constant 10 : i32
        %parallel_loop3A_1419 = arith.muli %parallel_loop3A_633, %parallel_loop3A_1418 : i32
        %parallel_loop3A_1420 = arith.constant 3 : i32
        %parallel_loop3A_1421 = arith.addi %parallel_loop3A_1419, %parallel_loop3A_1420 : i32
        %parallel_loop3A_1422 = arith.index_cast %parallel_loop3A_1421 : i32 to index
        %parallel_loop3A_1423 = arith.constant 128 : index
        %parallel_loop3A_1424 = tpu.vector_load %arg6[%parallel_loop3A_1422, %parallel_loop3A_1423] {strides = array<i32>} : memref<80x256xf32, #tpu.memory_space<vmem>>, vector<1x16xf32>,
        %parallel_loop3A_1425 = vector.shape_cast %parallel_loop3A_1424 : vector<1x16xf32> to vector<16xf32>
        %parallel_loop3A_1426 = arith.addf %parallel_loop3A_1417, %parallel_loop3A_1425 : vector<16xf32>
        %parallel_loop3A_1427 = arith.constant 10 : i32
        %parallel_loop3A_1428 = arith.muli %parallel_loop3A_633, %parallel_loop3A_1427 : i32
        %parallel_loop3A_1429 = arith.constant 4 : i32
        %parallel_loop3A_1430 = arith.addi %parallel_loop3A_1428, %parallel_loop3A_1429 : i32
        %parallel_loop3A_1431 = arith.index_cast %parallel_loop3A_1430 : i32 to index
        %parallel_loop3A_1432 = arith.constant 128 : index
        %parallel_loop3A_1433 = tpu.vector_load %arg6[%parallel_loop3A_1431, %parallel_loop3A_1432] {strides = array<i32>} : memref<80x256xf32, #tpu.memory_space<vmem>>, vector<1x16xf32>,
        %parallel_loop3A_1434 = vector.shape_cast %parallel_loop3A_1433 : vector<1x16xf32> to vector<16xf32>
        %parallel_loop3A_1435 = arith.addf %parallel_loop3A_1426, %parallel_loop3A_1434 : vector<16xf32>
        %parallel_loop3A_1436 = arith.constant 10 : i32
        %parallel_loop3A_1437 = arith.muli %parallel_loop3A_633, %parallel_loop3A_1436 : i32
        %parallel_loop3A_1438 = arith.constant 5 : i32
        %parallel_loop3A_1439 = arith.addi %parallel_loop3A_1437, %parallel_loop3A_1438 : i32
        %parallel_loop3A_1440 = arith.index_cast %parallel_loop3A_1439 : i32 to index
        %parallel_loop3A_1441 = arith.constant 128 : index
        %parallel_loop3A_1442 = tpu.vector_load %arg6[%parallel_loop3A_1440, %parallel_loop3A_1441] {strides = array<i32>} : memref<80x256xf32, #tpu.memory_space<vmem>>, vector<1x16xf32>,
        %parallel_loop3A_1443 = vector.shape_cast %parallel_loop3A_1442 : vector<1x16xf32> to vector<16xf32>
        %parallel_loop3A_1444 = arith.addf %parallel_loop3A_1435, %parallel_loop3A_1443 : vector<16xf32>
        %parallel_loop3A_1445 = arith.constant 10 : i32
        %parallel_loop3A_1446 = arith.muli %parallel_loop3A_633, %parallel_loop3A_1445 : i32
        %parallel_loop3A_1447 = arith.constant 6 : i32
        %parallel_loop3A_1448 = arith.addi %parallel_loop3A_1446, %parallel_loop3A_1447 : i32
        %parallel_loop3A_1449 = arith.index_cast %parallel_loop3A_1448 : i32 to index
        %parallel_loop3A_1450 = arith.constant 128 : index
        %parallel_loop3A_1451 = tpu.vector_load %arg6[%parallel_loop3A_1449, %parallel_loop3A_1450] {strides = array<i32>} : memref<80x256xf32, #tpu.memory_space<vmem>>, vector<1x16xf32>,
        %parallel_loop3A_1452 = vector.shape_cast %parallel_loop3A_1451 : vector<1x16xf32> to vector<16xf32>
        %parallel_loop3A_1453 = arith.addf %parallel_loop3A_1444, %parallel_loop3A_1452 : vector<16xf32>
        %parallel_loop3A_1454 = arith.constant 10 : i32
        %parallel_loop3A_1455 = arith.muli %parallel_loop3A_633, %parallel_loop3A_1454 : i32
        %parallel_loop3A_1456 = arith.constant 7 : i32
        %parallel_loop3A_1457 = arith.addi %parallel_loop3A_1455, %parallel_loop3A_1456 : i32
        %parallel_loop3A_1458 = arith.index_cast %parallel_loop3A_1457 : i32 to index
        %parallel_loop3A_1459 = arith.constant 128 : index
        %parallel_loop3A_1460 = tpu.vector_load %arg6[%parallel_loop3A_1458, %parallel_loop3A_1459] {strides = array<i32>} : memref<80x256xf32, #tpu.memory_space<vmem>>, vector<1x16xf32>,
        %parallel_loop3A_1461 = vector.shape_cast %parallel_loop3A_1460 : vector<1x16xf32> to vector<16xf32>
        %parallel_loop3A_1462 = arith.addf %parallel_loop3A_1453, %parallel_loop3A_1461 : vector<16xf32>
        %parallel_loop3A_1463 = arith.constant 10 : i32
        %parallel_loop3A_1464 = arith.muli %parallel_loop3A_633, %parallel_loop3A_1463 : i32
        %parallel_loop3A_1465 = arith.constant 8 : i32
        %parallel_loop3A_1466 = arith.addi %parallel_loop3A_1464, %parallel_loop3A_1465 : i32
        %parallel_loop3A_1467 = arith.index_cast %parallel_loop3A_1466 : i32 to index
        %parallel_loop3A_1468 = arith.constant 128 : index
        %parallel_loop3A_1469 = tpu.vector_load %arg6[%parallel_loop3A_1467, %parallel_loop3A_1468] {strides = array<i32>} : memref<80x256xf32, #tpu.memory_space<vmem>>, vector<1x16xf32>,
        %parallel_loop3A_1470 = vector.shape_cast %parallel_loop3A_1469 : vector<1x16xf32> to vector<16xf32>
        %parallel_loop3A_1471 = arith.addf %parallel_loop3A_1462, %parallel_loop3A_1470 : vector<16xf32>
        %parallel_loop3A_1472 = arith.constant 10 : i32
        %parallel_loop3A_1473 = arith.muli %parallel_loop3A_633, %parallel_loop3A_1472 : i32
        %parallel_loop3A_1474 = arith.constant 9 : i32
        %parallel_loop3A_1475 = arith.addi %parallel_loop3A_1473, %parallel_loop3A_1474 : i32
        %parallel_loop3A_1476 = arith.index_cast %parallel_loop3A_1475 : i32 to index
        %parallel_loop3A_1477 = arith.constant 128 : index
        %parallel_loop3A_1478 = tpu.vector_load %arg6[%parallel_loop3A_1476, %parallel_loop3A_1477] {strides = array<i32>} : memref<80x256xf32, #tpu.memory_space<vmem>>, vector<1x16xf32>,
        %parallel_loop3A_1479 = vector.shape_cast %parallel_loop3A_1478 : vector<1x16xf32> to vector<16xf32>
        %parallel_loop3A_1480 = arith.addf %parallel_loop3A_1471, %parallel_loop3A_1479 : vector<16xf32>
        %parallel_loop3A_1481 = arith.constant 8 : i32
        %parallel_loop3A_1482 = arith.muli %add3A_565, %parallel_loop3A_1481 : i32
        %parallel_loop3A_1483 = arith.addi %parallel_loop3A_1482, %parallel_loop3A_633 : i32
        %parallel_loop3A_1484 = arith.index_cast %parallel_loop3A_1483 : i32 to index
        %parallel_loop3A_1485 = arith.constant 128 : index
        %parallel_loop3A_1486 = tpu.vector_load %arg8[%parallel_loop3A_1484, %parallel_loop3A_1485] {strides = array<i32>} : memref<128x256xf32, #tpu.memory_space<vmem>>, vector<1x16xf32>,
        %parallel_loop3A_1487 = vector.shape_cast %parallel_loop3A_1486 : vector<1x16xf32> to vector<16xf32>
        %parallel_loop3A_1488 = vector.shape_cast %parallel_loop3A_1480 : vector<16xf32> to vector<1x16xf32>
        tpu.vector_store %arg8[%parallel_loop3A_1484, %parallel_loop3A_1485], %parallel_loop3A_1488 {strides = array<i32>} : memref<128x256xf32, #tpu.memory_space<vmem>>, vector<1x16xf32>,
        %parallel_loop3A_1489 = arith.constant 10 : i32
        %parallel_loop3A_1490 = arith.muli %parallel_loop3A_633, %parallel_loop3A_1489 : i32
        %parallel_loop3A_1491 = arith.index_cast %parallel_loop3A_1490 : i32 to index
        %parallel_loop3A_1492 = arith.constant 144 : index
        %parallel_loop3A_1493 = tpu.vector_load %arg6[%parallel_loop3A_1491, %parallel_loop3A_1492] {strides = array<i32>} : memref<80x256xf32, #tpu.memory_space<vmem>>, vector<1x16xf32>,
        %parallel_loop3A_1494 = vector.shape_cast %parallel_loop3A_1493 : vector<1x16xf32> to vector<16xf32>
        %parallel_loop3A_1495 = arith.constant 10 : i32
        %parallel_loop3A_1496 = arith.muli %parallel_loop3A_633, %parallel_loop3A_1495 : i32
        %parallel_loop3A_1497 = arith.constant 1 : i32
        %parallel_loop3A_1498 = arith.addi %parallel_loop3A_1496, %parallel_loop3A_1497 : i32
        %parallel_loop3A_1499 = arith.index_cast %parallel_loop3A_1498 : i32 to index
        %parallel_loop3A_1500 = arith.constant 144 : index
        %parallel_loop3A_1501 = tpu.vector_load %arg6[%parallel_loop3A_1499, %parallel_loop3A_1500] {strides = array<i32>} : memref<80x256xf32, #tpu.memory_space<vmem>>, vector<1x16xf32>,
        %parallel_loop3A_1502 = vector.shape_cast %parallel_loop3A_1501 : vector<1x16xf32> to vector<16xf32>
        %parallel_loop3A_1503 = arith.addf %parallel_loop3A_1494, %parallel_loop3A_1502 : vector<16xf32>
        %parallel_loop3A_1504 = arith.constant 10 : i32
        %parallel_loop3A_1505 = arith.muli %parallel_loop3A_633, %parallel_loop3A_1504 : i32
        %parallel_loop3A_1506 = arith.constant 2 : i32
        %parallel_loop3A_1507 = arith.addi %parallel_loop3A_1505, %parallel_loop3A_1506 : i32
        %parallel_loop3A_1508 = arith.index_cast %parallel_loop3A_1507 : i32 to index
        %parallel_loop3A_1509 = arith.constant 144 : index
        %parallel_loop3A_1510 = tpu.vector_load %arg6[%parallel_loop3A_1508, %parallel_loop3A_1509] {strides = array<i32>} : memref<80x256xf32, #tpu.memory_space<vmem>>, vector<1x16xf32>,
        %parallel_loop3A_1511 = vector.shape_cast %parallel_loop3A_1510 : vector<1x16xf32> to vector<16xf32>
        %parallel_loop3A_1512 = arith.addf %parallel_loop3A_1503, %parallel_loop3A_1511 : vector<16xf32>
        %parallel_loop3A_1513 = arith.constant 10 : i32
        %parallel_loop3A_1514 = arith.muli %parallel_loop3A_633, %parallel_loop3A_1513 : i32
        %parallel_loop3A_1515 = arith.constant 3 : i32
        %parallel_loop3A_1516 = arith.addi %parallel_loop3A_1514, %parallel_loop3A_1515 : i32
        %parallel_loop3A_1517 = arith.index_cast %parallel_loop3A_1516 : i32 to index
        %parallel_loop3A_1518 = arith.constant 144 : index
        %parallel_loop3A_1519 = tpu.vector_load %arg6[%parallel_loop3A_1517, %parallel_loop3A_1518] {strides = array<i32>} : memref<80x256xf32, #tpu.memory_space<vmem>>, vector<1x16xf32>,
        %parallel_loop3A_1520 = vector.shape_cast %parallel_loop3A_1519 : vector<1x16xf32> to vector<16xf32>
        %parallel_loop3A_1521 = arith.addf %parallel_loop3A_1512, %parallel_loop3A_1520 : vector<16xf32>
        %parallel_loop3A_1522 = arith.constant 10 : i32
        %parallel_loop3A_1523 = arith.muli %parallel_loop3A_633, %parallel_loop3A_1522 : i32
        %parallel_loop3A_1524 = arith.constant 4 : i32
        %parallel_loop3A_1525 = arith.addi %parallel_loop3A_1523, %parallel_loop3A_1524 : i32
        %parallel_loop3A_1526 = arith.index_cast %parallel_loop3A_1525 : i32 to index
        %parallel_loop3A_1527 = arith.constant 144 : index
        %parallel_loop3A_1528 = tpu.vector_load %arg6[%parallel_loop3A_1526, %parallel_loop3A_1527] {strides = array<i32>} : memref<80x256xf32, #tpu.memory_space<vmem>>, vector<1x16xf32>,
        %parallel_loop3A_1529 = vector.shape_cast %parallel_loop3A_1528 : vector<1x16xf32> to vector<16xf32>
        %parallel_loop3A_1530 = arith.addf %parallel_loop3A_1521, %parallel_loop3A_1529 : vector<16xf32>
        %parallel_loop3A_1531 = arith.constant 10 : i32
        %parallel_loop3A_1532 = arith.muli %parallel_loop3A_633, %parallel_loop3A_1531 : i32
        %parallel_loop3A_1533 = arith.constant 5 : i32
        %parallel_loop3A_1534 = arith.addi %parallel_loop3A_1532, %parallel_loop3A_1533 : i32
        %parallel_loop3A_1535 = arith.index_cast %parallel_loop3A_1534 : i32 to index
        %parallel_loop3A_1536 = arith.constant 144 : index
        %parallel_loop3A_1537 = tpu.vector_load %arg6[%parallel_loop3A_1535, %parallel_loop3A_1536] {strides = array<i32>} : memref<80x256xf32, #tpu.memory_space<vmem>>, vector<1x16xf32>,
        %parallel_loop3A_1538 = vector.shape_cast %parallel_loop3A_1537 : vector<1x16xf32> to vector<16xf32>
        %parallel_loop3A_1539 = arith.addf %parallel_loop3A_1530, %parallel_loop3A_1538 : vector<16xf32>
        %parallel_loop3A_1540 = arith.constant 10 : i32
        %parallel_loop3A_1541 = arith.muli %parallel_loop3A_633, %parallel_loop3A_1540 : i32
        %parallel_loop3A_1542 = arith.constant 6 : i32
        %parallel_loop3A_1543 = arith.addi %parallel_loop3A_1541, %parallel_loop3A_1542 : i32
        %parallel_loop3A_1544 = arith.index_cast %parallel_loop3A_1543 : i32 to index
        %parallel_loop3A_1545 = arith.constant 144 : index
        %parallel_loop3A_1546 = tpu.vector_load %arg6[%parallel_loop3A_1544, %parallel_loop3A_1545] {strides = array<i32>} : memref<80x256xf32, #tpu.memory_space<vmem>>, vector<1x16xf32>,
        %parallel_loop3A_1547 = vector.shape_cast %parallel_loop3A_1546 : vector<1x16xf32> to vector<16xf32>
        %parallel_loop3A_1548 = arith.addf %parallel_loop3A_1539, %parallel_loop3A_1547 : vector<16xf32>
        %parallel_loop3A_1549 = arith.constant 10 : i32
        %parallel_loop3A_1550 = arith.muli %parallel_loop3A_633, %parallel_loop3A_1549 : i32
        %parallel_loop3A_1551 = arith.constant 7 : i32
        %parallel_loop3A_1552 = arith.addi %parallel_loop3A_1550, %parallel_loop3A_1551 : i32
        %parallel_loop3A_1553 = arith.index_cast %parallel_loop3A_1552 : i32 to index
        %parallel_loop3A_1554 = arith.constant 144 : index
        %parallel_loop3A_1555 = tpu.vector_load %arg6[%parallel_loop3A_1553, %parallel_loop3A_1554] {strides = array<i32>} : memref<80x256xf32, #tpu.memory_space<vmem>>, vector<1x16xf32>,
        %parallel_loop3A_1556 = vector.shape_cast %parallel_loop3A_1555 : vector<1x16xf32> to vector<16xf32>
        %parallel_loop3A_1557 = arith.addf %parallel_loop3A_1548, %parallel_loop3A_1556 : vector<16xf32>
        %parallel_loop3A_1558 = arith.constant 10 : i32
        %parallel_loop3A_1559 = arith.muli %parallel_loop3A_633, %parallel_loop3A_1558 : i32
        %parallel_loop3A_1560 = arith.constant 8 : i32
        %parallel_loop3A_1561 = arith.addi %parallel_loop3A_1559, %parallel_loop3A_1560 : i32
        %parallel_loop3A_1562 = arith.index_cast %parallel_loop3A_1561 : i32 to index
        %parallel_loop3A_1563 = arith.constant 144 : index
        %parallel_loop3A_1564 = tpu.vector_load %arg6[%parallel_loop3A_1562, %parallel_loop3A_1563] {strides = array<i32>} : memref<80x256xf32, #tpu.memory_space<vmem>>, vector<1x16xf32>,
        %parallel_loop3A_1565 = vector.shape_cast %parallel_loop3A_1564 : vector<1x16xf32> to vector<16xf32>
        %parallel_loop3A_1566 = arith.addf %parallel_loop3A_1557, %parallel_loop3A_1565 : vector<16xf32>
        %parallel_loop3A_1567 = arith.constant 10 : i32
        %parallel_loop3A_1568 = arith.muli %parallel_loop3A_633, %parallel_loop3A_1567 : i32
        %parallel_loop3A_1569 = arith.constant 9 : i32
        %parallel_loop3A_1570 = arith.addi %parallel_loop3A_1568, %parallel_loop3A_1569 : i32
        %parallel_loop3A_1571 = arith.index_cast %parallel_loop3A_1570 : i32 to index
        %parallel_loop3A_1572 = arith.constant 144 : index
        %parallel_loop3A_1573 = tpu.vector_load %arg6[%parallel_loop3A_1571, %parallel_loop3A_1572] {strides = array<i32>} : memref<80x256xf32, #tpu.memory_space<vmem>>, vector<1x16xf32>,
        %parallel_loop3A_1574 = vector.shape_cast %parallel_loop3A_1573 : vector<1x16xf32> to vector<16xf32>
        %parallel_loop3A_1575 = arith.addf %parallel_loop3A_1566, %parallel_loop3A_1574 : vector<16xf32>
        %parallel_loop3A_1576 = arith.constant 8 : i32
        %parallel_loop3A_1577 = arith.muli %add3A_565, %parallel_loop3A_1576 : i32
        %parallel_loop3A_1578 = arith.addi %parallel_loop3A_1577, %parallel_loop3A_633 : i32
        %parallel_loop3A_1579 = arith.index_cast %parallel_loop3A_1578 : i32 to index
        %parallel_loop3A_1580 = arith.constant 144 : index
        %parallel_loop3A_1581 = tpu.vector_load %arg8[%parallel_loop3A_1579, %parallel_loop3A_1580] {strides = array<i32>} : memref<128x256xf32, #tpu.memory_space<vmem>>, vector<1x16xf32>,
        %parallel_loop3A_1582 = vector.shape_cast %parallel_loop3A_1581 : vector<1x16xf32> to vector<16xf32>
        %parallel_loop3A_1583 = vector.shape_cast %parallel_loop3A_1575 : vector<16xf32> to vector<1x16xf32>
        tpu.vector_store %arg8[%parallel_loop3A_1579, %parallel_loop3A_1580], %parallel_loop3A_1583 {strides = array<i32>} : memref<128x256xf32, #tpu.memory_space<vmem>>, vector<1x16xf32>,
        %parallel_loop3A_1584 = arith.constant 10 : i32
        %parallel_loop3A_1585 = arith.muli %parallel_loop3A_633, %parallel_loop3A_1584 : i32
        %parallel_loop3A_1586 = arith.index_cast %parallel_loop3A_1585 : i32 to index
        %parallel_loop3A_1587 = arith.constant 160 : index
        %parallel_loop3A_1588 = tpu.vector_load %arg6[%parallel_loop3A_1586, %parallel_loop3A_1587] {strides = array<i32>} : memref<80x256xf32, #tpu.memory_space<vmem>>, vector<1x16xf32>,
        %parallel_loop3A_1589 = vector.shape_cast %parallel_loop3A_1588 : vector<1x16xf32> to vector<16xf32>
        %parallel_loop3A_1590 = arith.constant 10 : i32
        %parallel_loop3A_1591 = arith.muli %parallel_loop3A_633, %parallel_loop3A_1590 : i32
        %parallel_loop3A_1592 = arith.constant 1 : i32
        %parallel_loop3A_1593 = arith.addi %parallel_loop3A_1591, %parallel_loop3A_1592 : i32
        %parallel_loop3A_1594 = arith.index_cast %parallel_loop3A_1593 : i32 to index
        %parallel_loop3A_1595 = arith.constant 160 : index
        %parallel_loop3A_1596 = tpu.vector_load %arg6[%parallel_loop3A_1594, %parallel_loop3A_1595] {strides = array<i32>} : memref<80x256xf32, #tpu.memory_space<vmem>>, vector<1x16xf32>,
        %parallel_loop3A_1597 = vector.shape_cast %parallel_loop3A_1596 : vector<1x16xf32> to vector<16xf32>
        %parallel_loop3A_1598 = arith.addf %parallel_loop3A_1589, %parallel_loop3A_1597 : vector<16xf32>
        %parallel_loop3A_1599 = arith.constant 10 : i32
        %parallel_loop3A_1600 = arith.muli %parallel_loop3A_633, %parallel_loop3A_1599 : i32
        %parallel_loop3A_1601 = arith.constant 2 : i32
        %parallel_loop3A_1602 = arith.addi %parallel_loop3A_1600, %parallel_loop3A_1601 : i32
        %parallel_loop3A_1603 = arith.index_cast %parallel_loop3A_1602 : i32 to index
        %parallel_loop3A_1604 = arith.constant 160 : index
        %parallel_loop3A_1605 = tpu.vector_load %arg6[%parallel_loop3A_1603, %parallel_loop3A_1604] {strides = array<i32>} : memref<80x256xf32, #tpu.memory_space<vmem>>, vector<1x16xf32>,
        %parallel_loop3A_1606 = vector.shape_cast %parallel_loop3A_1605 : vector<1x16xf32> to vector<16xf32>
        %parallel_loop3A_1607 = arith.addf %parallel_loop3A_1598, %parallel_loop3A_1606 : vector<16xf32>
        %parallel_loop3A_1608 = arith.constant 10 : i32
        %parallel_loop3A_1609 = arith.muli %parallel_loop3A_633, %parallel_loop3A_1608 : i32
        %parallel_loop3A_1610 = arith.constant 3 : i32
        %parallel_loop3A_1611 = arith.addi %parallel_loop3A_1609, %parallel_loop3A_1610 : i32
        %parallel_loop3A_1612 = arith.index_cast %parallel_loop3A_1611 : i32 to index
        %parallel_loop3A_1613 = arith.constant 160 : index
        %parallel_loop3A_1614 = tpu.vector_load %arg6[%parallel_loop3A_1612, %parallel_loop3A_1613] {strides = array<i32>} : memref<80x256xf32, #tpu.memory_space<vmem>>, vector<1x16xf32>,
        %parallel_loop3A_1615 = vector.shape_cast %parallel_loop3A_1614 : vector<1x16xf32> to vector<16xf32>
        %parallel_loop3A_1616 = arith.addf %parallel_loop3A_1607, %parallel_loop3A_1615 : vector<16xf32>
        %parallel_loop3A_1617 = arith.constant 10 : i32
        %parallel_loop3A_1618 = arith.muli %parallel_loop3A_633, %parallel_loop3A_1617 : i32
        %parallel_loop3A_1619 = arith.constant 4 : i32
        %parallel_loop3A_1620 = arith.addi %parallel_loop3A_1618, %parallel_loop3A_1619 : i32
        %parallel_loop3A_1621 = arith.index_cast %parallel_loop3A_1620 : i32 to index
        %parallel_loop3A_1622 = arith.constant 160 : index
        %parallel_loop3A_1623 = tpu.vector_load %arg6[%parallel_loop3A_1621, %parallel_loop3A_1622] {strides = array<i32>} : memref<80x256xf32, #tpu.memory_space<vmem>>, vector<1x16xf32>,
        %parallel_loop3A_1624 = vector.shape_cast %parallel_loop3A_1623 : vector<1x16xf32> to vector<16xf32>
        %parallel_loop3A_1625 = arith.addf %parallel_loop3A_1616, %parallel_loop3A_1624 : vector<16xf32>
        %parallel_loop3A_1626 = arith.constant 10 : i32
        %parallel_loop3A_1627 = arith.muli %parallel_loop3A_633, %parallel_loop3A_1626 : i32
        %parallel_loop3A_1628 = arith.constant 5 : i32
        %parallel_loop3A_1629 = arith.addi %parallel_loop3A_1627, %parallel_loop3A_1628 : i32
        %parallel_loop3A_1630 = arith.index_cast %parallel_loop3A_1629 : i32 to index
        %parallel_loop3A_1631 = arith.constant 160 : index
        %parallel_loop3A_1632 = tpu.vector_load %arg6[%parallel_loop3A_1630, %parallel_loop3A_1631] {strides = array<i32>} : memref<80x256xf32, #tpu.memory_space<vmem>>, vector<1x16xf32>,
        %parallel_loop3A_1633 = vector.shape_cast %parallel_loop3A_1632 : vector<1x16xf32> to vector<16xf32>
        %parallel_loop3A_1634 = arith.addf %parallel_loop3A_1625, %parallel_loop3A_1633 : vector<16xf32>
        %parallel_loop3A_1635 = arith.constant 10 : i32
        %parallel_loop3A_1636 = arith.muli %parallel_loop3A_633, %parallel_loop3A_1635 : i32
        %parallel_loop3A_1637 = arith.constant 6 : i32
        %parallel_loop3A_1638 = arith.addi %parallel_loop3A_1636, %parallel_loop3A_1637 : i32
        %parallel_loop3A_1639 = arith.index_cast %parallel_loop3A_1638 : i32 to index
        %parallel_loop3A_1640 = arith.constant 160 : index
        %parallel_loop3A_1641 = tpu.vector_load %arg6[%parallel_loop3A_1639, %parallel_loop3A_1640] {strides = array<i32>} : memref<80x256xf32, #tpu.memory_space<vmem>>, vector<1x16xf32>,
        %parallel_loop3A_1642 = vector.shape_cast %parallel_loop3A_1641 : vector<1x16xf32> to vector<16xf32>
        %parallel_loop3A_1643 = arith.addf %parallel_loop3A_1634, %parallel_loop3A_1642 : vector<16xf32>
        %parallel_loop3A_1644 = arith.constant 10 : i32
        %parallel_loop3A_1645 = arith.muli %parallel_loop3A_633, %parallel_loop3A_1644 : i32
        %parallel_loop3A_1646 = arith.constant 7 : i32
        %parallel_loop3A_1647 = arith.addi %parallel_loop3A_1645, %parallel_loop3A_1646 : i32
        %parallel_loop3A_1648 = arith.index_cast %parallel_loop3A_1647 : i32 to index
        %parallel_loop3A_1649 = arith.constant 160 : index
        %parallel_loop3A_1650 = tpu.vector_load %arg6[%parallel_loop3A_1648, %parallel_loop3A_1649] {strides = array<i32>} : memref<80x256xf32, #tpu.memory_space<vmem>>, vector<1x16xf32>,
        %parallel_loop3A_1651 = vector.shape_cast %parallel_loop3A_1650 : vector<1x16xf32> to vector<16xf32>
        %parallel_loop3A_1652 = arith.addf %parallel_loop3A_1643, %parallel_loop3A_1651 : vector<16xf32>
        %parallel_loop3A_1653 = arith.constant 10 : i32
        %parallel_loop3A_1654 = arith.muli %parallel_loop3A_633, %parallel_loop3A_1653 : i32
        %parallel_loop3A_1655 = arith.constant 8 : i32
        %parallel_loop3A_1656 = arith.addi %parallel_loop3A_1654, %parallel_loop3A_1655 : i32
        %parallel_loop3A_1657 = arith.index_cast %parallel_loop3A_1656 : i32 to index
        %parallel_loop3A_1658 = arith.constant 160 : index
        %parallel_loop3A_1659 = tpu.vector_load %arg6[%parallel_loop3A_1657, %parallel_loop3A_1658] {strides = array<i32>} : memref<80x256xf32, #tpu.memory_space<vmem>>, vector<1x16xf32>,
        %parallel_loop3A_1660 = vector.shape_cast %parallel_loop3A_1659 : vector<1x16xf32> to vector<16xf32>
        %parallel_loop3A_1661 = arith.addf %parallel_loop3A_1652, %parallel_loop3A_1660 : vector<16xf32>
        %parallel_loop3A_1662 = arith.constant 10 : i32
        %parallel_loop3A_1663 = arith.muli %parallel_loop3A_633, %parallel_loop3A_1662 : i32
        %parallel_loop3A_1664 = arith.constant 9 : i32
        %parallel_loop3A_1665 = arith.addi %parallel_loop3A_1663, %parallel_loop3A_1664 : i32
        %parallel_loop3A_1666 = arith.index_cast %parallel_loop3A_1665 : i32 to index
        %parallel_loop3A_1667 = arith.constant 160 : index
        %parallel_loop3A_1668 = tpu.vector_load %arg6[%parallel_loop3A_1666, %parallel_loop3A_1667] {strides = array<i32>} : memref<80x256xf32, #tpu.memory_space<vmem>>, vector<1x16xf32>,
        %parallel_loop3A_1669 = vector.shape_cast %parallel_loop3A_1668 : vector<1x16xf32> to vector<16xf32>
        %parallel_loop3A_1670 = arith.addf %parallel_loop3A_1661, %parallel_loop3A_1669 : vector<16xf32>
        %parallel_loop3A_1671 = arith.constant 8 : i32
        %parallel_loop3A_1672 = arith.muli %add3A_565, %parallel_loop3A_1671 : i32
        %parallel_loop3A_1673 = arith.addi %parallel_loop3A_1672, %parallel_loop3A_633 : i32
        %parallel_loop3A_1674 = arith.index_cast %parallel_loop3A_1673 : i32 to index
        %parallel_loop3A_1675 = arith.constant 160 : index
        %parallel_loop3A_1676 = tpu.vector_load %arg8[%parallel_loop3A_1674, %parallel_loop3A_1675] {strides = array<i32>} : memref<128x256xf32, #tpu.memory_space<vmem>>, vector<1x16xf32>,
        %parallel_loop3A_1677 = vector.shape_cast %parallel_loop3A_1676 : vector<1x16xf32> to vector<16xf32>
        %parallel_loop3A_1678 = vector.shape_cast %parallel_loop3A_1670 : vector<16xf32> to vector<1x16xf32>
        tpu.vector_store %arg8[%parallel_loop3A_1674, %parallel_loop3A_1675], %parallel_loop3A_1678 {strides = array<i32>} : memref<128x256xf32, #tpu.memory_space<vmem>>, vector<1x16xf32>,
        %parallel_loop3A_1679 = arith.constant 10 : i32
        %parallel_loop3A_1680 = arith.muli %parallel_loop3A_633, %parallel_loop3A_1679 : i32
        %parallel_loop3A_1681 = arith.index_cast %parallel_loop3A_1680 : i32 to index
        %parallel_loop3A_1682 = arith.constant 176 : index
        %parallel_loop3A_1683 = tpu.vector_load %arg6[%parallel_loop3A_1681, %parallel_loop3A_1682] {strides = array<i32>} : memref<80x256xf32, #tpu.memory_space<vmem>>, vector<1x16xf32>,
        %parallel_loop3A_1684 = vector.shape_cast %parallel_loop3A_1683 : vector<1x16xf32> to vector<16xf32>
        %parallel_loop3A_1685 = arith.constant 10 : i32
        %parallel_loop3A_1686 = arith.muli %parallel_loop3A_633, %parallel_loop3A_1685 : i32
        %parallel_loop3A_1687 = arith.constant 1 : i32
        %parallel_loop3A_1688 = arith.addi %parallel_loop3A_1686, %parallel_loop3A_1687 : i32
        %parallel_loop3A_1689 = arith.index_cast %parallel_loop3A_1688 : i32 to index
        %parallel_loop3A_1690 = arith.constant 176 : index
        %parallel_loop3A_1691 = tpu.vector_load %arg6[%parallel_loop3A_1689, %parallel_loop3A_1690] {strides = array<i32>} : memref<80x256xf32, #tpu.memory_space<vmem>>, vector<1x16xf32>,
        %parallel_loop3A_1692 = vector.shape_cast %parallel_loop3A_1691 : vector<1x16xf32> to vector<16xf32>
        %parallel_loop3A_1693 = arith.addf %parallel_loop3A_1684, %parallel_loop3A_1692 : vector<16xf32>
        %parallel_loop3A_1694 = arith.constant 10 : i32
        %parallel_loop3A_1695 = arith.muli %parallel_loop3A_633, %parallel_loop3A_1694 : i32
        %parallel_loop3A_1696 = arith.constant 2 : i32
        %parallel_loop3A_1697 = arith.addi %parallel_loop3A_1695, %parallel_loop3A_1696 : i32
        %parallel_loop3A_1698 = arith.index_cast %parallel_loop3A_1697 : i32 to index
        %parallel_loop3A_1699 = arith.constant 176 : index
        %parallel_loop3A_1700 = tpu.vector_load %arg6[%parallel_loop3A_1698, %parallel_loop3A_1699] {strides = array<i32>} : memref<80x256xf32, #tpu.memory_space<vmem>>, vector<1x16xf32>,
        %parallel_loop3A_1701 = vector.shape_cast %parallel_loop3A_1700 : vector<1x16xf32> to vector<16xf32>
        %parallel_loop3A_1702 = arith.addf %parallel_loop3A_1693, %parallel_loop3A_1701 : vector<16xf32>
        %parallel_loop3A_1703 = arith.constant 10 : i32
        %parallel_loop3A_1704 = arith.muli %parallel_loop3A_633, %parallel_loop3A_1703 : i32
        %parallel_loop3A_1705 = arith.constant 3 : i32
        %parallel_loop3A_1706 = arith.addi %parallel_loop3A_1704, %parallel_loop3A_1705 : i32
        %parallel_loop3A_1707 = arith.index_cast %parallel_loop3A_1706 : i32 to index
        %parallel_loop3A_1708 = arith.constant 176 : index
        %parallel_loop3A_1709 = tpu.vector_load %arg6[%parallel_loop3A_1707, %parallel_loop3A_1708] {strides = array<i32>} : memref<80x256xf32, #tpu.memory_space<vmem>>, vector<1x16xf32>,
        %parallel_loop3A_1710 = vector.shape_cast %parallel_loop3A_1709 : vector<1x16xf32> to vector<16xf32>
        %parallel_loop3A_1711 = arith.addf %parallel_loop3A_1702, %parallel_loop3A_1710 : vector<16xf32>
        %parallel_loop3A_1712 = arith.constant 10 : i32
        %parallel_loop3A_1713 = arith.muli %parallel_loop3A_633, %parallel_loop3A_1712 : i32
        %parallel_loop3A_1714 = arith.constant 4 : i32
        %parallel_loop3A_1715 = arith.addi %parallel_loop3A_1713, %parallel_loop3A_1714 : i32
        %parallel_loop3A_1716 = arith.index_cast %parallel_loop3A_1715 : i32 to index
        %parallel_loop3A_1717 = arith.constant 176 : index
        %parallel_loop3A_1718 = tpu.vector_load %arg6[%parallel_loop3A_1716, %parallel_loop3A_1717] {strides = array<i32>} : memref<80x256xf32, #tpu.memory_space<vmem>>, vector<1x16xf32>,
        %parallel_loop3A_1719 = vector.shape_cast %parallel_loop3A_1718 : vector<1x16xf32> to vector<16xf32>
        %parallel_loop3A_1720 = arith.addf %parallel_loop3A_1711, %parallel_loop3A_1719 : vector<16xf32>
        %parallel_loop3A_1721 = arith.constant 10 : i32
        %parallel_loop3A_1722 = arith.muli %parallel_loop3A_633, %parallel_loop3A_1721 : i32
        %parallel_loop3A_1723 = arith.constant 5 : i32
        %parallel_loop3A_1724 = arith.addi %parallel_loop3A_1722, %parallel_loop3A_1723 : i32
        %parallel_loop3A_1725 = arith.index_cast %parallel_loop3A_1724 : i32 to index
        %parallel_loop3A_1726 = arith.constant 176 : index
        %parallel_loop3A_1727 = tpu.vector_load %arg6[%parallel_loop3A_1725, %parallel_loop3A_1726] {strides = array<i32>} : memref<80x256xf32, #tpu.memory_space<vmem>>, vector<1x16xf32>,
        %parallel_loop3A_1728 = vector.shape_cast %parallel_loop3A_1727 : vector<1x16xf32> to vector<16xf32>
        %parallel_loop3A_1729 = arith.addf %parallel_loop3A_1720, %parallel_loop3A_1728 : vector<16xf32>
        %parallel_loop3A_1730 = arith.constant 10 : i32
        %parallel_loop3A_1731 = arith.muli %parallel_loop3A_633, %parallel_loop3A_1730 : i32
        %parallel_loop3A_1732 = arith.constant 6 : i32
        %parallel_loop3A_1733 = arith.addi %parallel_loop3A_1731, %parallel_loop3A_1732 : i32
        %parallel_loop3A_1734 = arith.index_cast %parallel_loop3A_1733 : i32 to index
        %parallel_loop3A_1735 = arith.constant 176 : index
        %parallel_loop3A_1736 = tpu.vector_load %arg6[%parallel_loop3A_1734, %parallel_loop3A_1735] {strides = array<i32>} : memref<80x256xf32, #tpu.memory_space<vmem>>, vector<1x16xf32>,
        %parallel_loop3A_1737 = vector.shape_cast %parallel_loop3A_1736 : vector<1x16xf32> to vector<16xf32>
        %parallel_loop3A_1738 = arith.addf %parallel_loop3A_1729, %parallel_loop3A_1737 : vector<16xf32>
        %parallel_loop3A_1739 = arith.constant 10 : i32
        %parallel_loop3A_1740 = arith.muli %parallel_loop3A_633, %parallel_loop3A_1739 : i32
        %parallel_loop3A_1741 = arith.constant 7 : i32
        %parallel_loop3A_1742 = arith.addi %parallel_loop3A_1740, %parallel_loop3A_1741 : i32
        %parallel_loop3A_1743 = arith.index_cast %parallel_loop3A_1742 : i32 to index
        %parallel_loop3A_1744 = arith.constant 176 : index
        %parallel_loop3A_1745 = tpu.vector_load %arg6[%parallel_loop3A_1743, %parallel_loop3A_1744] {strides = array<i32>} : memref<80x256xf32, #tpu.memory_space<vmem>>, vector<1x16xf32>,
        %parallel_loop3A_1746 = vector.shape_cast %parallel_loop3A_1745 : vector<1x16xf32> to vector<16xf32>
        %parallel_loop3A_1747 = arith.addf %parallel_loop3A_1738, %parallel_loop3A_1746 : vector<16xf32>
        %parallel_loop3A_1748 = arith.constant 10 : i32
        %parallel_loop3A_1749 = arith.muli %parallel_loop3A_633, %parallel_loop3A_1748 : i32
        %parallel_loop3A_1750 = arith.constant 8 : i32
        %parallel_loop3A_1751 = arith.addi %parallel_loop3A_1749, %parallel_loop3A_1750 : i32
        %parallel_loop3A_1752 = arith.index_cast %parallel_loop3A_1751 : i32 to index
        %parallel_loop3A_1753 = arith.constant 176 : index
        %parallel_loop3A_1754 = tpu.vector_load %arg6[%parallel_loop3A_1752, %parallel_loop3A_1753] {strides = array<i32>} : memref<80x256xf32, #tpu.memory_space<vmem>>, vector<1x16xf32>,
        %parallel_loop3A_1755 = vector.shape_cast %parallel_loop3A_1754 : vector<1x16xf32> to vector<16xf32>
        %parallel_loop3A_1756 = arith.addf %parallel_loop3A_1747, %parallel_loop3A_1755 : vector<16xf32>
        %parallel_loop3A_1757 = arith.constant 10 : i32
        %parallel_loop3A_1758 = arith.muli %parallel_loop3A_633, %parallel_loop3A_1757 : i32
        %parallel_loop3A_1759 = arith.constant 9 : i32
        %parallel_loop3A_1760 = arith.addi %parallel_loop3A_1758, %parallel_loop3A_1759 : i32
        %parallel_loop3A_1761 = arith.index_cast %parallel_loop3A_1760 : i32 to index
        %parallel_loop3A_1762 = arith.constant 176 : index
        %parallel_loop3A_1763 = tpu.vector_load %arg6[%parallel_loop3A_1761, %parallel_loop3A_1762] {strides = array<i32>} : memref<80x256xf32, #tpu.memory_space<vmem>>, vector<1x16xf32>,
        %parallel_loop3A_1764 = vector.shape_cast %parallel_loop3A_1763 : vector<1x16xf32> to vector<16xf32>
        %parallel_loop3A_1765 = arith.addf %parallel_loop3A_1756, %parallel_loop3A_1764 : vector<16xf32>
        %parallel_loop3A_1766 = arith.constant 8 : i32
        %parallel_loop3A_1767 = arith.muli %add3A_565, %parallel_loop3A_1766 : i32
        %parallel_loop3A_1768 = arith.addi %parallel_loop3A_1767, %parallel_loop3A_633 : i32
        %parallel_loop3A_1769 = arith.index_cast %parallel_loop3A_1768 : i32 to index
        %parallel_loop3A_1770 = arith.constant 176 : index
        %parallel_loop3A_1771 = tpu.vector_load %arg8[%parallel_loop3A_1769, %parallel_loop3A_1770] {strides = array<i32>} : memref<128x256xf32, #tpu.memory_space<vmem>>, vector<1x16xf32>,
        %parallel_loop3A_1772 = vector.shape_cast %parallel_loop3A_1771 : vector<1x16xf32> to vector<16xf32>
        %parallel_loop3A_1773 = vector.shape_cast %parallel_loop3A_1765 : vector<16xf32> to vector<1x16xf32>
        tpu.vector_store %arg8[%parallel_loop3A_1769, %parallel_loop3A_1770], %parallel_loop3A_1773 {strides = array<i32>} : memref<128x256xf32, #tpu.memory_space<vmem>>, vector<1x16xf32>,
        %parallel_loop3A_1774 = arith.constant 10 : i32
        %parallel_loop3A_1775 = arith.muli %parallel_loop3A_633, %parallel_loop3A_1774 : i32
        %parallel_loop3A_1776 = arith.index_cast %parallel_loop3A_1775 : i32 to index
        %parallel_loop3A_1777 = arith.constant 192 : index
        %parallel_loop3A_1778 = tpu.vector_load %arg6[%parallel_loop3A_1776, %parallel_loop3A_1777] {strides = array<i32>} : memref<80x256xf32, #tpu.memory_space<vmem>>, vector<1x16xf32>,
        %parallel_loop3A_1779 = vector.shape_cast %parallel_loop3A_1778 : vector<1x16xf32> to vector<16xf32>
        %parallel_loop3A_1780 = arith.constant 10 : i32
        %parallel_loop3A_1781 = arith.muli %parallel_loop3A_633, %parallel_loop3A_1780 : i32
        %parallel_loop3A_1782 = arith.constant 1 : i32
        %parallel_loop3A_1783 = arith.addi %parallel_loop3A_1781, %parallel_loop3A_1782 : i32
        %parallel_loop3A_1784 = arith.index_cast %parallel_loop3A_1783 : i32 to index
        %parallel_loop3A_1785 = arith.constant 192 : index
        %parallel_loop3A_1786 = tpu.vector_load %arg6[%parallel_loop3A_1784, %parallel_loop3A_1785] {strides = array<i32>} : memref<80x256xf32, #tpu.memory_space<vmem>>, vector<1x16xf32>,
        %parallel_loop3A_1787 = vector.shape_cast %parallel_loop3A_1786 : vector<1x16xf32> to vector<16xf32>
        %parallel_loop3A_1788 = arith.addf %parallel_loop3A_1779, %parallel_loop3A_1787 : vector<16xf32>
        %parallel_loop3A_1789 = arith.constant 10 : i32
        %parallel_loop3A_1790 = arith.muli %parallel_loop3A_633, %parallel_loop3A_1789 : i32
        %parallel_loop3A_1791 = arith.constant 2 : i32
        %parallel_loop3A_1792 = arith.addi %parallel_loop3A_1790, %parallel_loop3A_1791 : i32
        %parallel_loop3A_1793 = arith.index_cast %parallel_loop3A_1792 : i32 to index
        %parallel_loop3A_1794 = arith.constant 192 : index
        %parallel_loop3A_1795 = tpu.vector_load %arg6[%parallel_loop3A_1793, %parallel_loop3A_1794] {strides = array<i32>} : memref<80x256xf32, #tpu.memory_space<vmem>>, vector<1x16xf32>,
        %parallel_loop3A_1796 = vector.shape_cast %parallel_loop3A_1795 : vector<1x16xf32> to vector<16xf32>
        %parallel_loop3A_1797 = arith.addf %parallel_loop3A_1788, %parallel_loop3A_1796 : vector<16xf32>
        %parallel_loop3A_1798 = arith.constant 10 : i32
        %parallel_loop3A_1799 = arith.muli %parallel_loop3A_633, %parallel_loop3A_1798 : i32
        %parallel_loop3A_1800 = arith.constant 3 : i32
        %parallel_loop3A_1801 = arith.addi %parallel_loop3A_1799, %parallel_loop3A_1800 : i32
        %parallel_loop3A_1802 = arith.index_cast %parallel_loop3A_1801 : i32 to index
        %parallel_loop3A_1803 = arith.constant 192 : index
        %parallel_loop3A_1804 = tpu.vector_load %arg6[%parallel_loop3A_1802, %parallel_loop3A_1803] {strides = array<i32>} : memref<80x256xf32, #tpu.memory_space<vmem>>, vector<1x16xf32>,
        %parallel_loop3A_1805 = vector.shape_cast %parallel_loop3A_1804 : vector<1x16xf32> to vector<16xf32>
        %parallel_loop3A_1806 = arith.addf %parallel_loop3A_1797, %parallel_loop3A_1805 : vector<16xf32>
        %parallel_loop3A_1807 = arith.constant 10 : i32
        %parallel_loop3A_1808 = arith.muli %parallel_loop3A_633, %parallel_loop3A_1807 : i32
        %parallel_loop3A_1809 = arith.constant 4 : i32
        %parallel_loop3A_1810 = arith.addi %parallel_loop3A_1808, %parallel_loop3A_1809 : i32
        %parallel_loop3A_1811 = arith.index_cast %parallel_loop3A_1810 : i32 to index
        %parallel_loop3A_1812 = arith.constant 192 : index
        %parallel_loop3A_1813 = tpu.vector_load %arg6[%parallel_loop3A_1811, %parallel_loop3A_1812] {strides = array<i32>} : memref<80x256xf32, #tpu.memory_space<vmem>>, vector<1x16xf32>,
        %parallel_loop3A_1814 = vector.shape_cast %parallel_loop3A_1813 : vector<1x16xf32> to vector<16xf32>
        %parallel_loop3A_1815 = arith.addf %parallel_loop3A_1806, %parallel_loop3A_1814 : vector<16xf32>
        %parallel_loop3A_1816 = arith.constant 10 : i32
        %parallel_loop3A_1817 = arith.muli %parallel_loop3A_633, %parallel_loop3A_1816 : i32
        %parallel_loop3A_1818 = arith.constant 5 : i32
        %parallel_loop3A_1819 = arith.addi %parallel_loop3A_1817, %parallel_loop3A_1818 : i32
        %parallel_loop3A_1820 = arith.index_cast %parallel_loop3A_1819 : i32 to index
        %parallel_loop3A_1821 = arith.constant 192 : index
        %parallel_loop3A_1822 = tpu.vector_load %arg6[%parallel_loop3A_1820, %parallel_loop3A_1821] {strides = array<i32>} : memref<80x256xf32, #tpu.memory_space<vmem>>, vector<1x16xf32>,
        %parallel_loop3A_1823 = vector.shape_cast %parallel_loop3A_1822 : vector<1x16xf32> to vector<16xf32>
        %parallel_loop3A_1824 = arith.addf %parallel_loop3A_1815, %parallel_loop3A_1823 : vector<16xf32>
        %parallel_loop3A_1825 = arith.constant 10 : i32
        %parallel_loop3A_1826 = arith.muli %parallel_loop3A_633, %parallel_loop3A_1825 : i32
        %parallel_loop3A_1827 = arith.constant 6 : i32
        %parallel_loop3A_1828 = arith.addi %parallel_loop3A_1826, %parallel_loop3A_1827 : i32
        %parallel_loop3A_1829 = arith.index_cast %parallel_loop3A_1828 : i32 to index
        %parallel_loop3A_1830 = arith.constant 192 : index
        %parallel_loop3A_1831 = tpu.vector_load %arg6[%parallel_loop3A_1829, %parallel_loop3A_1830] {strides = array<i32>} : memref<80x256xf32, #tpu.memory_space<vmem>>, vector<1x16xf32>,
        %parallel_loop3A_1832 = vector.shape_cast %parallel_loop3A_1831 : vector<1x16xf32> to vector<16xf32>
        %parallel_loop3A_1833 = arith.addf %parallel_loop3A_1824, %parallel_loop3A_1832 : vector<16xf32>
        %parallel_loop3A_1834 = arith.constant 10 : i32
        %parallel_loop3A_1835 = arith.muli %parallel_loop3A_633, %parallel_loop3A_1834 : i32
        %parallel_loop3A_1836 = arith.constant 7 : i32
        %parallel_loop3A_1837 = arith.addi %parallel_loop3A_1835, %parallel_loop3A_1836 : i32
        %parallel_loop3A_1838 = arith.index_cast %parallel_loop3A_1837 : i32 to index
        %parallel_loop3A_1839 = arith.constant 192 : index
        %parallel_loop3A_1840 = tpu.vector_load %arg6[%parallel_loop3A_1838, %parallel_loop3A_1839] {strides = array<i32>} : memref<80x256xf32, #tpu.memory_space<vmem>>, vector<1x16xf32>,
        %parallel_loop3A_1841 = vector.shape_cast %parallel_loop3A_1840 : vector<1x16xf32> to vector<16xf32>
        %parallel_loop3A_1842 = arith.addf %parallel_loop3A_1833, %parallel_loop3A_1841 : vector<16xf32>
        %parallel_loop3A_1843 = arith.constant 10 : i32
        %parallel_loop3A_1844 = arith.muli %parallel_loop3A_633, %parallel_loop3A_1843 : i32
        %parallel_loop3A_1845 = arith.constant 8 : i32
        %parallel_loop3A_1846 = arith.addi %parallel_loop3A_1844, %parallel_loop3A_1845 : i32
        %parallel_loop3A_1847 = arith.index_cast %parallel_loop3A_1846 : i32 to index
        %parallel_loop3A_1848 = arith.constant 192 : index
        %parallel_loop3A_1849 = tpu.vector_load %arg6[%parallel_loop3A_1847, %parallel_loop3A_1848] {strides = array<i32>} : memref<80x256xf32, #tpu.memory_space<vmem>>, vector<1x16xf32>,
        %parallel_loop3A_1850 = vector.shape_cast %parallel_loop3A_1849 : vector<1x16xf32> to vector<16xf32>
        %parallel_loop3A_1851 = arith.addf %parallel_loop3A_1842, %parallel_loop3A_1850 : vector<16xf32>
        %parallel_loop3A_1852 = arith.constant 10 : i32
        %parallel_loop3A_1853 = arith.muli %parallel_loop3A_633, %parallel_loop3A_1852 : i32
        %parallel_loop3A_1854 = arith.constant 9 : i32
        %parallel_loop3A_1855 = arith.addi %parallel_loop3A_1853, %parallel_loop3A_1854 : i32
        %parallel_loop3A_1856 = arith.index_cast %parallel_loop3A_1855 : i32 to index
        %parallel_loop3A_1857 = arith.constant 192 : index
        %parallel_loop3A_1858 = tpu.vector_load %arg6[%parallel_loop3A_1856, %parallel_loop3A_1857] {strides = array<i32>} : memref<80x256xf32, #tpu.memory_space<vmem>>, vector<1x16xf32>,
        %parallel_loop3A_1859 = vector.shape_cast %parallel_loop3A_1858 : vector<1x16xf32> to vector<16xf32>
        %parallel_loop3A_1860 = arith.addf %parallel_loop3A_1851, %parallel_loop3A_1859 : vector<16xf32>
        %parallel_loop3A_1861 = arith.constant 8 : i32
        %parallel_loop3A_1862 = arith.muli %add3A_565, %parallel_loop3A_1861 : i32
        %parallel_loop3A_1863 = arith.addi %parallel_loop3A_1862, %parallel_loop3A_633 : i32
        %parallel_loop3A_1864 = arith.index_cast %parallel_loop3A_1863 : i32 to index
        %parallel_loop3A_1865 = arith.constant 192 : index
        %parallel_loop3A_1866 = tpu.vector_load %arg8[%parallel_loop3A_1864, %parallel_loop3A_1865] {strides = array<i32>} : memref<128x256xf32, #tpu.memory_space<vmem>>, vector<1x16xf32>,
        %parallel_loop3A_1867 = vector.shape_cast %parallel_loop3A_1866 : vector<1x16xf32> to vector<16xf32>
        %parallel_loop3A_1868 = vector.shape_cast %parallel_loop3A_1860 : vector<16xf32> to vector<1x16xf32>
        tpu.vector_store %arg8[%parallel_loop3A_1864, %parallel_loop3A_1865], %parallel_loop3A_1868 {strides = array<i32>} : memref<128x256xf32, #tpu.memory_space<vmem>>, vector<1x16xf32>,
        %parallel_loop3A_1869 = arith.constant 10 : i32
        %parallel_loop3A_1870 = arith.muli %parallel_loop3A_633, %parallel_loop3A_1869 : i32
        %parallel_loop3A_1871 = arith.index_cast %parallel_loop3A_1870 : i32 to index
        %parallel_loop3A_1872 = arith.constant 208 : index
        %parallel_loop3A_1873 = tpu.vector_load %arg6[%parallel_loop3A_1871, %parallel_loop3A_1872] {strides = array<i32>} : memref<80x256xf32, #tpu.memory_space<vmem>>, vector<1x16xf32>,
        %parallel_loop3A_1874 = vector.shape_cast %parallel_loop3A_1873 : vector<1x16xf32> to vector<16xf32>
        %parallel_loop3A_1875 = arith.constant 10 : i32
        %parallel_loop3A_1876 = arith.muli %parallel_loop3A_633, %parallel_loop3A_1875 : i32
        %parallel_loop3A_1877 = arith.constant 1 : i32
        %parallel_loop3A_1878 = arith.addi %parallel_loop3A_1876, %parallel_loop3A_1877 : i32
        %parallel_loop3A_1879 = arith.index_cast %parallel_loop3A_1878 : i32 to index
        %parallel_loop3A_1880 = arith.constant 208 : index
        %parallel_loop3A_1881 = tpu.vector_load %arg6[%parallel_loop3A_1879, %parallel_loop3A_1880] {strides = array<i32>} : memref<80x256xf32, #tpu.memory_space<vmem>>, vector<1x16xf32>,
        %parallel_loop3A_1882 = vector.shape_cast %parallel_loop3A_1881 : vector<1x16xf32> to vector<16xf32>
        %parallel_loop3A_1883 = arith.addf %parallel_loop3A_1874, %parallel_loop3A_1882 : vector<16xf32>
        %parallel_loop3A_1884 = arith.constant 10 : i32
        %parallel_loop3A_1885 = arith.muli %parallel_loop3A_633, %parallel_loop3A_1884 : i32
        %parallel_loop3A_1886 = arith.constant 2 : i32
        %parallel_loop3A_1887 = arith.addi %parallel_loop3A_1885, %parallel_loop3A_1886 : i32
        %parallel_loop3A_1888 = arith.index_cast %parallel_loop3A_1887 : i32 to index
        %parallel_loop3A_1889 = arith.constant 208 : index
        %parallel_loop3A_1890 = tpu.vector_load %arg6[%parallel_loop3A_1888, %parallel_loop3A_1889] {strides = array<i32>} : memref<80x256xf32, #tpu.memory_space<vmem>>, vector<1x16xf32>,
        %parallel_loop3A_1891 = vector.shape_cast %parallel_loop3A_1890 : vector<1x16xf32> to vector<16xf32>
        %parallel_loop3A_1892 = arith.addf %parallel_loop3A_1883, %parallel_loop3A_1891 : vector<16xf32>
        %parallel_loop3A_1893 = arith.constant 10 : i32
        %parallel_loop3A_1894 = arith.muli %parallel_loop3A_633, %parallel_loop3A_1893 : i32
        %parallel_loop3A_1895 = arith.constant 3 : i32
        %parallel_loop3A_1896 = arith.addi %parallel_loop3A_1894, %parallel_loop3A_1895 : i32
        %parallel_loop3A_1897 = arith.index_cast %parallel_loop3A_1896 : i32 to index
        %parallel_loop3A_1898 = arith.constant 208 : index
        %parallel_loop3A_1899 = tpu.vector_load %arg6[%parallel_loop3A_1897, %parallel_loop3A_1898] {strides = array<i32>} : memref<80x256xf32, #tpu.memory_space<vmem>>, vector<1x16xf32>,
        %parallel_loop3A_1900 = vector.shape_cast %parallel_loop3A_1899 : vector<1x16xf32> to vector<16xf32>
        %parallel_loop3A_1901 = arith.addf %parallel_loop3A_1892, %parallel_loop3A_1900 : vector<16xf32>
        %parallel_loop3A_1902 = arith.constant 10 : i32
        %parallel_loop3A_1903 = arith.muli %parallel_loop3A_633, %parallel_loop3A_1902 : i32
        %parallel_loop3A_1904 = arith.constant 4 : i32
        %parallel_loop3A_1905 = arith.addi %parallel_loop3A_1903, %parallel_loop3A_1904 : i32
        %parallel_loop3A_1906 = arith.index_cast %parallel_loop3A_1905 : i32 to index
        %parallel_loop3A_1907 = arith.constant 208 : index
        %parallel_loop3A_1908 = tpu.vector_load %arg6[%parallel_loop3A_1906, %parallel_loop3A_1907] {strides = array<i32>} : memref<80x256xf32, #tpu.memory_space<vmem>>, vector<1x16xf32>,
        %parallel_loop3A_1909 = vector.shape_cast %parallel_loop3A_1908 : vector<1x16xf32> to vector<16xf32>
        %parallel_loop3A_1910 = arith.addf %parallel_loop3A_1901, %parallel_loop3A_1909 : vector<16xf32>
        %parallel_loop3A_1911 = arith.constant 10 : i32
        %parallel_loop3A_1912 = arith.muli %parallel_loop3A_633, %parallel_loop3A_1911 : i32
        %parallel_loop3A_1913 = arith.constant 5 : i32
        %parallel_loop3A_1914 = arith.addi %parallel_loop3A_1912, %parallel_loop3A_1913 : i32
        %parallel_loop3A_1915 = arith.index_cast %parallel_loop3A_1914 : i32 to index
        %parallel_loop3A_1916 = arith.constant 208 : index
        %parallel_loop3A_1917 = tpu.vector_load %arg6[%parallel_loop3A_1915, %parallel_loop3A_1916] {strides = array<i32>} : memref<80x256xf32, #tpu.memory_space<vmem>>, vector<1x16xf32>,
        %parallel_loop3A_1918 = vector.shape_cast %parallel_loop3A_1917 : vector<1x16xf32> to vector<16xf32>
        %parallel_loop3A_1919 = arith.addf %parallel_loop3A_1910, %parallel_loop3A_1918 : vector<16xf32>
        %parallel_loop3A_1920 = arith.constant 10 : i32
        %parallel_loop3A_1921 = arith.muli %parallel_loop3A_633, %parallel_loop3A_1920 : i32
        %parallel_loop3A_1922 = arith.constant 6 : i32
        %parallel_loop3A_1923 = arith.addi %parallel_loop3A_1921, %parallel_loop3A_1922 : i32
        %parallel_loop3A_1924 = arith.index_cast %parallel_loop3A_1923 : i32 to index
        %parallel_loop3A_1925 = arith.constant 208 : index
        %parallel_loop3A_1926 = tpu.vector_load %arg6[%parallel_loop3A_1924, %parallel_loop3A_1925] {strides = array<i32>} : memref<80x256xf32, #tpu.memory_space<vmem>>, vector<1x16xf32>,
        %parallel_loop3A_1927 = vector.shape_cast %parallel_loop3A_1926 : vector<1x16xf32> to vector<16xf32>
        %parallel_loop3A_1928 = arith.addf %parallel_loop3A_1919, %parallel_loop3A_1927 : vector<16xf32>
        %parallel_loop3A_1929 = arith.constant 10 : i32
        %parallel_loop3A_1930 = arith.muli %parallel_loop3A_633, %parallel_loop3A_1929 : i32
        %parallel_loop3A_1931 = arith.constant 7 : i32
        %parallel_loop3A_1932 = arith.addi %parallel_loop3A_1930, %parallel_loop3A_1931 : i32
        %parallel_loop3A_1933 = arith.index_cast %parallel_loop3A_1932 : i32 to index
        %parallel_loop3A_1934 = arith.constant 208 : index
        %parallel_loop3A_1935 = tpu.vector_load %arg6[%parallel_loop3A_1933, %parallel_loop3A_1934] {strides = array<i32>} : memref<80x256xf32, #tpu.memory_space<vmem>>, vector<1x16xf32>,
        %parallel_loop3A_1936 = vector.shape_cast %parallel_loop3A_1935 : vector<1x16xf32> to vector<16xf32>
        %parallel_loop3A_1937 = arith.addf %parallel_loop3A_1928, %parallel_loop3A_1936 : vector<16xf32>
        %parallel_loop3A_1938 = arith.constant 10 : i32
        %parallel_loop3A_1939 = arith.muli %parallel_loop3A_633, %parallel_loop3A_1938 : i32
        %parallel_loop3A_1940 = arith.constant 8 : i32
        %parallel_loop3A_1941 = arith.addi %parallel_loop3A_1939, %parallel_loop3A_1940 : i32
        %parallel_loop3A_1942 = arith.index_cast %parallel_loop3A_1941 : i32 to index
        %parallel_loop3A_1943 = arith.constant 208 : index
        %parallel_loop3A_1944 = tpu.vector_load %arg6[%parallel_loop3A_1942, %parallel_loop3A_1943] {strides = array<i32>} : memref<80x256xf32, #tpu.memory_space<vmem>>, vector<1x16xf32>,
        %parallel_loop3A_1945 = vector.shape_cast %parallel_loop3A_1944 : vector<1x16xf32> to vector<16xf32>
        %parallel_loop3A_1946 = arith.addf %parallel_loop3A_1937, %parallel_loop3A_1945 : vector<16xf32>
        %parallel_loop3A_1947 = arith.constant 10 : i32
        %parallel_loop3A_1948 = arith.muli %parallel_loop3A_633, %parallel_loop3A_1947 : i32
        %parallel_loop3A_1949 = arith.constant 9 : i32
        %parallel_loop3A_1950 = arith.addi %parallel_loop3A_1948, %parallel_loop3A_1949 : i32
        %parallel_loop3A_1951 = arith.index_cast %parallel_loop3A_1950 : i32 to index
        %parallel_loop3A_1952 = arith.constant 208 : index
        %parallel_loop3A_1953 = tpu.vector_load %arg6[%parallel_loop3A_1951, %parallel_loop3A_1952] {strides = array<i32>} : memref<80x256xf32, #tpu.memory_space<vmem>>, vector<1x16xf32>,
        %parallel_loop3A_1954 = vector.shape_cast %parallel_loop3A_1953 : vector<1x16xf32> to vector<16xf32>
        %parallel_loop3A_1955 = arith.addf %parallel_loop3A_1946, %parallel_loop3A_1954 : vector<16xf32>
        %parallel_loop3A_1956 = arith.constant 8 : i32
        %parallel_loop3A_1957 = arith.muli %add3A_565, %parallel_loop3A_1956 : i32
        %parallel_loop3A_1958 = arith.addi %parallel_loop3A_1957, %parallel_loop3A_633 : i32
        %parallel_loop3A_1959 = arith.index_cast %parallel_loop3A_1958 : i32 to index
        %parallel_loop3A_1960 = arith.constant 208 : index
        %parallel_loop3A_1961 = tpu.vector_load %arg8[%parallel_loop3A_1959, %parallel_loop3A_1960] {strides = array<i32>} : memref<128x256xf32, #tpu.memory_space<vmem>>, vector<1x16xf32>,
        %parallel_loop3A_1962 = vector.shape_cast %parallel_loop3A_1961 : vector<1x16xf32> to vector<16xf32>
        %parallel_loop3A_1963 = vector.shape_cast %parallel_loop3A_1955 : vector<16xf32> to vector<1x16xf32>
        tpu.vector_store %arg8[%parallel_loop3A_1959, %parallel_loop3A_1960], %parallel_loop3A_1963 {strides = array<i32>} : memref<128x256xf32, #tpu.memory_space<vmem>>, vector<1x16xf32>,
        %parallel_loop3A_1964 = arith.constant 10 : i32
        %parallel_loop3A_1965 = arith.muli %parallel_loop3A_633, %parallel_loop3A_1964 : i32
        %parallel_loop3A_1966 = arith.index_cast %parallel_loop3A_1965 : i32 to index
        %parallel_loop3A_1967 = arith.constant 224 : index
        %parallel_loop3A_1968 = tpu.vector_load %arg6[%parallel_loop3A_1966, %parallel_loop3A_1967] {strides = array<i32>} : memref<80x256xf32, #tpu.memory_space<vmem>>, vector<1x16xf32>,
        %parallel_loop3A_1969 = vector.shape_cast %parallel_loop3A_1968 : vector<1x16xf32> to vector<16xf32>
        %parallel_loop3A_1970 = arith.constant 10 : i32
        %parallel_loop3A_1971 = arith.muli %parallel_loop3A_633, %parallel_loop3A_1970 : i32
        %parallel_loop3A_1972 = arith.constant 1 : i32
        %parallel_loop3A_1973 = arith.addi %parallel_loop3A_1971, %parallel_loop3A_1972 : i32
        %parallel_loop3A_1974 = arith.index_cast %parallel_loop3A_1973 : i32 to index
        %parallel_loop3A_1975 = arith.constant 224 : index
        %parallel_loop3A_1976 = tpu.vector_load %arg6[%parallel_loop3A_1974, %parallel_loop3A_1975] {strides = array<i32>} : memref<80x256xf32, #tpu.memory_space<vmem>>, vector<1x16xf32>,
        %parallel_loop3A_1977 = vector.shape_cast %parallel_loop3A_1976 : vector<1x16xf32> to vector<16xf32>
        %parallel_loop3A_1978 = arith.addf %parallel_loop3A_1969, %parallel_loop3A_1977 : vector<16xf32>
        %parallel_loop3A_1979 = arith.constant 10 : i32
        %parallel_loop3A_1980 = arith.muli %parallel_loop3A_633, %parallel_loop3A_1979 : i32
        %parallel_loop3A_1981 = arith.constant 2 : i32
        %parallel_loop3A_1982 = arith.addi %parallel_loop3A_1980, %parallel_loop3A_1981 : i32
        %parallel_loop3A_1983 = arith.index_cast %parallel_loop3A_1982 : i32 to index
        %parallel_loop3A_1984 = arith.constant 224 : index
        %parallel_loop3A_1985 = tpu.vector_load %arg6[%parallel_loop3A_1983, %parallel_loop3A_1984] {strides = array<i32>} : memref<80x256xf32, #tpu.memory_space<vmem>>, vector<1x16xf32>,
        %parallel_loop3A_1986 = vector.shape_cast %parallel_loop3A_1985 : vector<1x16xf32> to vector<16xf32>
        %parallel_loop3A_1987 = arith.addf %parallel_loop3A_1978, %parallel_loop3A_1986 : vector<16xf32>
        %parallel_loop3A_1988 = arith.constant 10 : i32
        %parallel_loop3A_1989 = arith.muli %parallel_loop3A_633, %parallel_loop3A_1988 : i32
        %parallel_loop3A_1990 = arith.constant 3 : i32
        %parallel_loop3A_1991 = arith.addi %parallel_loop3A_1989, %parallel_loop3A_1990 : i32
        %parallel_loop3A_1992 = arith.index_cast %parallel_loop3A_1991 : i32 to index
        %parallel_loop3A_1993 = arith.constant 224 : index
        %parallel_loop3A_1994 = tpu.vector_load %arg6[%parallel_loop3A_1992, %parallel_loop3A_1993] {strides = array<i32>} : memref<80x256xf32, #tpu.memory_space<vmem>>, vector<1x16xf32>,
        %parallel_loop3A_1995 = vector.shape_cast %parallel_loop3A_1994 : vector<1x16xf32> to vector<16xf32>
        %parallel_loop3A_1996 = arith.addf %parallel_loop3A_1987, %parallel_loop3A_1995 : vector<16xf32>
        %parallel_loop3A_1997 = arith.constant 10 : i32
        %parallel_loop3A_1998 = arith.muli %parallel_loop3A_633, %parallel_loop3A_1997 : i32
        %parallel_loop3A_1999 = arith.constant 4 : i32
        %parallel_loop3A_2000 = arith.addi %parallel_loop3A_1998, %parallel_loop3A_1999 : i32
        %parallel_loop3A_2001 = arith.index_cast %parallel_loop3A_2000 : i32 to index
        %parallel_loop3A_2002 = arith.constant 224 : index
        %parallel_loop3A_2003 = tpu.vector_load %arg6[%parallel_loop3A_2001, %parallel_loop3A_2002] {strides = array<i32>} : memref<80x256xf32, #tpu.memory_space<vmem>>, vector<1x16xf32>,
        %parallel_loop3A_2004 = vector.shape_cast %parallel_loop3A_2003 : vector<1x16xf32> to vector<16xf32>
        %parallel_loop3A_2005 = arith.addf %parallel_loop3A_1996, %parallel_loop3A_2004 : vector<16xf32>
        %parallel_loop3A_2006 = arith.constant 10 : i32
        %parallel_loop3A_2007 = arith.muli %parallel_loop3A_633, %parallel_loop3A_2006 : i32
        %parallel_loop3A_2008 = arith.constant 5 : i32
        %parallel_loop3A_2009 = arith.addi %parallel_loop3A_2007, %parallel_loop3A_2008 : i32
        %parallel_loop3A_2010 = arith.index_cast %parallel_loop3A_2009 : i32 to index
        %parallel_loop3A_2011 = arith.constant 224 : index
        %parallel_loop3A_2012 = tpu.vector_load %arg6[%parallel_loop3A_2010, %parallel_loop3A_2011] {strides = array<i32>} : memref<80x256xf32, #tpu.memory_space<vmem>>, vector<1x16xf32>,
        %parallel_loop3A_2013 = vector.shape_cast %parallel_loop3A_2012 : vector<1x16xf32> to vector<16xf32>
        %parallel_loop3A_2014 = arith.addf %parallel_loop3A_2005, %parallel_loop3A_2013 : vector<16xf32>
        %parallel_loop3A_2015 = arith.constant 10 : i32
        %parallel_loop3A_2016 = arith.muli %parallel_loop3A_633, %parallel_loop3A_2015 : i32
        %parallel_loop3A_2017 = arith.constant 6 : i32
        %parallel_loop3A_2018 = arith.addi %parallel_loop3A_2016, %parallel_loop3A_2017 : i32
        %parallel_loop3A_2019 = arith.index_cast %parallel_loop3A_2018 : i32 to index
        %parallel_loop3A_2020 = arith.constant 224 : index
        %parallel_loop3A_2021 = tpu.vector_load %arg6[%parallel_loop3A_2019, %parallel_loop3A_2020] {strides = array<i32>} : memref<80x256xf32, #tpu.memory_space<vmem>>, vector<1x16xf32>,
        %parallel_loop3A_2022 = vector.shape_cast %parallel_loop3A_2021 : vector<1x16xf32> to vector<16xf32>
        %parallel_loop3A_2023 = arith.addf %parallel_loop3A_2014, %parallel_loop3A_2022 : vector<16xf32>
        %parallel_loop3A_2024 = arith.constant 10 : i32
        %parallel_loop3A_2025 = arith.muli %parallel_loop3A_633, %parallel_loop3A_2024 : i32
        %parallel_loop3A_2026 = arith.constant 7 : i32
        %parallel_loop3A_2027 = arith.addi %parallel_loop3A_2025, %parallel_loop3A_2026 : i32
        %parallel_loop3A_2028 = arith.index_cast %parallel_loop3A_2027 : i32 to index
        %parallel_loop3A_2029 = arith.constant 224 : index
        %parallel_loop3A_2030 = tpu.vector_load %arg6[%parallel_loop3A_2028, %parallel_loop3A_2029] {strides = array<i32>} : memref<80x256xf32, #tpu.memory_space<vmem>>, vector<1x16xf32>,
        %parallel_loop3A_2031 = vector.shape_cast %parallel_loop3A_2030 : vector<1x16xf32> to vector<16xf32>
        %parallel_loop3A_2032 = arith.addf %parallel_loop3A_2023, %parallel_loop3A_2031 : vector<16xf32>
        %parallel_loop3A_2033 = arith.constant 10 : i32
        %parallel_loop3A_2034 = arith.muli %parallel_loop3A_633, %parallel_loop3A_2033 : i32
        %parallel_loop3A_2035 = arith.constant 8 : i32
        %parallel_loop3A_2036 = arith.addi %parallel_loop3A_2034, %parallel_loop3A_2035 : i32
        %parallel_loop3A_2037 = arith.index_cast %parallel_loop3A_2036 : i32 to index
        %parallel_loop3A_2038 = arith.constant 224 : index
        %parallel_loop3A_2039 = tpu.vector_load %arg6[%parallel_loop3A_2037, %parallel_loop3A_2038] {strides = array<i32>} : memref<80x256xf32, #tpu.memory_space<vmem>>, vector<1x16xf32>,
        %parallel_loop3A_2040 = vector.shape_cast %parallel_loop3A_2039 : vector<1x16xf32> to vector<16xf32>
        %parallel_loop3A_2041 = arith.addf %parallel_loop3A_2032, %parallel_loop3A_2040 : vector<16xf32>
        %parallel_loop3A_2042 = arith.constant 10 : i32
        %parallel_loop3A_2043 = arith.muli %parallel_loop3A_633, %parallel_loop3A_2042 : i32
        %parallel_loop3A_2044 = arith.constant 9 : i32
        %parallel_loop3A_2045 = arith.addi %parallel_loop3A_2043, %parallel_loop3A_2044 : i32
        %parallel_loop3A_2046 = arith.index_cast %parallel_loop3A_2045 : i32 to index
        %parallel_loop3A_2047 = arith.constant 224 : index
        %parallel_loop3A_2048 = tpu.vector_load %arg6[%parallel_loop3A_2046, %parallel_loop3A_2047] {strides = array<i32>} : memref<80x256xf32, #tpu.memory_space<vmem>>, vector<1x16xf32>,
        %parallel_loop3A_2049 = vector.shape_cast %parallel_loop3A_2048 : vector<1x16xf32> to vector<16xf32>
        %parallel_loop3A_2050 = arith.addf %parallel_loop3A_2041, %parallel_loop3A_2049 : vector<16xf32>
        %parallel_loop3A_2051 = arith.constant 8 : i32
        %parallel_loop3A_2052 = arith.muli %add3A_565, %parallel_loop3A_2051 : i32
        %parallel_loop3A_2053 = arith.addi %parallel_loop3A_2052, %parallel_loop3A_633 : i32
        %parallel_loop3A_2054 = arith.index_cast %parallel_loop3A_2053 : i32 to index
        %parallel_loop3A_2055 = arith.constant 224 : index
        %parallel_loop3A_2056 = tpu.vector_load %arg8[%parallel_loop3A_2054, %parallel_loop3A_2055] {strides = array<i32>} : memref<128x256xf32, #tpu.memory_space<vmem>>, vector<1x16xf32>,
        %parallel_loop3A_2057 = vector.shape_cast %parallel_loop3A_2056 : vector<1x16xf32> to vector<16xf32>
        %parallel_loop3A_2058 = vector.shape_cast %parallel_loop3A_2050 : vector<16xf32> to vector<1x16xf32>
        tpu.vector_store %arg8[%parallel_loop3A_2054, %parallel_loop3A_2055], %parallel_loop3A_2058 {strides = array<i32>} : memref<128x256xf32, #tpu.memory_space<vmem>>, vector<1x16xf32>,
        %parallel_loop3A_2059 = arith.constant 10 : i32
        %parallel_loop3A_2060 = arith.muli %parallel_loop3A_633, %parallel_loop3A_2059 : i32
        %parallel_loop3A_2061 = arith.index_cast %parallel_loop3A_2060 : i32 to index
        %parallel_loop3A_2062 = arith.constant 240 : index
        %parallel_loop3A_2063 = tpu.vector_load %arg6[%parallel_loop3A_2061, %parallel_loop3A_2062] {strides = array<i32>} : memref<80x256xf32, #tpu.memory_space<vmem>>, vector<1x16xf32>,
        %parallel_loop3A_2064 = vector.shape_cast %parallel_loop3A_2063 : vector<1x16xf32> to vector<16xf32>
        %parallel_loop3A_2065 = arith.constant 10 : i32
        %parallel_loop3A_2066 = arith.muli %parallel_loop3A_633, %parallel_loop3A_2065 : i32
        %parallel_loop3A_2067 = arith.constant 1 : i32
        %parallel_loop3A_2068 = arith.addi %parallel_loop3A_2066, %parallel_loop3A_2067 : i32
        %parallel_loop3A_2069 = arith.index_cast %parallel_loop3A_2068 : i32 to index
        %parallel_loop3A_2070 = arith.constant 240 : index
        %parallel_loop3A_2071 = tpu.vector_load %arg6[%parallel_loop3A_2069, %parallel_loop3A_2070] {strides = array<i32>} : memref<80x256xf32, #tpu.memory_space<vmem>>, vector<1x16xf32>,
        %parallel_loop3A_2072 = vector.shape_cast %parallel_loop3A_2071 : vector<1x16xf32> to vector<16xf32>
        %parallel_loop3A_2073 = arith.addf %parallel_loop3A_2064, %parallel_loop3A_2072 : vector<16xf32>
        %parallel_loop3A_2074 = arith.constant 10 : i32
        %parallel_loop3A_2075 = arith.muli %parallel_loop3A_633, %parallel_loop3A_2074 : i32
        %parallel_loop3A_2076 = arith.constant 2 : i32
        %parallel_loop3A_2077 = arith.addi %parallel_loop3A_2075, %parallel_loop3A_2076 : i32
        %parallel_loop3A_2078 = arith.index_cast %parallel_loop3A_2077 : i32 to index
        %parallel_loop3A_2079 = arith.constant 240 : index
        %parallel_loop3A_2080 = tpu.vector_load %arg6[%parallel_loop3A_2078, %parallel_loop3A_2079] {strides = array<i32>} : memref<80x256xf32, #tpu.memory_space<vmem>>, vector<1x16xf32>,
        %parallel_loop3A_2081 = vector.shape_cast %parallel_loop3A_2080 : vector<1x16xf32> to vector<16xf32>
        %parallel_loop3A_2082 = arith.addf %parallel_loop3A_2073, %parallel_loop3A_2081 : vector<16xf32>
        %parallel_loop3A_2083 = arith.constant 10 : i32
        %parallel_loop3A_2084 = arith.muli %parallel_loop3A_633, %parallel_loop3A_2083 : i32
        %parallel_loop3A_2085 = arith.constant 3 : i32
        %parallel_loop3A_2086 = arith.addi %parallel_loop3A_2084, %parallel_loop3A_2085 : i32
        %parallel_loop3A_2087 = arith.index_cast %parallel_loop3A_2086 : i32 to index
        %parallel_loop3A_2088 = arith.constant 240 : index
        %parallel_loop3A_2089 = tpu.vector_load %arg6[%parallel_loop3A_2087, %parallel_loop3A_2088] {strides = array<i32>} : memref<80x256xf32, #tpu.memory_space<vmem>>, vector<1x16xf32>,
        %parallel_loop3A_2090 = vector.shape_cast %parallel_loop3A_2089 : vector<1x16xf32> to vector<16xf32>
        %parallel_loop3A_2091 = arith.addf %parallel_loop3A_2082, %parallel_loop3A_2090 : vector<16xf32>
        %parallel_loop3A_2092 = arith.constant 10 : i32
        %parallel_loop3A_2093 = arith.muli %parallel_loop3A_633, %parallel_loop3A_2092 : i32
        %parallel_loop3A_2094 = arith.constant 4 : i32
        %parallel_loop3A_2095 = arith.addi %parallel_loop3A_2093, %parallel_loop3A_2094 : i32
        %parallel_loop3A_2096 = arith.index_cast %parallel_loop3A_2095 : i32 to index
        %parallel_loop3A_2097 = arith.constant 240 : index
        %parallel_loop3A_2098 = tpu.vector_load %arg6[%parallel_loop3A_2096, %parallel_loop3A_2097] {strides = array<i32>} : memref<80x256xf32, #tpu.memory_space<vmem>>, vector<1x16xf32>,
        %parallel_loop3A_2099 = vector.shape_cast %parallel_loop3A_2098 : vector<1x16xf32> to vector<16xf32>
        %parallel_loop3A_2100 = arith.addf %parallel_loop3A_2091, %parallel_loop3A_2099 : vector<16xf32>
        %parallel_loop3A_2101 = arith.constant 10 : i32
        %parallel_loop3A_2102 = arith.muli %parallel_loop3A_633, %parallel_loop3A_2101 : i32
        %parallel_loop3A_2103 = arith.constant 5 : i32
        %parallel_loop3A_2104 = arith.addi %parallel_loop3A_2102, %parallel_loop3A_2103 : i32
        %parallel_loop3A_2105 = arith.index_cast %parallel_loop3A_2104 : i32 to index
        %parallel_loop3A_2106 = arith.constant 240 : index
        %parallel_loop3A_2107 = tpu.vector_load %arg6[%parallel_loop3A_2105, %parallel_loop3A_2106] {strides = array<i32>} : memref<80x256xf32, #tpu.memory_space<vmem>>, vector<1x16xf32>,
        %parallel_loop3A_2108 = vector.shape_cast %parallel_loop3A_2107 : vector<1x16xf32> to vector<16xf32>
        %parallel_loop3A_2109 = arith.addf %parallel_loop3A_2100, %parallel_loop3A_2108 : vector<16xf32>
        %parallel_loop3A_2110 = arith.constant 10 : i32
        %parallel_loop3A_2111 = arith.muli %parallel_loop3A_633, %parallel_loop3A_2110 : i32
        %parallel_loop3A_2112 = arith.constant 6 : i32
        %parallel_loop3A_2113 = arith.addi %parallel_loop3A_2111, %parallel_loop3A_2112 : i32
        %parallel_loop3A_2114 = arith.index_cast %parallel_loop3A_2113 : i32 to index
        %parallel_loop3A_2115 = arith.constant 240 : index
        %parallel_loop3A_2116 = tpu.vector_load %arg6[%parallel_loop3A_2114, %parallel_loop3A_2115] {strides = array<i32>} : memref<80x256xf32, #tpu.memory_space<vmem>>, vector<1x16xf32>,
        %parallel_loop3A_2117 = vector.shape_cast %parallel_loop3A_2116 : vector<1x16xf32> to vector<16xf32>
        %parallel_loop3A_2118 = arith.addf %parallel_loop3A_2109, %parallel_loop3A_2117 : vector<16xf32>
        %parallel_loop3A_2119 = arith.constant 10 : i32
        %parallel_loop3A_2120 = arith.muli %parallel_loop3A_633, %parallel_loop3A_2119 : i32
        %parallel_loop3A_2121 = arith.constant 7 : i32
        %parallel_loop3A_2122 = arith.addi %parallel_loop3A_2120, %parallel_loop3A_2121 : i32
        %parallel_loop3A_2123 = arith.index_cast %parallel_loop3A_2122 : i32 to index
        %parallel_loop3A_2124 = arith.constant 240 : index
        %parallel_loop3A_2125 = tpu.vector_load %arg6[%parallel_loop3A_2123, %parallel_loop3A_2124] {strides = array<i32>} : memref<80x256xf32, #tpu.memory_space<vmem>>, vector<1x16xf32>,
        %parallel_loop3A_2126 = vector.shape_cast %parallel_loop3A_2125 : vector<1x16xf32> to vector<16xf32>
        %parallel_loop3A_2127 = arith.addf %parallel_loop3A_2118, %parallel_loop3A_2126 : vector<16xf32>
        %parallel_loop3A_2128 = arith.constant 10 : i32
        %parallel_loop3A_2129 = arith.muli %parallel_loop3A_633, %parallel_loop3A_2128 : i32
        %parallel_loop3A_2130 = arith.constant 8 : i32
        %parallel_loop3A_2131 = arith.addi %parallel_loop3A_2129, %parallel_loop3A_2130 : i32
        %parallel_loop3A_2132 = arith.index_cast %parallel_loop3A_2131 : i32 to index
        %parallel_loop3A_2133 = arith.constant 240 : index
        %parallel_loop3A_2134 = tpu.vector_load %arg6[%parallel_loop3A_2132, %parallel_loop3A_2133] {strides = array<i32>} : memref<80x256xf32, #tpu.memory_space<vmem>>, vector<1x16xf32>,
        %parallel_loop3A_2135 = vector.shape_cast %parallel_loop3A_2134 : vector<1x16xf32> to vector<16xf32>
        %parallel_loop3A_2136 = arith.addf %parallel_loop3A_2127, %parallel_loop3A_2135 : vector<16xf32>
        %parallel_loop3A_2137 = arith.constant 10 : i32
        %parallel_loop3A_2138 = arith.muli %parallel_loop3A_633, %parallel_loop3A_2137 : i32
        %parallel_loop3A_2139 = arith.constant 9 : i32
        %parallel_loop3A_2140 = arith.addi %parallel_loop3A_2138, %parallel_loop3A_2139 : i32
        %parallel_loop3A_2141 = arith.index_cast %parallel_loop3A_2140 : i32 to index
        %parallel_loop3A_2142 = arith.constant 240 : index
        %parallel_loop3A_2143 = tpu.vector_load %arg6[%parallel_loop3A_2141, %parallel_loop3A_2142] {strides = array<i32>} : memref<80x256xf32, #tpu.memory_space<vmem>>, vector<1x16xf32>,
        %parallel_loop3A_2144 = vector.shape_cast %parallel_loop3A_2143 : vector<1x16xf32> to vector<16xf32>
        %parallel_loop3A_2145 = arith.addf %parallel_loop3A_2136, %parallel_loop3A_2144 : vector<16xf32>
        %parallel_loop3A_2146 = arith.constant 8 : i32
        %parallel_loop3A_2147 = arith.muli %add3A_565, %parallel_loop3A_2146 : i32
        %parallel_loop3A_2148 = arith.addi %parallel_loop3A_2147, %parallel_loop3A_633 : i32
        %parallel_loop3A_2149 = arith.index_cast %parallel_loop3A_2148 : i32 to index
        %parallel_loop3A_2150 = arith.constant 240 : index
        %parallel_loop3A_2151 = tpu.vector_load %arg8[%parallel_loop3A_2149, %parallel_loop3A_2150] {strides = array<i32>} : memref<128x256xf32, #tpu.memory_space<vmem>>, vector<1x16xf32>,
        %parallel_loop3A_2152 = vector.shape_cast %parallel_loop3A_2151 : vector<1x16xf32> to vector<16xf32>
        %parallel_loop3A_2153 = vector.shape_cast %parallel_loop3A_2145 : vector<16xf32> to vector<1x16xf32>
        tpu.vector_store %arg8[%parallel_loop3A_2149, %parallel_loop3A_2150], %parallel_loop3A_2153 {strides = array<i32>} : memref<128x256xf32, #tpu.memory_space<vmem>>, vector<1x16xf32>,
      } {sc.loop_unroll_factor = 1 : i64, sc.parallel_access}
      %mul3A_580 = arith.constant 8 : i32
      %mul3A_581 = arith.muli %add3A_565, %mul3A_580 : i32
      %mul3A_582 = arith.constant 128 : i32
      %mul3A_583 = arith.muli %add3A, %mul3A_582 : i32
      %mul3A_584 = arith.constant 8 : i32
      %mul3A_585 = arith.muli %add3A_565, %mul3A_584 : i32
      %add3A_586 = arith.addi %mul3A_583, %mul3A_585 : i32
      %dma_start3A_587 = arith.constant 0 : i32
      %dma_start3A_588 = tpu.memref_slice %arg8[%mul3A_581, %dma_start3A_587] : memref<128x256xf32, #tpu.memory_space<vmem>> -> memref<8x256xf32, #tpu.memory_space<vmem>>
      %dma_start3A_589 = arith.constant 0 : i32
      %dma_start3A_590 = tpu.memref_slice %arg4[%add3A_586, %dma_start3A_589] : memref<4096x256xf32, #tpu.memory_space<hbm>> -> memref<8x256xf32, #tpu.memory_space<hbm>>
      %dma_start3A_591 = arith.constant 0 : i32
      %dma_start3A_592 = tpu.memref_slice %arg4[%add3A_586, %dma_start3A_591] : memref<4096x256xf32, #tpu.memory_space<hbm>> -> memref<8x256xf32, #tpu.memory_space<hbm>>
      %dma_start3A_593 = arith.constant 0 : i32
      %dma_start3A_594 = tpu.memref_slice %arg8[%mul3A_581, %dma_start3A_593] : memref<128x256xf32, #tpu.memory_space<vmem>> -> memref<8x256xf32, #tpu.memory_space<vmem>>
      tpu.enqueue_dma source(%dma_start3A_594 : memref<8x256xf32, #tpu.memory_space<vmem>>) target(%dma_start3A_592 : memref<8x256xf32, #tpu.memory_space<hbm>>) target_semaphore(%arg12 : memref<!tpu.dma_semaphore, #tpu.memory_space<semaphore_mem>>)
      %mul3A_595 = arith.constant 2 : i32
      %mul3A_596 = arith.muli %mul3A_595, %scan3A_561 : i32
      %add3A_597 = arith.constant 1 : i32
      %add3A_598 = arith.addi %mul3A_596, %add3A_597 : i32
      %add3A_599 = arith.constant 2 : i32
      %add3A_600 = arith.addi %add3A_598, %add3A_599 : i32
      %sub3A_601 = arith.constant 1 : i32
      %sub3A_602 = arith.subi %add3A_600, %sub3A_601 : i32
      %lt3A_603 = arith.constant 16 : i32
      %lt3A_604 = arith.cmpi slt, %sub3A_602, %lt3A_603 : i32
      %convert_element_type3A_605 = arith.extui %lt3A_604 : i1 to i32
      %cond3A_606 = arith.constant 0 : i32
      %cond3A_607 = arith.cmpi ne, %convert_element_type3A_605, %cond3A_606 : i32
      scf.if %cond3A_607 {
        %dma_start3A_633 = arith.constant 0 : i32
        %dma_start3A_634 = tpu.memref_slice %arg5[%sub3A_602, %dma_start3A_633] : memref<16x80xi32, #tpu.memory_space<vmem>> -> memref<1x80xi32, #tpu.memory_space<vmem>>
        %dma_start3A_635 = tpu.memref_squeeze %dma_start3A_634 : memref<1x80xi32, #tpu.memory_space<vmem>> -> memref<80xi32, #tpu.memory_space<vmem>>
        %dma_start3A_636 = arith.constant 0 : i32
        %dma_start3A_637 = arith.constant 0 : i32
        %dma_start3A_638 = tpu.memref_slice %arg3[%dma_start3A_636, %dma_start3A_637] : memref<50000x256xf32, #tpu.memory_space<hbm>> -> memref<50000x256xf32, #tpu.memory_space<hbm>>
        tpu.enqueue_indirect_dma source(%dma_start3A_638 : memref<50000x256xf32, #tpu.memory_space<hbm>>) target(%arg6 : memref<80x256xf32, #tpu.memory_space<vmem>>) offsets(%dma_start3A_635 : memref<80xi32, #tpu.memory_space<vmem>>) semaphore(%arg9 : memref<!tpu.dma_semaphore, #tpu.memory_space<semaphore_mem>>)
      } else {
      }
      %dma_wait3A_608 = arith.constant 0 : i32
      %dma_wait3A_609 = arith.constant 0 : i32
      %dma_wait3A_610 = tpu.memref_slice %arg5[%dma_wait3A_608, %dma_wait3A_609] : memref<16x80xi32, #tpu.memory_space<vmem>> -> memref<1x80xi32, #tpu.memory_space<vmem>>
      %dma_wait3A_611 = tpu.memref_squeeze %dma_wait3A_610 : memref<1x80xi32, #tpu.memory_space<vmem>> -> memref<80xi32, #tpu.memory_space<vmem>>
      %dma_wait3A_612 = arith.constant 0 : i32
      %dma_wait3A_613 = arith.constant 0 : i32
      %dma_wait3A_614 = tpu.memref_slice %arg3[%dma_wait3A_612, %dma_wait3A_613] : memref<50000x256xf32, #tpu.memory_space<hbm>> -> memref<50000x256xf32, #tpu.memory_space<hbm>>
      tpu.wait_indirect_dma semaphore(%arg10 : memref<!tpu.dma_semaphore, #tpu.memory_space<semaphore_mem>>) src(%dma_wait3A_614 : memref<50000x256xf32, #tpu.memory_space<hbm>>) dst(%arg7 : memref<80x256xf32, #tpu.memory_space<vmem>>)
      %parallel_loop3A_615 = arith.constant 0 : i32
      %parallel_loop3A_616 = arith.constant 8 : i32
      %parallel_loop3A_617 = arith.constant 1 : i32
      scf.for %parallel_loop3A_633 = %parallel_loop3A_615 to %parallel_loop3A_616 step %parallel_loop3A_617  : i32 {
        %parallel_loop3A_634 = arith.constant 10 : i32
        %parallel_loop3A_635 = arith.muli %parallel_loop3A_633, %parallel_loop3A_634 : i32
        %parallel_loop3A_636 = arith.index_cast %parallel_loop3A_635 : i32 to index
        %parallel_loop3A_637 = arith.constant 0 : index
        %parallel_loop3A_638 = tpu.vector_load %arg7[%parallel_loop3A_636, %parallel_loop3A_637] {strides = array<i32>} : memref<80x256xf32, #tpu.memory_space<vmem>>, vector<1x16xf32>,
        %parallel_loop3A_639 = vector.shape_cast %parallel_loop3A_638 : vector<1x16xf32> to vector<16xf32>
        %parallel_loop3A_640 = arith.constant 10 : i32
        %parallel_loop3A_641 = arith.muli %parallel_loop3A_633, %parallel_loop3A_640 : i32
        %parallel_loop3A_642 = arith.constant 1 : i32
        %parallel_loop3A_643 = arith.addi %parallel_loop3A_641, %parallel_loop3A_642 : i32
        %parallel_loop3A_644 = arith.index_cast %parallel_loop3A_643 : i32 to index
        %parallel_loop3A_645 = arith.constant 0 : index
        %parallel_loop3A_646 = tpu.vector_load %arg7[%parallel_loop3A_644, %parallel_loop3A_645] {strides = array<i32>} : memref<80x256xf32, #tpu.memory_space<vmem>>, vector<1x16xf32>,
        %parallel_loop3A_647 = vector.shape_cast %parallel_loop3A_646 : vector<1x16xf32> to vector<16xf32>
        %parallel_loop3A_648 = arith.addf %parallel_loop3A_639, %parallel_loop3A_647 : vector<16xf32>
        %parallel_loop3A_649 = arith.constant 10 : i32
        %parallel_loop3A_650 = arith.muli %parallel_loop3A_633, %parallel_loop3A_649 : i32
        %parallel_loop3A_651 = arith.constant 2 : i32
        %parallel_loop3A_652 = arith.addi %parallel_loop3A_650, %parallel_loop3A_651 : i32
        %parallel_loop3A_653 = arith.index_cast %parallel_loop3A_652 : i32 to index
        %parallel_loop3A_654 = arith.constant 0 : index
        %parallel_loop3A_655 = tpu.vector_load %arg7[%parallel_loop3A_653, %parallel_loop3A_654] {strides = array<i32>} : memref<80x256xf32, #tpu.memory_space<vmem>>, vector<1x16xf32>,
        %parallel_loop3A_656 = vector.shape_cast %parallel_loop3A_655 : vector<1x16xf32> to vector<16xf32>
        %parallel_loop3A_657 = arith.addf %parallel_loop3A_648, %parallel_loop3A_656 : vector<16xf32>
        %parallel_loop3A_658 = arith.constant 10 : i32
        %parallel_loop3A_659 = arith.muli %parallel_loop3A_633, %parallel_loop3A_658 : i32
        %parallel_loop3A_660 = arith.constant 3 : i32
        %parallel_loop3A_661 = arith.addi %parallel_loop3A_659, %parallel_loop3A_660 : i32
        %parallel_loop3A_662 = arith.index_cast %parallel_loop3A_661 : i32 to index
        %parallel_loop3A_663 = arith.constant 0 : index
        %parallel_loop3A_664 = tpu.vector_load %arg7[%parallel_loop3A_662, %parallel_loop3A_663] {strides = array<i32>} : memref<80x256xf32, #tpu.memory_space<vmem>>, vector<1x16xf32>,
        %parallel_loop3A_665 = vector.shape_cast %parallel_loop3A_664 : vector<1x16xf32> to vector<16xf32>
        %parallel_loop3A_666 = arith.addf %parallel_loop3A_657, %parallel_loop3A_665 : vector<16xf32>
        %parallel_loop3A_667 = arith.constant 10 : i32
        %parallel_loop3A_668 = arith.muli %parallel_loop3A_633, %parallel_loop3A_667 : i32
        %parallel_loop3A_669 = arith.constant 4 : i32
        %parallel_loop3A_670 = arith.addi %parallel_loop3A_668, %parallel_loop3A_669 : i32
        %parallel_loop3A_671 = arith.index_cast %parallel_loop3A_670 : i32 to index
        %parallel_loop3A_672 = arith.constant 0 : index
        %parallel_loop3A_673 = tpu.vector_load %arg7[%parallel_loop3A_671, %parallel_loop3A_672] {strides = array<i32>} : memref<80x256xf32, #tpu.memory_space<vmem>>, vector<1x16xf32>,
        %parallel_loop3A_674 = vector.shape_cast %parallel_loop3A_673 : vector<1x16xf32> to vector<16xf32>
        %parallel_loop3A_675 = arith.addf %parallel_loop3A_666, %parallel_loop3A_674 : vector<16xf32>
        %parallel_loop3A_676 = arith.constant 10 : i32
        %parallel_loop3A_677 = arith.muli %parallel_loop3A_633, %parallel_loop3A_676 : i32
        %parallel_loop3A_678 = arith.constant 5 : i32
        %parallel_loop3A_679 = arith.addi %parallel_loop3A_677, %parallel_loop3A_678 : i32
        %parallel_loop3A_680 = arith.index_cast %parallel_loop3A_679 : i32 to index
        %parallel_loop3A_681 = arith.constant 0 : index
        %parallel_loop3A_682 = tpu.vector_load %arg7[%parallel_loop3A_680, %parallel_loop3A_681] {strides = array<i32>} : memref<80x256xf32, #tpu.memory_space<vmem>>, vector<1x16xf32>,
        %parallel_loop3A_683 = vector.shape_cast %parallel_loop3A_682 : vector<1x16xf32> to vector<16xf32>
        %parallel_loop3A_684 = arith.addf %parallel_loop3A_675, %parallel_loop3A_683 : vector<16xf32>
        %parallel_loop3A_685 = arith.constant 10 : i32
        %parallel_loop3A_686 = arith.muli %parallel_loop3A_633, %parallel_loop3A_685 : i32
        %parallel_loop3A_687 = arith.constant 6 : i32
        %parallel_loop3A_688 = arith.addi %parallel_loop3A_686, %parallel_loop3A_687 : i32
        %parallel_loop3A_689 = arith.index_cast %parallel_loop3A_688 : i32 to index
        %parallel_loop3A_690 = arith.constant 0 : index
        %parallel_loop3A_691 = tpu.vector_load %arg7[%parallel_loop3A_689, %parallel_loop3A_690] {strides = array<i32>} : memref<80x256xf32, #tpu.memory_space<vmem>>, vector<1x16xf32>,
        %parallel_loop3A_692 = vector.shape_cast %parallel_loop3A_691 : vector<1x16xf32> to vector<16xf32>
        %parallel_loop3A_693 = arith.addf %parallel_loop3A_684, %parallel_loop3A_692 : vector<16xf32>
        %parallel_loop3A_694 = arith.constant 10 : i32
        %parallel_loop3A_695 = arith.muli %parallel_loop3A_633, %parallel_loop3A_694 : i32
        %parallel_loop3A_696 = arith.constant 7 : i32
        %parallel_loop3A_697 = arith.addi %parallel_loop3A_695, %parallel_loop3A_696 : i32
        %parallel_loop3A_698 = arith.index_cast %parallel_loop3A_697 : i32 to index
        %parallel_loop3A_699 = arith.constant 0 : index
        %parallel_loop3A_700 = tpu.vector_load %arg7[%parallel_loop3A_698, %parallel_loop3A_699] {strides = array<i32>} : memref<80x256xf32, #tpu.memory_space<vmem>>, vector<1x16xf32>,
        %parallel_loop3A_701 = vector.shape_cast %parallel_loop3A_700 : vector<1x16xf32> to vector<16xf32>
        %parallel_loop3A_702 = arith.addf %parallel_loop3A_693, %parallel_loop3A_701 : vector<16xf32>
        %parallel_loop3A_703 = arith.constant 10 : i32
        %parallel_loop3A_704 = arith.muli %parallel_loop3A_633, %parallel_loop3A_703 : i32
        %parallel_loop3A_705 = arith.constant 8 : i32
        %parallel_loop3A_706 = arith.addi %parallel_loop3A_704, %parallel_loop3A_705 : i32
        %parallel_loop3A_707 = arith.index_cast %parallel_loop3A_706 : i32 to index
        %parallel_loop3A_708 = arith.constant 0 : index
        %parallel_loop3A_709 = tpu.vector_load %arg7[%parallel_loop3A_707, %parallel_loop3A_708] {strides = array<i32>} : memref<80x256xf32, #tpu.memory_space<vmem>>, vector<1x16xf32>,
        %parallel_loop3A_710 = vector.shape_cast %parallel_loop3A_709 : vector<1x16xf32> to vector<16xf32>
        %parallel_loop3A_711 = arith.addf %parallel_loop3A_702, %parallel_loop3A_710 : vector<16xf32>
        %parallel_loop3A_712 = arith.constant 10 : i32
        %parallel_loop3A_713 = arith.muli %parallel_loop3A_633, %parallel_loop3A_712 : i32
        %parallel_loop3A_714 = arith.constant 9 : i32
        %parallel_loop3A_715 = arith.addi %parallel_loop3A_713, %parallel_loop3A_714 : i32
        %parallel_loop3A_716 = arith.index_cast %parallel_loop3A_715 : i32 to index
        %parallel_loop3A_717 = arith.constant 0 : index
        %parallel_loop3A_718 = tpu.vector_load %arg7[%parallel_loop3A_716, %parallel_loop3A_717] {strides = array<i32>} : memref<80x256xf32, #tpu.memory_space<vmem>>, vector<1x16xf32>,
        %parallel_loop3A_719 = vector.shape_cast %parallel_loop3A_718 : vector<1x16xf32> to vector<16xf32>
        %parallel_loop3A_720 = arith.addf %parallel_loop3A_711, %parallel_loop3A_719 : vector<16xf32>
        %parallel_loop3A_721 = arith.constant 8 : i32
        %parallel_loop3A_722 = arith.muli %add3A_598, %parallel_loop3A_721 : i32
        %parallel_loop3A_723 = arith.addi %parallel_loop3A_722, %parallel_loop3A_633 : i32
        %parallel_loop3A_724 = arith.index_cast %parallel_loop3A_723 : i32 to index
        %parallel_loop3A_725 = arith.constant 0 : index
        %parallel_loop3A_726 = tpu.vector_load %arg8[%parallel_loop3A_724, %parallel_loop3A_725] {strides = array<i32>} : memref<128x256xf32, #tpu.memory_space<vmem>>, vector<1x16xf32>,
        %parallel_loop3A_727 = vector.shape_cast %parallel_loop3A_726 : vector<1x16xf32> to vector<16xf32>
        %parallel_loop3A_728 = vector.shape_cast %parallel_loop3A_720 : vector<16xf32> to vector<1x16xf32>
        tpu.vector_store %arg8[%parallel_loop3A_724, %parallel_loop3A_725], %parallel_loop3A_728 {strides = array<i32>} : memref<128x256xf32, #tpu.memory_space<vmem>>, vector<1x16xf32>,
        %parallel_loop3A_729 = arith.constant 10 : i32
        %parallel_loop3A_730 = arith.muli %parallel_loop3A_633, %parallel_loop3A_729 : i32
        %parallel_loop3A_731 = arith.index_cast %parallel_loop3A_730 : i32 to index
        %parallel_loop3A_732 = arith.constant 16 : index
        %parallel_loop3A_733 = tpu.vector_load %arg7[%parallel_loop3A_731, %parallel_loop3A_732] {strides = array<i32>} : memref<80x256xf32, #tpu.memory_space<vmem>>, vector<1x16xf32>,
        %parallel_loop3A_734 = vector.shape_cast %parallel_loop3A_733 : vector<1x16xf32> to vector<16xf32>
        %parallel_loop3A_735 = arith.constant 10 : i32
        %parallel_loop3A_736 = arith.muli %parallel_loop3A_633, %parallel_loop3A_735 : i32
        %parallel_loop3A_737 = arith.constant 1 : i32
        %parallel_loop3A_738 = arith.addi %parallel_loop3A_736, %parallel_loop3A_737 : i32
        %parallel_loop3A_739 = arith.index_cast %parallel_loop3A_738 : i32 to index
        %parallel_loop3A_740 = arith.constant 16 : index
        %parallel_loop3A_741 = tpu.vector_load %arg7[%parallel_loop3A_739, %parallel_loop3A_740] {strides = array<i32>} : memref<80x256xf32, #tpu.memory_space<vmem>>, vector<1x16xf32>,
        %parallel_loop3A_742 = vector.shape_cast %parallel_loop3A_741 : vector<1x16xf32> to vector<16xf32>
        %parallel_loop3A_743 = arith.addf %parallel_loop3A_734, %parallel_loop3A_742 : vector<16xf32>
        %parallel_loop3A_744 = arith.constant 10 : i32
        %parallel_loop3A_745 = arith.muli %parallel_loop3A_633, %parallel_loop3A_744 : i32
        %parallel_loop3A_746 = arith.constant 2 : i32
        %parallel_loop3A_747 = arith.addi %parallel_loop3A_745, %parallel_loop3A_746 : i32
        %parallel_loop3A_748 = arith.index_cast %parallel_loop3A_747 : i32 to index
        %parallel_loop3A_749 = arith.constant 16 : index
        %parallel_loop3A_750 = tpu.vector_load %arg7[%parallel_loop3A_748, %parallel_loop3A_749] {strides = array<i32>} : memref<80x256xf32, #tpu.memory_space<vmem>>, vector<1x16xf32>,
        %parallel_loop3A_751 = vector.shape_cast %parallel_loop3A_750 : vector<1x16xf32> to vector<16xf32>
        %parallel_loop3A_752 = arith.addf %parallel_loop3A_743, %parallel_loop3A_751 : vector<16xf32>
        %parallel_loop3A_753 = arith.constant 10 : i32
        %parallel_loop3A_754 = arith.muli %parallel_loop3A_633, %parallel_loop3A_753 : i32
        %parallel_loop3A_755 = arith.constant 3 : i32
        %parallel_loop3A_756 = arith.addi %parallel_loop3A_754, %parallel_loop3A_755 : i32
        %parallel_loop3A_757 = arith.index_cast %parallel_loop3A_756 : i32 to index
        %parallel_loop3A_758 = arith.constant 16 : index
        %parallel_loop3A_759 = tpu.vector_load %arg7[%parallel_loop3A_757, %parallel_loop3A_758] {strides = array<i32>} : memref<80x256xf32, #tpu.memory_space<vmem>>, vector<1x16xf32>,
        %parallel_loop3A_760 = vector.shape_cast %parallel_loop3A_759 : vector<1x16xf32> to vector<16xf32>
        %parallel_loop3A_761 = arith.addf %parallel_loop3A_752, %parallel_loop3A_760 : vector<16xf32>
        %parallel_loop3A_762 = arith.constant 10 : i32
        %parallel_loop3A_763 = arith.muli %parallel_loop3A_633, %parallel_loop3A_762 : i32
        %parallel_loop3A_764 = arith.constant 4 : i32
        %parallel_loop3A_765 = arith.addi %parallel_loop3A_763, %parallel_loop3A_764 : i32
        %parallel_loop3A_766 = arith.index_cast %parallel_loop3A_765 : i32 to index
        %parallel_loop3A_767 = arith.constant 16 : index
        %parallel_loop3A_768 = tpu.vector_load %arg7[%parallel_loop3A_766, %parallel_loop3A_767] {strides = array<i32>} : memref<80x256xf32, #tpu.memory_space<vmem>>, vector<1x16xf32>,
        %parallel_loop3A_769 = vector.shape_cast %parallel_loop3A_768 : vector<1x16xf32> to vector<16xf32>
        %parallel_loop3A_770 = arith.addf %parallel_loop3A_761, %parallel_loop3A_769 : vector<16xf32>
        %parallel_loop3A_771 = arith.constant 10 : i32
        %parallel_loop3A_772 = arith.muli %parallel_loop3A_633, %parallel_loop3A_771 : i32
        %parallel_loop3A_773 = arith.constant 5 : i32
        %parallel_loop3A_774 = arith.addi %parallel_loop3A_772, %parallel_loop3A_773 : i32
        %parallel_loop3A_775 = arith.index_cast %parallel_loop3A_774 : i32 to index
        %parallel_loop3A_776 = arith.constant 16 : index
        %parallel_loop3A_777 = tpu.vector_load %arg7[%parallel_loop3A_775, %parallel_loop3A_776] {strides = array<i32>} : memref<80x256xf32, #tpu.memory_space<vmem>>, vector<1x16xf32>,
        %parallel_loop3A_778 = vector.shape_cast %parallel_loop3A_777 : vector<1x16xf32> to vector<16xf32>
        %parallel_loop3A_779 = arith.addf %parallel_loop3A_770, %parallel_loop3A_778 : vector<16xf32>
        %parallel_loop3A_780 = arith.constant 10 : i32
        %parallel_loop3A_781 = arith.muli %parallel_loop3A_633, %parallel_loop3A_780 : i32
        %parallel_loop3A_782 = arith.constant 6 : i32
        %parallel_loop3A_783 = arith.addi %parallel_loop3A_781, %parallel_loop3A_782 : i32
        %parallel_loop3A_784 = arith.index_cast %parallel_loop3A_783 : i32 to index
        %parallel_loop3A_785 = arith.constant 16 : index
        %parallel_loop3A_786 = tpu.vector_load %arg7[%parallel_loop3A_784, %parallel_loop3A_785] {strides = array<i32>} : memref<80x256xf32, #tpu.memory_space<vmem>>, vector<1x16xf32>,
        %parallel_loop3A_787 = vector.shape_cast %parallel_loop3A_786 : vector<1x16xf32> to vector<16xf32>
        %parallel_loop3A_788 = arith.addf %parallel_loop3A_779, %parallel_loop3A_787 : vector<16xf32>
        %parallel_loop3A_789 = arith.constant 10 : i32
        %parallel_loop3A_790 = arith.muli %parallel_loop3A_633, %parallel_loop3A_789 : i32
        %parallel_loop3A_791 = arith.constant 7 : i32
        %parallel_loop3A_792 = arith.addi %parallel_loop3A_790, %parallel_loop3A_791 : i32
        %parallel_loop3A_793 = arith.index_cast %parallel_loop3A_792 : i32 to index
        %parallel_loop3A_794 = arith.constant 16 : index
        %parallel_loop3A_795 = tpu.vector_load %arg7[%parallel_loop3A_793, %parallel_loop3A_794] {strides = array<i32>} : memref<80x256xf32, #tpu.memory_space<vmem>>, vector<1x16xf32>,
        %parallel_loop3A_796 = vector.shape_cast %parallel_loop3A_795 : vector<1x16xf32> to vector<16xf32>
        %parallel_loop3A_797 = arith.addf %parallel_loop3A_788, %parallel_loop3A_796 : vector<16xf32>
        %parallel_loop3A_798 = arith.constant 10 : i32
        %parallel_loop3A_799 = arith.muli %parallel_loop3A_633, %parallel_loop3A_798 : i32
        %parallel_loop3A_800 = arith.constant 8 : i32
        %parallel_loop3A_801 = arith.addi %parallel_loop3A_799, %parallel_loop3A_800 : i32
        %parallel_loop3A_802 = arith.index_cast %parallel_loop3A_801 : i32 to index
        %parallel_loop3A_803 = arith.constant 16 : index
        %parallel_loop3A_804 = tpu.vector_load %arg7[%parallel_loop3A_802, %parallel_loop3A_803] {strides = array<i32>} : memref<80x256xf32, #tpu.memory_space<vmem>>, vector<1x16xf32>,
        %parallel_loop3A_805 = vector.shape_cast %parallel_loop3A_804 : vector<1x16xf32> to vector<16xf32>
        %parallel_loop3A_806 = arith.addf %parallel_loop3A_797, %parallel_loop3A_805 : vector<16xf32>
        %parallel_loop3A_807 = arith.constant 10 : i32
        %parallel_loop3A_808 = arith.muli %parallel_loop3A_633, %parallel_loop3A_807 : i32
        %parallel_loop3A_809 = arith.constant 9 : i32
        %parallel_loop3A_810 = arith.addi %parallel_loop3A_808, %parallel_loop3A_809 : i32
        %parallel_loop3A_811 = arith.index_cast %parallel_loop3A_810 : i32 to index
        %parallel_loop3A_812 = arith.constant 16 : index
        %parallel_loop3A_813 = tpu.vector_load %arg7[%parallel_loop3A_811, %parallel_loop3A_812] {strides = array<i32>} : memref<80x256xf32, #tpu.memory_space<vmem>>, vector<1x16xf32>,
        %parallel_loop3A_814 = vector.shape_cast %parallel_loop3A_813 : vector<1x16xf32> to vector<16xf32>
        %parallel_loop3A_815 = arith.addf %parallel_loop3A_806, %parallel_loop3A_814 : vector<16xf32>
        %parallel_loop3A_816 = arith.constant 8 : i32
        %parallel_loop3A_817 = arith.muli %add3A_598, %parallel_loop3A_816 : i32
        %parallel_loop3A_818 = arith.addi %parallel_loop3A_817, %parallel_loop3A_633 : i32
        %parallel_loop3A_819 = arith.index_cast %parallel_loop3A_818 : i32 to index
        %parallel_loop3A_820 = arith.constant 16 : index
        %parallel_loop3A_821 = tpu.vector_load %arg8[%parallel_loop3A_819, %parallel_loop3A_820] {strides = array<i32>} : memref<128x256xf32, #tpu.memory_space<vmem>>, vector<1x16xf32>,
        %parallel_loop3A_822 = vector.shape_cast %parallel_loop3A_821 : vector<1x16xf32> to vector<16xf32>
        %parallel_loop3A_823 = vector.shape_cast %parallel_loop3A_815 : vector<16xf32> to vector<1x16xf32>
        tpu.vector_store %arg8[%parallel_loop3A_819, %parallel_loop3A_820], %parallel_loop3A_823 {strides = array<i32>} : memref<128x256xf32, #tpu.memory_space<vmem>>, vector<1x16xf32>,
        %parallel_loop3A_824 = arith.constant 10 : i32
        %parallel_loop3A_825 = arith.muli %parallel_loop3A_633, %parallel_loop3A_824 : i32
        %parallel_loop3A_826 = arith.index_cast %parallel_loop3A_825 : i32 to index
        %parallel_loop3A_827 = arith.constant 32 : index
        %parallel_loop3A_828 = tpu.vector_load %arg7[%parallel_loop3A_826, %parallel_loop3A_827] {strides = array<i32>} : memref<80x256xf32, #tpu.memory_space<vmem>>, vector<1x16xf32>,
        %parallel_loop3A_829 = vector.shape_cast %parallel_loop3A_828 : vector<1x16xf32> to vector<16xf32>
        %parallel_loop3A_830 = arith.constant 10 : i32
        %parallel_loop3A_831 = arith.muli %parallel_loop3A_633, %parallel_loop3A_830 : i32
        %parallel_loop3A_832 = arith.constant 1 : i32
        %parallel_loop3A_833 = arith.addi %parallel_loop3A_831, %parallel_loop3A_832 : i32
        %parallel_loop3A_834 = arith.index_cast %parallel_loop3A_833 : i32 to index
        %parallel_loop3A_835 = arith.constant 32 : index
        %parallel_loop3A_836 = tpu.vector_load %arg7[%parallel_loop3A_834, %parallel_loop3A_835] {strides = array<i32>} : memref<80x256xf32, #tpu.memory_space<vmem>>, vector<1x16xf32>,
        %parallel_loop3A_837 = vector.shape_cast %parallel_loop3A_836 : vector<1x16xf32> to vector<16xf32>
        %parallel_loop3A_838 = arith.addf %parallel_loop3A_829, %parallel_loop3A_837 : vector<16xf32>
        %parallel_loop3A_839 = arith.constant 10 : i32
        %parallel_loop3A_840 = arith.muli %parallel_loop3A_633, %parallel_loop3A_839 : i32
        %parallel_loop3A_841 = arith.constant 2 : i32
        %parallel_loop3A_842 = arith.addi %parallel_loop3A_840, %parallel_loop3A_841 : i32
        %parallel_loop3A_843 = arith.index_cast %parallel_loop3A_842 : i32 to index
        %parallel_loop3A_844 = arith.constant 32 : index
        %parallel_loop3A_845 = tpu.vector_load %arg7[%parallel_loop3A_843, %parallel_loop3A_844] {strides = array<i32>} : memref<80x256xf32, #tpu.memory_space<vmem>>, vector<1x16xf32>,
        %parallel_loop3A_846 = vector.shape_cast %parallel_loop3A_845 : vector<1x16xf32> to vector<16xf32>
        %parallel_loop3A_847 = arith.addf %parallel_loop3A_838, %parallel_loop3A_846 : vector<16xf32>
        %parallel_loop3A_848 = arith.constant 10 : i32
        %parallel_loop3A_849 = arith.muli %parallel_loop3A_633, %parallel_loop3A_848 : i32
        %parallel_loop3A_850 = arith.constant 3 : i32
        %parallel_loop3A_851 = arith.addi %parallel_loop3A_849, %parallel_loop3A_850 : i32
        %parallel_loop3A_852 = arith.index_cast %parallel_loop3A_851 : i32 to index
        %parallel_loop3A_853 = arith.constant 32 : index
        %parallel_loop3A_854 = tpu.vector_load %arg7[%parallel_loop3A_852, %parallel_loop3A_853] {strides = array<i32>} : memref<80x256xf32, #tpu.memory_space<vmem>>, vector<1x16xf32>,
        %parallel_loop3A_855 = vector.shape_cast %parallel_loop3A_854 : vector<1x16xf32> to vector<16xf32>
        %parallel_loop3A_856 = arith.addf %parallel_loop3A_847, %parallel_loop3A_855 : vector<16xf32>
        %parallel_loop3A_857 = arith.constant 10 : i32
        %parallel_loop3A_858 = arith.muli %parallel_loop3A_633, %parallel_loop3A_857 : i32
        %parallel_loop3A_859 = arith.constant 4 : i32
        %parallel_loop3A_860 = arith.addi %parallel_loop3A_858, %parallel_loop3A_859 : i32
        %parallel_loop3A_861 = arith.index_cast %parallel_loop3A_860 : i32 to index
        %parallel_loop3A_862 = arith.constant 32 : index
        %parallel_loop3A_863 = tpu.vector_load %arg7[%parallel_loop3A_861, %parallel_loop3A_862] {strides = array<i32>} : memref<80x256xf32, #tpu.memory_space<vmem>>, vector<1x16xf32>,
        %parallel_loop3A_864 = vector.shape_cast %parallel_loop3A_863 : vector<1x16xf32> to vector<16xf32>
        %parallel_loop3A_865 = arith.addf %parallel_loop3A_856, %parallel_loop3A_864 : vector<16xf32>
        %parallel_loop3A_866 = arith.constant 10 : i32
        %parallel_loop3A_867 = arith.muli %parallel_loop3A_633, %parallel_loop3A_866 : i32
        %parallel_loop3A_868 = arith.constant 5 : i32
        %parallel_loop3A_869 = arith.addi %parallel_loop3A_867, %parallel_loop3A_868 : i32
        %parallel_loop3A_870 = arith.index_cast %parallel_loop3A_869 : i32 to index
        %parallel_loop3A_871 = arith.constant 32 : index
        %parallel_loop3A_872 = tpu.vector_load %arg7[%parallel_loop3A_870, %parallel_loop3A_871] {strides = array<i32>} : memref<80x256xf32, #tpu.memory_space<vmem>>, vector<1x16xf32>,
        %parallel_loop3A_873 = vector.shape_cast %parallel_loop3A_872 : vector<1x16xf32> to vector<16xf32>
        %parallel_loop3A_874 = arith.addf %parallel_loop3A_865, %parallel_loop3A_873 : vector<16xf32>
        %parallel_loop3A_875 = arith.constant 10 : i32
        %parallel_loop3A_876 = arith.muli %parallel_loop3A_633, %parallel_loop3A_875 : i32
        %parallel_loop3A_877 = arith.constant 6 : i32
        %parallel_loop3A_878 = arith.addi %parallel_loop3A_876, %parallel_loop3A_877 : i32
        %parallel_loop3A_879 = arith.index_cast %parallel_loop3A_878 : i32 to index
        %parallel_loop3A_880 = arith.constant 32 : index
        %parallel_loop3A_881 = tpu.vector_load %arg7[%parallel_loop3A_879, %parallel_loop3A_880] {strides = array<i32>} : memref<80x256xf32, #tpu.memory_space<vmem>>, vector<1x16xf32>,
        %parallel_loop3A_882 = vector.shape_cast %parallel_loop3A_881 : vector<1x16xf32> to vector<16xf32>
        %parallel_loop3A_883 = arith.addf %parallel_loop3A_874, %parallel_loop3A_882 : vector<16xf32>
        %parallel_loop3A_884 = arith.constant 10 : i32
        %parallel_loop3A_885 = arith.muli %parallel_loop3A_633, %parallel_loop3A_884 : i32
        %parallel_loop3A_886 = arith.constant 7 : i32
        %parallel_loop3A_887 = arith.addi %parallel_loop3A_885, %parallel_loop3A_886 : i32
        %parallel_loop3A_888 = arith.index_cast %parallel_loop3A_887 : i32 to index
        %parallel_loop3A_889 = arith.constant 32 : index
        %parallel_loop3A_890 = tpu.vector_load %arg7[%parallel_loop3A_888, %parallel_loop3A_889] {strides = array<i32>} : memref<80x256xf32, #tpu.memory_space<vmem>>, vector<1x16xf32>,
        %parallel_loop3A_891 = vector.shape_cast %parallel_loop3A_890 : vector<1x16xf32> to vector<16xf32>
        %parallel_loop3A_892 = arith.addf %parallel_loop3A_883, %parallel_loop3A_891 : vector<16xf32>
        %parallel_loop3A_893 = arith.constant 10 : i32
        %parallel_loop3A_894 = arith.muli %parallel_loop3A_633, %parallel_loop3A_893 : i32
        %parallel_loop3A_895 = arith.constant 8 : i32
        %parallel_loop3A_896 = arith.addi %parallel_loop3A_894, %parallel_loop3A_895 : i32
        %parallel_loop3A_897 = arith.index_cast %parallel_loop3A_896 : i32 to index
        %parallel_loop3A_898 = arith.constant 32 : index
        %parallel_loop3A_899 = tpu.vector_load %arg7[%parallel_loop3A_897, %parallel_loop3A_898] {strides = array<i32>} : memref<80x256xf32, #tpu.memory_space<vmem>>, vector<1x16xf32>,
        %parallel_loop3A_900 = vector.shape_cast %parallel_loop3A_899 : vector<1x16xf32> to vector<16xf32>
        %parallel_loop3A_901 = arith.addf %parallel_loop3A_892, %parallel_loop3A_900 : vector<16xf32>
        %parallel_loop3A_902 = arith.constant 10 : i32
        %parallel_loop3A_903 = arith.muli %parallel_loop3A_633, %parallel_loop3A_902 : i32
        %parallel_loop3A_904 = arith.constant 9 : i32
        %parallel_loop3A_905 = arith.addi %parallel_loop3A_903, %parallel_loop3A_904 : i32
        %parallel_loop3A_906 = arith.index_cast %parallel_loop3A_905 : i32 to index
        %parallel_loop3A_907 = arith.constant 32 : index
        %parallel_loop3A_908 = tpu.vector_load %arg7[%parallel_loop3A_906, %parallel_loop3A_907] {strides = array<i32>} : memref<80x256xf32, #tpu.memory_space<vmem>>, vector<1x16xf32>,
        %parallel_loop3A_909 = vector.shape_cast %parallel_loop3A_908 : vector<1x16xf32> to vector<16xf32>
        %parallel_loop3A_910 = arith.addf %parallel_loop3A_901, %parallel_loop3A_909 : vector<16xf32>
        %parallel_loop3A_911 = arith.constant 8 : i32
        %parallel_loop3A_912 = arith.muli %add3A_598, %parallel_loop3A_911 : i32
        %parallel_loop3A_913 = arith.addi %parallel_loop3A_912, %parallel_loop3A_633 : i32
        %parallel_loop3A_914 = arith.index_cast %parallel_loop3A_913 : i32 to index
        %parallel_loop3A_915 = arith.constant 32 : index
        %parallel_loop3A_916 = tpu.vector_load %arg8[%parallel_loop3A_914, %parallel_loop3A_915] {strides = array<i32>} : memref<128x256xf32, #tpu.memory_space<vmem>>, vector<1x16xf32>,
        %parallel_loop3A_917 = vector.shape_cast %parallel_loop3A_916 : vector<1x16xf32> to vector<16xf32>
        %parallel_loop3A_918 = vector.shape_cast %parallel_loop3A_910 : vector<16xf32> to vector<1x16xf32>
        tpu.vector_store %arg8[%parallel_loop3A_914, %parallel_loop3A_915], %parallel_loop3A_918 {strides = array<i32>} : memref<128x256xf32, #tpu.memory_space<vmem>>, vector<1x16xf32>,
        %parallel_loop3A_919 = arith.constant 10 : i32
        %parallel_loop3A_920 = arith.muli %parallel_loop3A_633, %parallel_loop3A_919 : i32
        %parallel_loop3A_921 = arith.index_cast %parallel_loop3A_920 : i32 to index
        %parallel_loop3A_922 = arith.constant 48 : index
        %parallel_loop3A_923 = tpu.vector_load %arg7[%parallel_loop3A_921, %parallel_loop3A_922] {strides = array<i32>} : memref<80x256xf32, #tpu.memory_space<vmem>>, vector<1x16xf32>,
        %parallel_loop3A_924 = vector.shape_cast %parallel_loop3A_923 : vector<1x16xf32> to vector<16xf32>
        %parallel_loop3A_925 = arith.constant 10 : i32
        %parallel_loop3A_926 = arith.muli %parallel_loop3A_633, %parallel_loop3A_925 : i32
        %parallel_loop3A_927 = arith.constant 1 : i32
        %parallel_loop3A_928 = arith.addi %parallel_loop3A_926, %parallel_loop3A_927 : i32
        %parallel_loop3A_929 = arith.index_cast %parallel_loop3A_928 : i32 to index
        %parallel_loop3A_930 = arith.constant 48 : index
        %parallel_loop3A_931 = tpu.vector_load %arg7[%parallel_loop3A_929, %parallel_loop3A_930] {strides = array<i32>} : memref<80x256xf32, #tpu.memory_space<vmem>>, vector<1x16xf32>,
        %parallel_loop3A_932 = vector.shape_cast %parallel_loop3A_931 : vector<1x16xf32> to vector<16xf32>
        %parallel_loop3A_933 = arith.addf %parallel_loop3A_924, %parallel_loop3A_932 : vector<16xf32>
        %parallel_loop3A_934 = arith.constant 10 : i32
        %parallel_loop3A_935 = arith.muli %parallel_loop3A_633, %parallel_loop3A_934 : i32
        %parallel_loop3A_936 = arith.constant 2 : i32
        %parallel_loop3A_937 = arith.addi %parallel_loop3A_935, %parallel_loop3A_936 : i32
        %parallel_loop3A_938 = arith.index_cast %parallel_loop3A_937 : i32 to index
        %parallel_loop3A_939 = arith.constant 48 : index
        %parallel_loop3A_940 = tpu.vector_load %arg7[%parallel_loop3A_938, %parallel_loop3A_939] {strides = array<i32>} : memref<80x256xf32, #tpu.memory_space<vmem>>, vector<1x16xf32>,
        %parallel_loop3A_941 = vector.shape_cast %parallel_loop3A_940 : vector<1x16xf32> to vector<16xf32>
        %parallel_loop3A_942 = arith.addf %parallel_loop3A_933, %parallel_loop3A_941 : vector<16xf32>
        %parallel_loop3A_943 = arith.constant 10 : i32
        %parallel_loop3A_944 = arith.muli %parallel_loop3A_633, %parallel_loop3A_943 : i32
        %parallel_loop3A_945 = arith.constant 3 : i32
        %parallel_loop3A_946 = arith.addi %parallel_loop3A_944, %parallel_loop3A_945 : i32
        %parallel_loop3A_947 = arith.index_cast %parallel_loop3A_946 : i32 to index
        %parallel_loop3A_948 = arith.constant 48 : index
        %parallel_loop3A_949 = tpu.vector_load %arg7[%parallel_loop3A_947, %parallel_loop3A_948] {strides = array<i32>} : memref<80x256xf32, #tpu.memory_space<vmem>>, vector<1x16xf32>,
        %parallel_loop3A_950 = vector.shape_cast %parallel_loop3A_949 : vector<1x16xf32> to vector<16xf32>
        %parallel_loop3A_951 = arith.addf %parallel_loop3A_942, %parallel_loop3A_950 : vector<16xf32>
        %parallel_loop3A_952 = arith.constant 10 : i32
        %parallel_loop3A_953 = arith.muli %parallel_loop3A_633, %parallel_loop3A_952 : i32
        %parallel_loop3A_954 = arith.constant 4 : i32
        %parallel_loop3A_955 = arith.addi %parallel_loop3A_953, %parallel_loop3A_954 : i32
        %parallel_loop3A_956 = arith.index_cast %parallel_loop3A_955 : i32 to index
        %parallel_loop3A_957 = arith.constant 48 : index
        %parallel_loop3A_958 = tpu.vector_load %arg7[%parallel_loop3A_956, %parallel_loop3A_957] {strides = array<i32>} : memref<80x256xf32, #tpu.memory_space<vmem>>, vector<1x16xf32>,
        %parallel_loop3A_959 = vector.shape_cast %parallel_loop3A_958 : vector<1x16xf32> to vector<16xf32>
        %parallel_loop3A_960 = arith.addf %parallel_loop3A_951, %parallel_loop3A_959 : vector<16xf32>
        %parallel_loop3A_961 = arith.constant 10 : i32
        %parallel_loop3A_962 = arith.muli %parallel_loop3A_633, %parallel_loop3A_961 : i32
        %parallel_loop3A_963 = arith.constant 5 : i32
        %parallel_loop3A_964 = arith.addi %parallel_loop3A_962, %parallel_loop3A_963 : i32
        %parallel_loop3A_965 = arith.index_cast %parallel_loop3A_964 : i32 to index
        %parallel_loop3A_966 = arith.constant 48 : index
        %parallel_loop3A_967 = tpu.vector_load %arg7[%parallel_loop3A_965, %parallel_loop3A_966] {strides = array<i32>} : memref<80x256xf32, #tpu.memory_space<vmem>>, vector<1x16xf32>,
        %parallel_loop3A_968 = vector.shape_cast %parallel_loop3A_967 : vector<1x16xf32> to vector<16xf32>
        %parallel_loop3A_969 = arith.addf %parallel_loop3A_960, %parallel_loop3A_968 : vector<16xf32>
        %parallel_loop3A_970 = arith.constant 10 : i32
        %parallel_loop3A_971 = arith.muli %parallel_loop3A_633, %parallel_loop3A_970 : i32
        %parallel_loop3A_972 = arith.constant 6 : i32
        %parallel_loop3A_973 = arith.addi %parallel_loop3A_971, %parallel_loop3A_972 : i32
        %parallel_loop3A_974 = arith.index_cast %parallel_loop3A_973 : i32 to index
        %parallel_loop3A_975 = arith.constant 48 : index
        %parallel_loop3A_976 = tpu.vector_load %arg7[%parallel_loop3A_974, %parallel_loop3A_975] {strides = array<i32>} : memref<80x256xf32, #tpu.memory_space<vmem>>, vector<1x16xf32>,
        %parallel_loop3A_977 = vector.shape_cast %parallel_loop3A_976 : vector<1x16xf32> to vector<16xf32>
        %parallel_loop3A_978 = arith.addf %parallel_loop3A_969, %parallel_loop3A_977 : vector<16xf32>
        %parallel_loop3A_979 = arith.constant 10 : i32
        %parallel_loop3A_980 = arith.muli %parallel_loop3A_633, %parallel_loop3A_979 : i32
        %parallel_loop3A_981 = arith.constant 7 : i32
        %parallel_loop3A_982 = arith.addi %parallel_loop3A_980, %parallel_loop3A_981 : i32
        %parallel_loop3A_983 = arith.index_cast %parallel_loop3A_982 : i32 to index
        %parallel_loop3A_984 = arith.constant 48 : index
        %parallel_loop3A_985 = tpu.vector_load %arg7[%parallel_loop3A_983, %parallel_loop3A_984] {strides = array<i32>} : memref<80x256xf32, #tpu.memory_space<vmem>>, vector<1x16xf32>,
        %parallel_loop3A_986 = vector.shape_cast %parallel_loop3A_985 : vector<1x16xf32> to vector<16xf32>
        %parallel_loop3A_987 = arith.addf %parallel_loop3A_978, %parallel_loop3A_986 : vector<16xf32>
        %parallel_loop3A_988 = arith.constant 10 : i32
        %parallel_loop3A_989 = arith.muli %parallel_loop3A_633, %parallel_loop3A_988 : i32
        %parallel_loop3A_990 = arith.constant 8 : i32
        %parallel_loop3A_991 = arith.addi %parallel_loop3A_989, %parallel_loop3A_990 : i32
        %parallel_loop3A_992 = arith.index_cast %parallel_loop3A_991 : i32 to index
        %parallel_loop3A_993 = arith.constant 48 : index
        %parallel_loop3A_994 = tpu.vector_load %arg7[%parallel_loop3A_992, %parallel_loop3A_993] {strides = array<i32>} : memref<80x256xf32, #tpu.memory_space<vmem>>, vector<1x16xf32>,
        %parallel_loop3A_995 = vector.shape_cast %parallel_loop3A_994 : vector<1x16xf32> to vector<16xf32>
        %parallel_loop3A_996 = arith.addf %parallel_loop3A_987, %parallel_loop3A_995 : vector<16xf32>
        %parallel_loop3A_997 = arith.constant 10 : i32
        %parallel_loop3A_998 = arith.muli %parallel_loop3A_633, %parallel_loop3A_997 : i32
        %parallel_loop3A_999 = arith.constant 9 : i32
        %parallel_loop3A_1000 = arith.addi %parallel_loop3A_998, %parallel_loop3A_999 : i32
        %parallel_loop3A_1001 = arith.index_cast %parallel_loop3A_1000 : i32 to index
        %parallel_loop3A_1002 = arith.constant 48 : index
        %parallel_loop3A_1003 = tpu.vector_load %arg7[%parallel_loop3A_1001, %parallel_loop3A_1002] {strides = array<i32>} : memref<80x256xf32, #tpu.memory_space<vmem>>, vector<1x16xf32>,
        %parallel_loop3A_1004 = vector.shape_cast %parallel_loop3A_1003 : vector<1x16xf32> to vector<16xf32>
        %parallel_loop3A_1005 = arith.addf %parallel_loop3A_996, %parallel_loop3A_1004 : vector<16xf32>
        %parallel_loop3A_1006 = arith.constant 8 : i32
        %parallel_loop3A_1007 = arith.muli %add3A_598, %parallel_loop3A_1006 : i32
        %parallel_loop3A_1008 = arith.addi %parallel_loop3A_1007, %parallel_loop3A_633 : i32
        %parallel_loop3A_1009 = arith.index_cast %parallel_loop3A_1008 : i32 to index
        %parallel_loop3A_1010 = arith.constant 48 : index
        %parallel_loop3A_1011 = tpu.vector_load %arg8[%parallel_loop3A_1009, %parallel_loop3A_1010] {strides = array<i32>} : memref<128x256xf32, #tpu.memory_space<vmem>>, vector<1x16xf32>,
        %parallel_loop3A_1012 = vector.shape_cast %parallel_loop3A_1011 : vector<1x16xf32> to vector<16xf32>
        %parallel_loop3A_1013 = vector.shape_cast %parallel_loop3A_1005 : vector<16xf32> to vector<1x16xf32>
        tpu.vector_store %arg8[%parallel_loop3A_1009, %parallel_loop3A_1010], %parallel_loop3A_1013 {strides = array<i32>} : memref<128x256xf32, #tpu.memory_space<vmem>>, vector<1x16xf32>,
        %parallel_loop3A_1014 = arith.constant 10 : i32
        %parallel_loop3A_1015 = arith.muli %parallel_loop3A_633, %parallel_loop3A_1014 : i32
        %parallel_loop3A_1016 = arith.index_cast %parallel_loop3A_1015 : i32 to index
        %parallel_loop3A_1017 = arith.constant 64 : index
        %parallel_loop3A_1018 = tpu.vector_load %arg7[%parallel_loop3A_1016, %parallel_loop3A_1017] {strides = array<i32>} : memref<80x256xf32, #tpu.memory_space<vmem>>, vector<1x16xf32>,
        %parallel_loop3A_1019 = vector.shape_cast %parallel_loop3A_1018 : vector<1x16xf32> to vector<16xf32>
        %parallel_loop3A_1020 = arith.constant 10 : i32
        %parallel_loop3A_1021 = arith.muli %parallel_loop3A_633, %parallel_loop3A_1020 : i32
        %parallel_loop3A_1022 = arith.constant 1 : i32
        %parallel_loop3A_1023 = arith.addi %parallel_loop3A_1021, %parallel_loop3A_1022 : i32
        %parallel_loop3A_1024 = arith.index_cast %parallel_loop3A_1023 : i32 to index
        %parallel_loop3A_1025 = arith.constant 64 : index
        %parallel_loop3A_1026 = tpu.vector_load %arg7[%parallel_loop3A_1024, %parallel_loop3A_1025] {strides = array<i32>} : memref<80x256xf32, #tpu.memory_space<vmem>>, vector<1x16xf32>,
        %parallel_loop3A_1027 = vector.shape_cast %parallel_loop3A_1026 : vector<1x16xf32> to vector<16xf32>
        %parallel_loop3A_1028 = arith.addf %parallel_loop3A_1019, %parallel_loop3A_1027 : vector<16xf32>
        %parallel_loop3A_1029 = arith.constant 10 : i32
        %parallel_loop3A_1030 = arith.muli %parallel_loop3A_633, %parallel_loop3A_1029 : i32
        %parallel_loop3A_1031 = arith.constant 2 : i32
        %parallel_loop3A_1032 = arith.addi %parallel_loop3A_1030, %parallel_loop3A_1031 : i32
        %parallel_loop3A_1033 = arith.index_cast %parallel_loop3A_1032 : i32 to index
        %parallel_loop3A_1034 = arith.constant 64 : index
        %parallel_loop3A_1035 = tpu.vector_load %arg7[%parallel_loop3A_1033, %parallel_loop3A_1034] {strides = array<i32>} : memref<80x256xf32, #tpu.memory_space<vmem>>, vector<1x16xf32>,
        %parallel_loop3A_1036 = vector.shape_cast %parallel_loop3A_1035 : vector<1x16xf32> to vector<16xf32>
        %parallel_loop3A_1037 = arith.addf %parallel_loop3A_1028, %parallel_loop3A_1036 : vector<16xf32>
        %parallel_loop3A_1038 = arith.constant 10 : i32
        %parallel_loop3A_1039 = arith.muli %parallel_loop3A_633, %parallel_loop3A_1038 : i32
        %parallel_loop3A_1040 = arith.constant 3 : i32
        %parallel_loop3A_1041 = arith.addi %parallel_loop3A_1039, %parallel_loop3A_1040 : i32
        %parallel_loop3A_1042 = arith.index_cast %parallel_loop3A_1041 : i32 to index
        %parallel_loop3A_1043 = arith.constant 64 : index
        %parallel_loop3A_1044 = tpu.vector_load %arg7[%parallel_loop3A_1042, %parallel_loop3A_1043] {strides = array<i32>} : memref<80x256xf32, #tpu.memory_space<vmem>>, vector<1x16xf32>,
        %parallel_loop3A_1045 = vector.shape_cast %parallel_loop3A_1044 : vector<1x16xf32> to vector<16xf32>
        %parallel_loop3A_1046 = arith.addf %parallel_loop3A_1037, %parallel_loop3A_1045 : vector<16xf32>
        %parallel_loop3A_1047 = arith.constant 10 : i32
        %parallel_loop3A_1048 = arith.muli %parallel_loop3A_633, %parallel_loop3A_1047 : i32
        %parallel_loop3A_1049 = arith.constant 4 : i32
        %parallel_loop3A_1050 = arith.addi %parallel_loop3A_1048, %parallel_loop3A_1049 : i32
        %parallel_loop3A_1051 = arith.index_cast %parallel_loop3A_1050 : i32 to index
        %parallel_loop3A_1052 = arith.constant 64 : index
        %parallel_loop3A_1053 = tpu.vector_load %arg7[%parallel_loop3A_1051, %parallel_loop3A_1052] {strides = array<i32>} : memref<80x256xf32, #tpu.memory_space<vmem>>, vector<1x16xf32>,
        %parallel_loop3A_1054 = vector.shape_cast %parallel_loop3A_1053 : vector<1x16xf32> to vector<16xf32>
        %parallel_loop3A_1055 = arith.addf %parallel_loop3A_1046, %parallel_loop3A_1054 : vector<16xf32>
        %parallel_loop3A_1056 = arith.constant 10 : i32
        %parallel_loop3A_1057 = arith.muli %parallel_loop3A_633, %parallel_loop3A_1056 : i32
        %parallel_loop3A_1058 = arith.constant 5 : i32
        %parallel_loop3A_1059 = arith.addi %parallel_loop3A_1057, %parallel_loop3A_1058 : i32
        %parallel_loop3A_1060 = arith.index_cast %parallel_loop3A_1059 : i32 to index
        %parallel_loop3A_1061 = arith.constant 64 : index
        %parallel_loop3A_1062 = tpu.vector_load %arg7[%parallel_loop3A_1060, %parallel_loop3A_1061] {strides = array<i32>} : memref<80x256xf32, #tpu.memory_space<vmem>>, vector<1x16xf32>,
        %parallel_loop3A_1063 = vector.shape_cast %parallel_loop3A_1062 : vector<1x16xf32> to vector<16xf32>
        %parallel_loop3A_1064 = arith.addf %parallel_loop3A_1055, %parallel_loop3A_1063 : vector<16xf32>
        %parallel_loop3A_1065 = arith.constant 10 : i32
        %parallel_loop3A_1066 = arith.muli %parallel_loop3A_633, %parallel_loop3A_1065 : i32
        %parallel_loop3A_1067 = arith.constant 6 : i32
        %parallel_loop3A_1068 = arith.addi %parallel_loop3A_1066, %parallel_loop3A_1067 : i32
        %parallel_loop3A_1069 = arith.index_cast %parallel_loop3A_1068 : i32 to index
        %parallel_loop3A_1070 = arith.constant 64 : index
        %parallel_loop3A_1071 = tpu.vector_load %arg7[%parallel_loop3A_1069, %parallel_loop3A_1070] {strides = array<i32>} : memref<80x256xf32, #tpu.memory_space<vmem>>, vector<1x16xf32>,
        %parallel_loop3A_1072 = vector.shape_cast %parallel_loop3A_1071 : vector<1x16xf32> to vector<16xf32>
        %parallel_loop3A_1073 = arith.addf %parallel_loop3A_1064, %parallel_loop3A_1072 : vector<16xf32>
        %parallel_loop3A_1074 = arith.constant 10 : i32
        %parallel_loop3A_1075 = arith.muli %parallel_loop3A_633, %parallel_loop3A_1074 : i32
        %parallel_loop3A_1076 = arith.constant 7 : i32
        %parallel_loop3A_1077 = arith.addi %parallel_loop3A_1075, %parallel_loop3A_1076 : i32
        %parallel_loop3A_1078 = arith.index_cast %parallel_loop3A_1077 : i32 to index
        %parallel_loop3A_1079 = arith.constant 64 : index
        %parallel_loop3A_1080 = tpu.vector_load %arg7[%parallel_loop3A_1078, %parallel_loop3A_1079] {strides = array<i32>} : memref<80x256xf32, #tpu.memory_space<vmem>>, vector<1x16xf32>,
        %parallel_loop3A_1081 = vector.shape_cast %parallel_loop3A_1080 : vector<1x16xf32> to vector<16xf32>
        %parallel_loop3A_1082 = arith.addf %parallel_loop3A_1073, %parallel_loop3A_1081 : vector<16xf32>
        %parallel_loop3A_1083 = arith.constant 10 : i32
        %parallel_loop3A_1084 = arith.muli %parallel_loop3A_633, %parallel_loop3A_1083 : i32
        %parallel_loop3A_1085 = arith.constant 8 : i32
        %parallel_loop3A_1086 = arith.addi %parallel_loop3A_1084, %parallel_loop3A_1085 : i32
        %parallel_loop3A_1087 = arith.index_cast %parallel_loop3A_1086 : i32 to index
        %parallel_loop3A_1088 = arith.constant 64 : index
        %parallel_loop3A_1089 = tpu.vector_load %arg7[%parallel_loop3A_1087, %parallel_loop3A_1088] {strides = array<i32>} : memref<80x256xf32, #tpu.memory_space<vmem>>, vector<1x16xf32>,
        %parallel_loop3A_1090 = vector.shape_cast %parallel_loop3A_1089 : vector<1x16xf32> to vector<16xf32>
        %parallel_loop3A_1091 = arith.addf %parallel_loop3A_1082, %parallel_loop3A_1090 : vector<16xf32>
        %parallel_loop3A_1092 = arith.constant 10 : i32
        %parallel_loop3A_1093 = arith.muli %parallel_loop3A_633, %parallel_loop3A_1092 : i32
        %parallel_loop3A_1094 = arith.constant 9 : i32
        %parallel_loop3A_1095 = arith.addi %parallel_loop3A_1093, %parallel_loop3A_1094 : i32
        %parallel_loop3A_1096 = arith.index_cast %parallel_loop3A_1095 : i32 to index
        %parallel_loop3A_1097 = arith.constant 64 : index
        %parallel_loop3A_1098 = tpu.vector_load %arg7[%parallel_loop3A_1096, %parallel_loop3A_1097] {strides = array<i32>} : memref<80x256xf32, #tpu.memory_space<vmem>>, vector<1x16xf32>,
        %parallel_loop3A_1099 = vector.shape_cast %parallel_loop3A_1098 : vector<1x16xf32> to vector<16xf32>
        %parallel_loop3A_1100 = arith.addf %parallel_loop3A_1091, %parallel_loop3A_1099 : vector<16xf32>
        %parallel_loop3A_1101 = arith.constant 8 : i32
        %parallel_loop3A_1102 = arith.muli %add3A_598, %parallel_loop3A_1101 : i32
        %parallel_loop3A_1103 = arith.addi %parallel_loop3A_1102, %parallel_loop3A_633 : i32
        %parallel_loop3A_1104 = arith.index_cast %parallel_loop3A_1103 : i32 to index
        %parallel_loop3A_1105 = arith.constant 64 : index
        %parallel_loop3A_1106 = tpu.vector_load %arg8[%parallel_loop3A_1104, %parallel_loop3A_1105] {strides = array<i32>} : memref<128x256xf32, #tpu.memory_space<vmem>>, vector<1x16xf32>,
        %parallel_loop3A_1107 = vector.shape_cast %parallel_loop3A_1106 : vector<1x16xf32> to vector<16xf32>
        %parallel_loop3A_1108 = vector.shape_cast %parallel_loop3A_1100 : vector<16xf32> to vector<1x16xf32>
        tpu.vector_store %arg8[%parallel_loop3A_1104, %parallel_loop3A_1105], %parallel_loop3A_1108 {strides = array<i32>} : memref<128x256xf32, #tpu.memory_space<vmem>>, vector<1x16xf32>,
        %parallel_loop3A_1109 = arith.constant 10 : i32
        %parallel_loop3A_1110 = arith.muli %parallel_loop3A_633, %parallel_loop3A_1109 : i32
        %parallel_loop3A_1111 = arith.index_cast %parallel_loop3A_1110 : i32 to index
        %parallel_loop3A_1112 = arith.constant 80 : index
        %parallel_loop3A_1113 = tpu.vector_load %arg7[%parallel_loop3A_1111, %parallel_loop3A_1112] {strides = array<i32>} : memref<80x256xf32, #tpu.memory_space<vmem>>, vector<1x16xf32>,
        %parallel_loop3A_1114 = vector.shape_cast %parallel_loop3A_1113 : vector<1x16xf32> to vector<16xf32>
        %parallel_loop3A_1115 = arith.constant 10 : i32
        %parallel_loop3A_1116 = arith.muli %parallel_loop3A_633, %parallel_loop3A_1115 : i32
        %parallel_loop3A_1117 = arith.constant 1 : i32
        %parallel_loop3A_1118 = arith.addi %parallel_loop3A_1116, %parallel_loop3A_1117 : i32
        %parallel_loop3A_1119 = arith.index_cast %parallel_loop3A_1118 : i32 to index
        %parallel_loop3A_1120 = arith.constant 80 : index
        %parallel_loop3A_1121 = tpu.vector_load %arg7[%parallel_loop3A_1119, %parallel_loop3A_1120] {strides = array<i32>} : memref<80x256xf32, #tpu.memory_space<vmem>>, vector<1x16xf32>,
        %parallel_loop3A_1122 = vector.shape_cast %parallel_loop3A_1121 : vector<1x16xf32> to vector<16xf32>
        %parallel_loop3A_1123 = arith.addf %parallel_loop3A_1114, %parallel_loop3A_1122 : vector<16xf32>
        %parallel_loop3A_1124 = arith.constant 10 : i32
        %parallel_loop3A_1125 = arith.muli %parallel_loop3A_633, %parallel_loop3A_1124 : i32
        %parallel_loop3A_1126 = arith.constant 2 : i32
        %parallel_loop3A_1127 = arith.addi %parallel_loop3A_1125, %parallel_loop3A_1126 : i32
        %parallel_loop3A_1128 = arith.index_cast %parallel_loop3A_1127 : i32 to index
        %parallel_loop3A_1129 = arith.constant 80 : index
        %parallel_loop3A_1130 = tpu.vector_load %arg7[%parallel_loop3A_1128, %parallel_loop3A_1129] {strides = array<i32>} : memref<80x256xf32, #tpu.memory_space<vmem>>, vector<1x16xf32>,
        %parallel_loop3A_1131 = vector.shape_cast %parallel_loop3A_1130 : vector<1x16xf32> to vector<16xf32>
        %parallel_loop3A_1132 = arith.addf %parallel_loop3A_1123, %parallel_loop3A_1131 : vector<16xf32>
        %parallel_loop3A_1133 = arith.constant 10 : i32
        %parallel_loop3A_1134 = arith.muli %parallel_loop3A_633, %parallel_loop3A_1133 : i32
        %parallel_loop3A_1135 = arith.constant 3 : i32
        %parallel_loop3A_1136 = arith.addi %parallel_loop3A_1134, %parallel_loop3A_1135 : i32
        %parallel_loop3A_1137 = arith.index_cast %parallel_loop3A_1136 : i32 to index
        %parallel_loop3A_1138 = arith.constant 80 : index
        %parallel_loop3A_1139 = tpu.vector_load %arg7[%parallel_loop3A_1137, %parallel_loop3A_1138] {strides = array<i32>} : memref<80x256xf32, #tpu.memory_space<vmem>>, vector<1x16xf32>,
        %parallel_loop3A_1140 = vector.shape_cast %parallel_loop3A_1139 : vector<1x16xf32> to vector<16xf32>
        %parallel_loop3A_1141 = arith.addf %parallel_loop3A_1132, %parallel_loop3A_1140 : vector<16xf32>
        %parallel_loop3A_1142 = arith.constant 10 : i32
        %parallel_loop3A_1143 = arith.muli %parallel_loop3A_633, %parallel_loop3A_1142 : i32
        %parallel_loop3A_1144 = arith.constant 4 : i32
        %parallel_loop3A_1145 = arith.addi %parallel_loop3A_1143, %parallel_loop3A_1144 : i32
        %parallel_loop3A_1146 = arith.index_cast %parallel_loop3A_1145 : i32 to index
        %parallel_loop3A_1147 = arith.constant 80 : index
        %parallel_loop3A_1148 = tpu.vector_load %arg7[%parallel_loop3A_1146, %parallel_loop3A_1147] {strides = array<i32>} : memref<80x256xf32, #tpu.memory_space<vmem>>, vector<1x16xf32>,
        %parallel_loop3A_1149 = vector.shape_cast %parallel_loop3A_1148 : vector<1x16xf32> to vector<16xf32>
        %parallel_loop3A_1150 = arith.addf %parallel_loop3A_1141, %parallel_loop3A_1149 : vector<16xf32>
        %parallel_loop3A_1151 = arith.constant 10 : i32
        %parallel_loop3A_1152 = arith.muli %parallel_loop3A_633, %parallel_loop3A_1151 : i32
        %parallel_loop3A_1153 = arith.constant 5 : i32
        %parallel_loop3A_1154 = arith.addi %parallel_loop3A_1152, %parallel_loop3A_1153 : i32
        %parallel_loop3A_1155 = arith.index_cast %parallel_loop3A_1154 : i32 to index
        %parallel_loop3A_1156 = arith.constant 80 : index
        %parallel_loop3A_1157 = tpu.vector_load %arg7[%parallel_loop3A_1155, %parallel_loop3A_1156] {strides = array<i32>} : memref<80x256xf32, #tpu.memory_space<vmem>>, vector<1x16xf32>,
        %parallel_loop3A_1158 = vector.shape_cast %parallel_loop3A_1157 : vector<1x16xf32> to vector<16xf32>
        %parallel_loop3A_1159 = arith.addf %parallel_loop3A_1150, %parallel_loop3A_1158 : vector<16xf32>
        %parallel_loop3A_1160 = arith.constant 10 : i32
        %parallel_loop3A_1161 = arith.muli %parallel_loop3A_633, %parallel_loop3A_1160 : i32
        %parallel_loop3A_1162 = arith.constant 6 : i32
        %parallel_loop3A_1163 = arith.addi %parallel_loop3A_1161, %parallel_loop3A_1162 : i32
        %parallel_loop3A_1164 = arith.index_cast %parallel_loop3A_1163 : i32 to index
        %parallel_loop3A_1165 = arith.constant 80 : index
        %parallel_loop3A_1166 = tpu.vector_load %arg7[%parallel_loop3A_1164, %parallel_loop3A_1165] {strides = array<i32>} : memref<80x256xf32, #tpu.memory_space<vmem>>, vector<1x16xf32>,
        %parallel_loop3A_1167 = vector.shape_cast %parallel_loop3A_1166 : vector<1x16xf32> to vector<16xf32>
        %parallel_loop3A_1168 = arith.addf %parallel_loop3A_1159, %parallel_loop3A_1167 : vector<16xf32>
        %parallel_loop3A_1169 = arith.constant 10 : i32
        %parallel_loop3A_1170 = arith.muli %parallel_loop3A_633, %parallel_loop3A_1169 : i32
        %parallel_loop3A_1171 = arith.constant 7 : i32
        %parallel_loop3A_1172 = arith.addi %parallel_loop3A_1170, %parallel_loop3A_1171 : i32
        %parallel_loop3A_1173 = arith.index_cast %parallel_loop3A_1172 : i32 to index
        %parallel_loop3A_1174 = arith.constant 80 : index
        %parallel_loop3A_1175 = tpu.vector_load %arg7[%parallel_loop3A_1173, %parallel_loop3A_1174] {strides = array<i32>} : memref<80x256xf32, #tpu.memory_space<vmem>>, vector<1x16xf32>,
        %parallel_loop3A_1176 = vector.shape_cast %parallel_loop3A_1175 : vector<1x16xf32> to vector<16xf32>
        %parallel_loop3A_1177 = arith.addf %parallel_loop3A_1168, %parallel_loop3A_1176 : vector<16xf32>
        %parallel_loop3A_1178 = arith.constant 10 : i32
        %parallel_loop3A_1179 = arith.muli %parallel_loop3A_633, %parallel_loop3A_1178 : i32
        %parallel_loop3A_1180 = arith.constant 8 : i32
        %parallel_loop3A_1181 = arith.addi %parallel_loop3A_1179, %parallel_loop3A_1180 : i32
        %parallel_loop3A_1182 = arith.index_cast %parallel_loop3A_1181 : i32 to index
        %parallel_loop3A_1183 = arith.constant 80 : index
        %parallel_loop3A_1184 = tpu.vector_load %arg7[%parallel_loop3A_1182, %parallel_loop3A_1183] {strides = array<i32>} : memref<80x256xf32, #tpu.memory_space<vmem>>, vector<1x16xf32>,
        %parallel_loop3A_1185 = vector.shape_cast %parallel_loop3A_1184 : vector<1x16xf32> to vector<16xf32>
        %parallel_loop3A_1186 = arith.addf %parallel_loop3A_1177, %parallel_loop3A_1185 : vector<16xf32>
        %parallel_loop3A_1187 = arith.constant 10 : i32
        %parallel_loop3A_1188 = arith.muli %parallel_loop3A_633, %parallel_loop3A_1187 : i32
        %parallel_loop3A_1189 = arith.constant 9 : i32
        %parallel_loop3A_1190 = arith.addi %parallel_loop3A_1188, %parallel_loop3A_1189 : i32
        %parallel_loop3A_1191 = arith.index_cast %parallel_loop3A_1190 : i32 to index
        %parallel_loop3A_1192 = arith.constant 80 : index
        %parallel_loop3A_1193 = tpu.vector_load %arg7[%parallel_loop3A_1191, %parallel_loop3A_1192] {strides = array<i32>} : memref<80x256xf32, #tpu.memory_space<vmem>>, vector<1x16xf32>,
        %parallel_loop3A_1194 = vector.shape_cast %parallel_loop3A_1193 : vector<1x16xf32> to vector<16xf32>
        %parallel_loop3A_1195 = arith.addf %parallel_loop3A_1186, %parallel_loop3A_1194 : vector<16xf32>
        %parallel_loop3A_1196 = arith.constant 8 : i32
        %parallel_loop3A_1197 = arith.muli %add3A_598, %parallel_loop3A_1196 : i32
        %parallel_loop3A_1198 = arith.addi %parallel_loop3A_1197, %parallel_loop3A_633 : i32
        %parallel_loop3A_1199 = arith.index_cast %parallel_loop3A_1198 : i32 to index
        %parallel_loop3A_1200 = arith.constant 80 : index
        %parallel_loop3A_1201 = tpu.vector_load %arg8[%parallel_loop3A_1199, %parallel_loop3A_1200] {strides = array<i32>} : memref<128x256xf32, #tpu.memory_space<vmem>>, vector<1x16xf32>,
        %parallel_loop3A_1202 = vector.shape_cast %parallel_loop3A_1201 : vector<1x16xf32> to vector<16xf32>
        %parallel_loop3A_1203 = vector.shape_cast %parallel_loop3A_1195 : vector<16xf32> to vector<1x16xf32>
        tpu.vector_store %arg8[%parallel_loop3A_1199, %parallel_loop3A_1200], %parallel_loop3A_1203 {strides = array<i32>} : memref<128x256xf32, #tpu.memory_space<vmem>>, vector<1x16xf32>,
        %parallel_loop3A_1204 = arith.constant 10 : i32
        %parallel_loop3A_1205 = arith.muli %parallel_loop3A_633, %parallel_loop3A_1204 : i32
        %parallel_loop3A_1206 = arith.index_cast %parallel_loop3A_1205 : i32 to index
        %parallel_loop3A_1207 = arith.constant 96 : index
        %parallel_loop3A_1208 = tpu.vector_load %arg7[%parallel_loop3A_1206, %parallel_loop3A_1207] {strides = array<i32>} : memref<80x256xf32, #tpu.memory_space<vmem>>, vector<1x16xf32>,
        %parallel_loop3A_1209 = vector.shape_cast %parallel_loop3A_1208 : vector<1x16xf32> to vector<16xf32>
        %parallel_loop3A_1210 = arith.constant 10 : i32
        %parallel_loop3A_1211 = arith.muli %parallel_loop3A_633, %parallel_loop3A_1210 : i32
        %parallel_loop3A_1212 = arith.constant 1 : i32
        %parallel_loop3A_1213 = arith.addi %parallel_loop3A_1211, %parallel_loop3A_1212 : i32
        %parallel_loop3A_1214 = arith.index_cast %parallel_loop3A_1213 : i32 to index
        %parallel_loop3A_1215 = arith.constant 96 : index
        %parallel_loop3A_1216 = tpu.vector_load %arg7[%parallel_loop3A_1214, %parallel_loop3A_1215] {strides = array<i32>} : memref<80x256xf32, #tpu.memory_space<vmem>>, vector<1x16xf32>,
        %parallel_loop3A_1217 = vector.shape_cast %parallel_loop3A_1216 : vector<1x16xf32> to vector<16xf32>
        %parallel_loop3A_1218 = arith.addf %parallel_loop3A_1209, %parallel_loop3A_1217 : vector<16xf32>
        %parallel_loop3A_1219 = arith.constant 10 : i32
        %parallel_loop3A_1220 = arith.muli %parallel_loop3A_633, %parallel_loop3A_1219 : i32
        %parallel_loop3A_1221 = arith.constant 2 : i32
        %parallel_loop3A_1222 = arith.addi %parallel_loop3A_1220, %parallel_loop3A_1221 : i32
        %parallel_loop3A_1223 = arith.index_cast %parallel_loop3A_1222 : i32 to index
        %parallel_loop3A_1224 = arith.constant 96 : index
        %parallel_loop3A_1225 = tpu.vector_load %arg7[%parallel_loop3A_1223, %parallel_loop3A_1224] {strides = array<i32>} : memref<80x256xf32, #tpu.memory_space<vmem>>, vector<1x16xf32>,
        %parallel_loop3A_1226 = vector.shape_cast %parallel_loop3A_1225 : vector<1x16xf32> to vector<16xf32>
        %parallel_loop3A_1227 = arith.addf %parallel_loop3A_1218, %parallel_loop3A_1226 : vector<16xf32>
        %parallel_loop3A_1228 = arith.constant 10 : i32
        %parallel_loop3A_1229 = arith.muli %parallel_loop3A_633, %parallel_loop3A_1228 : i32
        %parallel_loop3A_1230 = arith.constant 3 : i32
        %parallel_loop3A_1231 = arith.addi %parallel_loop3A_1229, %parallel_loop3A_1230 : i32
        %parallel_loop3A_1232 = arith.index_cast %parallel_loop3A_1231 : i32 to index
        %parallel_loop3A_1233 = arith.constant 96 : index
        %parallel_loop3A_1234 = tpu.vector_load %arg7[%parallel_loop3A_1232, %parallel_loop3A_1233] {strides = array<i32>} : memref<80x256xf32, #tpu.memory_space<vmem>>, vector<1x16xf32>,
        %parallel_loop3A_1235 = vector.shape_cast %parallel_loop3A_1234 : vector<1x16xf32> to vector<16xf32>
        %parallel_loop3A_1236 = arith.addf %parallel_loop3A_1227, %parallel_loop3A_1235 : vector<16xf32>
        %parallel_loop3A_1237 = arith.constant 10 : i32
        %parallel_loop3A_1238 = arith.muli %parallel_loop3A_633, %parallel_loop3A_1237 : i32
        %parallel_loop3A_1239 = arith.constant 4 : i32
        %parallel_loop3A_1240 = arith.addi %parallel_loop3A_1238, %parallel_loop3A_1239 : i32
        %parallel_loop3A_1241 = arith.index_cast %parallel_loop3A_1240 : i32 to index
        %parallel_loop3A_1242 = arith.constant 96 : index
        %parallel_loop3A_1243 = tpu.vector_load %arg7[%parallel_loop3A_1241, %parallel_loop3A_1242] {strides = array<i32>} : memref<80x256xf32, #tpu.memory_space<vmem>>, vector<1x16xf32>,
        %parallel_loop3A_1244 = vector.shape_cast %parallel_loop3A_1243 : vector<1x16xf32> to vector<16xf32>
        %parallel_loop3A_1245 = arith.addf %parallel_loop3A_1236, %parallel_loop3A_1244 : vector<16xf32>
        %parallel_loop3A_1246 = arith.constant 10 : i32
        %parallel_loop3A_1247 = arith.muli %parallel_loop3A_633, %parallel_loop3A_1246 : i32
        %parallel_loop3A_1248 = arith.constant 5 : i32
        %parallel_loop3A_1249 = arith.addi %parallel_loop3A_1247, %parallel_loop3A_1248 : i32
        %parallel_loop3A_1250 = arith.index_cast %parallel_loop3A_1249 : i32 to index
        %parallel_loop3A_1251 = arith.constant 96 : index
        %parallel_loop3A_1252 = tpu.vector_load %arg7[%parallel_loop3A_1250, %parallel_loop3A_1251] {strides = array<i32>} : memref<80x256xf32, #tpu.memory_space<vmem>>, vector<1x16xf32>,
        %parallel_loop3A_1253 = vector.shape_cast %parallel_loop3A_1252 : vector<1x16xf32> to vector<16xf32>
        %parallel_loop3A_1254 = arith.addf %parallel_loop3A_1245, %parallel_loop3A_1253 : vector<16xf32>
        %parallel_loop3A_1255 = arith.constant 10 : i32
        %parallel_loop3A_1256 = arith.muli %parallel_loop3A_633, %parallel_loop3A_1255 : i32
        %parallel_loop3A_1257 = arith.constant 6 : i32
        %parallel_loop3A_1258 = arith.addi %parallel_loop3A_1256, %parallel_loop3A_1257 : i32
        %parallel_loop3A_1259 = arith.index_cast %parallel_loop3A_1258 : i32 to index
        %parallel_loop3A_1260 = arith.constant 96 : index
        %parallel_loop3A_1261 = tpu.vector_load %arg7[%parallel_loop3A_1259, %parallel_loop3A_1260] {strides = array<i32>} : memref<80x256xf32, #tpu.memory_space<vmem>>, vector<1x16xf32>,
        %parallel_loop3A_1262 = vector.shape_cast %parallel_loop3A_1261 : vector<1x16xf32> to vector<16xf32>
        %parallel_loop3A_1263 = arith.addf %parallel_loop3A_1254, %parallel_loop3A_1262 : vector<16xf32>
        %parallel_loop3A_1264 = arith.constant 10 : i32
        %parallel_loop3A_1265 = arith.muli %parallel_loop3A_633, %parallel_loop3A_1264 : i32
        %parallel_loop3A_1266 = arith.constant 7 : i32
        %parallel_loop3A_1267 = arith.addi %parallel_loop3A_1265, %parallel_loop3A_1266 : i32
        %parallel_loop3A_1268 = arith.index_cast %parallel_loop3A_1267 : i32 to index
        %parallel_loop3A_1269 = arith.constant 96 : index
        %parallel_loop3A_1270 = tpu.vector_load %arg7[%parallel_loop3A_1268, %parallel_loop3A_1269] {strides = array<i32>} : memref<80x256xf32, #tpu.memory_space<vmem>>, vector<1x16xf32>,
        %parallel_loop3A_1271 = vector.shape_cast %parallel_loop3A_1270 : vector<1x16xf32> to vector<16xf32>
        %parallel_loop3A_1272 = arith.addf %parallel_loop3A_1263, %parallel_loop3A_1271 : vector<16xf32>
        %parallel_loop3A_1273 = arith.constant 10 : i32
        %parallel_loop3A_1274 = arith.muli %parallel_loop3A_633, %parallel_loop3A_1273 : i32
        %parallel_loop3A_1275 = arith.constant 8 : i32
        %parallel_loop3A_1276 = arith.addi %parallel_loop3A_1274, %parallel_loop3A_1275 : i32
        %parallel_loop3A_1277 = arith.index_cast %parallel_loop3A_1276 : i32 to index
        %parallel_loop3A_1278 = arith.constant 96 : index
        %parallel_loop3A_1279 = tpu.vector_load %arg7[%parallel_loop3A_1277, %parallel_loop3A_1278] {strides = array<i32>} : memref<80x256xf32, #tpu.memory_space<vmem>>, vector<1x16xf32>,
        %parallel_loop3A_1280 = vector.shape_cast %parallel_loop3A_1279 : vector<1x16xf32> to vector<16xf32>
        %parallel_loop3A_1281 = arith.addf %parallel_loop3A_1272, %parallel_loop3A_1280 : vector<16xf32>
        %parallel_loop3A_1282 = arith.constant 10 : i32
        %parallel_loop3A_1283 = arith.muli %parallel_loop3A_633, %parallel_loop3A_1282 : i32
        %parallel_loop3A_1284 = arith.constant 9 : i32
        %parallel_loop3A_1285 = arith.addi %parallel_loop3A_1283, %parallel_loop3A_1284 : i32
        %parallel_loop3A_1286 = arith.index_cast %parallel_loop3A_1285 : i32 to index
        %parallel_loop3A_1287 = arith.constant 96 : index
        %parallel_loop3A_1288 = tpu.vector_load %arg7[%parallel_loop3A_1286, %parallel_loop3A_1287] {strides = array<i32>} : memref<80x256xf32, #tpu.memory_space<vmem>>, vector<1x16xf32>,
        %parallel_loop3A_1289 = vector.shape_cast %parallel_loop3A_1288 : vector<1x16xf32> to vector<16xf32>
        %parallel_loop3A_1290 = arith.addf %parallel_loop3A_1281, %parallel_loop3A_1289 : vector<16xf32>
        %parallel_loop3A_1291 = arith.constant 8 : i32
        %parallel_loop3A_1292 = arith.muli %add3A_598, %parallel_loop3A_1291 : i32
        %parallel_loop3A_1293 = arith.addi %parallel_loop3A_1292, %parallel_loop3A_633 : i32
        %parallel_loop3A_1294 = arith.index_cast %parallel_loop3A_1293 : i32 to index
        %parallel_loop3A_1295 = arith.constant 96 : index
        %parallel_loop3A_1296 = tpu.vector_load %arg8[%parallel_loop3A_1294, %parallel_loop3A_1295] {strides = array<i32>} : memref<128x256xf32, #tpu.memory_space<vmem>>, vector<1x16xf32>,
        %parallel_loop3A_1297 = vector.shape_cast %parallel_loop3A_1296 : vector<1x16xf32> to vector<16xf32>
        %parallel_loop3A_1298 = vector.shape_cast %parallel_loop3A_1290 : vector<16xf32> to vector<1x16xf32>
        tpu.vector_store %arg8[%parallel_loop3A_1294, %parallel_loop3A_1295], %parallel_loop3A_1298 {strides = array<i32>} : memref<128x256xf32, #tpu.memory_space<vmem>>, vector<1x16xf32>,
        %parallel_loop3A_1299 = arith.constant 10 : i32
        %parallel_loop3A_1300 = arith.muli %parallel_loop3A_633, %parallel_loop3A_1299 : i32
        %parallel_loop3A_1301 = arith.index_cast %parallel_loop3A_1300 : i32 to index
        %parallel_loop3A_1302 = arith.constant 112 : index
        %parallel_loop3A_1303 = tpu.vector_load %arg7[%parallel_loop3A_1301, %parallel_loop3A_1302] {strides = array<i32>} : memref<80x256xf32, #tpu.memory_space<vmem>>, vector<1x16xf32>,
        %parallel_loop3A_1304 = vector.shape_cast %parallel_loop3A_1303 : vector<1x16xf32> to vector<16xf32>
        %parallel_loop3A_1305 = arith.constant 10 : i32
        %parallel_loop3A_1306 = arith.muli %parallel_loop3A_633, %parallel_loop3A_1305 : i32
        %parallel_loop3A_1307 = arith.constant 1 : i32
        %parallel_loop3A_1308 = arith.addi %parallel_loop3A_1306, %parallel_loop3A_1307 : i32
        %parallel_loop3A_1309 = arith.index_cast %parallel_loop3A_1308 : i32 to index
        %parallel_loop3A_1310 = arith.constant 112 : index
        %parallel_loop3A_1311 = tpu.vector_load %arg7[%parallel_loop3A_1309, %parallel_loop3A_1310] {strides = array<i32>} : memref<80x256xf32, #tpu.memory_space<vmem>>, vector<1x16xf32>,
        %parallel_loop3A_1312 = vector.shape_cast %parallel_loop3A_1311 : vector<1x16xf32> to vector<16xf32>
        %parallel_loop3A_1313 = arith.addf %parallel_loop3A_1304, %parallel_loop3A_1312 : vector<16xf32>
        %parallel_loop3A_1314 = arith.constant 10 : i32
        %parallel_loop3A_1315 = arith.muli %parallel_loop3A_633, %parallel_loop3A_1314 : i32
        %parallel_loop3A_1316 = arith.constant 2 : i32
        %parallel_loop3A_1317 = arith.addi %parallel_loop3A_1315, %parallel_loop3A_1316 : i32
        %parallel_loop3A_1318 = arith.index_cast %parallel_loop3A_1317 : i32 to index
        %parallel_loop3A_1319 = arith.constant 112 : index
        %parallel_loop3A_1320 = tpu.vector_load %arg7[%parallel_loop3A_1318, %parallel_loop3A_1319] {strides = array<i32>} : memref<80x256xf32, #tpu.memory_space<vmem>>, vector<1x16xf32>,
        %parallel_loop3A_1321 = vector.shape_cast %parallel_loop3A_1320 : vector<1x16xf32> to vector<16xf32>
        %parallel_loop3A_1322 = arith.addf %parallel_loop3A_1313, %parallel_loop3A_1321 : vector<16xf32>
        %parallel_loop3A_1323 = arith.constant 10 : i32
        %parallel_loop3A_1324 = arith.muli %parallel_loop3A_633, %parallel_loop3A_1323 : i32
        %parallel_loop3A_1325 = arith.constant 3 : i32
        %parallel_loop3A_1326 = arith.addi %parallel_loop3A_1324, %parallel_loop3A_1325 : i32
        %parallel_loop3A_1327 = arith.index_cast %parallel_loop3A_1326 : i32 to index
        %parallel_loop3A_1328 = arith.constant 112 : index
        %parallel_loop3A_1329 = tpu.vector_load %arg7[%parallel_loop3A_1327, %parallel_loop3A_1328] {strides = array<i32>} : memref<80x256xf32, #tpu.memory_space<vmem>>, vector<1x16xf32>,
        %parallel_loop3A_1330 = vector.shape_cast %parallel_loop3A_1329 : vector<1x16xf32> to vector<16xf32>
        %parallel_loop3A_1331 = arith.addf %parallel_loop3A_1322, %parallel_loop3A_1330 : vector<16xf32>
        %parallel_loop3A_1332 = arith.constant 10 : i32
        %parallel_loop3A_1333 = arith.muli %parallel_loop3A_633, %parallel_loop3A_1332 : i32
        %parallel_loop3A_1334 = arith.constant 4 : i32
        %parallel_loop3A_1335 = arith.addi %parallel_loop3A_1333, %parallel_loop3A_1334 : i32
        %parallel_loop3A_1336 = arith.index_cast %parallel_loop3A_1335 : i32 to index
        %parallel_loop3A_1337 = arith.constant 112 : index
        %parallel_loop3A_1338 = tpu.vector_load %arg7[%parallel_loop3A_1336, %parallel_loop3A_1337] {strides = array<i32>} : memref<80x256xf32, #tpu.memory_space<vmem>>, vector<1x16xf32>,
        %parallel_loop3A_1339 = vector.shape_cast %parallel_loop3A_1338 : vector<1x16xf32> to vector<16xf32>
        %parallel_loop3A_1340 = arith.addf %parallel_loop3A_1331, %parallel_loop3A_1339 : vector<16xf32>
        %parallel_loop3A_1341 = arith.constant 10 : i32
        %parallel_loop3A_1342 = arith.muli %parallel_loop3A_633, %parallel_loop3A_1341 : i32
        %parallel_loop3A_1343 = arith.constant 5 : i32
        %parallel_loop3A_1344 = arith.addi %parallel_loop3A_1342, %parallel_loop3A_1343 : i32
        %parallel_loop3A_1345 = arith.index_cast %parallel_loop3A_1344 : i32 to index
        %parallel_loop3A_1346 = arith.constant 112 : index
        %parallel_loop3A_1347 = tpu.vector_load %arg7[%parallel_loop3A_1345, %parallel_loop3A_1346] {strides = array<i32>} : memref<80x256xf32, #tpu.memory_space<vmem>>, vector<1x16xf32>,
        %parallel_loop3A_1348 = vector.shape_cast %parallel_loop3A_1347 : vector<1x16xf32> to vector<16xf32>
        %parallel_loop3A_1349 = arith.addf %parallel_loop3A_1340, %parallel_loop3A_1348 : vector<16xf32>
        %parallel_loop3A_1350 = arith.constant 10 : i32
        %parallel_loop3A_1351 = arith.muli %parallel_loop3A_633, %parallel_loop3A_1350 : i32
        %parallel_loop3A_1352 = arith.constant 6 : i32
        %parallel_loop3A_1353 = arith.addi %parallel_loop3A_1351, %parallel_loop3A_1352 : i32
        %parallel_loop3A_1354 = arith.index_cast %parallel_loop3A_1353 : i32 to index
        %parallel_loop3A_1355 = arith.constant 112 : index
        %parallel_loop3A_1356 = tpu.vector_load %arg7[%parallel_loop3A_1354, %parallel_loop3A_1355] {strides = array<i32>} : memref<80x256xf32, #tpu.memory_space<vmem>>, vector<1x16xf32>,
        %parallel_loop3A_1357 = vector.shape_cast %parallel_loop3A_1356 : vector<1x16xf32> to vector<16xf32>
        %parallel_loop3A_1358 = arith.addf %parallel_loop3A_1349, %parallel_loop3A_1357 : vector<16xf32>
        %parallel_loop3A_1359 = arith.constant 10 : i32
        %parallel_loop3A_1360 = arith.muli %parallel_loop3A_633, %parallel_loop3A_1359 : i32
        %parallel_loop3A_1361 = arith.constant 7 : i32
        %parallel_loop3A_1362 = arith.addi %parallel_loop3A_1360, %parallel_loop3A_1361 : i32
        %parallel_loop3A_1363 = arith.index_cast %parallel_loop3A_1362 : i32 to index
        %parallel_loop3A_1364 = arith.constant 112 : index
        %parallel_loop3A_1365 = tpu.vector_load %arg7[%parallel_loop3A_1363, %parallel_loop3A_1364] {strides = array<i32>} : memref<80x256xf32, #tpu.memory_space<vmem>>, vector<1x16xf32>,
        %parallel_loop3A_1366 = vector.shape_cast %parallel_loop3A_1365 : vector<1x16xf32> to vector<16xf32>
        %parallel_loop3A_1367 = arith.addf %parallel_loop3A_1358, %parallel_loop3A_1366 : vector<16xf32>
        %parallel_loop3A_1368 = arith.constant 10 : i32
        %parallel_loop3A_1369 = arith.muli %parallel_loop3A_633, %parallel_loop3A_1368 : i32
        %parallel_loop3A_1370 = arith.constant 8 : i32
        %parallel_loop3A_1371 = arith.addi %parallel_loop3A_1369, %parallel_loop3A_1370 : i32
        %parallel_loop3A_1372 = arith.index_cast %parallel_loop3A_1371 : i32 to index
        %parallel_loop3A_1373 = arith.constant 112 : index
        %parallel_loop3A_1374 = tpu.vector_load %arg7[%parallel_loop3A_1372, %parallel_loop3A_1373] {strides = array<i32>} : memref<80x256xf32, #tpu.memory_space<vmem>>, vector<1x16xf32>,
        %parallel_loop3A_1375 = vector.shape_cast %parallel_loop3A_1374 : vector<1x16xf32> to vector<16xf32>
        %parallel_loop3A_1376 = arith.addf %parallel_loop3A_1367, %parallel_loop3A_1375 : vector<16xf32>
        %parallel_loop3A_1377 = arith.constant 10 : i32
        %parallel_loop3A_1378 = arith.muli %parallel_loop3A_633, %parallel_loop3A_1377 : i32
        %parallel_loop3A_1379 = arith.constant 9 : i32
        %parallel_loop3A_1380 = arith.addi %parallel_loop3A_1378, %parallel_loop3A_1379 : i32
        %parallel_loop3A_1381 = arith.index_cast %parallel_loop3A_1380 : i32 to index
        %parallel_loop3A_1382 = arith.constant 112 : index
        %parallel_loop3A_1383 = tpu.vector_load %arg7[%parallel_loop3A_1381, %parallel_loop3A_1382] {strides = array<i32>} : memref<80x256xf32, #tpu.memory_space<vmem>>, vector<1x16xf32>,
        %parallel_loop3A_1384 = vector.shape_cast %parallel_loop3A_1383 : vector<1x16xf32> to vector<16xf32>
        %parallel_loop3A_1385 = arith.addf %parallel_loop3A_1376, %parallel_loop3A_1384 : vector<16xf32>
        %parallel_loop3A_1386 = arith.constant 8 : i32
        %parallel_loop3A_1387 = arith.muli %add3A_598, %parallel_loop3A_1386 : i32
        %parallel_loop3A_1388 = arith.addi %parallel_loop3A_1387, %parallel_loop3A_633 : i32
        %parallel_loop3A_1389 = arith.index_cast %parallel_loop3A_1388 : i32 to index
        %parallel_loop3A_1390 = arith.constant 112 : index
        %parallel_loop3A_1391 = tpu.vector_load %arg8[%parallel_loop3A_1389, %parallel_loop3A_1390] {strides = array<i32>} : memref<128x256xf32, #tpu.memory_space<vmem>>, vector<1x16xf32>,
        %parallel_loop3A_1392 = vector.shape_cast %parallel_loop3A_1391 : vector<1x16xf32> to vector<16xf32>
        %parallel_loop3A_1393 = vector.shape_cast %parallel_loop3A_1385 : vector<16xf32> to vector<1x16xf32>
        tpu.vector_store %arg8[%parallel_loop3A_1389, %parallel_loop3A_1390], %parallel_loop3A_1393 {strides = array<i32>} : memref<128x256xf32, #tpu.memory_space<vmem>>, vector<1x16xf32>,
        %parallel_loop3A_1394 = arith.constant 10 : i32
        %parallel_loop3A_1395 = arith.muli %parallel_loop3A_633, %parallel_loop3A_1394 : i32
        %parallel_loop3A_1396 = arith.index_cast %parallel_loop3A_1395 : i32 to index
        %parallel_loop3A_1397 = arith.constant 128 : index
        %parallel_loop3A_1398 = tpu.vector_load %arg7[%parallel_loop3A_1396, %parallel_loop3A_1397] {strides = array<i32>} : memref<80x256xf32, #tpu.memory_space<vmem>>, vector<1x16xf32>,
        %parallel_loop3A_1399 = vector.shape_cast %parallel_loop3A_1398 : vector<1x16xf32> to vector<16xf32>
        %parallel_loop3A_1400 = arith.constant 10 : i32
        %parallel_loop3A_1401 = arith.muli %parallel_loop3A_633, %parallel_loop3A_1400 : i32
        %parallel_loop3A_1402 = arith.constant 1 : i32
        %parallel_loop3A_1403 = arith.addi %parallel_loop3A_1401, %parallel_loop3A_1402 : i32
        %parallel_loop3A_1404 = arith.index_cast %parallel_loop3A_1403 : i32 to index
        %parallel_loop3A_1405 = arith.constant 128 : index
        %parallel_loop3A_1406 = tpu.vector_load %arg7[%parallel_loop3A_1404, %parallel_loop3A_1405] {strides = array<i32>} : memref<80x256xf32, #tpu.memory_space<vmem>>, vector<1x16xf32>,
        %parallel_loop3A_1407 = vector.shape_cast %parallel_loop3A_1406 : vector<1x16xf32> to vector<16xf32>
        %parallel_loop3A_1408 = arith.addf %parallel_loop3A_1399, %parallel_loop3A_1407 : vector<16xf32>
        %parallel_loop3A_1409 = arith.constant 10 : i32
        %parallel_loop3A_1410 = arith.muli %parallel_loop3A_633, %parallel_loop3A_1409 : i32
        %parallel_loop3A_1411 = arith.constant 2 : i32
        %parallel_loop3A_1412 = arith.addi %parallel_loop3A_1410, %parallel_loop3A_1411 : i32
        %parallel_loop3A_1413 = arith.index_cast %parallel_loop3A_1412 : i32 to index
        %parallel_loop3A_1414 = arith.constant 128 : index
        %parallel_loop3A_1415 = tpu.vector_load %arg7[%parallel_loop3A_1413, %parallel_loop3A_1414] {strides = array<i32>} : memref<80x256xf32, #tpu.memory_space<vmem>>, vector<1x16xf32>,
        %parallel_loop3A_1416 = vector.shape_cast %parallel_loop3A_1415 : vector<1x16xf32> to vector<16xf32>
        %parallel_loop3A_1417 = arith.addf %parallel_loop3A_1408, %parallel_loop3A_1416 : vector<16xf32>
        %parallel_loop3A_1418 = arith.constant 10 : i32
        %parallel_loop3A_1419 = arith.muli %parallel_loop3A_633, %parallel_loop3A_1418 : i32
        %parallel_loop3A_1420 = arith.constant 3 : i32
        %parallel_loop3A_1421 = arith.addi %parallel_loop3A_1419, %parallel_loop3A_1420 : i32
        %parallel_loop3A_1422 = arith.index_cast %parallel_loop3A_1421 : i32 to index
        %parallel_loop3A_1423 = arith.constant 128 : index
        %parallel_loop3A_1424 = tpu.vector_load %arg7[%parallel_loop3A_1422, %parallel_loop3A_1423] {strides = array<i32>} : memref<80x256xf32, #tpu.memory_space<vmem>>, vector<1x16xf32>,
        %parallel_loop3A_1425 = vector.shape_cast %parallel_loop3A_1424 : vector<1x16xf32> to vector<16xf32>
        %parallel_loop3A_1426 = arith.addf %parallel_loop3A_1417, %parallel_loop3A_1425 : vector<16xf32>
        %parallel_loop3A_1427 = arith.constant 10 : i32
        %parallel_loop3A_1428 = arith.muli %parallel_loop3A_633, %parallel_loop3A_1427 : i32
        %parallel_loop3A_1429 = arith.constant 4 : i32
        %parallel_loop3A_1430 = arith.addi %parallel_loop3A_1428, %parallel_loop3A_1429 : i32
        %parallel_loop3A_1431 = arith.index_cast %parallel_loop3A_1430 : i32 to index
        %parallel_loop3A_1432 = arith.constant 128 : index
        %parallel_loop3A_1433 = tpu.vector_load %arg7[%parallel_loop3A_1431, %parallel_loop3A_1432] {strides = array<i32>} : memref<80x256xf32, #tpu.memory_space<vmem>>, vector<1x16xf32>,
        %parallel_loop3A_1434 = vector.shape_cast %parallel_loop3A_1433 : vector<1x16xf32> to vector<16xf32>
        %parallel_loop3A_1435 = arith.addf %parallel_loop3A_1426, %parallel_loop3A_1434 : vector<16xf32>
        %parallel_loop3A_1436 = arith.constant 10 : i32
        %parallel_loop3A_1437 = arith.muli %parallel_loop3A_633, %parallel_loop3A_1436 : i32
        %parallel_loop3A_1438 = arith.constant 5 : i32
        %parallel_loop3A_1439 = arith.addi %parallel_loop3A_1437, %parallel_loop3A_1438 : i32
        %parallel_loop3A_1440 = arith.index_cast %parallel_loop3A_1439 : i32 to index
        %parallel_loop3A_1441 = arith.constant 128 : index
        %parallel_loop3A_1442 = tpu.vector_load %arg7[%parallel_loop3A_1440, %parallel_loop3A_1441] {strides = array<i32>} : memref<80x256xf32, #tpu.memory_space<vmem>>, vector<1x16xf32>,
        %parallel_loop3A_1443 = vector.shape_cast %parallel_loop3A_1442 : vector<1x16xf32> to vector<16xf32>
        %parallel_loop3A_1444 = arith.addf %parallel_loop3A_1435, %parallel_loop3A_1443 : vector<16xf32>
        %parallel_loop3A_1445 = arith.constant 10 : i32
        %parallel_loop3A_1446 = arith.muli %parallel_loop3A_633, %parallel_loop3A_1445 : i32
        %parallel_loop3A_1447 = arith.constant 6 : i32
        %parallel_loop3A_1448 = arith.addi %parallel_loop3A_1446, %parallel_loop3A_1447 : i32
        %parallel_loop3A_1449 = arith.index_cast %parallel_loop3A_1448 : i32 to index
        %parallel_loop3A_1450 = arith.constant 128 : index
        %parallel_loop3A_1451 = tpu.vector_load %arg7[%parallel_loop3A_1449, %parallel_loop3A_1450] {strides = array<i32>} : memref<80x256xf32, #tpu.memory_space<vmem>>, vector<1x16xf32>,
        %parallel_loop3A_1452 = vector.shape_cast %parallel_loop3A_1451 : vector<1x16xf32> to vector<16xf32>
        %parallel_loop3A_1453 = arith.addf %parallel_loop3A_1444, %parallel_loop3A_1452 : vector<16xf32>
        %parallel_loop3A_1454 = arith.constant 10 : i32
        %parallel_loop3A_1455 = arith.muli %parallel_loop3A_633, %parallel_loop3A_1454 : i32
        %parallel_loop3A_1456 = arith.constant 7 : i32
        %parallel_loop3A_1457 = arith.addi %parallel_loop3A_1455, %parallel_loop3A_1456 : i32
        %parallel_loop3A_1458 = arith.index_cast %parallel_loop3A_1457 : i32 to index
        %parallel_loop3A_1459 = arith.constant 128 : index
        %parallel_loop3A_1460 = tpu.vector_load %arg7[%parallel_loop3A_1458, %parallel_loop3A_1459] {strides = array<i32>} : memref<80x256xf32, #tpu.memory_space<vmem>>, vector<1x16xf32>,
        %parallel_loop3A_1461 = vector.shape_cast %parallel_loop3A_1460 : vector<1x16xf32> to vector<16xf32>
        %parallel_loop3A_1462 = arith.addf %parallel_loop3A_1453, %parallel_loop3A_1461 : vector<16xf32>
        %parallel_loop3A_1463 = arith.constant 10 : i32
        %parallel_loop3A_1464 = arith.muli %parallel_loop3A_633, %parallel_loop3A_1463 : i32
        %parallel_loop3A_1465 = arith.constant 8 : i32
        %parallel_loop3A_1466 = arith.addi %parallel_loop3A_1464, %parallel_loop3A_1465 : i32
        %parallel_loop3A_1467 = arith.index_cast %parallel_loop3A_1466 : i32 to index
        %parallel_loop3A_1468 = arith.constant 128 : index
        %parallel_loop3A_1469 = tpu.vector_load %arg7[%parallel_loop3A_1467, %parallel_loop3A_1468] {strides = array<i32>} : memref<80x256xf32, #tpu.memory_space<vmem>>, vector<1x16xf32>,
        %parallel_loop3A_1470 = vector.shape_cast %parallel_loop3A_1469 : vector<1x16xf32> to vector<16xf32>
        %parallel_loop3A_1471 = arith.addf %parallel_loop3A_1462, %parallel_loop3A_1470 : vector<16xf32>
        %parallel_loop3A_1472 = arith.constant 10 : i32
        %parallel_loop3A_1473 = arith.muli %parallel_loop3A_633, %parallel_loop3A_1472 : i32
        %parallel_loop3A_1474 = arith.constant 9 : i32
        %parallel_loop3A_1475 = arith.addi %parallel_loop3A_1473, %parallel_loop3A_1474 : i32
        %parallel_loop3A_1476 = arith.index_cast %parallel_loop3A_1475 : i32 to index
        %parallel_loop3A_1477 = arith.constant 128 : index
        %parallel_loop3A_1478 = tpu.vector_load %arg7[%parallel_loop3A_1476, %parallel_loop3A_1477] {strides = array<i32>} : memref<80x256xf32, #tpu.memory_space<vmem>>, vector<1x16xf32>,
        %parallel_loop3A_1479 = vector.shape_cast %parallel_loop3A_1478 : vector<1x16xf32> to vector<16xf32>
        %parallel_loop3A_1480 = arith.addf %parallel_loop3A_1471, %parallel_loop3A_1479 : vector<16xf32>
        %parallel_loop3A_1481 = arith.constant 8 : i32
        %parallel_loop3A_1482 = arith.muli %add3A_598, %parallel_loop3A_1481 : i32
        %parallel_loop3A_1483 = arith.addi %parallel_loop3A_1482, %parallel_loop3A_633 : i32
        %parallel_loop3A_1484 = arith.index_cast %parallel_loop3A_1483 : i32 to index
        %parallel_loop3A_1485 = arith.constant 128 : index
        %parallel_loop3A_1486 = tpu.vector_load %arg8[%parallel_loop3A_1484, %parallel_loop3A_1485] {strides = array<i32>} : memref<128x256xf32, #tpu.memory_space<vmem>>, vector<1x16xf32>,
        %parallel_loop3A_1487 = vector.shape_cast %parallel_loop3A_1486 : vector<1x16xf32> to vector<16xf32>
        %parallel_loop3A_1488 = vector.shape_cast %parallel_loop3A_1480 : vector<16xf32> to vector<1x16xf32>
        tpu.vector_store %arg8[%parallel_loop3A_1484, %parallel_loop3A_1485], %parallel_loop3A_1488 {strides = array<i32>} : memref<128x256xf32, #tpu.memory_space<vmem>>, vector<1x16xf32>,
        %parallel_loop3A_1489 = arith.constant 10 : i32
        %parallel_loop3A_1490 = arith.muli %parallel_loop3A_633, %parallel_loop3A_1489 : i32
        %parallel_loop3A_1491 = arith.index_cast %parallel_loop3A_1490 : i32 to index
        %parallel_loop3A_1492 = arith.constant 144 : index
        %parallel_loop3A_1493 = tpu.vector_load %arg7[%parallel_loop3A_1491, %parallel_loop3A_1492] {strides = array<i32>} : memref<80x256xf32, #tpu.memory_space<vmem>>, vector<1x16xf32>,
        %parallel_loop3A_1494 = vector.shape_cast %parallel_loop3A_1493 : vector<1x16xf32> to vector<16xf32>
        %parallel_loop3A_1495 = arith.constant 10 : i32
        %parallel_loop3A_1496 = arith.muli %parallel_loop3A_633, %parallel_loop3A_1495 : i32
        %parallel_loop3A_1497 = arith.constant 1 : i32
        %parallel_loop3A_1498 = arith.addi %parallel_loop3A_1496, %parallel_loop3A_1497 : i32
        %parallel_loop3A_1499 = arith.index_cast %parallel_loop3A_1498 : i32 to index
        %parallel_loop3A_1500 = arith.constant 144 : index
        %parallel_loop3A_1501 = tpu.vector_load %arg7[%parallel_loop3A_1499, %parallel_loop3A_1500] {strides = array<i32>} : memref<80x256xf32, #tpu.memory_space<vmem>>, vector<1x16xf32>,
        %parallel_loop3A_1502 = vector.shape_cast %parallel_loop3A_1501 : vector<1x16xf32> to vector<16xf32>
        %parallel_loop3A_1503 = arith.addf %parallel_loop3A_1494, %parallel_loop3A_1502 : vector<16xf32>
        %parallel_loop3A_1504 = arith.constant 10 : i32
        %parallel_loop3A_1505 = arith.muli %parallel_loop3A_633, %parallel_loop3A_1504 : i32
        %parallel_loop3A_1506 = arith.constant 2 : i32
        %parallel_loop3A_1507 = arith.addi %parallel_loop3A_1505, %parallel_loop3A_1506 : i32
        %parallel_loop3A_1508 = arith.index_cast %parallel_loop3A_1507 : i32 to index
        %parallel_loop3A_1509 = arith.constant 144 : index
        %parallel_loop3A_1510 = tpu.vector_load %arg7[%parallel_loop3A_1508, %parallel_loop3A_1509] {strides = array<i32>} : memref<80x256xf32, #tpu.memory_space<vmem>>, vector<1x16xf32>,
        %parallel_loop3A_1511 = vector.shape_cast %parallel_loop3A_1510 : vector<1x16xf32> to vector<16xf32>
        %parallel_loop3A_1512 = arith.addf %parallel_loop3A_1503, %parallel_loop3A_1511 : vector<16xf32>
        %parallel_loop3A_1513 = arith.constant 10 : i32
        %parallel_loop3A_1514 = arith.muli %parallel_loop3A_633, %parallel_loop3A_1513 : i32
        %parallel_loop3A_1515 = arith.constant 3 : i32
        %parallel_loop3A_1516 = arith.addi %parallel_loop3A_1514, %parallel_loop3A_1515 : i32
        %parallel_loop3A_1517 = arith.index_cast %parallel_loop3A_1516 : i32 to index
        %parallel_loop3A_1518 = arith.constant 144 : index
        %parallel_loop3A_1519 = tpu.vector_load %arg7[%parallel_loop3A_1517, %parallel_loop3A_1518] {strides = array<i32>} : memref<80x256xf32, #tpu.memory_space<vmem>>, vector<1x16xf32>,
        %parallel_loop3A_1520 = vector.shape_cast %parallel_loop3A_1519 : vector<1x16xf32> to vector<16xf32>
        %parallel_loop3A_1521 = arith.addf %parallel_loop3A_1512, %parallel_loop3A_1520 : vector<16xf32>
        %parallel_loop3A_1522 = arith.constant 10 : i32
        %parallel_loop3A_1523 = arith.muli %parallel_loop3A_633, %parallel_loop3A_1522 : i32
        %parallel_loop3A_1524 = arith.constant 4 : i32
        %parallel_loop3A_1525 = arith.addi %parallel_loop3A_1523, %parallel_loop3A_1524 : i32
        %parallel_loop3A_1526 = arith.index_cast %parallel_loop3A_1525 : i32 to index
        %parallel_loop3A_1527 = arith.constant 144 : index
        %parallel_loop3A_1528 = tpu.vector_load %arg7[%parallel_loop3A_1526, %parallel_loop3A_1527] {strides = array<i32>} : memref<80x256xf32, #tpu.memory_space<vmem>>, vector<1x16xf32>,
        %parallel_loop3A_1529 = vector.shape_cast %parallel_loop3A_1528 : vector<1x16xf32> to vector<16xf32>
        %parallel_loop3A_1530 = arith.addf %parallel_loop3A_1521, %parallel_loop3A_1529 : vector<16xf32>
        %parallel_loop3A_1531 = arith.constant 10 : i32
        %parallel_loop3A_1532 = arith.muli %parallel_loop3A_633, %parallel_loop3A_1531 : i32
        %parallel_loop3A_1533 = arith.constant 5 : i32
        %parallel_loop3A_1534 = arith.addi %parallel_loop3A_1532, %parallel_loop3A_1533 : i32
        %parallel_loop3A_1535 = arith.index_cast %parallel_loop3A_1534 : i32 to index
        %parallel_loop3A_1536 = arith.constant 144 : index
        %parallel_loop3A_1537 = tpu.vector_load %arg7[%parallel_loop3A_1535, %parallel_loop3A_1536] {strides = array<i32>} : memref<80x256xf32, #tpu.memory_space<vmem>>, vector<1x16xf32>,
        %parallel_loop3A_1538 = vector.shape_cast %parallel_loop3A_1537 : vector<1x16xf32> to vector<16xf32>
        %parallel_loop3A_1539 = arith.addf %parallel_loop3A_1530, %parallel_loop3A_1538 : vector<16xf32>
        %parallel_loop3A_1540 = arith.constant 10 : i32
        %parallel_loop3A_1541 = arith.muli %parallel_loop3A_633, %parallel_loop3A_1540 : i32
        %parallel_loop3A_1542 = arith.constant 6 : i32
        %parallel_loop3A_1543 = arith.addi %parallel_loop3A_1541, %parallel_loop3A_1542 : i32
        %parallel_loop3A_1544 = arith.index_cast %parallel_loop3A_1543 : i32 to index
        %parallel_loop3A_1545 = arith.constant 144 : index
        %parallel_loop3A_1546 = tpu.vector_load %arg7[%parallel_loop3A_1544, %parallel_loop3A_1545] {strides = array<i32>} : memref<80x256xf32, #tpu.memory_space<vmem>>, vector<1x16xf32>,
        %parallel_loop3A_1547 = vector.shape_cast %parallel_loop3A_1546 : vector<1x16xf32> to vector<16xf32>
        %parallel_loop3A_1548 = arith.addf %parallel_loop3A_1539, %parallel_loop3A_1547 : vector<16xf32>
        %parallel_loop3A_1549 = arith.constant 10 : i32
        %parallel_loop3A_1550 = arith.muli %parallel_loop3A_633, %parallel_loop3A_1549 : i32
        %parallel_loop3A_1551 = arith.constant 7 : i32
        %parallel_loop3A_1552 = arith.addi %parallel_loop3A_1550, %parallel_loop3A_1551 : i32
        %parallel_loop3A_1553 = arith.index_cast %parallel_loop3A_1552 : i32 to index
        %parallel_loop3A_1554 = arith.constant 144 : index
        %parallel_loop3A_1555 = tpu.vector_load %arg7[%parallel_loop3A_1553, %parallel_loop3A_1554] {strides = array<i32>} : memref<80x256xf32, #tpu.memory_space<vmem>>, vector<1x16xf32>,
        %parallel_loop3A_1556 = vector.shape_cast %parallel_loop3A_1555 : vector<1x16xf32> to vector<16xf32>
        %parallel_loop3A_1557 = arith.addf %parallel_loop3A_1548, %parallel_loop3A_1556 : vector<16xf32>
        %parallel_loop3A_1558 = arith.constant 10 : i32
        %parallel_loop3A_1559 = arith.muli %parallel_loop3A_633, %parallel_loop3A_1558 : i32
        %parallel_loop3A_1560 = arith.constant 8 : i32
        %parallel_loop3A_1561 = arith.addi %parallel_loop3A_1559, %parallel_loop3A_1560 : i32
        %parallel_loop3A_1562 = arith.index_cast %parallel_loop3A_1561 : i32 to index
        %parallel_loop3A_1563 = arith.constant 144 : index
        %parallel_loop3A_1564 = tpu.vector_load %arg7[%parallel_loop3A_1562, %parallel_loop3A_1563] {strides = array<i32>} : memref<80x256xf32, #tpu.memory_space<vmem>>, vector<1x16xf32>,
        %parallel_loop3A_1565 = vector.shape_cast %parallel_loop3A_1564 : vector<1x16xf32> to vector<16xf32>
        %parallel_loop3A_1566 = arith.addf %parallel_loop3A_1557, %parallel_loop3A_1565 : vector<16xf32>
        %parallel_loop3A_1567 = arith.constant 10 : i32
        %parallel_loop3A_1568 = arith.muli %parallel_loop3A_633, %parallel_loop3A_1567 : i32
        %parallel_loop3A_1569 = arith.constant 9 : i32
        %parallel_loop3A_1570 = arith.addi %parallel_loop3A_1568, %parallel_loop3A_1569 : i32
        %parallel_loop3A_1571 = arith.index_cast %parallel_loop3A_1570 : i32 to index
        %parallel_loop3A_1572 = arith.constant 144 : index
        %parallel_loop3A_1573 = tpu.vector_load %arg7[%parallel_loop3A_1571, %parallel_loop3A_1572] {strides = array<i32>} : memref<80x256xf32, #tpu.memory_space<vmem>>, vector<1x16xf32>,
        %parallel_loop3A_1574 = vector.shape_cast %parallel_loop3A_1573 : vector<1x16xf32> to vector<16xf32>
        %parallel_loop3A_1575 = arith.addf %parallel_loop3A_1566, %parallel_loop3A_1574 : vector<16xf32>
        %parallel_loop3A_1576 = arith.constant 8 : i32
        %parallel_loop3A_1577 = arith.muli %add3A_598, %parallel_loop3A_1576 : i32
        %parallel_loop3A_1578 = arith.addi %parallel_loop3A_1577, %parallel_loop3A_633 : i32
        %parallel_loop3A_1579 = arith.index_cast %parallel_loop3A_1578 : i32 to index
        %parallel_loop3A_1580 = arith.constant 144 : index
        %parallel_loop3A_1581 = tpu.vector_load %arg8[%parallel_loop3A_1579, %parallel_loop3A_1580] {strides = array<i32>} : memref<128x256xf32, #tpu.memory_space<vmem>>, vector<1x16xf32>,
        %parallel_loop3A_1582 = vector.shape_cast %parallel_loop3A_1581 : vector<1x16xf32> to vector<16xf32>
        %parallel_loop3A_1583 = vector.shape_cast %parallel_loop3A_1575 : vector<16xf32> to vector<1x16xf32>
        tpu.vector_store %arg8[%parallel_loop3A_1579, %parallel_loop3A_1580], %parallel_loop3A_1583 {strides = array<i32>} : memref<128x256xf32, #tpu.memory_space<vmem>>, vector<1x16xf32>,
        %parallel_loop3A_1584 = arith.constant 10 : i32
        %parallel_loop3A_1585 = arith.muli %parallel_loop3A_633, %parallel_loop3A_1584 : i32
        %parallel_loop3A_1586 = arith.index_cast %parallel_loop3A_1585 : i32 to index
        %parallel_loop3A_1587 = arith.constant 160 : index
        %parallel_loop3A_1588 = tpu.vector_load %arg7[%parallel_loop3A_1586, %parallel_loop3A_1587] {strides = array<i32>} : memref<80x256xf32, #tpu.memory_space<vmem>>, vector<1x16xf32>,
        %parallel_loop3A_1589 = vector.shape_cast %parallel_loop3A_1588 : vector<1x16xf32> to vector<16xf32>
        %parallel_loop3A_1590 = arith.constant 10 : i32
        %parallel_loop3A_1591 = arith.muli %parallel_loop3A_633, %parallel_loop3A_1590 : i32
        %parallel_loop3A_1592 = arith.constant 1 : i32
        %parallel_loop3A_1593 = arith.addi %parallel_loop3A_1591, %parallel_loop3A_1592 : i32
        %parallel_loop3A_1594 = arith.index_cast %parallel_loop3A_1593 : i32 to index
        %parallel_loop3A_1595 = arith.constant 160 : index
        %parallel_loop3A_1596 = tpu.vector_load %arg7[%parallel_loop3A_1594, %parallel_loop3A_1595] {strides = array<i32>} : memref<80x256xf32, #tpu.memory_space<vmem>>, vector<1x16xf32>,
        %parallel_loop3A_1597 = vector.shape_cast %parallel_loop3A_1596 : vector<1x16xf32> to vector<16xf32>
        %parallel_loop3A_1598 = arith.addf %parallel_loop3A_1589, %parallel_loop3A_1597 : vector<16xf32>
        %parallel_loop3A_1599 = arith.constant 10 : i32
        %parallel_loop3A_1600 = arith.muli %parallel_loop3A_633, %parallel_loop3A_1599 : i32
        %parallel_loop3A_1601 = arith.constant 2 : i32
        %parallel_loop3A_1602 = arith.addi %parallel_loop3A_1600, %parallel_loop3A_1601 : i32
        %parallel_loop3A_1603 = arith.index_cast %parallel_loop3A_1602 : i32 to index
        %parallel_loop3A_1604 = arith.constant 160 : index
        %parallel_loop3A_1605 = tpu.vector_load %arg7[%parallel_loop3A_1603, %parallel_loop3A_1604] {strides = array<i32>} : memref<80x256xf32, #tpu.memory_space<vmem>>, vector<1x16xf32>,
        %parallel_loop3A_1606 = vector.shape_cast %parallel_loop3A_1605 : vector<1x16xf32> to vector<16xf32>
        %parallel_loop3A_1607 = arith.addf %parallel_loop3A_1598, %parallel_loop3A_1606 : vector<16xf32>
        %parallel_loop3A_1608 = arith.constant 10 : i32
        %parallel_loop3A_1609 = arith.muli %parallel_loop3A_633, %parallel_loop3A_1608 : i32
        %parallel_loop3A_1610 = arith.constant 3 : i32
        %parallel_loop3A_1611 = arith.addi %parallel_loop3A_1609, %parallel_loop3A_1610 : i32
        %parallel_loop3A_1612 = arith.index_cast %parallel_loop3A_1611 : i32 to index
        %parallel_loop3A_1613 = arith.constant 160 : index
        %parallel_loop3A_1614 = tpu.vector_load %arg7[%parallel_loop3A_1612, %parallel_loop3A_1613] {strides = array<i32>} : memref<80x256xf32, #tpu.memory_space<vmem>>, vector<1x16xf32>,
        %parallel_loop3A_1615 = vector.shape_cast %parallel_loop3A_1614 : vector<1x16xf32> to vector<16xf32>
        %parallel_loop3A_1616 = arith.addf %parallel_loop3A_1607, %parallel_loop3A_1615 : vector<16xf32>
        %parallel_loop3A_1617 = arith.constant 10 : i32
        %parallel_loop3A_1618 = arith.muli %parallel_loop3A_633, %parallel_loop3A_1617 : i32
        %parallel_loop3A_1619 = arith.constant 4 : i32
        %parallel_loop3A_1620 = arith.addi %parallel_loop3A_1618, %parallel_loop3A_1619 : i32
        %parallel_loop3A_1621 = arith.index_cast %parallel_loop3A_1620 : i32 to index
        %parallel_loop3A_1622 = arith.constant 160 : index
        %parallel_loop3A_1623 = tpu.vector_load %arg7[%parallel_loop3A_1621, %parallel_loop3A_1622] {strides = array<i32>} : memref<80x256xf32, #tpu.memory_space<vmem>>, vector<1x16xf32>,
        %parallel_loop3A_1624 = vector.shape_cast %parallel_loop3A_1623 : vector<1x16xf32> to vector<16xf32>
        %parallel_loop3A_1625 = arith.addf %parallel_loop3A_1616, %parallel_loop3A_1624 : vector<16xf32>
        %parallel_loop3A_1626 = arith.constant 10 : i32
        %parallel_loop3A_1627 = arith.muli %parallel_loop3A_633, %parallel_loop3A_1626 : i32
        %parallel_loop3A_1628 = arith.constant 5 : i32
        %parallel_loop3A_1629 = arith.addi %parallel_loop3A_1627, %parallel_loop3A_1628 : i32
        %parallel_loop3A_1630 = arith.index_cast %parallel_loop3A_1629 : i32 to index
        %parallel_loop3A_1631 = arith.constant 160 : index
        %parallel_loop3A_1632 = tpu.vector_load %arg7[%parallel_loop3A_1630, %parallel_loop3A_1631] {strides = array<i32>} : memref<80x256xf32, #tpu.memory_space<vmem>>, vector<1x16xf32>,
        %parallel_loop3A_1633 = vector.shape_cast %parallel_loop3A_1632 : vector<1x16xf32> to vector<16xf32>
        %parallel_loop3A_1634 = arith.addf %parallel_loop3A_1625, %parallel_loop3A_1633 : vector<16xf32>
        %parallel_loop3A_1635 = arith.constant 10 : i32
        %parallel_loop3A_1636 = arith.muli %parallel_loop3A_633, %parallel_loop3A_1635 : i32
        %parallel_loop3A_1637 = arith.constant 6 : i32
        %parallel_loop3A_1638 = arith.addi %parallel_loop3A_1636, %parallel_loop3A_1637 : i32
        %parallel_loop3A_1639 = arith.index_cast %parallel_loop3A_1638 : i32 to index
        %parallel_loop3A_1640 = arith.constant 160 : index
        %parallel_loop3A_1641 = tpu.vector_load %arg7[%parallel_loop3A_1639, %parallel_loop3A_1640] {strides = array<i32>} : memref<80x256xf32, #tpu.memory_space<vmem>>, vector<1x16xf32>,
        %parallel_loop3A_1642 = vector.shape_cast %parallel_loop3A_1641 : vector<1x16xf32> to vector<16xf32>
        %parallel_loop3A_1643 = arith.addf %parallel_loop3A_1634, %parallel_loop3A_1642 : vector<16xf32>
        %parallel_loop3A_1644 = arith.constant 10 : i32
        %parallel_loop3A_1645 = arith.muli %parallel_loop3A_633, %parallel_loop3A_1644 : i32
        %parallel_loop3A_1646 = arith.constant 7 : i32
        %parallel_loop3A_1647 = arith.addi %parallel_loop3A_1645, %parallel_loop3A_1646 : i32
        %parallel_loop3A_1648 = arith.index_cast %parallel_loop3A_1647 : i32 to index
        %parallel_loop3A_1649 = arith.constant 160 : index
        %parallel_loop3A_1650 = tpu.vector_load %arg7[%parallel_loop3A_1648, %parallel_loop3A_1649] {strides = array<i32>} : memref<80x256xf32, #tpu.memory_space<vmem>>, vector<1x16xf32>,
        %parallel_loop3A_1651 = vector.shape_cast %parallel_loop3A_1650 : vector<1x16xf32> to vector<16xf32>
        %parallel_loop3A_1652 = arith.addf %parallel_loop3A_1643, %parallel_loop3A_1651 : vector<16xf32>
        %parallel_loop3A_1653 = arith.constant 10 : i32
        %parallel_loop3A_1654 = arith.muli %parallel_loop3A_633, %parallel_loop3A_1653 : i32
        %parallel_loop3A_1655 = arith.constant 8 : i32
        %parallel_loop3A_1656 = arith.addi %parallel_loop3A_1654, %parallel_loop3A_1655 : i32
        %parallel_loop3A_1657 = arith.index_cast %parallel_loop3A_1656 : i32 to index
        %parallel_loop3A_1658 = arith.constant 160 : index
        %parallel_loop3A_1659 = tpu.vector_load %arg7[%parallel_loop3A_1657, %parallel_loop3A_1658] {strides = array<i32>} : memref<80x256xf32, #tpu.memory_space<vmem>>, vector<1x16xf32>,
        %parallel_loop3A_1660 = vector.shape_cast %parallel_loop3A_1659 : vector<1x16xf32> to vector<16xf32>
        %parallel_loop3A_1661 = arith.addf %parallel_loop3A_1652, %parallel_loop3A_1660 : vector<16xf32>
        %parallel_loop3A_1662 = arith.constant 10 : i32
        %parallel_loop3A_1663 = arith.muli %parallel_loop3A_633, %parallel_loop3A_1662 : i32
        %parallel_loop3A_1664 = arith.constant 9 : i32
        %parallel_loop3A_1665 = arith.addi %parallel_loop3A_1663, %parallel_loop3A_1664 : i32
        %parallel_loop3A_1666 = arith.index_cast %parallel_loop3A_1665 : i32 to index
        %parallel_loop3A_1667 = arith.constant 160 : index
        %parallel_loop3A_1668 = tpu.vector_load %arg7[%parallel_loop3A_1666, %parallel_loop3A_1667] {strides = array<i32>} : memref<80x256xf32, #tpu.memory_space<vmem>>, vector<1x16xf32>,
        %parallel_loop3A_1669 = vector.shape_cast %parallel_loop3A_1668 : vector<1x16xf32> to vector<16xf32>
        %parallel_loop3A_1670 = arith.addf %parallel_loop3A_1661, %parallel_loop3A_1669 : vector<16xf32>
        %parallel_loop3A_1671 = arith.constant 8 : i32
        %parallel_loop3A_1672 = arith.muli %add3A_598, %parallel_loop3A_1671 : i32
        %parallel_loop3A_1673 = arith.addi %parallel_loop3A_1672, %parallel_loop3A_633 : i32
        %parallel_loop3A_1674 = arith.index_cast %parallel_loop3A_1673 : i32 to index
        %parallel_loop3A_1675 = arith.constant 160 : index
        %parallel_loop3A_1676 = tpu.vector_load %arg8[%parallel_loop3A_1674, %parallel_loop3A_1675] {strides = array<i32>} : memref<128x256xf32, #tpu.memory_space<vmem>>, vector<1x16xf32>,
        %parallel_loop3A_1677 = vector.shape_cast %parallel_loop3A_1676 : vector<1x16xf32> to vector<16xf32>
        %parallel_loop3A_1678 = vector.shape_cast %parallel_loop3A_1670 : vector<16xf32> to vector<1x16xf32>
        tpu.vector_store %arg8[%parallel_loop3A_1674, %parallel_loop3A_1675], %parallel_loop3A_1678 {strides = array<i32>} : memref<128x256xf32, #tpu.memory_space<vmem>>, vector<1x16xf32>,
        %parallel_loop3A_1679 = arith.constant 10 : i32
        %parallel_loop3A_1680 = arith.muli %parallel_loop3A_633, %parallel_loop3A_1679 : i32
        %parallel_loop3A_1681 = arith.index_cast %parallel_loop3A_1680 : i32 to index
        %parallel_loop3A_1682 = arith.constant 176 : index
        %parallel_loop3A_1683 = tpu.vector_load %arg7[%parallel_loop3A_1681, %parallel_loop3A_1682] {strides = array<i32>} : memref<80x256xf32, #tpu.memory_space<vmem>>, vector<1x16xf32>,
        %parallel_loop3A_1684 = vector.shape_cast %parallel_loop3A_1683 : vector<1x16xf32> to vector<16xf32>
        %parallel_loop3A_1685 = arith.constant 10 : i32
        %parallel_loop3A_1686 = arith.muli %parallel_loop3A_633, %parallel_loop3A_1685 : i32
        %parallel_loop3A_1687 = arith.constant 1 : i32
        %parallel_loop3A_1688 = arith.addi %parallel_loop3A_1686, %parallel_loop3A_1687 : i32
        %parallel_loop3A_1689 = arith.index_cast %parallel_loop3A_1688 : i32 to index
        %parallel_loop3A_1690 = arith.constant 176 : index
        %parallel_loop3A_1691 = tpu.vector_load %arg7[%parallel_loop3A_1689, %parallel_loop3A_1690] {strides = array<i32>} : memref<80x256xf32, #tpu.memory_space<vmem>>, vector<1x16xf32>,
        %parallel_loop3A_1692 = vector.shape_cast %parallel_loop3A_1691 : vector<1x16xf32> to vector<16xf32>
        %parallel_loop3A_1693 = arith.addf %parallel_loop3A_1684, %parallel_loop3A_1692 : vector<16xf32>
        %parallel_loop3A_1694 = arith.constant 10 : i32
        %parallel_loop3A_1695 = arith.muli %parallel_loop3A_633, %parallel_loop3A_1694 : i32
        %parallel_loop3A_1696 = arith.constant 2 : i32
        %parallel_loop3A_1697 = arith.addi %parallel_loop3A_1695, %parallel_loop3A_1696 : i32
        %parallel_loop3A_1698 = arith.index_cast %parallel_loop3A_1697 : i32 to index
        %parallel_loop3A_1699 = arith.constant 176 : index
        %parallel_loop3A_1700 = tpu.vector_load %arg7[%parallel_loop3A_1698, %parallel_loop3A_1699] {strides = array<i32>} : memref<80x256xf32, #tpu.memory_space<vmem>>, vector<1x16xf32>,
        %parallel_loop3A_1701 = vector.shape_cast %parallel_loop3A_1700 : vector<1x16xf32> to vector<16xf32>
        %parallel_loop3A_1702 = arith.addf %parallel_loop3A_1693, %parallel_loop3A_1701 : vector<16xf32>
        %parallel_loop3A_1703 = arith.constant 10 : i32
        %parallel_loop3A_1704 = arith.muli %parallel_loop3A_633, %parallel_loop3A_1703 : i32
        %parallel_loop3A_1705 = arith.constant 3 : i32
        %parallel_loop3A_1706 = arith.addi %parallel_loop3A_1704, %parallel_loop3A_1705 : i32
        %parallel_loop3A_1707 = arith.index_cast %parallel_loop3A_1706 : i32 to index
        %parallel_loop3A_1708 = arith.constant 176 : index
        %parallel_loop3A_1709 = tpu.vector_load %arg7[%parallel_loop3A_1707, %parallel_loop3A_1708] {strides = array<i32>} : memref<80x256xf32, #tpu.memory_space<vmem>>, vector<1x16xf32>,
        %parallel_loop3A_1710 = vector.shape_cast %parallel_loop3A_1709 : vector<1x16xf32> to vector<16xf32>
        %parallel_loop3A_1711 = arith.addf %parallel_loop3A_1702, %parallel_loop3A_1710 : vector<16xf32>
        %parallel_loop3A_1712 = arith.constant 10 : i32
        %parallel_loop3A_1713 = arith.muli %parallel_loop3A_633, %parallel_loop3A_1712 : i32
        %parallel_loop3A_1714 = arith.constant 4 : i32
        %parallel_loop3A_1715 = arith.addi %parallel_loop3A_1713, %parallel_loop3A_1714 : i32
        %parallel_loop3A_1716 = arith.index_cast %parallel_loop3A_1715 : i32 to index
        %parallel_loop3A_1717 = arith.constant 176 : index
        %parallel_loop3A_1718 = tpu.vector_load %arg7[%parallel_loop3A_1716, %parallel_loop3A_1717] {strides = array<i32>} : memref<80x256xf32, #tpu.memory_space<vmem>>, vector<1x16xf32>,
        %parallel_loop3A_1719 = vector.shape_cast %parallel_loop3A_1718 : vector<1x16xf32> to vector<16xf32>
        %parallel_loop3A_1720 = arith.addf %parallel_loop3A_1711, %parallel_loop3A_1719 : vector<16xf32>
        %parallel_loop3A_1721 = arith.constant 10 : i32
        %parallel_loop3A_1722 = arith.muli %parallel_loop3A_633, %parallel_loop3A_1721 : i32
        %parallel_loop3A_1723 = arith.constant 5 : i32
        %parallel_loop3A_1724 = arith.addi %parallel_loop3A_1722, %parallel_loop3A_1723 : i32
        %parallel_loop3A_1725 = arith.index_cast %parallel_loop3A_1724 : i32 to index
        %parallel_loop3A_1726 = arith.constant 176 : index
        %parallel_loop3A_1727 = tpu.vector_load %arg7[%parallel_loop3A_1725, %parallel_loop3A_1726] {strides = array<i32>} : memref<80x256xf32, #tpu.memory_space<vmem>>, vector<1x16xf32>,
        %parallel_loop3A_1728 = vector.shape_cast %parallel_loop3A_1727 : vector<1x16xf32> to vector<16xf32>
        %parallel_loop3A_1729 = arith.addf %parallel_loop3A_1720, %parallel_loop3A_1728 : vector<16xf32>
        %parallel_loop3A_1730 = arith.constant 10 : i32
        %parallel_loop3A_1731 = arith.muli %parallel_loop3A_633, %parallel_loop3A_1730 : i32
        %parallel_loop3A_1732 = arith.constant 6 : i32
        %parallel_loop3A_1733 = arith.addi %parallel_loop3A_1731, %parallel_loop3A_1732 : i32
        %parallel_loop3A_1734 = arith.index_cast %parallel_loop3A_1733 : i32 to index
        %parallel_loop3A_1735 = arith.constant 176 : index
        %parallel_loop3A_1736 = tpu.vector_load %arg7[%parallel_loop3A_1734, %parallel_loop3A_1735] {strides = array<i32>} : memref<80x256xf32, #tpu.memory_space<vmem>>, vector<1x16xf32>,
        %parallel_loop3A_1737 = vector.shape_cast %parallel_loop3A_1736 : vector<1x16xf32> to vector<16xf32>
        %parallel_loop3A_1738 = arith.addf %parallel_loop3A_1729, %parallel_loop3A_1737 : vector<16xf32>
        %parallel_loop3A_1739 = arith.constant 10 : i32
        %parallel_loop3A_1740 = arith.muli %parallel_loop3A_633, %parallel_loop3A_1739 : i32
        %parallel_loop3A_1741 = arith.constant 7 : i32
        %parallel_loop3A_1742 = arith.addi %parallel_loop3A_1740, %parallel_loop3A_1741 : i32
        %parallel_loop3A_1743 = arith.index_cast %parallel_loop3A_1742 : i32 to index
        %parallel_loop3A_1744 = arith.constant 176 : index
        %parallel_loop3A_1745 = tpu.vector_load %arg7[%parallel_loop3A_1743, %parallel_loop3A_1744] {strides = array<i32>} : memref<80x256xf32, #tpu.memory_space<vmem>>, vector<1x16xf32>,
        %parallel_loop3A_1746 = vector.shape_cast %parallel_loop3A_1745 : vector<1x16xf32> to vector<16xf32>
        %parallel_loop3A_1747 = arith.addf %parallel_loop3A_1738, %parallel_loop3A_1746 : vector<16xf32>
        %parallel_loop3A_1748 = arith.constant 10 : i32
        %parallel_loop3A_1749 = arith.muli %parallel_loop3A_633, %parallel_loop3A_1748 : i32
        %parallel_loop3A_1750 = arith.constant 8 : i32
        %parallel_loop3A_1751 = arith.addi %parallel_loop3A_1749, %parallel_loop3A_1750 : i32
        %parallel_loop3A_1752 = arith.index_cast %parallel_loop3A_1751 : i32 to index
        %parallel_loop3A_1753 = arith.constant 176 : index
        %parallel_loop3A_1754 = tpu.vector_load %arg7[%parallel_loop3A_1752, %parallel_loop3A_1753] {strides = array<i32>} : memref<80x256xf32, #tpu.memory_space<vmem>>, vector<1x16xf32>,
        %parallel_loop3A_1755 = vector.shape_cast %parallel_loop3A_1754 : vector<1x16xf32> to vector<16xf32>
        %parallel_loop3A_1756 = arith.addf %parallel_loop3A_1747, %parallel_loop3A_1755 : vector<16xf32>
        %parallel_loop3A_1757 = arith.constant 10 : i32
        %parallel_loop3A_1758 = arith.muli %parallel_loop3A_633, %parallel_loop3A_1757 : i32
        %parallel_loop3A_1759 = arith.constant 9 : i32
        %parallel_loop3A_1760 = arith.addi %parallel_loop3A_1758, %parallel_loop3A_1759 : i32
        %parallel_loop3A_1761 = arith.index_cast %parallel_loop3A_1760 : i32 to index
        %parallel_loop3A_1762 = arith.constant 176 : index
        %parallel_loop3A_1763 = tpu.vector_load %arg7[%parallel_loop3A_1761, %parallel_loop3A_1762] {strides = array<i32>} : memref<80x256xf32, #tpu.memory_space<vmem>>, vector<1x16xf32>,
        %parallel_loop3A_1764 = vector.shape_cast %parallel_loop3A_1763 : vector<1x16xf32> to vector<16xf32>
        %parallel_loop3A_1765 = arith.addf %parallel_loop3A_1756, %parallel_loop3A_1764 : vector<16xf32>
        %parallel_loop3A_1766 = arith.constant 8 : i32
        %parallel_loop3A_1767 = arith.muli %add3A_598, %parallel_loop3A_1766 : i32
        %parallel_loop3A_1768 = arith.addi %parallel_loop3A_1767, %parallel_loop3A_633 : i32
        %parallel_loop3A_1769 = arith.index_cast %parallel_loop3A_1768 : i32 to index
        %parallel_loop3A_1770 = arith.constant 176 : index
        %parallel_loop3A_1771 = tpu.vector_load %arg8[%parallel_loop3A_1769, %parallel_loop3A_1770] {strides = array<i32>} : memref<128x256xf32, #tpu.memory_space<vmem>>, vector<1x16xf32>,
        %parallel_loop3A_1772 = vector.shape_cast %parallel_loop3A_1771 : vector<1x16xf32> to vector<16xf32>
        %parallel_loop3A_1773 = vector.shape_cast %parallel_loop3A_1765 : vector<16xf32> to vector<1x16xf32>
        tpu.vector_store %arg8[%parallel_loop3A_1769, %parallel_loop3A_1770], %parallel_loop3A_1773 {strides = array<i32>} : memref<128x256xf32, #tpu.memory_space<vmem>>, vector<1x16xf32>,
        %parallel_loop3A_1774 = arith.constant 10 : i32
        %parallel_loop3A_1775 = arith.muli %parallel_loop3A_633, %parallel_loop3A_1774 : i32
        %parallel_loop3A_1776 = arith.index_cast %parallel_loop3A_1775 : i32 to index
        %parallel_loop3A_1777 = arith.constant 192 : index
        %parallel_loop3A_1778 = tpu.vector_load %arg7[%parallel_loop3A_1776, %parallel_loop3A_1777] {strides = array<i32>} : memref<80x256xf32, #tpu.memory_space<vmem>>, vector<1x16xf32>,
        %parallel_loop3A_1779 = vector.shape_cast %parallel_loop3A_1778 : vector<1x16xf32> to vector<16xf32>
        %parallel_loop3A_1780 = arith.constant 10 : i32
        %parallel_loop3A_1781 = arith.muli %parallel_loop3A_633, %parallel_loop3A_1780 : i32
        %parallel_loop3A_1782 = arith.constant 1 : i32
        %parallel_loop3A_1783 = arith.addi %parallel_loop3A_1781, %parallel_loop3A_1782 : i32
        %parallel_loop3A_1784 = arith.index_cast %parallel_loop3A_1783 : i32 to index
        %parallel_loop3A_1785 = arith.constant 192 : index
        %parallel_loop3A_1786 = tpu.vector_load %arg7[%parallel_loop3A_1784, %parallel_loop3A_1785] {strides = array<i32>} : memref<80x256xf32, #tpu.memory_space<vmem>>, vector<1x16xf32>,
        %parallel_loop3A_1787 = vector.shape_cast %parallel_loop3A_1786 : vector<1x16xf32> to vector<16xf32>
        %parallel_loop3A_1788 = arith.addf %parallel_loop3A_1779, %parallel_loop3A_1787 : vector<16xf32>
        %parallel_loop3A_1789 = arith.constant 10 : i32
        %parallel_loop3A_1790 = arith.muli %parallel_loop3A_633, %parallel_loop3A_1789 : i32
        %parallel_loop3A_1791 = arith.constant 2 : i32
        %parallel_loop3A_1792 = arith.addi %parallel_loop3A_1790, %parallel_loop3A_1791 : i32
        %parallel_loop3A_1793 = arith.index_cast %parallel_loop3A_1792 : i32 to index
        %parallel_loop3A_1794 = arith.constant 192 : index
        %parallel_loop3A_1795 = tpu.vector_load %arg7[%parallel_loop3A_1793, %parallel_loop3A_1794] {strides = array<i32>} : memref<80x256xf32, #tpu.memory_space<vmem>>, vector<1x16xf32>,
        %parallel_loop3A_1796 = vector.shape_cast %parallel_loop3A_1795 : vector<1x16xf32> to vector<16xf32>
        %parallel_loop3A_1797 = arith.addf %parallel_loop3A_1788, %parallel_loop3A_1796 : vector<16xf32>
        %parallel_loop3A_1798 = arith.constant 10 : i32
        %parallel_loop3A_1799 = arith.muli %parallel_loop3A_633, %parallel_loop3A_1798 : i32
        %parallel_loop3A_1800 = arith.constant 3 : i32
        %parallel_loop3A_1801 = arith.addi %parallel_loop3A_1799, %parallel_loop3A_1800 : i32
        %parallel_loop3A_1802 = arith.index_cast %parallel_loop3A_1801 : i32 to index
        %parallel_loop3A_1803 = arith.constant 192 : index
        %parallel_loop3A_1804 = tpu.vector_load %arg7[%parallel_loop3A_1802, %parallel_loop3A_1803] {strides = array<i32>} : memref<80x256xf32, #tpu.memory_space<vmem>>, vector<1x16xf32>,
        %parallel_loop3A_1805 = vector.shape_cast %parallel_loop3A_1804 : vector<1x16xf32> to vector<16xf32>
        %parallel_loop3A_1806 = arith.addf %parallel_loop3A_1797, %parallel_loop3A_1805 : vector<16xf32>
        %parallel_loop3A_1807 = arith.constant 10 : i32
        %parallel_loop3A_1808 = arith.muli %parallel_loop3A_633, %parallel_loop3A_1807 : i32
        %parallel_loop3A_1809 = arith.constant 4 : i32
        %parallel_loop3A_1810 = arith.addi %parallel_loop3A_1808, %parallel_loop3A_1809 : i32
        %parallel_loop3A_1811 = arith.index_cast %parallel_loop3A_1810 : i32 to index
        %parallel_loop3A_1812 = arith.constant 192 : index
        %parallel_loop3A_1813 = tpu.vector_load %arg7[%parallel_loop3A_1811, %parallel_loop3A_1812] {strides = array<i32>} : memref<80x256xf32, #tpu.memory_space<vmem>>, vector<1x16xf32>,
        %parallel_loop3A_1814 = vector.shape_cast %parallel_loop3A_1813 : vector<1x16xf32> to vector<16xf32>
        %parallel_loop3A_1815 = arith.addf %parallel_loop3A_1806, %parallel_loop3A_1814 : vector<16xf32>
        %parallel_loop3A_1816 = arith.constant 10 : i32
        %parallel_loop3A_1817 = arith.muli %parallel_loop3A_633, %parallel_loop3A_1816 : i32
        %parallel_loop3A_1818 = arith.constant 5 : i32
        %parallel_loop3A_1819 = arith.addi %parallel_loop3A_1817, %parallel_loop3A_1818 : i32
        %parallel_loop3A_1820 = arith.index_cast %parallel_loop3A_1819 : i32 to index
        %parallel_loop3A_1821 = arith.constant 192 : index
        %parallel_loop3A_1822 = tpu.vector_load %arg7[%parallel_loop3A_1820, %parallel_loop3A_1821] {strides = array<i32>} : memref<80x256xf32, #tpu.memory_space<vmem>>, vector<1x16xf32>,
        %parallel_loop3A_1823 = vector.shape_cast %parallel_loop3A_1822 : vector<1x16xf32> to vector<16xf32>
        %parallel_loop3A_1824 = arith.addf %parallel_loop3A_1815, %parallel_loop3A_1823 : vector<16xf32>
        %parallel_loop3A_1825 = arith.constant 10 : i32
        %parallel_loop3A_1826 = arith.muli %parallel_loop3A_633, %parallel_loop3A_1825 : i32
        %parallel_loop3A_1827 = arith.constant 6 : i32
        %parallel_loop3A_1828 = arith.addi %parallel_loop3A_1826, %parallel_loop3A_1827 : i32
        %parallel_loop3A_1829 = arith.index_cast %parallel_loop3A_1828 : i32 to index
        %parallel_loop3A_1830 = arith.constant 192 : index
        %parallel_loop3A_1831 = tpu.vector_load %arg7[%parallel_loop3A_1829, %parallel_loop3A_1830] {strides = array<i32>} : memref<80x256xf32, #tpu.memory_space<vmem>>, vector<1x16xf32>,
        %parallel_loop3A_1832 = vector.shape_cast %parallel_loop3A_1831 : vector<1x16xf32> to vector<16xf32>
        %parallel_loop3A_1833 = arith.addf %parallel_loop3A_1824, %parallel_loop3A_1832 : vector<16xf32>
        %parallel_loop3A_1834 = arith.constant 10 : i32
        %parallel_loop3A_1835 = arith.muli %parallel_loop3A_633, %parallel_loop3A_1834 : i32
        %parallel_loop3A_1836 = arith.constant 7 : i32
        %parallel_loop3A_1837 = arith.addi %parallel_loop3A_1835, %parallel_loop3A_1836 : i32
        %parallel_loop3A_1838 = arith.index_cast %parallel_loop3A_1837 : i32 to index
        %parallel_loop3A_1839 = arith.constant 192 : index
        %parallel_loop3A_1840 = tpu.vector_load %arg7[%parallel_loop3A_1838, %parallel_loop3A_1839] {strides = array<i32>} : memref<80x256xf32, #tpu.memory_space<vmem>>, vector<1x16xf32>,
        %parallel_loop3A_1841 = vector.shape_cast %parallel_loop3A_1840 : vector<1x16xf32> to vector<16xf32>
        %parallel_loop3A_1842 = arith.addf %parallel_loop3A_1833, %parallel_loop3A_1841 : vector<16xf32>
        %parallel_loop3A_1843 = arith.constant 10 : i32
        %parallel_loop3A_1844 = arith.muli %parallel_loop3A_633, %parallel_loop3A_1843 : i32
        %parallel_loop3A_1845 = arith.constant 8 : i32
        %parallel_loop3A_1846 = arith.addi %parallel_loop3A_1844, %parallel_loop3A_1845 : i32
        %parallel_loop3A_1847 = arith.index_cast %parallel_loop3A_1846 : i32 to index
        %parallel_loop3A_1848 = arith.constant 192 : index
        %parallel_loop3A_1849 = tpu.vector_load %arg7[%parallel_loop3A_1847, %parallel_loop3A_1848] {strides = array<i32>} : memref<80x256xf32, #tpu.memory_space<vmem>>, vector<1x16xf32>,
        %parallel_loop3A_1850 = vector.shape_cast %parallel_loop3A_1849 : vector<1x16xf32> to vector<16xf32>
        %parallel_loop3A_1851 = arith.addf %parallel_loop3A_1842, %parallel_loop3A_1850 : vector<16xf32>
        %parallel_loop3A_1852 = arith.constant 10 : i32
        %parallel_loop3A_1853 = arith.muli %parallel_loop3A_633, %parallel_loop3A_1852 : i32
        %parallel_loop3A_1854 = arith.constant 9 : i32
        %parallel_loop3A_1855 = arith.addi %parallel_loop3A_1853, %parallel_loop3A_1854 : i32
        %parallel_loop3A_1856 = arith.index_cast %parallel_loop3A_1855 : i32 to index
        %parallel_loop3A_1857 = arith.constant 192 : index
        %parallel_loop3A_1858 = tpu.vector_load %arg7[%parallel_loop3A_1856, %parallel_loop3A_1857] {strides = array<i32>} : memref<80x256xf32, #tpu.memory_space<vmem>>, vector<1x16xf32>,
        %parallel_loop3A_1859 = vector.shape_cast %parallel_loop3A_1858 : vector<1x16xf32> to vector<16xf32>
        %parallel_loop3A_1860 = arith.addf %parallel_loop3A_1851, %parallel_loop3A_1859 : vector<16xf32>
        %parallel_loop3A_1861 = arith.constant 8 : i32
        %parallel_loop3A_1862 = arith.muli %add3A_598, %parallel_loop3A_1861 : i32
        %parallel_loop3A_1863 = arith.addi %parallel_loop3A_1862, %parallel_loop3A_633 : i32
        %parallel_loop3A_1864 = arith.index_cast %parallel_loop3A_1863 : i32 to index
        %parallel_loop3A_1865 = arith.constant 192 : index
        %parallel_loop3A_1866 = tpu.vector_load %arg8[%parallel_loop3A_1864, %parallel_loop3A_1865] {strides = array<i32>} : memref<128x256xf32, #tpu.memory_space<vmem>>, vector<1x16xf32>,
        %parallel_loop3A_1867 = vector.shape_cast %parallel_loop3A_1866 : vector<1x16xf32> to vector<16xf32>
        %parallel_loop3A_1868 = vector.shape_cast %parallel_loop3A_1860 : vector<16xf32> to vector<1x16xf32>
        tpu.vector_store %arg8[%parallel_loop3A_1864, %parallel_loop3A_1865], %parallel_loop3A_1868 {strides = array<i32>} : memref<128x256xf32, #tpu.memory_space<vmem>>, vector<1x16xf32>,
        %parallel_loop3A_1869 = arith.constant 10 : i32
        %parallel_loop3A_1870 = arith.muli %parallel_loop3A_633, %parallel_loop3A_1869 : i32
        %parallel_loop3A_1871 = arith.index_cast %parallel_loop3A_1870 : i32 to index
        %parallel_loop3A_1872 = arith.constant 208 : index
        %parallel_loop3A_1873 = tpu.vector_load %arg7[%parallel_loop3A_1871, %parallel_loop3A_1872] {strides = array<i32>} : memref<80x256xf32, #tpu.memory_space<vmem>>, vector<1x16xf32>,
        %parallel_loop3A_1874 = vector.shape_cast %parallel_loop3A_1873 : vector<1x16xf32> to vector<16xf32>
        %parallel_loop3A_1875 = arith.constant 10 : i32
        %parallel_loop3A_1876 = arith.muli %parallel_loop3A_633, %parallel_loop3A_1875 : i32
        %parallel_loop3A_1877 = arith.constant 1 : i32
        %parallel_loop3A_1878 = arith.addi %parallel_loop3A_1876, %parallel_loop3A_1877 : i32
        %parallel_loop3A_1879 = arith.index_cast %parallel_loop3A_1878 : i32 to index
        %parallel_loop3A_1880 = arith.constant 208 : index
        %parallel_loop3A_1881 = tpu.vector_load %arg7[%parallel_loop3A_1879, %parallel_loop3A_1880] {strides = array<i32>} : memref<80x256xf32, #tpu.memory_space<vmem>>, vector<1x16xf32>,
        %parallel_loop3A_1882 = vector.shape_cast %parallel_loop3A_1881 : vector<1x16xf32> to vector<16xf32>
        %parallel_loop3A_1883 = arith.addf %parallel_loop3A_1874, %parallel_loop3A_1882 : vector<16xf32>
        %parallel_loop3A_1884 = arith.constant 10 : i32
        %parallel_loop3A_1885 = arith.muli %parallel_loop3A_633, %parallel_loop3A_1884 : i32
        %parallel_loop3A_1886 = arith.constant 2 : i32
        %parallel_loop3A_1887 = arith.addi %parallel_loop3A_1885, %parallel_loop3A_1886 : i32
        %parallel_loop3A_1888 = arith.index_cast %parallel_loop3A_1887 : i32 to index
        %parallel_loop3A_1889 = arith.constant 208 : index
        %parallel_loop3A_1890 = tpu.vector_load %arg7[%parallel_loop3A_1888, %parallel_loop3A_1889] {strides = array<i32>} : memref<80x256xf32, #tpu.memory_space<vmem>>, vector<1x16xf32>,
        %parallel_loop3A_1891 = vector.shape_cast %parallel_loop3A_1890 : vector<1x16xf32> to vector<16xf32>
        %parallel_loop3A_1892 = arith.addf %parallel_loop3A_1883, %parallel_loop3A_1891 : vector<16xf32>
        %parallel_loop3A_1893 = arith.constant 10 : i32
        %parallel_loop3A_1894 = arith.muli %parallel_loop3A_633, %parallel_loop3A_1893 : i32
        %parallel_loop3A_1895 = arith.constant 3 : i32
        %parallel_loop3A_1896 = arith.addi %parallel_loop3A_1894, %parallel_loop3A_1895 : i32
        %parallel_loop3A_1897 = arith.index_cast %parallel_loop3A_1896 : i32 to index
        %parallel_loop3A_1898 = arith.constant 208 : index
        %parallel_loop3A_1899 = tpu.vector_load %arg7[%parallel_loop3A_1897, %parallel_loop3A_1898] {strides = array<i32>} : memref<80x256xf32, #tpu.memory_space<vmem>>, vector<1x16xf32>,
        %parallel_loop3A_1900 = vector.shape_cast %parallel_loop3A_1899 : vector<1x16xf32> to vector<16xf32>
        %parallel_loop3A_1901 = arith.addf %parallel_loop3A_1892, %parallel_loop3A_1900 : vector<16xf32>
        %parallel_loop3A_1902 = arith.constant 10 : i32
        %parallel_loop3A_1903 = arith.muli %parallel_loop3A_633, %parallel_loop3A_1902 : i32
        %parallel_loop3A_1904 = arith.constant 4 : i32
        %parallel_loop3A_1905 = arith.addi %parallel_loop3A_1903, %parallel_loop3A_1904 : i32
        %parallel_loop3A_1906 = arith.index_cast %parallel_loop3A_1905 : i32 to index
        %parallel_loop3A_1907 = arith.constant 208 : index
        %parallel_loop3A_1908 = tpu.vector_load %arg7[%parallel_loop3A_1906, %parallel_loop3A_1907] {strides = array<i32>} : memref<80x256xf32, #tpu.memory_space<vmem>>, vector<1x16xf32>,
        %parallel_loop3A_1909 = vector.shape_cast %parallel_loop3A_1908 : vector<1x16xf32> to vector<16xf32>
        %parallel_loop3A_1910 = arith.addf %parallel_loop3A_1901, %parallel_loop3A_1909 : vector<16xf32>
        %parallel_loop3A_1911 = arith.constant 10 : i32
        %parallel_loop3A_1912 = arith.muli %parallel_loop3A_633, %parallel_loop3A_1911 : i32
        %parallel_loop3A_1913 = arith.constant 5 : i32
        %parallel_loop3A_1914 = arith.addi %parallel_loop3A_1912, %parallel_loop3A_1913 : i32
        %parallel_loop3A_1915 = arith.index_cast %parallel_loop3A_1914 : i32 to index
        %parallel_loop3A_1916 = arith.constant 208 : index
        %parallel_loop3A_1917 = tpu.vector_load %arg7[%parallel_loop3A_1915, %parallel_loop3A_1916] {strides = array<i32>} : memref<80x256xf32, #tpu.memory_space<vmem>>, vector<1x16xf32>,
        %parallel_loop3A_1918 = vector.shape_cast %parallel_loop3A_1917 : vector<1x16xf32> to vector<16xf32>
        %parallel_loop3A_1919 = arith.addf %parallel_loop3A_1910, %parallel_loop3A_1918 : vector<16xf32>
        %parallel_loop3A_1920 = arith.constant 10 : i32
        %parallel_loop3A_1921 = arith.muli %parallel_loop3A_633, %parallel_loop3A_1920 : i32
        %parallel_loop3A_1922 = arith.constant 6 : i32
        %parallel_loop3A_1923 = arith.addi %parallel_loop3A_1921, %parallel_loop3A_1922 : i32
        %parallel_loop3A_1924 = arith.index_cast %parallel_loop3A_1923 : i32 to index
        %parallel_loop3A_1925 = arith.constant 208 : index
        %parallel_loop3A_1926 = tpu.vector_load %arg7[%parallel_loop3A_1924, %parallel_loop3A_1925] {strides = array<i32>} : memref<80x256xf32, #tpu.memory_space<vmem>>, vector<1x16xf32>,
        %parallel_loop3A_1927 = vector.shape_cast %parallel_loop3A_1926 : vector<1x16xf32> to vector<16xf32>
        %parallel_loop3A_1928 = arith.addf %parallel_loop3A_1919, %parallel_loop3A_1927 : vector<16xf32>
        %parallel_loop3A_1929 = arith.constant 10 : i32
        %parallel_loop3A_1930 = arith.muli %parallel_loop3A_633, %parallel_loop3A_1929 : i32
        %parallel_loop3A_1931 = arith.constant 7 : i32
        %parallel_loop3A_1932 = arith.addi %parallel_loop3A_1930, %parallel_loop3A_1931 : i32
        %parallel_loop3A_1933 = arith.index_cast %parallel_loop3A_1932 : i32 to index
        %parallel_loop3A_1934 = arith.constant 208 : index
        %parallel_loop3A_1935 = tpu.vector_load %arg7[%parallel_loop3A_1933, %parallel_loop3A_1934] {strides = array<i32>} : memref<80x256xf32, #tpu.memory_space<vmem>>, vector<1x16xf32>,
        %parallel_loop3A_1936 = vector.shape_cast %parallel_loop3A_1935 : vector<1x16xf32> to vector<16xf32>
        %parallel_loop3A_1937 = arith.addf %parallel_loop3A_1928, %parallel_loop3A_1936 : vector<16xf32>
        %parallel_loop3A_1938 = arith.constant 10 : i32
        %parallel_loop3A_1939 = arith.muli %parallel_loop3A_633, %parallel_loop3A_1938 : i32
        %parallel_loop3A_1940 = arith.constant 8 : i32
        %parallel_loop3A_1941 = arith.addi %parallel_loop3A_1939, %parallel_loop3A_1940 : i32
        %parallel_loop3A_1942 = arith.index_cast %parallel_loop3A_1941 : i32 to index
        %parallel_loop3A_1943 = arith.constant 208 : index
        %parallel_loop3A_1944 = tpu.vector_load %arg7[%parallel_loop3A_1942, %parallel_loop3A_1943] {strides = array<i32>} : memref<80x256xf32, #tpu.memory_space<vmem>>, vector<1x16xf32>,
        %parallel_loop3A_1945 = vector.shape_cast %parallel_loop3A_1944 : vector<1x16xf32> to vector<16xf32>
        %parallel_loop3A_1946 = arith.addf %parallel_loop3A_1937, %parallel_loop3A_1945 : vector<16xf32>
        %parallel_loop3A_1947 = arith.constant 10 : i32
        %parallel_loop3A_1948 = arith.muli %parallel_loop3A_633, %parallel_loop3A_1947 : i32
        %parallel_loop3A_1949 = arith.constant 9 : i32
        %parallel_loop3A_1950 = arith.addi %parallel_loop3A_1948, %parallel_loop3A_1949 : i32
        %parallel_loop3A_1951 = arith.index_cast %parallel_loop3A_1950 : i32 to index
        %parallel_loop3A_1952 = arith.constant 208 : index
        %parallel_loop3A_1953 = tpu.vector_load %arg7[%parallel_loop3A_1951, %parallel_loop3A_1952] {strides = array<i32>} : memref<80x256xf32, #tpu.memory_space<vmem>>, vector<1x16xf32>,
        %parallel_loop3A_1954 = vector.shape_cast %parallel_loop3A_1953 : vector<1x16xf32> to vector<16xf32>
        %parallel_loop3A_1955 = arith.addf %parallel_loop3A_1946, %parallel_loop3A_1954 : vector<16xf32>
        %parallel_loop3A_1956 = arith.constant 8 : i32
        %parallel_loop3A_1957 = arith.muli %add3A_598, %parallel_loop3A_1956 : i32
        %parallel_loop3A_1958 = arith.addi %parallel_loop3A_1957, %parallel_loop3A_633 : i32
        %parallel_loop3A_1959 = arith.index_cast %parallel_loop3A_1958 : i32 to index
        %parallel_loop3A_1960 = arith.constant 208 : index
        %parallel_loop3A_1961 = tpu.vector_load %arg8[%parallel_loop3A_1959, %parallel_loop3A_1960] {strides = array<i32>} : memref<128x256xf32, #tpu.memory_space<vmem>>, vector<1x16xf32>,
        %parallel_loop3A_1962 = vector.shape_cast %parallel_loop3A_1961 : vector<1x16xf32> to vector<16xf32>
        %parallel_loop3A_1963 = vector.shape_cast %parallel_loop3A_1955 : vector<16xf32> to vector<1x16xf32>
        tpu.vector_store %arg8[%parallel_loop3A_1959, %parallel_loop3A_1960], %parallel_loop3A_1963 {strides = array<i32>} : memref<128x256xf32, #tpu.memory_space<vmem>>, vector<1x16xf32>,
        %parallel_loop3A_1964 = arith.constant 10 : i32
        %parallel_loop3A_1965 = arith.muli %parallel_loop3A_633, %parallel_loop3A_1964 : i32
        %parallel_loop3A_1966 = arith.index_cast %parallel_loop3A_1965 : i32 to index
        %parallel_loop3A_1967 = arith.constant 224 : index
        %parallel_loop3A_1968 = tpu.vector_load %arg7[%parallel_loop3A_1966, %parallel_loop3A_1967] {strides = array<i32>} : memref<80x256xf32, #tpu.memory_space<vmem>>, vector<1x16xf32>,
        %parallel_loop3A_1969 = vector.shape_cast %parallel_loop3A_1968 : vector<1x16xf32> to vector<16xf32>
        %parallel_loop3A_1970 = arith.constant 10 : i32
        %parallel_loop3A_1971 = arith.muli %parallel_loop3A_633, %parallel_loop3A_1970 : i32
        %parallel_loop3A_1972 = arith.constant 1 : i32
        %parallel_loop3A_1973 = arith.addi %parallel_loop3A_1971, %parallel_loop3A_1972 : i32
        %parallel_loop3A_1974 = arith.index_cast %parallel_loop3A_1973 : i32 to index
        %parallel_loop3A_1975 = arith.constant 224 : index
        %parallel_loop3A_1976 = tpu.vector_load %arg7[%parallel_loop3A_1974, %parallel_loop3A_1975] {strides = array<i32>} : memref<80x256xf32, #tpu.memory_space<vmem>>, vector<1x16xf32>,
        %parallel_loop3A_1977 = vector.shape_cast %parallel_loop3A_1976 : vector<1x16xf32> to vector<16xf32>
        %parallel_loop3A_1978 = arith.addf %parallel_loop3A_1969, %parallel_loop3A_1977 : vector<16xf32>
        %parallel_loop3A_1979 = arith.constant 10 : i32
        %parallel_loop3A_1980 = arith.muli %parallel_loop3A_633, %parallel_loop3A_1979 : i32
        %parallel_loop3A_1981 = arith.constant 2 : i32
        %parallel_loop3A_1982 = arith.addi %parallel_loop3A_1980, %parallel_loop3A_1981 : i32
        %parallel_loop3A_1983 = arith.index_cast %parallel_loop3A_1982 : i32 to index
        %parallel_loop3A_1984 = arith.constant 224 : index
        %parallel_loop3A_1985 = tpu.vector_load %arg7[%parallel_loop3A_1983, %parallel_loop3A_1984] {strides = array<i32>} : memref<80x256xf32, #tpu.memory_space<vmem>>, vector<1x16xf32>,
        %parallel_loop3A_1986 = vector.shape_cast %parallel_loop3A_1985 : vector<1x16xf32> to vector<16xf32>
        %parallel_loop3A_1987 = arith.addf %parallel_loop3A_1978, %parallel_loop3A_1986 : vector<16xf32>
        %parallel_loop3A_1988 = arith.constant 10 : i32
        %parallel_loop3A_1989 = arith.muli %parallel_loop3A_633, %parallel_loop3A_1988 : i32
        %parallel_loop3A_1990 = arith.constant 3 : i32
        %parallel_loop3A_1991 = arith.addi %parallel_loop3A_1989, %parallel_loop3A_1990 : i32
        %parallel_loop3A_1992 = arith.index_cast %parallel_loop3A_1991 : i32 to index
        %parallel_loop3A_1993 = arith.constant 224 : index
        %parallel_loop3A_1994 = tpu.vector_load %arg7[%parallel_loop3A_1992, %parallel_loop3A_1993] {strides = array<i32>} : memref<80x256xf32, #tpu.memory_space<vmem>>, vector<1x16xf32>,
        %parallel_loop3A_1995 = vector.shape_cast %parallel_loop3A_1994 : vector<1x16xf32> to vector<16xf32>
        %parallel_loop3A_1996 = arith.addf %parallel_loop3A_1987, %parallel_loop3A_1995 : vector<16xf32>
        %parallel_loop3A_1997 = arith.constant 10 : i32
        %parallel_loop3A_1998 = arith.muli %parallel_loop3A_633, %parallel_loop3A_1997 : i32
        %parallel_loop3A_1999 = arith.constant 4 : i32
        %parallel_loop3A_2000 = arith.addi %parallel_loop3A_1998, %parallel_loop3A_1999 : i32
        %parallel_loop3A_2001 = arith.index_cast %parallel_loop3A_2000 : i32 to index
        %parallel_loop3A_2002 = arith.constant 224 : index
        %parallel_loop3A_2003 = tpu.vector_load %arg7[%parallel_loop3A_2001, %parallel_loop3A_2002] {strides = array<i32>} : memref<80x256xf32, #tpu.memory_space<vmem>>, vector<1x16xf32>,
        %parallel_loop3A_2004 = vector.shape_cast %parallel_loop3A_2003 : vector<1x16xf32> to vector<16xf32>
        %parallel_loop3A_2005 = arith.addf %parallel_loop3A_1996, %parallel_loop3A_2004 : vector<16xf32>
        %parallel_loop3A_2006 = arith.constant 10 : i32
        %parallel_loop3A_2007 = arith.muli %parallel_loop3A_633, %parallel_loop3A_2006 : i32
        %parallel_loop3A_2008 = arith.constant 5 : i32
        %parallel_loop3A_2009 = arith.addi %parallel_loop3A_2007, %parallel_loop3A_2008 : i32
        %parallel_loop3A_2010 = arith.index_cast %parallel_loop3A_2009 : i32 to index
        %parallel_loop3A_2011 = arith.constant 224 : index
        %parallel_loop3A_2012 = tpu.vector_load %arg7[%parallel_loop3A_2010, %parallel_loop3A_2011] {strides = array<i32>} : memref<80x256xf32, #tpu.memory_space<vmem>>, vector<1x16xf32>,
        %parallel_loop3A_2013 = vector.shape_cast %parallel_loop3A_2012 : vector<1x16xf32> to vector<16xf32>
        %parallel_loop3A_2014 = arith.addf %parallel_loop3A_2005, %parallel_loop3A_2013 : vector<16xf32>
        %parallel_loop3A_2015 = arith.constant 10 : i32
        %parallel_loop3A_2016 = arith.muli %parallel_loop3A_633, %parallel_loop3A_2015 : i32
        %parallel_loop3A_2017 = arith.constant 6 : i32
        %parallel_loop3A_2018 = arith.addi %parallel_loop3A_2016, %parallel_loop3A_2017 : i32
        %parallel_loop3A_2019 = arith.index_cast %parallel_loop3A_2018 : i32 to index
        %parallel_loop3A_2020 = arith.constant 224 : index
        %parallel_loop3A_2021 = tpu.vector_load %arg7[%parallel_loop3A_2019, %parallel_loop3A_2020] {strides = array<i32>} : memref<80x256xf32, #tpu.memory_space<vmem>>, vector<1x16xf32>,
        %parallel_loop3A_2022 = vector.shape_cast %parallel_loop3A_2021 : vector<1x16xf32> to vector<16xf32>
        %parallel_loop3A_2023 = arith.addf %parallel_loop3A_2014, %parallel_loop3A_2022 : vector<16xf32>
        %parallel_loop3A_2024 = arith.constant 10 : i32
        %parallel_loop3A_2025 = arith.muli %parallel_loop3A_633, %parallel_loop3A_2024 : i32
        %parallel_loop3A_2026 = arith.constant 7 : i32
        %parallel_loop3A_2027 = arith.addi %parallel_loop3A_2025, %parallel_loop3A_2026 : i32
        %parallel_loop3A_2028 = arith.index_cast %parallel_loop3A_2027 : i32 to index
        %parallel_loop3A_2029 = arith.constant 224 : index
        %parallel_loop3A_2030 = tpu.vector_load %arg7[%parallel_loop3A_2028, %parallel_loop3A_2029] {strides = array<i32>} : memref<80x256xf32, #tpu.memory_space<vmem>>, vector<1x16xf32>,
        %parallel_loop3A_2031 = vector.shape_cast %parallel_loop3A_2030 : vector<1x16xf32> to vector<16xf32>
        %parallel_loop3A_2032 = arith.addf %parallel_loop3A_2023, %parallel_loop3A_2031 : vector<16xf32>
        %parallel_loop3A_2033 = arith.constant 10 : i32
        %parallel_loop3A_2034 = arith.muli %parallel_loop3A_633, %parallel_loop3A_2033 : i32
        %parallel_loop3A_2035 = arith.constant 8 : i32
        %parallel_loop3A_2036 = arith.addi %parallel_loop3A_2034, %parallel_loop3A_2035 : i32
        %parallel_loop3A_2037 = arith.index_cast %parallel_loop3A_2036 : i32 to index
        %parallel_loop3A_2038 = arith.constant 224 : index
        %parallel_loop3A_2039 = tpu.vector_load %arg7[%parallel_loop3A_2037, %parallel_loop3A_2038] {strides = array<i32>} : memref<80x256xf32, #tpu.memory_space<vmem>>, vector<1x16xf32>,
        %parallel_loop3A_2040 = vector.shape_cast %parallel_loop3A_2039 : vector<1x16xf32> to vector<16xf32>
        %parallel_loop3A_2041 = arith.addf %parallel_loop3A_2032, %parallel_loop3A_2040 : vector<16xf32>
        %parallel_loop3A_2042 = arith.constant 10 : i32
        %parallel_loop3A_2043 = arith.muli %parallel_loop3A_633, %parallel_loop3A_2042 : i32
        %parallel_loop3A_2044 = arith.constant 9 : i32
        %parallel_loop3A_2045 = arith.addi %parallel_loop3A_2043, %parallel_loop3A_2044 : i32
        %parallel_loop3A_2046 = arith.index_cast %parallel_loop3A_2045 : i32 to index
        %parallel_loop3A_2047 = arith.constant 224 : index
        %parallel_loop3A_2048 = tpu.vector_load %arg7[%parallel_loop3A_2046, %parallel_loop3A_2047] {strides = array<i32>} : memref<80x256xf32, #tpu.memory_space<vmem>>, vector<1x16xf32>,
        %parallel_loop3A_2049 = vector.shape_cast %parallel_loop3A_2048 : vector<1x16xf32> to vector<16xf32>
        %parallel_loop3A_2050 = arith.addf %parallel_loop3A_2041, %parallel_loop3A_2049 : vector<16xf32>
        %parallel_loop3A_2051 = arith.constant 8 : i32
        %parallel_loop3A_2052 = arith.muli %add3A_598, %parallel_loop3A_2051 : i32
        %parallel_loop3A_2053 = arith.addi %parallel_loop3A_2052, %parallel_loop3A_633 : i32
        %parallel_loop3A_2054 = arith.index_cast %parallel_loop3A_2053 : i32 to index
        %parallel_loop3A_2055 = arith.constant 224 : index
        %parallel_loop3A_2056 = tpu.vector_load %arg8[%parallel_loop3A_2054, %parallel_loop3A_2055] {strides = array<i32>} : memref<128x256xf32, #tpu.memory_space<vmem>>, vector<1x16xf32>,
        %parallel_loop3A_2057 = vector.shape_cast %parallel_loop3A_2056 : vector<1x16xf32> to vector<16xf32>
        %parallel_loop3A_2058 = vector.shape_cast %parallel_loop3A_2050 : vector<16xf32> to vector<1x16xf32>
        tpu.vector_store %arg8[%parallel_loop3A_2054, %parallel_loop3A_2055], %parallel_loop3A_2058 {strides = array<i32>} : memref<128x256xf32, #tpu.memory_space<vmem>>, vector<1x16xf32>,
        %parallel_loop3A_2059 = arith.constant 10 : i32
        %parallel_loop3A_2060 = arith.muli %parallel_loop3A_633, %parallel_loop3A_2059 : i32
        %parallel_loop3A_2061 = arith.index_cast %parallel_loop3A_2060 : i32 to index
        %parallel_loop3A_2062 = arith.constant 240 : index
        %parallel_loop3A_2063 = tpu.vector_load %arg7[%parallel_loop3A_2061, %parallel_loop3A_2062] {strides = array<i32>} : memref<80x256xf32, #tpu.memory_space<vmem>>, vector<1x16xf32>,
        %parallel_loop3A_2064 = vector.shape_cast %parallel_loop3A_2063 : vector<1x16xf32> to vector<16xf32>
        %parallel_loop3A_2065 = arith.constant 10 : i32
        %parallel_loop3A_2066 = arith.muli %parallel_loop3A_633, %parallel_loop3A_2065 : i32
        %parallel_loop3A_2067 = arith.constant 1 : i32
        %parallel_loop3A_2068 = arith.addi %parallel_loop3A_2066, %parallel_loop3A_2067 : i32
        %parallel_loop3A_2069 = arith.index_cast %parallel_loop3A_2068 : i32 to index
        %parallel_loop3A_2070 = arith.constant 240 : index
        %parallel_loop3A_2071 = tpu.vector_load %arg7[%parallel_loop3A_2069, %parallel_loop3A_2070] {strides = array<i32>} : memref<80x256xf32, #tpu.memory_space<vmem>>, vector<1x16xf32>,
        %parallel_loop3A_2072 = vector.shape_cast %parallel_loop3A_2071 : vector<1x16xf32> to vector<16xf32>
        %parallel_loop3A_2073 = arith.addf %parallel_loop3A_2064, %parallel_loop3A_2072 : vector<16xf32>
        %parallel_loop3A_2074 = arith.constant 10 : i32
        %parallel_loop3A_2075 = arith.muli %parallel_loop3A_633, %parallel_loop3A_2074 : i32
        %parallel_loop3A_2076 = arith.constant 2 : i32
        %parallel_loop3A_2077 = arith.addi %parallel_loop3A_2075, %parallel_loop3A_2076 : i32
        %parallel_loop3A_2078 = arith.index_cast %parallel_loop3A_2077 : i32 to index
        %parallel_loop3A_2079 = arith.constant 240 : index
        %parallel_loop3A_2080 = tpu.vector_load %arg7[%parallel_loop3A_2078, %parallel_loop3A_2079] {strides = array<i32>} : memref<80x256xf32, #tpu.memory_space<vmem>>, vector<1x16xf32>,
        %parallel_loop3A_2081 = vector.shape_cast %parallel_loop3A_2080 : vector<1x16xf32> to vector<16xf32>
        %parallel_loop3A_2082 = arith.addf %parallel_loop3A_2073, %parallel_loop3A_2081 : vector<16xf32>
        %parallel_loop3A_2083 = arith.constant 10 : i32
        %parallel_loop3A_2084 = arith.muli %parallel_loop3A_633, %parallel_loop3A_2083 : i32
        %parallel_loop3A_2085 = arith.constant 3 : i32
        %parallel_loop3A_2086 = arith.addi %parallel_loop3A_2084, %parallel_loop3A_2085 : i32
        %parallel_loop3A_2087 = arith.index_cast %parallel_loop3A_2086 : i32 to index
        %parallel_loop3A_2088 = arith.constant 240 : index
        %parallel_loop3A_2089 = tpu.vector_load %arg7[%parallel_loop3A_2087, %parallel_loop3A_2088] {strides = array<i32>} : memref<80x256xf32, #tpu.memory_space<vmem>>, vector<1x16xf32>,
        %parallel_loop3A_2090 = vector.shape_cast %parallel_loop3A_2089 : vector<1x16xf32> to vector<16xf32>
        %parallel_loop3A_2091 = arith.addf %parallel_loop3A_2082, %parallel_loop3A_2090 : vector<16xf32>
        %parallel_loop3A_2092 = arith.constant 10 : i32
        %parallel_loop3A_2093 = arith.muli %parallel_loop3A_633, %parallel_loop3A_2092 : i32
        %parallel_loop3A_2094 = arith.constant 4 : i32
        %parallel_loop3A_2095 = arith.addi %parallel_loop3A_2093, %parallel_loop3A_2094 : i32
        %parallel_loop3A_2096 = arith.index_cast %parallel_loop3A_2095 : i32 to index
        %parallel_loop3A_2097 = arith.constant 240 : index
        %parallel_loop3A_2098 = tpu.vector_load %arg7[%parallel_loop3A_2096, %parallel_loop3A_2097] {strides = array<i32>} : memref<80x256xf32, #tpu.memory_space<vmem>>, vector<1x16xf32>,
        %parallel_loop3A_2099 = vector.shape_cast %parallel_loop3A_2098 : vector<1x16xf32> to vector<16xf32>
        %parallel_loop3A_2100 = arith.addf %parallel_loop3A_2091, %parallel_loop3A_2099 : vector<16xf32>
        %parallel_loop3A_2101 = arith.constant 10 : i32
        %parallel_loop3A_2102 = arith.muli %parallel_loop3A_633, %parallel_loop3A_2101 : i32
        %parallel_loop3A_2103 = arith.constant 5 : i32
        %parallel_loop3A_2104 = arith.addi %parallel_loop3A_2102, %parallel_loop3A_2103 : i32
        %parallel_loop3A_2105 = arith.index_cast %parallel_loop3A_2104 : i32 to index
        %parallel_loop3A_2106 = arith.constant 240 : index
        %parallel_loop3A_2107 = tpu.vector_load %arg7[%parallel_loop3A_2105, %parallel_loop3A_2106] {strides = array<i32>} : memref<80x256xf32, #tpu.memory_space<vmem>>, vector<1x16xf32>,
        %parallel_loop3A_2108 = vector.shape_cast %parallel_loop3A_2107 : vector<1x16xf32> to vector<16xf32>
        %parallel_loop3A_2109 = arith.addf %parallel_loop3A_2100, %parallel_loop3A_2108 : vector<16xf32>
        %parallel_loop3A_2110 = arith.constant 10 : i32
        %parallel_loop3A_2111 = arith.muli %parallel_loop3A_633, %parallel_loop3A_2110 : i32
        %parallel_loop3A_2112 = arith.constant 6 : i32
        %parallel_loop3A_2113 = arith.addi %parallel_loop3A_2111, %parallel_loop3A_2112 : i32
        %parallel_loop3A_2114 = arith.index_cast %parallel_loop3A_2113 : i32 to index
        %parallel_loop3A_2115 = arith.constant 240 : index
        %parallel_loop3A_2116 = tpu.vector_load %arg7[%parallel_loop3A_2114, %parallel_loop3A_2115] {strides = array<i32>} : memref<80x256xf32, #tpu.memory_space<vmem>>, vector<1x16xf32>,
        %parallel_loop3A_2117 = vector.shape_cast %parallel_loop3A_2116 : vector<1x16xf32> to vector<16xf32>
        %parallel_loop3A_2118 = arith.addf %parallel_loop3A_2109, %parallel_loop3A_2117 : vector<16xf32>
        %parallel_loop3A_2119 = arith.constant 10 : i32
        %parallel_loop3A_2120 = arith.muli %parallel_loop3A_633, %parallel_loop3A_2119 : i32
        %parallel_loop3A_2121 = arith.constant 7 : i32
        %parallel_loop3A_2122 = arith.addi %parallel_loop3A_2120, %parallel_loop3A_2121 : i32
        %parallel_loop3A_2123 = arith.index_cast %parallel_loop3A_2122 : i32 to index
        %parallel_loop3A_2124 = arith.constant 240 : index
        %parallel_loop3A_2125 = tpu.vector_load %arg7[%parallel_loop3A_2123, %parallel_loop3A_2124] {strides = array<i32>} : memref<80x256xf32, #tpu.memory_space<vmem>>, vector<1x16xf32>,
        %parallel_loop3A_2126 = vector.shape_cast %parallel_loop3A_2125 : vector<1x16xf32> to vector<16xf32>
        %parallel_loop3A_2127 = arith.addf %parallel_loop3A_2118, %parallel_loop3A_2126 : vector<16xf32>
        %parallel_loop3A_2128 = arith.constant 10 : i32
        %parallel_loop3A_2129 = arith.muli %parallel_loop3A_633, %parallel_loop3A_2128 : i32
        %parallel_loop3A_2130 = arith.constant 8 : i32
        %parallel_loop3A_2131 = arith.addi %parallel_loop3A_2129, %parallel_loop3A_2130 : i32
        %parallel_loop3A_2132 = arith.index_cast %parallel_loop3A_2131 : i32 to index
        %parallel_loop3A_2133 = arith.constant 240 : index
        %parallel_loop3A_2134 = tpu.vector_load %arg7[%parallel_loop3A_2132, %parallel_loop3A_2133] {strides = array<i32>} : memref<80x256xf32, #tpu.memory_space<vmem>>, vector<1x16xf32>,
        %parallel_loop3A_2135 = vector.shape_cast %parallel_loop3A_2134 : vector<1x16xf32> to vector<16xf32>
        %parallel_loop3A_2136 = arith.addf %parallel_loop3A_2127, %parallel_loop3A_2135 : vector<16xf32>
        %parallel_loop3A_2137 = arith.constant 10 : i32
        %parallel_loop3A_2138 = arith.muli %parallel_loop3A_633, %parallel_loop3A_2137 : i32
        %parallel_loop3A_2139 = arith.constant 9 : i32
        %parallel_loop3A_2140 = arith.addi %parallel_loop3A_2138, %parallel_loop3A_2139 : i32
        %parallel_loop3A_2141 = arith.index_cast %parallel_loop3A_2140 : i32 to index
        %parallel_loop3A_2142 = arith.constant 240 : index
        %parallel_loop3A_2143 = tpu.vector_load %arg7[%parallel_loop3A_2141, %parallel_loop3A_2142] {strides = array<i32>} : memref<80x256xf32, #tpu.memory_space<vmem>>, vector<1x16xf32>,
        %parallel_loop3A_2144 = vector.shape_cast %parallel_loop3A_2143 : vector<1x16xf32> to vector<16xf32>
        %parallel_loop3A_2145 = arith.addf %parallel_loop3A_2136, %parallel_loop3A_2144 : vector<16xf32>
        %parallel_loop3A_2146 = arith.constant 8 : i32
        %parallel_loop3A_2147 = arith.muli %add3A_598, %parallel_loop3A_2146 : i32
        %parallel_loop3A_2148 = arith.addi %parallel_loop3A_2147, %parallel_loop3A_633 : i32
        %parallel_loop3A_2149 = arith.index_cast %parallel_loop3A_2148 : i32 to index
        %parallel_loop3A_2150 = arith.constant 240 : index
        %parallel_loop3A_2151 = tpu.vector_load %arg8[%parallel_loop3A_2149, %parallel_loop3A_2150] {strides = array<i32>} : memref<128x256xf32, #tpu.memory_space<vmem>>, vector<1x16xf32>,
        %parallel_loop3A_2152 = vector.shape_cast %parallel_loop3A_2151 : vector<1x16xf32> to vector<16xf32>
        %parallel_loop3A_2153 = vector.shape_cast %parallel_loop3A_2145 : vector<16xf32> to vector<1x16xf32>
        tpu.vector_store %arg8[%parallel_loop3A_2149, %parallel_loop3A_2150], %parallel_loop3A_2153 {strides = array<i32>} : memref<128x256xf32, #tpu.memory_space<vmem>>, vector<1x16xf32>,
      } {sc.loop_unroll_factor = 1 : i64, sc.parallel_access}
      %mul3A_618 = arith.constant 8 : i32
      %mul3A_619 = arith.muli %add3A_598, %mul3A_618 : i32
      %mul3A_620 = arith.constant 128 : i32
      %mul3A_621 = arith.muli %add3A, %mul3A_620 : i32
      %mul3A_622 = arith.constant 8 : i32
      %mul3A_623 = arith.muli %add3A_598, %mul3A_622 : i32
      %add3A_624 = arith.addi %mul3A_621, %mul3A_623 : i32
      %dma_start3A_625 = arith.constant 0 : i32
      %dma_start3A_626 = tpu.memref_slice %arg8[%mul3A_619, %dma_start3A_625] : memref<128x256xf32, #tpu.memory_space<vmem>> -> memref<8x256xf32, #tpu.memory_space<vmem>>
      %dma_start3A_627 = arith.constant 0 : i32
      %dma_start3A_628 = tpu.memref_slice %arg4[%add3A_624, %dma_start3A_627] : memref<4096x256xf32, #tpu.memory_space<hbm>> -> memref<8x256xf32, #tpu.memory_space<hbm>>
      %dma_start3A_629 = arith.constant 0 : i32
      %dma_start3A_630 = tpu.memref_slice %arg4[%add3A_624, %dma_start3A_629] : memref<4096x256xf32, #tpu.memory_space<hbm>> -> memref<8x256xf32, #tpu.memory_space<hbm>>
      %dma_start3A_631 = arith.constant 0 : i32
      %dma_start3A_632 = tpu.memref_slice %arg8[%mul3A_619, %dma_start3A_631] : memref<128x256xf32, #tpu.memory_space<vmem>> -> memref<8x256xf32, #tpu.memory_space<vmem>>
      tpu.enqueue_dma source(%dma_start3A_632 : memref<8x256xf32, #tpu.memory_space<vmem>>) target(%dma_start3A_630 : memref<8x256xf32, #tpu.memory_space<hbm>>) target_semaphore(%arg12 : memref<!tpu.dma_semaphore, #tpu.memory_space<semaphore_mem>>)
    }
    %scan3A_368 = arith.constant 8 : i32
    %dma_wait3A_369 = arith.constant 0 : i32
    %dma_wait3A_370 = arith.constant 0 : i32
    %dma_wait3A_371 = tpu.memref_slice %arg8[%dma_wait3A_369, %dma_wait3A_370] : memref<128x256xf32, #tpu.memory_space<vmem>> -> memref<8x256xf32, #tpu.memory_space<vmem>>
    %dma_wait3A_372 = arith.constant 0 : i32
    %dma_wait3A_373 = arith.constant 0 : i32
    %dma_wait3A_374 = tpu.memref_slice %arg4[%dma_wait3A_372, %dma_wait3A_373] : memref<4096x256xf32, #tpu.memory_space<hbm>> -> memref<8x256xf32, #tpu.memory_space<hbm>>
    %dma_wait3A_375 = arith.constant 0 : i32
    %dma_wait3A_376 = arith.constant 0 : i32
    %dma_wait3A_377 = tpu.memref_slice %arg4[%dma_wait3A_375, %dma_wait3A_376] : memref<4096x256xf32, #tpu.memory_space<hbm>> -> memref<8x256xf32, #tpu.memory_space<hbm>>
    %dma_wait3A_378 = arith.constant 0 : i32
    %dma_wait3A_379 = arith.constant 0 : i32
    %dma_wait3A_380 = tpu.memref_slice %arg8[%dma_wait3A_378, %dma_wait3A_379] : memref<128x256xf32, #tpu.memory_space<vmem>> -> memref<8x256xf32, #tpu.memory_space<vmem>>
    tpu.wait_dma2 semaphore(%arg12 : memref<!tpu.dma_semaphore, #tpu.memory_space<semaphore_mem>>) src(%dma_wait3A_380 : memref<8x256xf32, #tpu.memory_space<vmem>>) dst(%dma_wait3A_377 : memref<8x256xf32, #tpu.memory_space<hbm>>)
    %dma_wait3A_381 = arith.constant 0 : i32
    %dma_wait3A_382 = arith.constant 0 : i32
    %dma_wait3A_383 = tpu.memref_slice %arg8[%dma_wait3A_381, %dma_wait3A_382] : memref<128x256xf32, #tpu.memory_space<vmem>> -> memref<8x256xf32, #tpu.memory_space<vmem>>
    %dma_wait3A_384 = arith.constant 0 : i32
    %dma_wait3A_385 = arith.constant 0 : i32
    %dma_wait3A_386 = tpu.memref_slice %arg4[%dma_wait3A_384, %dma_wait3A_385] : memref<4096x256xf32, #tpu.memory_space<hbm>> -> memref<8x256xf32, #tpu.memory_space<hbm>>
    %dma_wait3A_387 = arith.constant 0 : i32
    %dma_wait3A_388 = arith.constant 0 : i32
    %dma_wait3A_389 = tpu.memref_slice %arg4[%dma_wait3A_387, %dma_wait3A_388] : memref<4096x256xf32, #tpu.memory_space<hbm>> -> memref<8x256xf32, #tpu.memory_space<hbm>>
    %dma_wait3A_390 = arith.constant 0 : i32
    %dma_wait3A_391 = arith.constant 0 : i32
    %dma_wait3A_392 = tpu.memref_slice %arg8[%dma_wait3A_390, %dma_wait3A_391] : memref<128x256xf32, #tpu.memory_space<vmem>> -> memref<8x256xf32, #tpu.memory_space<vmem>>
    tpu.wait_dma2 semaphore(%arg12 : memref<!tpu.dma_semaphore, #tpu.memory_space<semaphore_mem>>) src(%dma_wait3A_392 : memref<8x256xf32, #tpu.memory_space<vmem>>) dst(%dma_wait3A_389 : memref<8x256xf32, #tpu.memory_space<hbm>>)
    %dma_wait3A_393 = arith.constant 0 : i32
    %dma_wait3A_394 = arith.constant 0 : i32
    %dma_wait3A_395 = tpu.memref_slice %arg8[%dma_wait3A_393, %dma_wait3A_394] : memref<128x256xf32, #tpu.memory_space<vmem>> -> memref<8x256xf32, #tpu.memory_space<vmem>>
    %dma_wait3A_396 = arith.constant 0 : i32
    %dma_wait3A_397 = arith.constant 0 : i32
    %dma_wait3A_398 = tpu.memref_slice %arg4[%dma_wait3A_396, %dma_wait3A_397] : memref<4096x256xf32, #tpu.memory_space<hbm>> -> memref<8x256xf32, #tpu.memory_space<hbm>>
    %dma_wait3A_399 = arith.constant 0 : i32
    %dma_wait3A_400 = arith.constant 0 : i32
    %dma_wait3A_401 = tpu.memref_slice %arg4[%dma_wait3A_399, %dma_wait3A_400] : memref<4096x256xf32, #tpu.memory_space<hbm>> -> memref<8x256xf32, #tpu.memory_space<hbm>>
    %dma_wait3A_402 = arith.constant 0 : i32
    %dma_wait3A_403 = arith.constant 0 : i32
    %dma_wait3A_404 = tpu.memref_slice %arg8[%dma_wait3A_402, %dma_wait3A_403] : memref<128x256xf32, #tpu.memory_space<vmem>> -> memref<8x256xf32, #tpu.memory_space<vmem>>
    tpu.wait_dma2 semaphore(%arg12 : memref<!tpu.dma_semaphore, #tpu.memory_space<semaphore_mem>>) src(%dma_wait3A_404 : memref<8x256xf32, #tpu.memory_space<vmem>>) dst(%dma_wait3A_401 : memref<8x256xf32, #tpu.memory_space<hbm>>)
    %dma_wait3A_405 = arith.constant 0 : i32
    %dma_wait3A_406 = arith.constant 0 : i32
    %dma_wait3A_407 = tpu.memref_slice %arg8[%dma_wait3A_405, %dma_wait3A_406] : memref<128x256xf32, #tpu.memory_space<vmem>> -> memref<8x256xf32, #tpu.memory_space<vmem>>
    %dma_wait3A_408 = arith.constant 0 : i32
    %dma_wait3A_409 = arith.constant 0 : i32
    %dma_wait3A_410 = tpu.memref_slice %arg4[%dma_wait3A_408, %dma_wait3A_409] : memref<4096x256xf32, #tpu.memory_space<hbm>> -> memref<8x256xf32, #tpu.memory_space<hbm>>
    %dma_wait3A_411 = arith.constant 0 : i32
    %dma_wait3A_412 = arith.constant 0 : i32
    %dma_wait3A_413 = tpu.memref_slice %arg4[%dma_wait3A_411, %dma_wait3A_412] : memref<4096x256xf32, #tpu.memory_space<hbm>> -> memref<8x256xf32, #tpu.memory_space<hbm>>
    %dma_wait3A_414 = arith.constant 0 : i32
    %dma_wait3A_415 = arith.constant 0 : i32
    %dma_wait3A_416 = tpu.memref_slice %arg8[%dma_wait3A_414, %dma_wait3A_415] : memref<128x256xf32, #tpu.memory_space<vmem>> -> memref<8x256xf32, #tpu.memory_space<vmem>>
    tpu.wait_dma2 semaphore(%arg12 : memref<!tpu.dma_semaphore, #tpu.memory_space<semaphore_mem>>) src(%dma_wait3A_416 : memref<8x256xf32, #tpu.memory_space<vmem>>) dst(%dma_wait3A_413 : memref<8x256xf32, #tpu.memory_space<hbm>>)
    %dma_wait3A_417 = arith.constant 0 : i32
    %dma_wait3A_418 = arith.constant 0 : i32
    %dma_wait3A_419 = tpu.memref_slice %arg8[%dma_wait3A_417, %dma_wait3A_418] : memref<128x256xf32, #tpu.memory_space<vmem>> -> memref<8x256xf32, #tpu.memory_space<vmem>>
    %dma_wait3A_420 = arith.constant 0 : i32
    %dma_wait3A_421 = arith.constant 0 : i32
    %dma_wait3A_422 = tpu.memref_slice %arg4[%dma_wait3A_420, %dma_wait3A_421] : memref<4096x256xf32, #tpu.memory_space<hbm>> -> memref<8x256xf32, #tpu.memory_space<hbm>>
    %dma_wait3A_423 = arith.constant 0 : i32
    %dma_wait3A_424 = arith.constant 0 : i32
    %dma_wait3A_425 = tpu.memref_slice %arg4[%dma_wait3A_423, %dma_wait3A_424] : memref<4096x256xf32, #tpu.memory_space<hbm>> -> memref<8x256xf32, #tpu.memory_space<hbm>>
    %dma_wait3A_426 = arith.constant 0 : i32
    %dma_wait3A_427 = arith.constant 0 : i32
    %dma_wait3A_428 = tpu.memref_slice %arg8[%dma_wait3A_426, %dma_wait3A_427] : memref<128x256xf32, #tpu.memory_space<vmem>> -> memref<8x256xf32, #tpu.memory_space<vmem>>
    tpu.wait_dma2 semaphore(%arg12 : memref<!tpu.dma_semaphore, #tpu.memory_space<semaphore_mem>>) src(%dma_wait3A_428 : memref<8x256xf32, #tpu.memory_space<vmem>>) dst(%dma_wait3A_425 : memref<8x256xf32, #tpu.memory_space<hbm>>)
    %dma_wait3A_429 = arith.constant 0 : i32
    %dma_wait3A_430 = arith.constant 0 : i32
    %dma_wait3A_431 = tpu.memref_slice %arg8[%dma_wait3A_429, %dma_wait3A_430] : memref<128x256xf32, #tpu.memory_space<vmem>> -> memref<8x256xf32, #tpu.memory_space<vmem>>
    %dma_wait3A_432 = arith.constant 0 : i32
    %dma_wait3A_433 = arith.constant 0 : i32
    %dma_wait3A_434 = tpu.memref_slice %arg4[%dma_wait3A_432, %dma_wait3A_433] : memref<4096x256xf32, #tpu.memory_space<hbm>> -> memref<8x256xf32, #tpu.memory_space<hbm>>
    %dma_wait3A_435 = arith.constant 0 : i32
    %dma_wait3A_436 = arith.constant 0 : i32
    %dma_wait3A_437 = tpu.memref_slice %arg4[%dma_wait3A_435, %dma_wait3A_436] : memref<4096x256xf32, #tpu.memory_space<hbm>> -> memref<8x256xf32, #tpu.memory_space<hbm>>
    %dma_wait3A_438 = arith.constant 0 : i32
    %dma_wait3A_439 = arith.constant 0 : i32
    %dma_wait3A_440 = tpu.memref_slice %arg8[%dma_wait3A_438, %dma_wait3A_439] : memref<128x256xf32, #tpu.memory_space<vmem>> -> memref<8x256xf32, #tpu.memory_space<vmem>>
    tpu.wait_dma2 semaphore(%arg12 : memref<!tpu.dma_semaphore, #tpu.memory_space<semaphore_mem>>) src(%dma_wait3A_440 : memref<8x256xf32, #tpu.memory_space<vmem>>) dst(%dma_wait3A_437 : memref<8x256xf32, #tpu.memory_space<hbm>>)
    %dma_wait3A_441 = arith.constant 0 : i32
    %dma_wait3A_442 = arith.constant 0 : i32
    %dma_wait3A_443 = tpu.memref_slice %arg8[%dma_wait3A_441, %dma_wait3A_442] : memref<128x256xf32, #tpu.memory_space<vmem>> -> memref<8x256xf32, #tpu.memory_space<vmem>>
    %dma_wait3A_444 = arith.constant 0 : i32
    %dma_wait3A_445 = arith.constant 0 : i32
    %dma_wait3A_446 = tpu.memref_slice %arg4[%dma_wait3A_444, %dma_wait3A_445] : memref<4096x256xf32, #tpu.memory_space<hbm>> -> memref<8x256xf32, #tpu.memory_space<hbm>>
    %dma_wait3A_447 = arith.constant 0 : i32
    %dma_wait3A_448 = arith.constant 0 : i32
    %dma_wait3A_449 = tpu.memref_slice %arg4[%dma_wait3A_447, %dma_wait3A_448] : memref<4096x256xf32, #tpu.memory_space<hbm>> -> memref<8x256xf32, #tpu.memory_space<hbm>>
    %dma_wait3A_450 = arith.constant 0 : i32
    %dma_wait3A_451 = arith.constant 0 : i32
    %dma_wait3A_452 = tpu.memref_slice %arg8[%dma_wait3A_450, %dma_wait3A_451] : memref<128x256xf32, #tpu.memory_space<vmem>> -> memref<8x256xf32, #tpu.memory_space<vmem>>
    tpu.wait_dma2 semaphore(%arg12 : memref<!tpu.dma_semaphore, #tpu.memory_space<semaphore_mem>>) src(%dma_wait3A_452 : memref<8x256xf32, #tpu.memory_space<vmem>>) dst(%dma_wait3A_449 : memref<8x256xf32, #tpu.memory_space<hbm>>)
    %dma_wait3A_453 = arith.constant 0 : i32
    %dma_wait3A_454 = arith.constant 0 : i32
    %dma_wait3A_455 = tpu.memref_slice %arg8[%dma_wait3A_453, %dma_wait3A_454] : memref<128x256xf32, #tpu.memory_space<vmem>> -> memref<8x256xf32, #tpu.memory_space<vmem>>
    %dma_wait3A_456 = arith.constant 0 : i32
    %dma_wait3A_457 = arith.constant 0 : i32
    %dma_wait3A_458 = tpu.memref_slice %arg4[%dma_wait3A_456, %dma_wait3A_457] : memref<4096x256xf32, #tpu.memory_space<hbm>> -> memref<8x256xf32, #tpu.memory_space<hbm>>
    %dma_wait3A_459 = arith.constant 0 : i32
    %dma_wait3A_460 = arith.constant 0 : i32
    %dma_wait3A_461 = tpu.memref_slice %arg4[%dma_wait3A_459, %dma_wait3A_460] : memref<4096x256xf32, #tpu.memory_space<hbm>> -> memref<8x256xf32, #tpu.memory_space<hbm>>
    %dma_wait3A_462 = arith.constant 0 : i32
    %dma_wait3A_463 = arith.constant 0 : i32
    %dma_wait3A_464 = tpu.memref_slice %arg8[%dma_wait3A_462, %dma_wait3A_463] : memref<128x256xf32, #tpu.memory_space<vmem>> -> memref<8x256xf32, #tpu.memory_space<vmem>>
    tpu.wait_dma2 semaphore(%arg12 : memref<!tpu.dma_semaphore, #tpu.memory_space<semaphore_mem>>) src(%dma_wait3A_464 : memref<8x256xf32, #tpu.memory_space<vmem>>) dst(%dma_wait3A_461 : memref<8x256xf32, #tpu.memory_space<hbm>>)
    %dma_wait3A_465 = arith.constant 0 : i32
    %dma_wait3A_466 = arith.constant 0 : i32
    %dma_wait3A_467 = tpu.memref_slice %arg8[%dma_wait3A_465, %dma_wait3A_466] : memref<128x256xf32, #tpu.memory_space<vmem>> -> memref<8x256xf32, #tpu.memory_space<vmem>>
    %dma_wait3A_468 = arith.constant 0 : i32
    %dma_wait3A_469 = arith.constant 0 : i32
    %dma_wait3A_470 = tpu.memref_slice %arg4[%dma_wait3A_468, %dma_wait3A_469] : memref<4096x256xf32, #tpu.memory_space<hbm>> -> memref<8x256xf32, #tpu.memory_space<hbm>>
    %dma_wait3A_471 = arith.constant 0 : i32
    %dma_wait3A_472 = arith.constant 0 : i32
    %dma_wait3A_473 = tpu.memref_slice %arg4[%dma_wait3A_471, %dma_wait3A_472] : memref<4096x256xf32, #tpu.memory_space<hbm>> -> memref<8x256xf32, #tpu.memory_space<hbm>>
    %dma_wait3A_474 = arith.constant 0 : i32
    %dma_wait3A_475 = arith.constant 0 : i32
    %dma_wait3A_476 = tpu.memref_slice %arg8[%dma_wait3A_474, %dma_wait3A_475] : memref<128x256xf32, #tpu.memory_space<vmem>> -> memref<8x256xf32, #tpu.memory_space<vmem>>
    tpu.wait_dma2 semaphore(%arg12 : memref<!tpu.dma_semaphore, #tpu.memory_space<semaphore_mem>>) src(%dma_wait3A_476 : memref<8x256xf32, #tpu.memory_space<vmem>>) dst(%dma_wait3A_473 : memref<8x256xf32, #tpu.memory_space<hbm>>)
    %dma_wait3A_477 = arith.constant 0 : i32
    %dma_wait3A_478 = arith.constant 0 : i32
    %dma_wait3A_479 = tpu.memref_slice %arg8[%dma_wait3A_477, %dma_wait3A_478] : memref<128x256xf32, #tpu.memory_space<vmem>> -> memref<8x256xf32, #tpu.memory_space<vmem>>
    %dma_wait3A_480 = arith.constant 0 : i32
    %dma_wait3A_481 = arith.constant 0 : i32
    %dma_wait3A_482 = tpu.memref_slice %arg4[%dma_wait3A_480, %dma_wait3A_481] : memref<4096x256xf32, #tpu.memory_space<hbm>> -> memref<8x256xf32, #tpu.memory_space<hbm>>
    %dma_wait3A_483 = arith.constant 0 : i32
    %dma_wait3A_484 = arith.constant 0 : i32
    %dma_wait3A_485 = tpu.memref_slice %arg4[%dma_wait3A_483, %dma_wait3A_484] : memref<4096x256xf32, #tpu.memory_space<hbm>> -> memref<8x256xf32, #tpu.memory_space<hbm>>
    %dma_wait3A_486 = arith.constant 0 : i32
    %dma_wait3A_487 = arith.constant 0 : i32
    %dma_wait3A_488 = tpu.memref_slice %arg8[%dma_wait3A_486, %dma_wait3A_487] : memref<128x256xf32, #tpu.memory_space<vmem>> -> memref<8x256xf32, #tpu.memory_space<vmem>>
    tpu.wait_dma2 semaphore(%arg12 : memref<!tpu.dma_semaphore, #tpu.memory_space<semaphore_mem>>) src(%dma_wait3A_488 : memref<8x256xf32, #tpu.memory_space<vmem>>) dst(%dma_wait3A_485 : memref<8x256xf32, #tpu.memory_space<hbm>>)
    %dma_wait3A_489 = arith.constant 0 : i32
    %dma_wait3A_490 = arith.constant 0 : i32
    %dma_wait3A_491 = tpu.memref_slice %arg8[%dma_wait3A_489, %dma_wait3A_490] : memref<128x256xf32, #tpu.memory_space<vmem>> -> memref<8x256xf32, #tpu.memory_space<vmem>>
    %dma_wait3A_492 = arith.constant 0 : i32
    %dma_wait3A_493 = arith.constant 0 : i32
    %dma_wait3A_494 = tpu.memref_slice %arg4[%dma_wait3A_492, %dma_wait3A_493] : memref<4096x256xf32, #tpu.memory_space<hbm>> -> memref<8x256xf32, #tpu.memory_space<hbm>>
    %dma_wait3A_495 = arith.constant 0 : i32
    %dma_wait3A_496 = arith.constant 0 : i32
    %dma_wait3A_497 = tpu.memref_slice %arg4[%dma_wait3A_495, %dma_wait3A_496] : memref<4096x256xf32, #tpu.memory_space<hbm>> -> memref<8x256xf32, #tpu.memory_space<hbm>>
    %dma_wait3A_498 = arith.constant 0 : i32
    %dma_wait3A_499 = arith.constant 0 : i32
    %dma_wait3A_500 = tpu.memref_slice %arg8[%dma_wait3A_498, %dma_wait3A_499] : memref<128x256xf32, #tpu.memory_space<vmem>> -> memref<8x256xf32, #tpu.memory_space<vmem>>
    tpu.wait_dma2 semaphore(%arg12 : memref<!tpu.dma_semaphore, #tpu.memory_space<semaphore_mem>>) src(%dma_wait3A_500 : memref<8x256xf32, #tpu.memory_space<vmem>>) dst(%dma_wait3A_497 : memref<8x256xf32, #tpu.memory_space<hbm>>)
    %dma_wait3A_501 = arith.constant 0 : i32
    %dma_wait3A_502 = arith.constant 0 : i32
    %dma_wait3A_503 = tpu.memref_slice %arg8[%dma_wait3A_501, %dma_wait3A_502] : memref<128x256xf32, #tpu.memory_space<vmem>> -> memref<8x256xf32, #tpu.memory_space<vmem>>
    %dma_wait3A_504 = arith.constant 0 : i32
    %dma_wait3A_505 = arith.constant 0 : i32
    %dma_wait3A_506 = tpu.memref_slice %arg4[%dma_wait3A_504, %dma_wait3A_505] : memref<4096x256xf32, #tpu.memory_space<hbm>> -> memref<8x256xf32, #tpu.memory_space<hbm>>
    %dma_wait3A_507 = arith.constant 0 : i32
    %dma_wait3A_508 = arith.constant 0 : i32
    %dma_wait3A_509 = tpu.memref_slice %arg4[%dma_wait3A_507, %dma_wait3A_508] : memref<4096x256xf32, #tpu.memory_space<hbm>> -> memref<8x256xf32, #tpu.memory_space<hbm>>
    %dma_wait3A_510 = arith.constant 0 : i32
    %dma_wait3A_511 = arith.constant 0 : i32
    %dma_wait3A_512 = tpu.memref_slice %arg8[%dma_wait3A_510, %dma_wait3A_511] : memref<128x256xf32, #tpu.memory_space<vmem>> -> memref<8x256xf32, #tpu.memory_space<vmem>>
    tpu.wait_dma2 semaphore(%arg12 : memref<!tpu.dma_semaphore, #tpu.memory_space<semaphore_mem>>) src(%dma_wait3A_512 : memref<8x256xf32, #tpu.memory_space<vmem>>) dst(%dma_wait3A_509 : memref<8x256xf32, #tpu.memory_space<hbm>>)
    %dma_wait3A_513 = arith.constant 0 : i32
    %dma_wait3A_514 = arith.constant 0 : i32
    %dma_wait3A_515 = tpu.memref_slice %arg8[%dma_wait3A_513, %dma_wait3A_514] : memref<128x256xf32, #tpu.memory_space<vmem>> -> memref<8x256xf32, #tpu.memory_space<vmem>>
    %dma_wait3A_516 = arith.constant 0 : i32
    %dma_wait3A_517 = arith.constant 0 : i32
    %dma_wait3A_518 = tpu.memref_slice %arg4[%dma_wait3A_516, %dma_wait3A_517] : memref<4096x256xf32, #tpu.memory_space<hbm>> -> memref<8x256xf32, #tpu.memory_space<hbm>>
    %dma_wait3A_519 = arith.constant 0 : i32
    %dma_wait3A_520 = arith.constant 0 : i32
    %dma_wait3A_521 = tpu.memref_slice %arg4[%dma_wait3A_519, %dma_wait3A_520] : memref<4096x256xf32, #tpu.memory_space<hbm>> -> memref<8x256xf32, #tpu.memory_space<hbm>>
    %dma_wait3A_522 = arith.constant 0 : i32
    %dma_wait3A_523 = arith.constant 0 : i32
    %dma_wait3A_524 = tpu.memref_slice %arg8[%dma_wait3A_522, %dma_wait3A_523] : memref<128x256xf32, #tpu.memory_space<vmem>> -> memref<8x256xf32, #tpu.memory_space<vmem>>
    tpu.wait_dma2 semaphore(%arg12 : memref<!tpu.dma_semaphore, #tpu.memory_space<semaphore_mem>>) src(%dma_wait3A_524 : memref<8x256xf32, #tpu.memory_space<vmem>>) dst(%dma_wait3A_521 : memref<8x256xf32, #tpu.memory_space<hbm>>)
    %dma_wait3A_525 = arith.constant 0 : i32
    %dma_wait3A_526 = arith.constant 0 : i32
    %dma_wait3A_527 = tpu.memref_slice %arg8[%dma_wait3A_525, %dma_wait3A_526] : memref<128x256xf32, #tpu.memory_space<vmem>> -> memref<8x256xf32, #tpu.memory_space<vmem>>
    %dma_wait3A_528 = arith.constant 0 : i32
    %dma_wait3A_529 = arith.constant 0 : i32
    %dma_wait3A_530 = tpu.memref_slice %arg4[%dma_wait3A_528, %dma_wait3A_529] : memref<4096x256xf32, #tpu.memory_space<hbm>> -> memref<8x256xf32, #tpu.memory_space<hbm>>
    %dma_wait3A_531 = arith.constant 0 : i32
    %dma_wait3A_532 = arith.constant 0 : i32
    %dma_wait3A_533 = tpu.memref_slice %arg4[%dma_wait3A_531, %dma_wait3A_532] : memref<4096x256xf32, #tpu.memory_space<hbm>> -> memref<8x256xf32, #tpu.memory_space<hbm>>
    %dma_wait3A_534 = arith.constant 0 : i32
    %dma_wait3A_535 = arith.constant 0 : i32
    %dma_wait3A_536 = tpu.memref_slice %arg8[%dma_wait3A_534, %dma_wait3A_535] : memref<128x256xf32, #tpu.memory_space<vmem>> -> memref<8x256xf32, #tpu.memory_space<vmem>>
    tpu.wait_dma2 semaphore(%arg12 : memref<!tpu.dma_semaphore, #tpu.memory_space<semaphore_mem>>) src(%dma_wait3A_536 : memref<8x256xf32, #tpu.memory_space<vmem>>) dst(%dma_wait3A_533 : memref<8x256xf32, #tpu.memory_space<hbm>>)
    %dma_wait3A_537 = arith.constant 0 : i32
    %dma_wait3A_538 = arith.constant 0 : i32
    %dma_wait3A_539 = tpu.memref_slice %arg8[%dma_wait3A_537, %dma_wait3A_538] : memref<128x256xf32, #tpu.memory_space<vmem>> -> memref<8x256xf32, #tpu.memory_space<vmem>>
    %dma_wait3A_540 = arith.constant 0 : i32
    %dma_wait3A_541 = arith.constant 0 : i32
    %dma_wait3A_542 = tpu.memref_slice %arg4[%dma_wait3A_540, %dma_wait3A_541] : memref<4096x256xf32, #tpu.memory_space<hbm>> -> memref<8x256xf32, #tpu.memory_space<hbm>>
    %dma_wait3A_543 = arith.constant 0 : i32
    %dma_wait3A_544 = arith.constant 0 : i32
    %dma_wait3A_545 = tpu.memref_slice %arg4[%dma_wait3A_543, %dma_wait3A_544] : memref<4096x256xf32, #tpu.memory_space<hbm>> -> memref<8x256xf32, #tpu.memory_space<hbm>>
    %dma_wait3A_546 = arith.constant 0 : i32
    %dma_wait3A_547 = arith.constant 0 : i32
    %dma_wait3A_548 = tpu.memref_slice %arg8[%dma_wait3A_546, %dma_wait3A_547] : memref<128x256xf32, #tpu.memory_space<vmem>> -> memref<8x256xf32, #tpu.memory_space<vmem>>
    tpu.wait_dma2 semaphore(%arg12 : memref<!tpu.dma_semaphore, #tpu.memory_space<semaphore_mem>>) src(%dma_wait3A_548 : memref<8x256xf32, #tpu.memory_space<vmem>>) dst(%dma_wait3A_545 : memref<8x256xf32, #tpu.memory_space<hbm>>)
    %dma_wait3A_549 = arith.constant 0 : i32
    %dma_wait3A_550 = arith.constant 0 : i32
    %dma_wait3A_551 = tpu.memref_slice %arg8[%dma_wait3A_549, %dma_wait3A_550] : memref<128x256xf32, #tpu.memory_space<vmem>> -> memref<8x256xf32, #tpu.memory_space<vmem>>
    %dma_wait3A_552 = arith.constant 0 : i32
    %dma_wait3A_553 = arith.constant 0 : i32
    %dma_wait3A_554 = tpu.memref_slice %arg4[%dma_wait3A_552, %dma_wait3A_553] : memref<4096x256xf32, #tpu.memory_space<hbm>> -> memref<8x256xf32, #tpu.memory_space<hbm>>
    %dma_wait3A_555 = arith.constant 0 : i32
    %dma_wait3A_556 = arith.constant 0 : i32
    %dma_wait3A_557 = tpu.memref_slice %arg4[%dma_wait3A_555, %dma_wait3A_556] : memref<4096x256xf32, #tpu.memory_space<hbm>> -> memref<8x256xf32, #tpu.memory_space<hbm>>
    %dma_wait3A_558 = arith.constant 0 : i32
    %dma_wait3A_559 = arith.constant 0 : i32
    %dma_wait3A_560 = tpu.memref_slice %arg8[%dma_wait3A_558, %dma_wait3A_559] : memref<128x256xf32, #tpu.memory_space<vmem>> -> memref<8x256xf32, #tpu.memory_space<vmem>>
    tpu.wait_dma2 semaphore(%arg12 : memref<!tpu.dma_semaphore, #tpu.memory_space<semaphore_mem>>) src(%dma_wait3A_560 : memref<8x256xf32, #tpu.memory_space<vmem>>) dst(%dma_wait3A_557 : memref<8x256xf32, #tpu.memory_space<hbm>>)
    return
  }
}

module attributes {stable_mosaic.version = 14 : i64} {
  func.func @_tc_body(%arg0: i32, %arg1: memref<512x256xf32, #tpu.memory_space<vmem>>, %arg2: memref<512x256xf32, #tpu.memory_space<vmem>>, %arg3: memref<512x512xf32, #tpu.memory_space<vmem>>, %arg4: memref<1x512xf32, #tpu.memory_space<vmem>>, %arg5: memref<512x1x512xf32, #tpu.memory_space<vmem>>) attributes {dimension_semantics = [#tpu.dimension_semantics<arbitrary>], iteration_bounds = array<i64: 8>, scalar_prefetch = 0 : i64, scratch_operands = 0 : i64, tpu.core_type = #tpu.core_type<tc>, window_params = [{transform_indices = @transform_0, window_bounds = array<i64: 512, 256>}, {transform_indices = @transform_1, window_bounds = array<i64: 512, 256>}, {pipeline_mode = #tpu.pipeline_mode<synchronous>, transform_indices = @transform_2, window_bounds = array<i64: 512, 512>}, {pipeline_mode = #tpu.pipeline_mode<synchronous>, transform_indices = @transform_3, window_bounds = array<i64: 1, 512>}, {transform_indices = @transform_4, window_bounds = array<i64: 512, 1, 512>}]} {
    %get3A = arith.constant 0 : index
    %get3A_0 = arith.constant 0 : index
    %get3A_1 = vector.load %arg1[%get3A, %get3A_0] : memref<512x256xf32, #tpu.memory_space<vmem>>, vector<512x256xf32>
    %get3A_2 = arith.constant 0 : index
    %get3A_3 = arith.constant 0 : index
    %get3A_4 = vector.load %arg2[%get3A_2, %get3A_3] : memref<512x256xf32, #tpu.memory_space<vmem>>, vector<512x256xf32>
    %add3A = arith.addf %get3A_1, %get3A_4 : vector<512x256xf32>
    %mul3A = arith.constant 0.0909090936 : f32
    %mul3A_5 = vector.broadcast %mul3A : f32 to vector<512x256xf32>
    %mul3A_6 = arith.mulf %add3A, %mul3A_5 : vector<512x256xf32>
    %concatenate3A = tpu.concatenate %get3A_1, %mul3A_6 in 1 : vector<512x256xf32>, vector<512x256xf32> -> vector<512x512xf32>
    %get3A_7 = arith.constant 0 : index
    %get3A_8 = arith.constant 0 : index
    %get3A_9 = vector.load %arg3[%get3A_7, %get3A_8] : memref<512x512xf32, #tpu.memory_space<vmem>>, vector<512x512xf32>
    %dot_general3A = arith.constant dense<0.000000e+00> : vector<512x512xf32>
    %dot_general3A_10 = tpu.matmul %concatenate3A, %get3A_9, %dot_general3A {dimension_numbers = #tpu.dot_dimension_numbers<[1], [1], [0], [0], [0, 0, 1, 0], [], []>, transpose_lhs_hint = false} : vector<512x512xf32>, vector<512x512xf32>, vector<512x512xf32> -> vector<512x512xf32>
    %get3A_11 = arith.constant 0 : index
    %get3A_12 = arith.constant 0 : index
    %get3A_13 = vector.load %arg4[%get3A_11, %get3A_12] : memref<1x512xf32, #tpu.memory_space<vmem>>, vector<1x512xf32>
    %add3A_14 = vector.broadcast %get3A_13 : vector<1x512xf32> to vector<512x512xf32>
    %add3A_15 = arith.addf %dot_general3A_10, %add3A_14 : vector<512x512xf32>
    %max3A = arith.constant 0.000000e+00 : f32
    %max3A_16 = vector.broadcast %max3A : f32 to vector<512x512xf32>
    %max3A_17 = arith.maximumf %add3A_15, %max3A_16 : vector<512x512xf32>
    %broadcast_in_dim3A = vector.shape_cast %max3A_17 : vector<512x512xf32> to vector<512x1x512xf32>
    %swap3A = arith.constant 0 : index
    %swap3A_18 = arith.constant 0 : index
    %swap3A_19 = arith.constant 0 : index
    %swap3A_20 = vector.load %arg5[%swap3A, %swap3A_18, %swap3A_19] : memref<512x1x512xf32, #tpu.memory_space<vmem>>, vector<512x1x512xf32>
    tpu.vector_store %arg5[%swap3A, %swap3A_18, %swap3A_19], %broadcast_in_dim3A {strides = array<i32>} : memref<512x1x512xf32, #tpu.memory_space<vmem>>, vector<512x1x512xf32>,
    return
  }
  func.func @transform_0(%arg0: i32) -> (i32, i32) {
    %add3A = arith.constant 0 : i32
    %add3A_0 = arith.addi %add3A, %arg0 : i32
    %c0_i32 = arith.constant 0 : i32
    %c0_i32_1 = arith.constant 0 : i32
    return %add3A_0, %c0_i32 : i32, i32
  }
  func.func @transform_1(%arg0: i32) -> (i32, i32) {
    %c0_i32 = arith.constant 0 : i32
    %c0_i32_0 = arith.constant 0 : i32
    return %arg0, %c0_i32 : i32, i32
  }
  func.func @transform_2(%arg0: i32) -> (i32, i32) {
    %c0_i32 = arith.constant 0 : i32
    %c0_i32_0 = arith.constant 0 : i32
    %c0_i32_1 = arith.constant 0 : i32
    return %c0_i32, %c0_i32_0 : i32, i32
  }
  func.func @transform_3(%arg0: i32) -> (i32, i32) {
    %c0_i32 = arith.constant 0 : i32
    %c0_i32_0 = arith.constant 0 : i32
    %c0_i32_1 = arith.constant 0 : i32
    return %c0_i32, %c0_i32_0 : i32, i32
  }
  func.func @transform_4(%arg0: i32) -> (i32, i32, i32) {
    %add3A = arith.constant 0 : i32
    %add3A_0 = arith.addi %add3A, %arg0 : i32
    %c0_i32 = arith.constant 0 : i32
    %c0_i32_1 = arith.constant 0 : i32
    %c0_i32_2 = arith.constant 0 : i32
    return %add3A_0, %c0_i32, %c0_i32_1 : i32, i32, i32
  }
}

</mosaic_0001>

<sc_bundles>
// kernel: kernel.4.cloned.1.call-start
scs
__scs_entry_jumppad:
0x0: {  	(pc) =	sbr.rel $0x88, $3  }
0x1: {  	(tag) =	ssettag $0x0;
	lr =	simm.s32 $0x1  }
0x2: {  	[smem:$0x3F9C] =	sst lr;
	_ =	strace $0xD0000000  }
0x3: {  	_ = 	snop  }
0x4: {  	_ = 	snop  }
0x5: {  	_ = 	snop  }
0x6: {  	_ = 	snop  }
0x7: {  	_ = 	snop  }
__scs_overlays_trampoline_lowered:
0x8: {  	[smem:$0x3FAB] =	sst s0  }
0x9: {  	[smem:$0x3FAC] =	sst s1  }
0xa: {  	[smem:$0x3FAD] =	sst s2  }
0xb: {  	[smem:$0x3FAE] =	sst s3  }
0xc: {  	[smem:$0x3FAF] =	sst s4  }
0xd: {  	[smem:$0x3FB0] =	sst s5  }
0xe: {  	[smem:$0x3FB1] =	sst s6  }
0xf: {  	[smem:$0x3FB2] =	sst s7  }
0x10: {  	[smem:$0x3FB3] =	sst s8  }
0x11: {  	[smem:$0x3FB4] =	sst s9;
	s0 =	simm.s32 @!p0 $0x0  }
0x12: {  	s1 =	sld [smem:$0x3F9A];
	s0 =	simm.s32 @p0 $0x1  }
0x13: {  	[smem:$0x3FB5] =	sst s0;
	s0 =	simm.s32 @!p1 $0x0  }
0x14: {  	s2 =	sld [smem:$0x3F99];
	s0 =	simm.s32 @p1 $0x1  }
0x15: {  	[smem:$0x3FB6] =	sst s0;
	s0 =	simm.s32 @!p2 $0x0  }
0x16: {  	s3 =	sld [smem:$0x3FDB];
	s0 =	simm.s32 @p2 $0x1  }
0x17: {  	s4 =	simm.s32 $0x1BF5;
	[smem:$0x3FB8] =	sst s0  }
0x18: {  	s0 =	sld [smem:$0x3F9B];
	_ =	swait.ge [sflag:s4], $0x0  }
0x19: {  	s7 =	sld [smem:$0x3F9C]  }
0x1a: {  	s8 =	sadd.s32 $0xFFFFE003, lr  }
0x1b: {  	s9 =	sadd.s32 $0xFFFFFEF7, lr;
	s5 =	simm.s32 $0xFFFFFFFF;
	p2 =	slt.u32 s8, $0xFFFFF086  }
0x1c: {  	p1 =	slt.u32 s9, $0xF7A;
	s5 =	simm.s32 @!p2 $0x0  }
0x1d: {  	s5 =	simm.s32 @p1 $0x1;
	p0 =	seq.s32 s7, s2  }
0x1e: {  	s7 =	smul.u32 @!p0 $0xF7A, s2;
	p2 =	seq.s32 @!p0 s5, $0x0  }
0x1f: {  	s9 =	smul.u32 $0xF7A, s1;
	s8 =	simm.s32 @!p0 $0x1BF5;
	p2 =	por !p2, p0  }
0x20: {  	[sflag:s8] =	ssyncset.s32 @!p0 $0xFFFFF086;
	s6 =	sadd.s32 @!p0 s3, s7;
	s7 =	simm.s32 @!p0 $0x108  }
0x21: {  	s3 =	sadd.s32 s3, s9;
	s6 =	sadd.s32 @!p0 $0x88, s6;
	s7 =	simm.s32 @p2 $0x1082  }
0x22: {  	[simem:s7], [sflag:s8] =	dma.local @!p0 [hbm:s6], $0xF7A  }
0x23: {  	s9 =	sor.u32 $0xD0000000, s2;
	s6 =	simm.s32 $0x108;
	_ =	swait.ge @!p0 [sflag:s8], $0x0  }
0x24: {  	s3 =	sadd.s32 $0x88, s3;
	s6 =	simm.s32 @!p1 $0x1082;
	[sflag:s4] =	ssyncset.s32 $0xFFFFF086  }
0x25: {  	[simem:s6], [sflag:s4] =	dma.local [hbm:s3], $0xF7A  }
0x26: {  	[smem:$0x3F9C] =	sst s1;
	(tag) =	ssettag s2;
	_ =	strace s9  }
0x27: {  	s1 =	sld [smem:$0x3FAC]  }
0x28: {  	s2 =	sld [smem:$0x3FAD]  }
0x29: {  	s4 =	sld [smem:$0x3FAF]  }
0x2a: {  	p0 =	seq.s32 s5, $0x0;
	s5 =	sld [smem:$0x3FB0]  }
0x2b: {  	s6 =	sld [smem:$0x3FB1]  }
0x2c: {  	s7 =	sld [smem:$0x3FB2]  }
0x2d: {  	s3 =	simm.s32 $0x108;
	s8 =	sld [smem:$0x3FB3]  }
0x2e: {  	s3 =	simm.s32 @!p0 $0x1082;
	s9 =	sld [smem:$0x3FB4]  }
0x2f: {  	lr =	sadd.s32 s0, s3;
	s0 =	sld [smem:$0x3FAB]  }
0x30: {  	s3 =	sld [smem:$0x3FAE]  }
0x31: {  	[smem:$0x3FB7] =	sst s10  }
0x32: {  	s10 =	sld [smem:$0x3FB5];
	_ =	sdelay $0x3  }
0x33: {  	p0 =	seq.s32 s10, $0x1;
	s10 =	sld [smem:$0x3FB7];
	_ =	sdelay $0x3  }
0x34: {  	[smem:$0x3FB7] =	sst s10  }
0x35: {  	s10 =	sld [smem:$0x3FB6];
	_ =	sdelay $0x3  }
0x36: {  	p1 =	seq.s32 s10, $0x1;
	s10 =	sld [smem:$0x3FB7];
	_ =	sdelay $0x3  }
0x37: {  	[smem:$0x3FB7] =	sst s10  }
0x38: {  	s10 =	sld [smem:$0x3FB8]  }
0x39: {  	_ = 	snop;
	(pc) =	sbr.ind lr, $3  }
0x3a: {  	_ = 	snop  }
0x3b: {  	_ = 	snop  }
0x3c: {  	p2 =	seq.s32 s10, $0x1;
	s10 =	sld [smem:$0x3FB7]  }
0x3d: {  	_ =	shalt  }
0x3e: {  	_ =	shalt  }
0x3f: {  	_ =	shalt  }
0x40: {  	_ =	shalt  }
0x41: {  	_ =	shalt  }
0x42: {  	_ =	shalt  }
0x43: {  	_ =	shalt  }
0x44: {  	_ =	shalt  }
0x45: {  	_ =	shalt  }
0x46: {  	_ =	shalt  }
0x47: {  	_ =	shalt  }
0x48: {  	_ =	shalt  }
0x49: {  	_ =	shalt  }
0x4a: {  	_ =	shalt  }
0x4b: {  	_ =	shalt  }
0x4c: {  	_ =	shalt  }
0x4d: {  	_ =	shalt  }
0x4e: {  	_ =	shalt  }
0x4f: {  	_ =	shalt  }
0x50: {  	_ =	shalt  }
0x51: {  	_ =	shalt  }
0x52: {  	_ =	shalt  }
0x53: {  	_ =	shalt  }
0x54: {  	_ =	shalt  }
0x55: {  	_ =	shalt  }
0x56: {  	_ =	shalt  }
0x57: {  	_ =	shalt  }
0x58: {  	_ =	shalt  }
0x59: {  	_ =	shalt  }
0x5a: {  	_ =	shalt  }
0x5b: {  	_ =	shalt  }
0x5c: {  	_ =	shalt  }
0x5d: {  	_ =	shalt  }
0x5e: {  	_ =	shalt  }
0x5f: {  	_ =	shalt  }
0x60: {  	_ =	shalt  }
0x61: {  	_ =	shalt  }
0x62: {  	_ =	shalt  }
0x63: {  	_ =	shalt  }
0x64: {  	_ =	shalt  }
0x65: {  	_ =	shalt  }
0x66: {  	_ =	shalt  }
0x67: {  	_ =	shalt  }
0x68: {  	_ =	shalt  }
0x69: {  	_ =	shalt  }
0x6a: {  	_ =	shalt  }
0x6b: {  	_ =	shalt  }
0x6c: {  	_ =	shalt  }
0x6d: {  	_ =	shalt  }
0x6e: {  	_ =	shalt  }
0x6f: {  	_ =	shalt  }
0x70: {  	_ =	shalt  }
0x71: {  	_ =	shalt  }
0x72: {  	_ =	shalt  }
0x73: {  	_ =	shalt  }
0x74: {  	_ =	shalt  }
0x75: {  	_ =	shalt  }
0x76: {  	_ =	shalt  }
0x77: {  	_ =	shalt  }
0x78: {  	_ =	shalt  }
0x79: {  	_ =	shalt  }
0x7a: {  	_ =	shalt  }
0x7b: {  	_ =	shalt  }
0x7c: {  	_ =	shalt  }
0x7d: {  	_ =	shalt  }
0x7e: {  	_ =	shalt  }
0x7f: {  	_ =	shalt  }
0x80: {  	_ =	shalt  }
0x81: {  	_ =	shalt  }
0x82: {  	_ =	shalt  }
0x83: {  	_ =	shalt  }
0x84: {  	_ =	shalt  }
0x85: {  	_ =	shalt  }
0x86: {  	_ =	shalt  }
0x87: {  	_ =	shalt  }
.Lfunc_end0:
.L_simem_size_0:
called_computation_lowered:
.L_overlay_start_0:
0x88: {  	s2 =	sld [smem:$0x3FD9]  }
0x89: {  	s3 =	sld [smem:$0x3FFE];
	_ =	sdelay $0x1  }
0x8a: {  	s1 =	srdreg.scid  }
0x8b: {  	s0 =	sand.u32 $0x1, s1  }
0x8c: {  	s17 =	sshll.u32 s0, $0xA;
	s2 =	sadd.s32 s3, s2  }
0x8d: {  	s2 =	sadd.s32 s2, s17  }
0x8e: {  	[smem:$0x3FC3] =	sst s2  }
0x8f: {  	_ = 	snop  }
0x90: {  	s2 =	sld [smem:$0x3FC8]  }
0x91: {  	s18 =	sld [smem:$0x3FD0];
	(tm) =	ssettm $0x1  }
0x92: {  	s4 =	sld [smem:$0x3FFB];
	_ =	sdelay $0x3  }
0x93: {  	_ =	strace s4  }
0x94: {  	s4 =	sld [smem:$0x3FFC];
	_ =	sdelay $0x3  }
0x95: {  	_ =	strace s4  }
0x96: {  	s4 =	sld [smem:$0x3FFD];
	_ =	sdelay $0x3  }
0x97: {  	_ =	strace s4  }
0x98: {  	_ =	strace $0x8FFFFFFF  }
0x99: {  	s19 =	sld [smem:$0x3FDB];
	_ =	sdelay $0x1  }
0x9a: {  	s5 =	simm.s32 $_scs_section_size  }
0x9b: {  	s6 =	simm.s32 $_size__tile_overlayer_lowered;
	s7 =	simm.s32 $_tile_overlayer_lowered  }
0x9c: {  	s22 =	simm.s32 $0x1BFF;
	s21 =	sshll.u32 s7, $0x1;
	s4 =	sadd.s32 s5, s19  }
0x9d: {  	s8 =	simm.s32 $0x0;
	s20 =	sshll.u32 s6, $0x1;
	s6 =	sadd.s32 s21, s4  }
0x9e: {  	[timem:s8], [sflag:s22] =	dma.local [hbm:s6], s20  }
0x9f: {  	_ =	swait.ge [sflag:s22], s20  }
0xa0: {  	s5 =	ssub.s32 $0x0, s20;
	[sflag:s22] =	ssyncset.done $0x0  }
0xa1: {  	[sflag:s22] =	ssyncadd.s32 s5;
	_ =	sdelay $0x1  }
0xa2: {  	s23 =	simm.s32 $0x1B8B  }
0xa3: {  	_ =	swait.ge [sflag:s23], $0x1  }
0xa4: {  	[sflag:s23] =	ssyncset.done $0x0  }
0xa5: {  	s25 =	simm.s32 $0x1B8E;
	s24 =	sld [smem:$0x3FFE];
	[sflag:s23] =	ssyncadd.s32 $0xFFFFFFFF  }
0xa6: {  	s26 =	simm.s32 $execute0_lowered;
	[smem:$0x3FD2] =	sst s25  }
0xa7: {  	s6 =	sshll.u32 s26, $0x1;
	_ =	strace $0x80000046;
	[dreg:$0x1] =	wrdreg $0xFFFFFFFF  }
0xa8: {  	s28 =	simm.s32 $_size_execute0_lowered;
	s4 =	sadd.s32 s4, s6;
	[dreg:$0x0] =	wrdreg $0x0  }
0xa9: {  	s6 =	sshll.u32 s28, $0x1;
	[dreg:$0x2] =	wrdreg s4  }
0xaa: {  	[dreg:$0x3] =	wrdreg s6  }
0xab: {  	[dreg:$0x4] =	wrdreg $0xC0  }
0xac: {  	_ =	task [dreg:s8], $0x5FFFF  }
0xad: {  	[dreg:$0x1] =	wrdreg $0xFFFFFFFF  }
0xae: {  	[dreg:$0x0] =	wrdreg $0x60  }
0xaf: {  	[dreg:$0x2] =	wrdreg s24  }
0xb0: {  	[dreg:$0x3] =	wrdreg s2  }
0xb1: {  	[dreg:$0x4] =	wrdreg s18  }
0xb2: {  	[dreg:$0x5] =	wrdreg $0x9  }
0xb3: {  	_ =	task.clear_ibuf [dreg:s8], $0x6FFFF;
	_ =	strace $0x90000046  }
0xb4: {  	s29 =	simm.s32 $0x9;
	_ =	strace $0x80000048  }
0xb5: {  	_ =	swait.ge [sflag:s29], $0x1  }
0xb6: {  	[sflag:s29] =	ssyncadd.s32 $0xFFFFFFFF  }
0xb7: {  	_ =	strace $0x90000048  }
0xb8: {  	_ =	sfence  }
0xb9: {  	s30 =	sld [smem:$0x0];
	_ =	sdelay $0x2  }
0xba: {  	s31 =	sshll.u32 s1, $0xD;
	s1 =	sshrl.u32 s1, $0x2  }
0xbb: {  	s3 =	sand.u32 $0x4000, s31;
	s1 =	sadd.s32 s1, s30  }
0xbc: {  	s0 =	sor.u32 s3, s0;
	s1 =	sshll.u32 s1, $0x11  }
0xbd: {  	s0 =	sor.u32 s1, s0  }
0xbe: {  	s0 =	sadd.s32 $0x8F2B, s0  }
0xbf: {  	[sflag:s0] =	ssyncadd.remote.s32 $0x1  }
0xc0: {  	_ =	sfence.sel $0xFFFF  }
0xc1: {  	[dreg:$0x0] =	wrdreg $0xFFFFFFFF;
	(pc) =	sbr.abs _section_cstart, $3  }
0xc2: {  	[dreg:$0x1] =	wrdreg $0xFFFFFFFF  }
0xc3: {  	_ =	task.clear_ibuf [dreg:s8], $0x2FFFF;
	_ =	strace $0x9FFFFFFF  }
0xc4: {  	(tm) =	ssettm $0x7FFFFFFF  }
0xc5: {  	_ =	shalt  }
tec
execute0_lowered:
.L_overlay_start_1:
0x0: {  	(tag) =	ssettag $0x1  }
0x1: {  	s0 =	srdreg.scid;
	s2 =	stileid.u32  }
0x2: {  	s0 =	sand.u32 $0x1, s0;
	s2 =	sshll.u32 s2, $0x1  }
0x3: {  	s2 =	sor.u32 s0, s2  }
0x4: {  	s1 =	rddreg [dreg:$0x0];
	s0 =	ssub.s32 $0x2, s0;
	s4 =	smul.u32 $0x500, s2  }
0x5: {  	s3 =	rddreg [dreg:$0x2];
	s14 =	sshrl.u32 s0, $0x1  }
0x6: {  	s5 =	simm.s32 $0x0;
	s0 =	ssub.s32 s0, s14;
	s4 =	sshrl.u32 s4, $0x3  }
0x7: {  	[smem:$0x7FF] =	sst s5;
	s0 =	smax.u32 s0, $0x1;
	s1 =	sadd.s32 s4, s1  }
0x8: {  	_ =	strace $0x80000047;
	[dreg:$0x15] =	wrdreg s0;
	s15 =	sadd.s32 $0xC00, s1  }
0x9: {  	s16 =	sadd.s32 $0xC0A, s1;
	[dreg:$0x4] =	wrdreg s15  }
0xa: {  	s17 =	sadd.s32 $0xC14, s1;
	[dreg:$0x5] =	wrdreg s16  }
0xb: {  	s18 =	sadd.s32 $0xC1E, s1;
	[dreg:$0x6] =	wrdreg s17  }
0xc: {  	s19 =	sadd.s32 $0xC28, s1;
	[dreg:$0x7] =	wrdreg s18  }
0xd: {  	s20 =	sadd.s32 $0xC32, s1;
	[dreg:$0x8] =	wrdreg s19  }
0xe: {  	s21 =	sadd.s32 $0xC3C, s1;
	[dreg:$0x9] =	wrdreg s20  }
0xf: {  	s22 =	sadd.s32 $0xC46, s1;
	[dreg:$0xa] =	wrdreg s21  }
0x10: {  	s23 =	sadd.s32 $0xC50, s1;
	[dreg:$0xb] =	wrdreg s22  }
0x11: {  	s24 =	sadd.s32 $0xC5A, s1;
	[dreg:$0xc] =	wrdreg s23  }
0x12: {  	s25 =	sadd.s32 $0xC64, s1;
	[dreg:$0xd] =	wrdreg s24  }
0x13: {  	s26 =	sadd.s32 $0xC6E, s1;
	[dreg:$0xe] =	wrdreg s25  }
0x14: {  	s28 =	sadd.s32 $0xC78, s1;
	[dreg:$0xf] =	wrdreg s26  }
0x15: {  	s29 =	sadd.s32 $0xC82, s1;
	[dreg:$0x10] =	wrdreg s28  }
0x16: {  	s30 =	sadd.s32 $0xC8C, s1;
	[dreg:$0x11] =	wrdreg s29  }
0x17: {  	v2 =	vlaneseq.u32;
	s31 =	sshll.u32 s2, $0xC;
	s1 =	sadd.s32 $0xC96, s1;
	[dreg:$0x12] =	wrdreg s30  }
0x18: {  	vm0 =	vmmov $0xffff;
	v1 =	vshrl.u32 v2, $0x3;
	[dreg:$0x13] =	wrdreg s1;
	s1 =	sadd.s32 s3, s31  }
0x19: {  	v0 =	vand.u32 $0x7, v2;
	v2 =	vor.u32 $0x8, v2;
	v1 =	vmul.u32 $0x8, v1;
	s2 =	simm.s32 $0x0;
	[dreg:$0x14] =	wrdreg s1  }
.LBB2_1:
0x1a: {  	[dreg:$0x16] =	wrdreg s2  }
0x1b: {  	s1 =	simm.s32 $0x0;
	s0 =	rddreg [dreg:$0x4]  }
0x1c: {  	[tilespmem:s1], [sflag:$0x3] =	stream.linear.gather [hbm4b:s0+s1], $0x50, $0x38;
	[tilespmem:$0x12800] =	vst v63  }
0x1d: {  	s17 =	rddreg [dreg:$0x5];
	s18 =	simm.s32 $0x80  }
0x1e: {  	[tilespmem:s18], [sflag:$0x3] =	stream.linear.gather [hbm4b:s17+s1], $0x50, $0x38;
	[tilespmem:$0x12800] =	vst v63  }
0x1f: {  	s19 =	rddreg [dreg:$0x6];
	s20 =	simm.s32 $0x100  }
0x20: {  	[tilespmem:s20], [sflag:$0x3] =	stream.linear.gather [hbm4b:s19+s1], $0x50, $0x38;
	[tilespmem:$0x12800] =	vst v63  }
0x21: {  	s21 =	rddreg [dreg:$0x7];
	s22 =	simm.s32 $0x180  }
0x22: {  	[tilespmem:s22], [sflag:$0x3] =	stream.linear.gather [hbm4b:s21+s1], $0x50, $0x38;
	[tilespmem:$0x12800] =	vst v63  }
0x23: {  	s23 =	rddreg [dreg:$0x8];
	s24 =	simm.s32 $0x200  }
0x24: {  	[tilespmem:s24], [sflag:$0x3] =	stream.linear.gather [hbm4b:s23+s1], $0x50, $0x38;
	[tilespmem:$0x12800] =	vst v63  }
0x25: {  	s25 =	rddreg [dreg:$0x9];
	s26 =	simm.s32 $0x280  }
0x26: {  	[tilespmem:s26], [sflag:$0x3] =	stream.linear.gather [hbm4b:s25+s1], $0x50, $0x38;
	[tilespmem:$0x12800] =	vst v63  }
0x27: {  	s28 =	rddreg [dreg:$0xa];
	s29 =	simm.s32 $0x300  }
0x28: {  	[tilespmem:s29], [sflag:$0x3] =	stream.linear.gather [hbm4b:s28+s1], $0x50, $0x38;
	[tilespmem:$0x12800] =	vst v63  }
0x29: {  	s30 =	rddreg [dreg:$0xb];
	s31 =	simm.s32 $0x380  }
0x2a: {  	[tilespmem:s31], [sflag:$0x3] =	stream.linear.gather [hbm4b:s30+s1], $0x50, $0x38;
	[tilespmem:$0x12800] =	vst v63  }
0x2b: {  	s3 =	rddreg [dreg:$0xc];
	s4 =	simm.s32 $0x400  }
0x2c: {  	[tilespmem:s4], [sflag:$0x3] =	stream.linear.gather [hbm4b:s3+s1], $0x50, $0x38;
	[tilespmem:$0x12800] =	vst v63  }
0x2d: {  	s5 =	rddreg [dreg:$0xd];
	s6 =	simm.s32 $0x480  }
0x2e: {  	[tilespmem:s6], [sflag:$0x3] =	stream.linear.gather [hbm4b:s5+s1], $0x50, $0x38;
	[tilespmem:$0x12800] =	vst v63  }
0x2f: {  	s7 =	rddreg [dreg:$0xe];
	s8 =	simm.s32 $0x500  }
0x30: {  	[tilespmem:s8], [sflag:$0x3] =	stream.linear.gather [hbm4b:s7+s1], $0x50, $0x38;
	[tilespmem:$0x12800] =	vst v63  }
0x31: {  	s9 =	rddreg [dreg:$0xf];
	s10 =	simm.s32 $0x580  }
0x32: {  	[tilespmem:s10], [sflag:$0x3] =	stream.linear.gather [hbm4b:s9+s1], $0x50, $0x38;
	[tilespmem:$0x12800] =	vst v63  }
0x33: {  	s11 =	rddreg [dreg:$0x10];
	s12 =	simm.s32 $0x600  }
0x34: {  	[tilespmem:s12], [sflag:$0x3] =	stream.linear.gather [hbm4b:s11+s1], $0x50, $0x38;
	[tilespmem:$0x12800] =	vst v63  }
0x35: {  	s13 =	rddreg [dreg:$0x11];
	s14 =	simm.s32 $0x680  }
0x36: {  	[tilespmem:s14], [sflag:$0x3] =	stream.linear.gather [hbm4b:s13+s1], $0x50, $0x38;
	[tilespmem:$0x12800] =	vst v63  }
0x37: {  	s15 =	rddreg [dreg:$0x12];
	s16 =	simm.s32 $0x700  }
0x38: {  	[tilespmem:s16], [sflag:$0x3] =	stream.linear.gather [hbm4b:s15+s1], $0x50, $0x38;
	[tilespmem:$0x12800] =	vst v63  }
0x39: {  	s17 =	rddreg [dreg:$0x13];
	s18 =	simm.s32 $0x780;
	s19 =	simm.s32 $0x3  }
0x3a: {  	[tilespmem:s18], [sflag:$0x3] =	stream.linear.gather [hbm4b:s17+s1], $0x50, $0x38;
	[tilespmem:$0x12800] =	vst v63  }
0x3b: {  	_ =	swait.ge [sflag:s19], $0x50  }
0x3c: {  	[sflag:s19] =	ssyncset.done $0x0  }
0x3d: {  	[sflag:s19] =	ssyncadd.s32 $0xFFFFFFB0  }
0x3e: {  	_ =	swait.ge [sflag:s19], $0x50  }
0x3f: {  	[sflag:s19] =	ssyncset.done $0x0  }
0x40: {  	[sflag:s19] =	ssyncadd.s32 $0xFFFFFFB0  }
0x41: {  	_ =	swait.ge [sflag:s19], $0x50  }
0x42: {  	[sflag:s19] =	ssyncset.done $0x0  }
0x43: {  	[sflag:s19] =	ssyncadd.s32 $0xFFFFFFB0  }
0x44: {  	_ =	swait.ge [sflag:s19], $0x50  }
0x45: {  	[sflag:s19] =	ssyncset.done $0x0  }
0x46: {  	[sflag:s19] =	ssyncadd.s32 $0xFFFFFFB0  }
0x47: {  	_ =	swait.ge [sflag:s19], $0x50  }
0x48: {  	[sflag:s19] =	ssyncset.done $0x0  }
0x49: {  	[sflag:s19] =	ssyncadd.s32 $0xFFFFFFB0  }
0x4a: {  	_ =	swait.ge [sflag:s19], $0x50  }
0x4b: {  	[sflag:s19] =	ssyncset.done $0x0  }
0x4c: {  	[sflag:s19] =	ssyncadd.s32 $0xFFFFFFB0  }
0x4d: {  	_ =	swait.ge [sflag:s19], $0x50  }
0x4e: {  	[sflag:s19] =	ssyncset.done $0x0  }
0x4f: {  	[sflag:s19] =	ssyncadd.s32 $0xFFFFFFB0  }
0x50: {  	_ =	swait.ge [sflag:s19], $0x50  }
0x51: {  	[sflag:s19] =	ssyncset.done $0x0  }
0x52: {  	[sflag:s19] =	ssyncadd.s32 $0xFFFFFFB0  }
0x53: {  	_ =	swait.ge [sflag:s19], $0x50  }
0x54: {  	[sflag:s19] =	ssyncset.done $0x0  }
0x55: {  	[sflag:s19] =	ssyncadd.s32 $0xFFFFFFB0  }
0x56: {  	_ =	swait.ge [sflag:s19], $0x50  }
0x57: {  	[sflag:s19] =	ssyncset.done $0x0  }
0x58: {  	[sflag:s19] =	ssyncadd.s32 $0xFFFFFFB0  }
0x59: {  	_ =	swait.ge [sflag:s19], $0x50  }
0x5a: {  	[sflag:s19] =	ssyncset.done $0x0  }
0x5b: {  	[sflag:s19] =	ssyncadd.s32 $0xFFFFFFB0  }
0x5c: {  	_ =	swait.ge [sflag:s19], $0x50  }
0x5d: {  	[sflag:s19] =	ssyncset.done $0x0  }
0x5e: {  	[sflag:s19] =	ssyncadd.s32 $0xFFFFFFB0  }
0x5f: {  	_ =	swait.ge [sflag:s19], $0x50  }
0x60: {  	[sflag:s19] =	ssyncset.done $0x0  }
0x61: {  	[sflag:s19] =	ssyncadd.s32 $0xFFFFFFB0  }
0x62: {  	_ =	swait.ge [sflag:s19], $0x50  }
0x63: {  	[sflag:s19] =	ssyncset.done $0x0  }
0x64: {  	[sflag:s19] =	ssyncadd.s32 $0xFFFFFFB0  }
0x65: {  	_ =	swait.ge [sflag:s19], $0x50  }
0x66: {  	[sflag:s19] =	ssyncset.done $0x0  }
0x67: {  	[sflag:s19] =	ssyncadd.s32 $0xFFFFFFB0  }
0x68: {  	_ =	swait.ge [sflag:s19], $0x50  }
0x69: {  	[sflag:s19] =	ssyncset.done $0x0  }
0x6a: {  	[sflag:s19] =	ssyncadd.s32 $0xFFFFFFB0  }
0x6b: {  	v3 =	vld [tilespmem:$0x0];
	_ =	sdelay $0x4  }
0x6c: {  	v4 =	vshll.u32 v3, $0x1  }
0x6d: {  	v3 =	vand.u32 $0x7, v3;
	v4 =	vand.u32 $0xFFFFFFF0, v4  }
0x6e: {  	v3 =	vor.u32 v3, v4  }
0x6f: {  	v4 =	vperm.xlane v3, v0;
	_ =	sdelay $0x1  }
0x70: {  	v3 =	vperm.xlane v3, v2;
	v4 =	vadd.s32 v1, v4;
	_ =	sdelay $0x1  }
0x71: {  	v3 =	vadd.s32 v1, v3;
	_ =	sdelay $0x1  }
0x72: {  	s20 =	simm.s32 $0x800;
	s0 =	rddreg [dreg:$0x1]  }
0x73: {  	[tilespmem:s20], [sflag:$0x1] =	stream.indirect_vreg.gather [hbm4b:s0+s1], $0x80, v4, vm0, $0xb8;
	[tilespmem:$0x12800] =	vst v63  }
0x74: {  	s21 =	simm.s32 $0x1000  }
0x75: {  	[tilespmem:s21], [sflag:$0x1] =	stream.indirect_vreg.gather [hbm4b:s0+s1], $0x80, v3, vm0, $0xb8;
	[tilespmem:$0x12800] =	vst v63  }
0x76: {  	v3 =	vld [tilespmem:$0x10];
	_ =	sdelay $0x4  }
0x77: {  	v60 =	vshll.u32 v3, $0x1  }
0x78: {  	v3 =	vand.u32 $0x7, v3;
	v4 =	vand.u32 $0xFFFFFFF0, v60  }
0x79: {  	v3 =	vor.u32 v3, v4  }
0x7a: {  	v4 =	vperm.xlane v3, v0;
	_ =	sdelay $0x1  }
0x7b: {  	v3 =	vperm.xlane v3, v2;
	v4 =	vadd.s32 v1, v4;
	_ =	sdelay $0x1  }
0x7c: {  	v3 =	vadd.s32 v1, v3;
	_ =	sdelay $0x1  }
0x7d: {  	s22 =	simm.s32 $0x1800  }
0x7e: {  	[tilespmem:s22], [sflag:$0x1] =	stream.indirect_vreg.gather [hbm4b:s0+s1], $0x80, v4, vm0, $0xb8;
	[tilespmem:$0x12800] =	vst v63  }
0x7f: {  	s23 =	simm.s32 $0x2000  }
0x80: {  	[tilespmem:s23], [sflag:$0x1] =	stream.indirect_vreg.gather [hbm4b:s0+s1], $0x80, v3, vm0, $0xb8;
	[tilespmem:$0x12800] =	vst v63  }
0x81: {  	v3 =	vld [tilespmem:$0x20];
	_ =	sdelay $0x4  }
0x82: {  	v61 =	vshll.u32 v3, $0x1  }
0x83: {  	v3 =	vand.u32 $0x7, v3;
	v4 =	vand.u32 $0xFFFFFFF0, v61  }
0x84: {  	v3 =	vor.u32 v3, v4  }
0x85: {  	v4 =	vperm.xlane v3, v0;
	_ =	sdelay $0x1  }
0x86: {  	v3 =	vperm.xlane v3, v2;
	v4 =	vadd.s32 v1, v4;
	_ =	sdelay $0x1  }
0x87: {  	v3 =	vadd.s32 v1, v3;
	_ =	sdelay $0x1  }
0x88: {  	s24 =	simm.s32 $0x2800  }
0x89: {  	[tilespmem:s24], [sflag:$0x1] =	stream.indirect_vreg.gather [hbm4b:s0+s1], $0x80, v4, vm0, $0xb8;
	[tilespmem:$0x12800] =	vst v63  }
0x8a: {  	s25 =	simm.s32 $0x3000  }
0x8b: {  	[tilespmem:s25], [sflag:$0x1] =	stream.indirect_vreg.gather [hbm4b:s0+s1], $0x80, v3, vm0, $0xb8;
	[tilespmem:$0x12800] =	vst v63  }
0x8c: {  	v3 =	vld [tilespmem:$0x30];
	_ =	sdelay $0x4  }
0x8d: {  	v62 =	vshll.u32 v3, $0x1  }
0x8e: {  	v3 =	vand.u32 $0x7, v3;
	v4 =	vand.u32 $0xFFFFFFF0, v62  }
0x8f: {  	v3 =	vor.u32 v3, v4  }
0x90: {  	v4 =	vperm.xlane v3, v0;
	_ =	sdelay $0x1  }
0x91: {  	v3 =	vperm.xlane v3, v2;
	v4 =	vadd.s32 v1, v4;
	_ =	sdelay $0x1  }
0x92: {  	v3 =	vadd.s32 v1, v3;
	_ =	sdelay $0x1  }
0x93: {  	s26 =	simm.s32 $0x3800  }
0x94: {  	[tilespmem:s26], [sflag:$0x1] =	stream.indirect_vreg.gather [hbm4b:s0+s1], $0x80, v4, vm0, $0xb8;
	[tilespmem:$0x12800] =	vst v63  }
0x95: {  	s28 =	simm.s32 $0x4000  }
0x96: {  	[tilespmem:s28], [sflag:$0x1] =	stream.indirect_vreg.gather [hbm4b:s0+s1], $0x80, v3, vm0, $0xb8;
	[tilespmem:$0x12800] =	vst v63  }
0x97: {  	v3 =	vld [tilespmem:$0x40];
	_ =	sdelay $0x4  }
0x98: {  	v63 =	vshll.u32 v3, $0x1  }
0x99: {  	v3 =	vand.u32 $0x7, v3;
	v4 =	vand.u32 $0xFFFFFFF0, v63  }
0x9a: {  	v3 =	vor.u32 v3, v4  }
0x9b: {  	v4 =	vperm.xlane v3, v0;
	_ =	sdelay $0x1  }
0x9c: {  	v3 =	vperm.xlane v3, v2;
	v4 =	vadd.s32 v1, v4;
	_ =	sdelay $0x1  }
0x9d: {  	v3 =	vadd.s32 v1, v3;
	_ =	sdelay $0x1  }
0x9e: {  	s29 =	simm.s32 $0x4800;
	s30 =	simm.s32 $0x5000;
	s31 =	simm.s32 $0xB470  }
0x9f: {  	[tilespmem:s29], [sflag:$0x1] =	stream.indirect_vreg.gather [hbm4b:s0+s1], $0x80, v4, vm0, $0xb8;
	[tilespmem:$0x12800] =	vst v63  }
0xa0: {  	s18 =	simm.s32 $0xAC00;
	[dreg:$0x18] =	wrdreg s31;
	s19 =	simm.s32 $0x0  }
0xa1: {  	[tilespmem:s30], [sflag:$0x1] =	stream.indirect_vreg.gather [hbm4b:s0+s1], $0x80, v3, vm0, $0xb8;
	[tilespmem:$0x12800] =	vst v63  }
.LBB2_2:
0xa2: {  	s0 =	sshllo.u32 s19, $0x1  }
0xa3: {  	[dreg:$0x1a] =	wrdreg s0;
	s0 =	sshll.u32 s0, $0x7  }
0xa4: {  	s0 =	sand.u32 $0x3FFFFF80, s0  }
0xa5: {  	v3 =	vld [tilespmem:s0+$0x0];
	_ =	sdelay $0x4  }
0xa6: {  	v4 =	vshll.u32 v3, $0x1  }
0xa7: {  	v3 =	vand.u32 $0x7, v3;
	v4 =	vand.u32 $0xFFFFFFF0, v4  }
0xa8: {  	v3 =	vor.u32 v3, v4  }
0xa9: {  	v4 =	vperm.xlane v3, v0;
	_ =	sdelay $0x1  }
0xaa: {  	v3 =	vperm.xlane v3, v2;
	v4 =	vadd.s32 v1, v4;
	_ =	sdelay $0x1  }
0xab: {  	v3 =	vadd.s32 v1, v3;
	_ =	sdelay $0x1  }
0xac: {  	s1 =	simm.s32 $0x0;
	s2 =	rddreg [dreg:$0x1];
	s3 =	simm.s32 $0x5800  }
0xad: {  	[tilespmem:s3], [sflag:$0x2] =	stream.indirect_vreg.gather [hbm4b:s2+s1], $0x80, v4, vm0, $0xb8;
	[tilespmem:$0x12800] =	vst v63  }
0xae: {  	s16 =	simm.s32 $0x6000  }
0xaf: {  	[tilespmem:s16], [sflag:$0x2] =	stream.indirect_vreg.gather [hbm4b:s2+s1], $0x80, v3, vm0, $0xb8;
	[tilespmem:$0x12800] =	vst v63  }
0xb0: {  	v3 =	vld [tilespmem:s0+$0x10];
	_ =	sdelay $0x4  }
0xb1: {  	v4 =	vshll.u32 v3, $0x1  }
0xb2: {  	v3 =	vand.u32 $0x7, v3;
	v4 =	vand.u32 $0xFFFFFFF0, v4  }
0xb3: {  	v3 =	vor.u32 v3, v4  }
0xb4: {  	v4 =	vperm.xlane v3, v0;
	_ =	sdelay $0x1  }
0xb5: {  	v3 =	vperm.xlane v3, v2;
	v4 =	vadd.s32 v1, v4;
	_ =	sdelay $0x1  }
0xb6: {  	v3 =	vadd.s32 v1, v3;
	_ =	sdelay $0x1  }
0xb7: {  	s17 =	simm.s32 $0x6800  }
0xb8: {  	[tilespmem:s17], [sflag:$0x2] =	stream.indirect_vreg.gather [hbm4b:s2+s1], $0x80, v4, vm0, $0xb8;
	[tilespmem:$0x12800] =	vst v63  }
0xb9: {  	s20 =	simm.s32 $0x7000  }
0xba: {  	[tilespmem:s20], [sflag:$0x2] =	stream.indirect_vreg.gather [hbm4b:s2+s1], $0x80, v3, vm0, $0xb8;
	[tilespmem:$0x12800] =	vst v63  }
0xbb: {  	v3 =	vld [tilespmem:s0+$0x20];
	_ =	sdelay $0x4  }
0xbc: {  	v4 =	vshll.u32 v3, $0x1  }
0xbd: {  	v3 =	vand.u32 $0x7, v3;
	v4 =	vand.u32 $0xFFFFFFF0, v4  }
0xbe: {  	v3 =	vor.u32 v3, v4  }
0xbf: {  	v4 =	vperm.xlane v3, v0;
	_ =	sdelay $0x1  }
0xc0: {  	v3 =	vperm.xlane v3, v2;
	v4 =	vadd.s32 v1, v4;
	_ =	sdelay $0x1  }
0xc1: {  	v3 =	vadd.s32 v1, v3;
	_ =	sdelay $0x1  }
0xc2: {  	s21 =	simm.s32 $0x7800  }
0xc3: {  	[tilespmem:s21], [sflag:$0x2] =	stream.indirect_vreg.gather [hbm4b:s2+s1], $0x80, v4, vm0, $0xb8;
	[tilespmem:$0x12800] =	vst v63  }
0xc4: {  	s22 =	simm.s32 $0x8000  }
0xc5: {  	[tilespmem:s22], [sflag:$0x2] =	stream.indirect_vreg.gather [hbm4b:s2+s1], $0x80, v3, vm0, $0xb8;
	[tilespmem:$0x12800] =	vst v63  }
0xc6: {  	v3 =	vld [tilespmem:s0+$0x30];
	_ =	sdelay $0x4  }
0xc7: {  	v4 =	vshll.u32 v3, $0x1  }
0xc8: {  	v3 =	vand.u32 $0x7, v3;
	v4 =	vand.u32 $0xFFFFFFF0, v4  }
0xc9: {  	v3 =	vor.u32 v3, v4  }
0xca: {  	v4 =	vperm.xlane v3, v0;
	_ =	sdelay $0x1  }
0xcb: {  	v3 =	vperm.xlane v3, v2;
	v4 =	vadd.s32 v1, v4;
	_ =	sdelay $0x1  }
0xcc: {  	v3 =	vadd.s32 v1, v3;
	_ =	sdelay $0x1  }
0xcd: {  	s23 =	simm.s32 $0x8800  }
0xce: {  	[tilespmem:s23], [sflag:$0x2] =	stream.indirect_vreg.gather [hbm4b:s2+s1], $0x80, v4, vm0, $0xb8;
	[tilespmem:$0x12800] =	vst v63  }
0xcf: {  	s24 =	simm.s32 $0x9000  }
0xd0: {  	[tilespmem:s24], [sflag:$0x2] =	stream.indirect_vreg.gather [hbm4b:s2+s1], $0x80, v3, vm0, $0xb8;
	[tilespmem:$0x12800] =	vst v63  }
0xd1: {  	v3 =	vld [tilespmem:s0+$0x40];
	_ =	sdelay $0x4  }
0xd2: {  	v4 =	vshll.u32 v3, $0x1  }
0xd3: {  	v3 =	vand.u32 $0x7, v3;
	v4 =	vand.u32 $0xFFFFFFF0, v4  }
0xd4: {  	v3 =	vor.u32 v3, v4  }
0xd5: {  	v4 =	vperm.xlane v3, v0;
	_ =	sdelay $0x1  }
0xd6: {  	v3 =	vperm.xlane v3, v2;
	v4 =	vadd.s32 v1, v4;
	_ =	sdelay $0x1  }
0xd7: {  	v3 =	vadd.s32 v1, v3;
	_ =	sdelay $0x1  }
0xd8: {  	s25 =	simm.s32 $0x9800  }
0xd9: {  	[tilespmem:s25], [sflag:$0x2] =	stream.indirect_vreg.gather [hbm4b:s2+s1], $0x80, v4, vm0, $0xb8;
	[tilespmem:$0x12800] =	vst v63  }
0xda: {  	s26 =	simm.s32 $0xA000;
	s3 =	simm.s32 $0x1  }
0xdb: {  	[tilespmem:s26], [sflag:$0x2] =	stream.indirect_vreg.gather [hbm4b:s2+s1], $0x80, v3, vm0, $0xb8;
	[tilespmem:$0x12800] =	vst v63  }
0xdc: {  	_ =	swait.ge [sflag:s3], $0x5000  }
0xdd: {  	s4 =	sand.u32 $0x7800, s1;
	s1 =	sand.u32 $0x300, s1;
	[sflag:s3] =	ssyncset.done $0x0  }
0xde: {  	s28 =	sor.u32 s1, s4;
	[sflag:s3] =	ssyncadd.s32 $0xFFFFB000  }
0xdf: {  	s5 =	simm.s32 $0x200;
	s6 =	simm.s32 $0x100;
	v3 =	vld [tilespmem:s28+$0x800]  }
0xe0: {  	s0 =	sand.u32 $0xF800, s5;
	s1 =	sand.u32 $0x300, s6;
	v4 =	vld [tilespmem:s28+$0x880]  }
0xe1: {  	s7 =	simm.s32 $0x300;
	s8 =	simm.s32 $0x180;
	s1 =	sor.u32 s1, s0  }
0xe2: {  	s9 =	sand.u32 $0xF800, s7;
	s10 =	sand.u32 $0x380, s8;
	v5 =	vld [tilespmem:s1+$0x800]  }
0xe3: {  	s11 =	simm.s32 $0x400;
	s4 =	simm.s32 $0x200;
	s0 =	sor.u32 s10, s9  }
0xe4: {  	s12 =	sand.u32 $0xF800, s11;
	s13 =	sand.u32 $0x300, s4;
	v6 =	vld [tilespmem:s0+$0x800]  }
0xe5: {  	s14 =	simm.s32 $0x500;
	s5 =	simm.s32 $0x280;
	s22 =	sor.u32 s13, s12;
	v3 =	vadd.f32 v4, v3  }
0xe6: {  	s15 =	sand.u32 $0xF800, s14;
	s16 =	sand.u32 $0x380, s5;
	v4 =	vld [tilespmem:s22+$0x800]  }
0xe7: {  	s17 =	simm.s32 $0x600;
	s20 =	simm.s32 $0x300;
	s23 =	sor.u32 s16, s15;
	v3 =	vadd.f32 v5, v3  }
0xe8: {  	s21 =	sand.u32 $0xF800, s17;
	s24 =	sand.u32 $0x300, s20;
	v5 =	vld [tilespmem:s23+$0x800]  }
0xe9: {  	s29 =	sor.u32 s24, s21;
	s25 =	simm.s32 $0x700;
	s26 =	simm.s32 $0x380;
	v3 =	vadd.f32 v6, v3  }
0xea: {  	s5 =	sand.u32 $0x380, s26;
	s4 =	sand.u32 $0xF800, s25;
	v6 =	vld [tilespmem:s29+$0x800]  }
0xeb: {  	s30 =	sor.u32 s5, s4;
	v3 =	vadd.f32 v4, v3  }
0xec: {  	v4 =	vld [tilespmem:s30+$0x800]  }
0xed: {  	s7 =	simm.s32 $0x900;
	s6 =	simm.s32 $0x480;
	v3 =	vadd.f32 v5, v3  }
0xee: {  	s2 =	sand.u32 $0x380, s6;
	s3 =	sand.u32 $0xF800, s7;
	v5 =	vld [tilespmem:s28+$0x1000]  }
0xef: {  	s31 =	sor.u32 s2, s3;
	v3 =	vadd.f32 v6, v3  }
0xf0: {  	v6 =	vld [tilespmem:s31+$0x800]  }
0xf1: {  	v3 =	vadd.f32 v4, v3;
	_ =	sdelay $0x1  }
0xf2: {  	v3 =	vadd.f32 v5, v3;
	_ =	sdelay $0x1  }
0xf3: {  	v3 =	vadd.f32 v6, v3;
	_ =	sdelay $0x1  }
0xf4: {  	[tilespmem:s18+$0xFFFFFC00] =	vst v3  }
0xf5: {  	v3 =	vld [tilespmem:s28+$0x810]  }
0xf6: {  	v4 =	vld [tilespmem:s28+$0x890];
	_ =	sdelay $0x1  }
0xf7: {  	v5 =	vld [tilespmem:s1+$0x810];
	_ =	sdelay $0x1  }
0xf8: {  	v6 =	vld [tilespmem:s0+$0x810]  }
0xf9: {  	v3 =	vadd.f32 v4, v3  }
0xfa: {  	v4 =	vld [tilespmem:s22+$0x810]  }
0xfb: {  	v3 =	vadd.f32 v5, v3  }
0xfc: {  	v5 =	vld [tilespmem:s23+$0x810]  }
0xfd: {  	v3 =	vadd.f32 v6, v3  }
0xfe: {  	v6 =	vld [tilespmem:s29+$0x810]  }
0xff: {  	v3 =	vadd.f32 v4, v3  }
0x100: {  	v4 =	vld [tilespmem:s30+$0x810]  }
0x101: {  	v3 =	vadd.f32 v5, v3  }
0x102: {  	v5 =	vld [tilespmem:s28+$0x1010]  }
0x103: {  	v3 =	vadd.f32 v6, v3  }
0x104: {  	v6 =	vld [tilespmem:s31+$0x810]  }
0x105: {  	v3 =	vadd.f32 v4, v3;
	_ =	sdelay $0x1  }
0x106: {  	v3 =	vadd.f32 v5, v3;
	_ =	sdelay $0x1  }
0x107: {  	v3 =	vadd.f32 v6, v3;
	_ =	sdelay $0x1  }
0x108: {  	[tilespmem:s18+$0xFFFFFC10] =	vst v3  }
0x109: {  	v3 =	vld [tilespmem:s28+$0x820]  }
0x10a: {  	v4 =	vld [tilespmem:s28+$0x8A0];
	_ =	sdelay $0x1  }
0x10b: {  	v5 =	vld [tilespmem:s1+$0x820];
	_ =	sdelay $0x1  }
0x10c: {  	v6 =	vld [tilespmem:s0+$0x820]  }
0x10d: {  	v3 =	vadd.f32 v4, v3  }
0x10e: {  	v4 =	vld [tilespmem:s22+$0x820]  }
0x10f: {  	v3 =	vadd.f32 v5, v3  }
0x110: {  	v5 =	vld [tilespmem:s23+$0x820]  }
0x111: {  	v3 =	vadd.f32 v6, v3  }
0x112: {  	v6 =	vld [tilespmem:s29+$0x820]  }
0x113: {  	v3 =	vadd.f32 v4, v3  }
0x114: {  	v4 =	vld [tilespmem:s30+$0x820]  }
0x115: {  	v3 =	vadd.f32 v5, v3  }
0x116: {  	v5 =	vld [tilespmem:s28+$0x1020]  }
0x117: {  	v3 =	vadd.f32 v6, v3  }
0x118: {  	v6 =	vld [tilespmem:s31+$0x820]  }
0x119: {  	v3 =	vadd.f32 v4, v3;
	_ =	sdelay $0x1  }
0x11a: {  	v3 =	vadd.f32 v5, v3;
	_ =	sdelay $0x1  }
0x11b: {  	v3 =	vadd.f32 v6, v3;
	_ =	sdelay $0x1  }
0x11c: {  	[tilespmem:s18+$0xFFFFFC20] =	vst v3  }
0x11d: {  	v3 =	vld [tilespmem:s28+$0x830]  }
0x11e: {  	v4 =	vld [tilespmem:s28+$0x8B0];
	_ =	sdelay $0x1  }
0x11f: {  	v5 =	vld [tilespmem:s1+$0x830];
	_ =	sdelay $0x1  }
0x120: {  	v6 =	vld [tilespmem:s0+$0x830]  }
0x121: {  	v3 =	vadd.f32 v4, v3  }
0x122: {  	v4 =	vld [tilespmem:s22+$0x830]  }
0x123: {  	v3 =	vadd.f32 v5, v3  }
0x124: {  	v5 =	vld [tilespmem:s23+$0x830]  }
0x125: {  	v3 =	vadd.f32 v6, v3  }
0x126: {  	v6 =	vld [tilespmem:s29+$0x830]  }
0x127: {  	v3 =	vadd.f32 v4, v3  }
0x128: {  	v4 =	vld [tilespmem:s30+$0x830]  }
0x129: {  	v3 =	vadd.f32 v5, v3  }
0x12a: {  	v5 =	vld [tilespmem:s28+$0x1030]  }
0x12b: {  	v3 =	vadd.f32 v6, v3  }
0x12c: {  	v6 =	vld [tilespmem:s31+$0x830]  }
0x12d: {  	v3 =	vadd.f32 v4, v3;
	_ =	sdelay $0x1  }
0x12e: {  	v3 =	vadd.f32 v5, v3;
	_ =	sdelay $0x1  }
0x12f: {  	v3 =	vadd.f32 v6, v3;
	_ =	sdelay $0x1  }
0x130: {  	[tilespmem:s18+$0xFFFFFC30] =	vst v3  }
0x131: {  	v3 =	vld [tilespmem:s28+$0x840]  }
0x132: {  	v4 =	vld [tilespmem:s28+$0x8C0];
	_ =	sdelay $0x1  }
0x133: {  	v5 =	vld [tilespmem:s1+$0x840];
	_ =	sdelay $0x1  }
0x134: {  	v6 =	vld [tilespmem:s0+$0x840]  }
0x135: {  	v3 =	vadd.f32 v4, v3  }
0x136: {  	v4 =	vld [tilespmem:s22+$0x840]  }
0x137: {  	v3 =	vadd.f32 v5, v3  }
0x138: {  	v5 =	vld [tilespmem:s23+$0x840]  }
0x139: {  	v3 =	vadd.f32 v6, v3  }
0x13a: {  	v6 =	vld [tilespmem:s29+$0x840]  }
0x13b: {  	v3 =	vadd.f32 v4, v3  }
0x13c: {  	v4 =	vld [tilespmem:s30+$0x840]  }
0x13d: {  	v3 =	vadd.f32 v5, v3  }
0x13e: {  	v5 =	vld [tilespmem:s28+$0x1040]  }
0x13f: {  	v3 =	vadd.f32 v6, v3  }
0x140: {  	v6 =	vld [tilespmem:s31+$0x840]  }
0x141: {  	v3 =	vadd.f32 v4, v3;
	_ =	sdelay $0x1  }
0x142: {  	v3 =	vadd.f32 v5, v3;
	_ =	sdelay $0x1  }
0x143: {  	v3 =	vadd.f32 v6, v3;
	_ =	sdelay $0x1  }
0x144: {  	[tilespmem:s18+$0xFFFFFC40] =	vst v3  }
0x145: {  	v3 =	vld [tilespmem:s28+$0x850]  }
0x146: {  	v4 =	vld [tilespmem:s28+$0x8D0];
	_ =	sdelay $0x1  }
0x147: {  	v5 =	vld [tilespmem:s1+$0x850];
	_ =	sdelay $0x1  }
0x148: {  	v6 =	vld [tilespmem:s0+$0x850]  }
0x149: {  	v3 =	vadd.f32 v4, v3  }
0x14a: {  	v4 =	vld [tilespmem:s22+$0x850]  }
0x14b: {  	v3 =	vadd.f32 v5, v3  }
0x14c: {  	v5 =	vld [tilespmem:s23+$0x850]  }
0x14d: {  	v3 =	vadd.f32 v6, v3  }
0x14e: {  	v6 =	vld [tilespmem:s29+$0x850]  }
0x14f: {  	v3 =	vadd.f32 v4, v3  }
0x150: {  	v4 =	vld [tilespmem:s30+$0x850]  }
0x151: {  	v3 =	vadd.f32 v5, v3  }
0x152: {  	v5 =	vld [tilespmem:s28+$0x1050]  }
0x153: {  	v3 =	vadd.f32 v6, v3  }
0x154: {  	v6 =	vld [tilespmem:s31+$0x850]  }
0x155: {  	v3 =	vadd.f32 v4, v3  }
0x156: {  	s8 =	simm.s32 $0xA00;
	s9 =	simm.s32 $0x100  }
0x157: {  	s2 =	sand.u32 $0x7800, s8;
	s3 =	sand.u32 $0x300, s9;
	v3 =	vadd.f32 v5, v3  }
0x158: {  	s11 =	simm.s32 $0x600;
	s10 =	simm.s32 $0xC00;
	s24 =	sor.u32 s3, s2  }
0x159: {  	s2 =	sand.u32 $0xF800, s10;
	s3 =	sand.u32 $0x300, s11;
	v4 =	vld [tilespmem:s24+$0x800];
	v3 =	vadd.f32 v6, v3  }
0x15a: {  	s25 =	sor.u32 s3, s2;
	v5 =	vld [tilespmem:s24+$0x880]  }
0x15b: {  	s12 =	simm.s32 $0xD00;
	s13 =	simm.s32 $0x680;
	v6 =	vld [tilespmem:s25+$0x800];
	[tilespmem:s18+$0xFFFFFC50] =	vst v3  }
0x15c: {  	s2 =	sand.u32 $0xF800, s12;
	s3 =	sand.u32 $0x380, s13;
	v3 =	vld [tilespmem:s28+$0x860]  }
0x15d: {  	s14 =	simm.s32 $0xE00;
	s6 =	simm.s32 $0x700;
	s4 =	sor.u32 s3, s2;
	v7 =	vld [tilespmem:s28+$0x8E0]  }
0x15e: {  	s15 =	sand.u32 $0xF800, s14;
	s16 =	sand.u32 $0x300, s6;
	v8 =	vld [tilespmem:s4+$0x800]  }
0x15f: {  	s17 =	simm.s32 $0xF00;
	s7 =	simm.s32 $0x780;
	s5 =	sor.u32 s16, s15;
	v9 =	vld [tilespmem:s1+$0x860]  }
0x160: {  	s20 =	sand.u32 $0xF800, s17;
	s21 =	sand.u32 $0x380, s7;
	v10 =	vld [tilespmem:s5+$0x800];
	v4 =	vadd.f32 v5, v4  }
0x161: {  	s26 =	simm.s32 $0x1000;
	s6 =	sor.u32 s21, s20;
	v5 =	vld [tilespmem:s0+$0x860]  }
0x162: {  	s8 =	simm.s32 $0x800;
	s7 =	sand.u32 $0xF800, s26;
	v11 =	vld [tilespmem:s6+$0x800];
	v4 =	vadd.f32 v6, v4;
	v3 =	vadd.f32 v7, v3  }
0x163: {  	s9 =	simm.s32 $0x880;
	s10 =	sand.u32 $0x300, s8;
	s11 =	simm.s32 $0x1100;
	v6 =	vld [tilespmem:s22+$0x860]  }
0x164: {  	s7 =	sor.u32 s10, s7;
	s12 =	sand.u32 $0xF800, s11;
	s13 =	sand.u32 $0x380, s9;
	v4 =	vadd.f32 v8, v4;
	v8 =	vld [tilespmem:s23+$0x860];
	v3 =	vadd.f32 v9, v3  }
0x165: {  	s8 =	sor.u32 s13, s12;
	v7 =	vld [tilespmem:s7+$0x800]  }
0x166: {  	v4 =	vadd.f32 v10, v4;
	v9 =	vld [tilespmem:s8+$0x800];
	v3 =	vadd.f32 v5, v3  }
0x167: {  	s14 =	simm.s32 $0x980;
	s15 =	simm.s32 $0x1300;
	v5 =	vld [tilespmem:s29+$0x860]  }
0x168: {  	s3 =	sand.u32 $0xF800, s15;
	s2 =	sand.u32 $0x380, s14;
	v10 =	vld [tilespmem:s24+$0x1000];
	v4 =	vadd.f32 v11, v4;
	v3 =	vadd.f32 v6, v3  }
0x169: {  	s9 =	sor.u32 s2, s3;
	v6 =	vld [tilespmem:s30+$0x860]  }
0x16a: {  	v4 =	vadd.f32 v7, v4;
	v7 =	vld [tilespmem:s9+$0x800];
	v3 =	vadd.f32 v8, v3  }
0x16b: {  	v8 =	vld [tilespmem:s28+$0x1060]  }
0x16c: {  	v4 =	vadd.f32 v9, v4;
	v3 =	vadd.f32 v5, v3  }
0x16d: {  	v5 =	vld [tilespmem:s31+$0x860]  }
0x16e: {  	v4 =	vadd.f32 v10, v4;
	v3 =	vadd.f32 v6, v3;
	_ =	sdelay $0x1  }
0x16f: {  	v4 =	vadd.f32 v7, v4;
	v3 =	vadd.f32 v8, v3  }
0x170: {  	s10 =	sadd.s32 $0x80, s18  }
0x171: {  	[tilespmem:s10+$0xFFFFFC00] =	vst v4;
	v3 =	vadd.f32 v5, v3  }
0x172: {  	v4 =	vld [tilespmem:s24+$0x810]  }
0x173: {  	v5 =	vld [tilespmem:s24+$0x890];
	[tilespmem:s18+$0xFFFFFC60] =	vst v3  }
0x174: {  	v3 =	vld [tilespmem:s28+$0x870]  }
0x175: {  	v6 =	vld [tilespmem:s28+$0x8F0]  }
0x176: {  	v7 =	vld [tilespmem:s25+$0x810]  }
0x177: {  	v8 =	vld [tilespmem:s1+$0x870]  }
0x178: {  	v9 =	vld [tilespmem:s4+$0x810]  }
0x179: {  	v4 =	vadd.f32 v5, v4;
	v5 =	vld [tilespmem:s0+$0x870]  }
0x17a: {  	v10 =	vld [tilespmem:s5+$0x810];
	v3 =	vadd.f32 v6, v3  }
0x17b: {  	v4 =	vadd.f32 v7, v4;
	v6 =	vld [tilespmem:s22+$0x870]  }
0x17c: {  	v7 =	vld [tilespmem:s6+$0x810];
	v3 =	vadd.f32 v8, v3  }
0x17d: {  	v4 =	vadd.f32 v9, v4;
	v8 =	vld [tilespmem:s23+$0x870]  }
0x17e: {  	v9 =	vld [tilespmem:s7+$0x810];
	v3 =	vadd.f32 v5, v3  }
0x17f: {  	v4 =	vadd.f32 v10, v4;
	v5 =	vld [tilespmem:s29+$0x870]  }
0x180: {  	v10 =	vld [tilespmem:s8+$0x810];
	v3 =	vadd.f32 v6, v3  }
0x181: {  	v4 =	vadd.f32 v7, v4;
	v6 =	vld [tilespmem:s30+$0x870]  }
0x182: {  	v7 =	vld [tilespmem:s24+$0x1010];
	v3 =	vadd.f32 v8, v3  }
0x183: {  	v4 =	vadd.f32 v9, v4;
	v8 =	vld [tilespmem:s28+$0x1070]  }
0x184: {  	v9 =	vld [tilespmem:s9+$0x810];
	v3 =	vadd.f32 v5, v3  }
0x185: {  	v4 =	vadd.f32 v10, v4;
	v5 =	vld [tilespmem:s31+$0x870]  }
0x186: {  	v3 =	vadd.f32 v6, v3  }
0x187: {  	v4 =	vadd.f32 v7, v4  }
0x188: {  	v3 =	vadd.f32 v8, v3  }
0x189: {  	v4 =	vadd.f32 v9, v4  }
0x18a: {  	v3 =	vadd.f32 v5, v3  }
0x18b: {  	[tilespmem:s10+$0xFFFFFC10] =	vst v4  }
0x18c: {  	v4 =	vld [tilespmem:s24+$0x820];
	[tilespmem:s18+$0xFFFFFC70] =	vst v3  }
0x18d: {  	v3 =	vld [tilespmem:s28+$0xC00]  }
0x18e: {  	v5 =	vld [tilespmem:s28+$0xC80]  }
0x18f: {  	v6 =	vld [tilespmem:s24+$0x8A0]  }
0x190: {  	v7 =	vld [tilespmem:s1+$0xC00]  }
0x191: {  	v8 =	vld [tilespmem:s25+$0x820]  }
0x192: {  	v9 =	vld [tilespmem:s0+$0xC00]  }
0x193: {  	v10 =	vld [tilespmem:s4+$0x820];
	v3 =	vadd.f32 v5, v3  }
0x194: {  	v5 =	vld [tilespmem:s22+$0xC00]  }
0x195: {  	v4 =	vadd.f32 v6, v4;
	v6 =	vld [tilespmem:s5+$0x820];
	v3 =	vadd.f32 v7, v3  }
0x196: {  	v7 =	vld [tilespmem:s23+$0xC00]  }
0x197: {  	v4 =	vadd.f32 v8, v4;
	v8 =	vld [tilespmem:s6+$0x820];
	v3 =	vadd.f32 v9, v3  }
0x198: {  	v9 =	vld [tilespmem:s29+$0xC00]  }
0x199: {  	v4 =	vadd.f32 v10, v4;
	v10 =	vld [tilespmem:s7+$0x820];
	v3 =	vadd.f32 v5, v3  }
0x19a: {  	v5 =	vld [tilespmem:s30+$0xC00]  }
0x19b: {  	v11 =	vld [tilespmem:s8+$0x820];
	v4 =	vadd.f32 v6, v4;
	v3 =	vadd.f32 v7, v3  }
0x19c: {  	v6 =	vld [tilespmem:s28+$0x1400]  }
0x19d: {  	v4 =	vadd.f32 v8, v4;
	v8 =	vld [tilespmem:s31+$0xC00];
	v3 =	vadd.f32 v9, v3  }
0x19e: {  	v7 =	vld [tilespmem:s24+$0x1020]  }
0x19f: {  	s16 =	simm.s32 $0x1400;
	v4 =	vadd.f32 v10, v4;
	v3 =	vadd.f32 v5, v3  }
0x1a0: {  	s21 =	simm.s32 $0xC80;
	s12 =	simm.s32 $0x1B00;
	s13 =	simm.s32 $0xD80;
	v5 =	vld [tilespmem:s9+$0x820]  }
0x1a1: {  	s14 =	simm.s32 $0x1900;
	s3 =	sand.u32 $0x7800, s16;
	s12 =	sand.u32 $0xF800, s12;
	v4 =	vadd.f32 v11, v4;
	v3 =	vadd.f32 v6, v3  }
0x1a2: {  	s13 =	sand.u32 $0x380, s13;
	s16 =	simm.s32 $0xD00;
	s14 =	sand.u32 $0xF800, s14  }
0x1a3: {  	s12 =	sor.u32 s13, s12;
	s20 =	sand.u32 $0x300, s16;
	s16 =	sand.u32 $0x380, s21;
	v4 =	vadd.f32 v7, v4;
	v3 =	vadd.f32 v8, v3  }
0x1a4: {  	v13 =	vld [tilespmem:s12+$0x800];
	s16 =	sor.u32 s16, s14  }
0x1a5: {  	s2 =	simm.s32 $0x200;
	v51 =	vld [tilespmem:s16+$0x800];
	v4 =	vadd.f32 v5, v4;
	[tilespmem:s18+$0x0] =	vst v3  }
0x1a6: {  	s11 =	sand.u32 $0x300, s2;
	v3 =	vld [tilespmem:s28+$0xC10]  }
0x1a7: {  	s11 =	sor.u32 s11, s3;
	[tilespmem:s10+$0xFFFFFC20] =	vst v4;
	v4 =	vld [tilespmem:s28+$0xC90]  }
0x1a8: {  	v6 =	vld [tilespmem:s11+$0x800]  }
0x1a9: {  	v8 =	vld [tilespmem:s1+$0xC10]  }
0x1aa: {  	v10 =	vld [tilespmem:s0+$0xC10]  }
0x1ab: {  	v7 =	vld [tilespmem:s24+$0x830]  }
0x1ac: {  	v9 =	vld [tilespmem:s24+$0x8B0];
	v3 =	vadd.f32 v4, v3  }
0x1ad: {  	v4 =	vld [tilespmem:s22+$0xC10]  }
0x1ae: {  	v11 =	vld [tilespmem:s25+$0x830];
	v3 =	vadd.f32 v8, v3  }
0x1af: {  	v8 =	vld [tilespmem:s23+$0xC10]  }
0x1b0: {  	v12 =	vld [tilespmem:s4+$0x830];
	v3 =	vadd.f32 v10, v3  }
0x1b1: {  	v7 =	vadd.f32 v9, v7;
	v10 =	vld [tilespmem:s29+$0xC10]  }
0x1b2: {  	v9 =	vld [tilespmem:s5+$0x830];
	v3 =	vadd.f32 v4, v3  }
0x1b3: {  	v7 =	vadd.f32 v11, v7;
	v4 =	vld [tilespmem:s30+$0xC10]  }
0x1b4: {  	v11 =	vld [tilespmem:s6+$0x830];
	v3 =	vadd.f32 v8, v3  }
0x1b5: {  	v7 =	vadd.f32 v12, v7;
	v8 =	vld [tilespmem:s28+$0x1410]  }
0x1b6: {  	v50 =	vld [tilespmem:s7+$0x830];
	v3 =	vadd.f32 v10, v3  }
0x1b7: {  	v7 =	vadd.f32 v9, v7;
	v10 =	vld [tilespmem:s31+$0xC10]  }
0x1b8: {  	s17 =	simm.s32 $0x1A00;
	v9 =	vld [tilespmem:s8+$0x830];
	v3 =	vadd.f32 v4, v3  }
0x1b9: {  	s15 =	simm.s32 $0x1800;
	s3 =	sand.u32 $0xF800, s17;
	v5 =	vld [tilespmem:s11+$0x880];
	v7 =	vadd.f32 v11, v7  }
0x1ba: {  	s13 =	simm.s32 $0x1700;
	s17 =	simm.s32 $0xC00;
	s26 =	sor.u32 s20, s3;
	v4 =	vld [tilespmem:s24+$0x1030];
	v3 =	vadd.f32 v8, v3  }
0x1bb: {  	s21 =	simm.s32 $0xB80;
	s20 =	sand.u32 $0xF800, s15;
	s3 =	sand.u32 $0x300, s17;
	v11 =	vld [tilespmem:s26+$0x800];
	v7 =	vadd.f32 v50, v7  }
0x1bc: {  	s13 =	sand.u32 $0xF800, s13;
	s17 =	sand.u32 $0x380, s21;
	s14 =	sor.u32 s3, s20;
	v8 =	vld [tilespmem:s9+$0x830];
	v3 =	vadd.f32 v10, v3  }
0x1bd: {  	s15 =	sor.u32 s17, s13;
	v7 =	vadd.f32 v9, v7;
	v9 =	vld [tilespmem:s14+$0x800]  }
0x1be: {  	s21 =	simm.s32 $0xB00;
	s20 =	simm.s32 $0x1600;
	v10 =	vld [tilespmem:s15+$0x800];
	[tilespmem:s18+$0x10] =	vst v3  }
0x1bf: {  	s13 =	sand.u32 $0x300, s21;
	s3 =	sand.u32 $0xF800, s20;
	v4 =	vadd.f32 v4, v7;
	v3 =	vld [tilespmem:s28+$0xC20]  }
0x1c0: {  	s17 =	sor.u32 s13, s3;
	v7 =	vld [tilespmem:s28+$0xCA0]  }
0x1c1: {  	v4 =	vadd.f32 v8, v4;
	v8 =	vld [tilespmem:s17+$0x800]  }
0x1c2: {  	v15 =	vld [tilespmem:s0+$0xC20]  }
0x1c3: {  	[tilespmem:s10+$0xFFFFFC30] =	vst v4;
	v4 =	vld [tilespmem:s1+$0xC20]  }
0x1c4: {  	v14 =	vld [tilespmem:s24+$0x840]  }
0x1c5: {  	v16 =	vld [tilespmem:s24+$0x8C0]  }
0x1c6: {  	v17 =	vld [tilespmem:s25+$0x840];
	v3 =	vadd.f32 v7, v3  }
0x1c7: {  	v7 =	vld [tilespmem:s22+$0xC20]  }
0x1c8: {  	v52 =	vld [tilespmem:s5+$0x840];
	v3 =	vadd.f32 v4, v3  }
0x1c9: {  	v4 =	vadd.f32 v5, v6;
	v5 =	vld [tilespmem:s23+$0xC20]  }
0x1ca: {  	v6 =	vld [tilespmem:s4+$0x840];
	v3 =	vadd.f32 v15, v3  }
0x1cb: {  	v14 =	vadd.f32 v16, v14;
	v4 =	vadd.f32 v8, v4;
	v8 =	vld [tilespmem:s29+$0xC20]  }
0x1cc: {  	v53 =	vld [tilespmem:s6+$0x840];
	v3 =	vadd.f32 v7, v3  }
0x1cd: {  	v4 =	vadd.f32 v10, v4;
	v7 =	vld [tilespmem:s30+$0xC20];
	v10 =	vadd.f32 v17, v14  }
0x1ce: {  	v3 =	vadd.f32 v5, v3;
	v5 =	vld [tilespmem:s28+$0x1420]  }
0x1cf: {  	v4 =	vadd.f32 v9, v4;
	v6 =	vadd.f32 v6, v10;
	v9 =	vld [tilespmem:s7+$0x840]  }
0x1d0: {  	s21 =	simm.s32 $0xE80;
	s13 =	simm.s32 $0x1D00;
	v10 =	vld [tilespmem:s11+$0x1000];
	v3 =	vadd.f32 v8, v3  }
0x1d1: {  	s20 =	sand.u32 $0x380, s21;
	s3 =	sand.u32 $0xF800, s13;
	v4 =	vadd.f32 v51, v4;
	v8 =	vld [tilespmem:s31+$0xC20];
	v6 =	vadd.f32 v52, v6  }
0x1d2: {  	s20 =	sor.u32 s20, s3;
	v3 =	vadd.f32 v7, v3;
	v7 =	vld [tilespmem:s8+$0x840]  }
0x1d3: {  	v4 =	vadd.f32 v11, v4;
	v11 =	vld [tilespmem:s20+$0x800];
	v6 =	vadd.f32 v53, v6  }
0x1d4: {  	v3 =	vadd.f32 v5, v3;
	v5 =	vld [tilespmem:s24+$0x1040]  }
0x1d5: {  	v4 =	vadd.f32 v13, v4;
	v6 =	vadd.f32 v9, v6  }
0x1d6: {  	v3 =	vadd.f32 v8, v3;
	v8 =	vld [tilespmem:s9+$0x840]  }
0x1d7: {  	v4 =	vadd.f32 v10, v4;
	v6 =	vadd.f32 v7, v6  }
0x1d8: {  	[tilespmem:s18+$0x20] =	vst v3  }
0x1d9: {  	v4 =	vadd.f32 v11, v4;
	v3 =	vld [tilespmem:s28+$0xC30];
	v5 =	vadd.f32 v5, v6  }
0x1da: {  	s13 =	sadd.s32 $0x80, s10;
	v6 =	vld [tilespmem:s28+$0xCB0]  }
0x1db: {  	[tilespmem:s13+$0xFFFFFC00] =	vst v4;
	v4 =	vadd.f32 v8, v5;
	v5 =	vld [tilespmem:s1+$0xC30]  }
0x1dc: {  	v7 =	vld [tilespmem:s20+$0x810]  }
0x1dd: {  	v54 =	vld [tilespmem:s16+$0x810]  }
0x1de: {  	[tilespmem:s10+$0xFFFFFC40] =	vst v4;
	v4 =	vld [tilespmem:s0+$0xC30]  }
0x1df: {  	v8 =	vld [tilespmem:s24+$0x850];
	v3 =	vadd.f32 v6, v3  }
0x1e0: {  	v6 =	vld [tilespmem:s22+$0xC30]  }
0x1e1: {  	v9 =	vld [tilespmem:s24+$0x8D0];
	v3 =	vadd.f32 v5, v3  }
0x1e2: {  	v5 =	vld [tilespmem:s23+$0xC30]  }
0x1e3: {  	v10 =	vld [tilespmem:s25+$0x850];
	v3 =	vadd.f32 v4, v3  }
0x1e4: {  	v4 =	vld [tilespmem:s29+$0xC30]  }
0x1e5: {  	v11 =	vld [tilespmem:s4+$0x850];
	v3 =	vadd.f32 v6, v3  }
0x1e6: {  	v6 =	vld [tilespmem:s30+$0xC30]  }
0x1e7: {  	v8 =	vadd.f32 v9, v8;
	v9 =	vld [tilespmem:s5+$0x850];
	v3 =	vadd.f32 v5, v3  }
0x1e8: {  	v5 =	vld [tilespmem:s28+$0x1430]  }
0x1e9: {  	v8 =	vadd.f32 v10, v8;
	v10 =	vld [tilespmem:s6+$0x850];
	v3 =	vadd.f32 v4, v3  }
0x1ea: {  	v4 =	vld [tilespmem:s31+$0xC30]  }
0x1eb: {  	v55 =	vld [tilespmem:s11+$0x810];
	v8 =	vadd.f32 v11, v8;
	v3 =	vadd.f32 v6, v3  }
0x1ec: {  	v6 =	vld [tilespmem:s7+$0x850]  }
0x1ed: {  	v56 =	vld [tilespmem:s11+$0x890];
	v8 =	vadd.f32 v9, v8;
	v3 =	vadd.f32 v5, v3  }
0x1ee: {  	v5 =	vld [tilespmem:s8+$0x850]  }
0x1ef: {  	v11 =	vld [tilespmem:s14+$0x810];
	v8 =	vadd.f32 v10, v8;
	v3 =	vadd.f32 v4, v3  }
0x1f0: {  	v4 =	vld [tilespmem:s24+$0x1050]  }
0x1f1: {  	v6 =	vadd.f32 v6, v8;
	v8 =	vld [tilespmem:s9+$0x850];
	[tilespmem:s18+$0x30] =	vst v3  }
0x1f2: {  	v3 =	vld [tilespmem:s28+$0xC40]  }
0x1f3: {  	v5 =	vadd.f32 v5, v6;
	v6 =	vld [tilespmem:s28+$0xCC0]  }
0x1f4: {  	v9 =	vld [tilespmem:s15+$0x810]  }
0x1f5: {  	v4 =	vadd.f32 v4, v5;
	v5 =	vld [tilespmem:s1+$0xC40]  }
0x1f6: {  	v10 =	vld [tilespmem:s17+$0x810]  }
0x1f7: {  	v4 =	vadd.f32 v8, v4;
	v8 =	vld [tilespmem:s0+$0xC40]  }
0x1f8: {  	v59 =	vld [tilespmem:s30+$0xC40];
	v3 =	vadd.f32 v6, v3  }
0x1f9: {  	[tilespmem:s10+$0xFFFFFC50] =	vst v4;
	v4 =	vld [tilespmem:s22+$0xC40]  }
0x1fa: {  	v6 =	vld [tilespmem:s24+$0x860];
	v3 =	vadd.f32 v5, v3  }
0x1fb: {  	v5 =	vld [tilespmem:s23+$0xC40]  }
0x1fc: {  	v57 =	vld [tilespmem:s24+$0x8E0];
	v3 =	vadd.f32 v8, v3  }
0x1fd: {  	v8 =	vld [tilespmem:s29+$0xC40]  }
0x1fe: {  	v58 =	vld [tilespmem:s25+$0x860];
	v3 =	vadd.f32 v4, v3;
	v4 =	vadd.f32 v56, v55  }
0x1ff: {  	v60 =	vld [tilespmem:s4+$0x860]  }
0x200: {  	v3 =	vadd.f32 v5, v3;
	v4 =	vadd.f32 v10, v4;
	v5 =	vld [tilespmem:s28+$0x1440]  }
0x201: {  	v6 =	vadd.f32 v57, v6;
	v10 =	vld [tilespmem:s5+$0x860]  }
0x202: {  	v3 =	vadd.f32 v8, v3;
	v4 =	vadd.f32 v9, v4;
	v8 =	vld [tilespmem:s31+$0xC40]  }
0x203: {  	v6 =	vadd.f32 v58, v6;
	v9 =	vld [tilespmem:s26+$0x810]  }
0x204: {  	v3 =	vadd.f32 v59, v3;
	v4 =	vadd.f32 v11, v4;
	v11 =	vld [tilespmem:s6+$0x860]  }
0x205: {  	v61 =	vld [tilespmem:s12+$0x810];
	v6 =	vadd.f32 v60, v6  }
0x206: {  	v3 =	vadd.f32 v5, v3;
	v5 =	vld [tilespmem:s7+$0x860]  }
0x207: {  	v62 =	vld [tilespmem:s11+$0x1010];
	v6 =	vadd.f32 v10, v6;
	v4 =	vadd.f32 v54, v4  }
0x208: {  	v3 =	vadd.f32 v8, v3;
	v8 =	vld [tilespmem:s8+$0x860]  }
0x209: {  	v10 =	vld [tilespmem:s9+$0x860];
	v4 =	vadd.f32 v9, v4;
	v6 =	vadd.f32 v11, v6  }
0x20a: {  	v9 =	vld [tilespmem:s24+$0x1060];
	[tilespmem:s18+$0x40] =	vst v3  }
0x20b: {  	v4 =	vadd.f32 v61, v4;
	v3 =	vld [tilespmem:s28+$0xC50];
	v5 =	vadd.f32 v5, v6  }
0x20c: {  	v6 =	vld [tilespmem:s28+$0xCD0]  }
0x20d: {  	v4 =	vadd.f32 v62, v4;
	v5 =	vadd.f32 v8, v5  }
0x20e: {  	v8 =	vld [tilespmem:s1+$0xC50]  }
0x20f: {  	v4 =	vadd.f32 v7, v4;
	v5 =	vadd.f32 v9, v5  }
0x210: {  	v7 =	vld [tilespmem:s0+$0xC50]  }
0x211: {  	v3 =	vadd.f32 v6, v3;
	[tilespmem:s13+$0xFFFFFC10] =	vst v4;
	v4 =	vadd.f32 v10, v5;
	v5 =	vld [tilespmem:s22+$0xC50]  }
0x212: {  	v6 =	vld [tilespmem:s20+$0x820]  }
0x213: {  	v3 =	vadd.f32 v8, v3;
	[tilespmem:s10+$0xFFFFFC60] =	vst v4;
	v4 =	vld [tilespmem:s23+$0xC50]  }
0x214: {  	v10 =	vld [tilespmem:s24+$0x870]  }
0x215: {  	v3 =	vadd.f32 v7, v3;
	v7 =	vld [tilespmem:s29+$0xC50]  }
0x216: {  	v11 =	vld [tilespmem:s24+$0x8F0]  }
0x217: {  	v9 =	vld [tilespmem:s25+$0x870];
	v3 =	vadd.f32 v5, v3  }
0x218: {  	v8 =	vld [tilespmem:s4+$0x870]  }
0x219: {  	v5 =	vld [tilespmem:s30+$0xC50];
	v3 =	vadd.f32 v4, v3  }
0x21a: {  	v4 =	vld [tilespmem:s28+$0x1450]  }
0x21b: {  	v63 =	vadd.f32 v7, v3;
	v3 =	vld [tilespmem:s31+$0xC50];
	[dreg:$0x19] =	wrdreg s19;
	s19 =	sshll.u32 s19, $0xC  }
0x21c: {  	s3 =	sand.u32 $0x3FFFF000, s19  }
0x21d: {  	s3 =	sadd.s32 $0xA800, s3  }
0x21e: {  	v11 =	vadd.f32 v11, v10;
	v7 =	vld [tilespmem:s11+$0x1020];
	v5 =	vadd.f32 v5, v63;
	[dreg:$0x1b] =	wrdreg s3  }
0x21f: {  	s3 =	simm.s32 $0x1E00;
	v10 =	vld [tilespmem:s5+$0x870];
	[dreg:$0x17] =	wrdreg s18  }
.LBB2_3:
0x220: {  	p0 =	sne.s32 s3, $0x4600;
	v12 =	vld [tilespmem:s12+$0x820];
	v9 =	vadd.f32 v9, v11;
	v4 =	vadd.f32 v4, v5  }
0x221: {  	v5 =	vld [tilespmem:s6+$0x870]  }
0x222: {  	v11 =	vld [tilespmem:s15+$0x820];
	v8 =	vadd.f32 v8, v9;
	v3 =	vadd.f32 v3, v4  }
0x223: {  	v4 =	vld [tilespmem:s7+$0x870]  }
0x224: {  	v8 =	vadd.f32 v10, v8;
	v9 =	vld [tilespmem:s8+$0x870];
	[tilespmem:s18+$0x50] =	vst v3  }
0x225: {  	v3 =	vld [tilespmem:s28+$0xC60]  }
0x226: {  	v5 =	vadd.f32 v5, v8;
	v8 =	vld [tilespmem:s28+$0xCE0]  }
0x227: {  	v10 =	vld [tilespmem:s24+$0x1070]  }
0x228: {  	v4 =	vadd.f32 v4, v5;
	v5 =	vld [tilespmem:s1+$0xC60]  }
0x229: {  	v13 =	vld [tilespmem:s9+$0x870]  }
0x22a: {  	v4 =	vadd.f32 v9, v4;
	v9 =	vld [tilespmem:s0+$0xC60]  }
0x22b: {  	v14 =	vld [tilespmem:s17+$0x820];
	v3 =	vadd.f32 v8, v3  }
0x22c: {  	v4 =	vadd.f32 v10, v4;
	v8 =	vld [tilespmem:s22+$0xC60]  }
0x22d: {  	v10 =	vld [tilespmem:s11+$0x820];
	v3 =	vadd.f32 v5, v3  }
0x22e: {  	v4 =	vadd.f32 v13, v4;
	v5 =	vld [tilespmem:s23+$0xC60]  }
0x22f: {  	v13 =	vld [tilespmem:s11+$0x8A0];
	v3 =	vadd.f32 v9, v3  }
0x230: {  	[tilespmem:s10+$0xFFFFFC70] =	vst v4;
	v4 =	vld [tilespmem:s29+$0xC60]  }
0x231: {  	v9 =	vld [tilespmem:s24+$0xC00];
	v3 =	vadd.f32 v8, v3  }
0x232: {  	v8 =	vld [tilespmem:s30+$0xC60]  }
0x233: {  	v15 =	vld [tilespmem:s24+$0xC80];
	v3 =	vadd.f32 v5, v3  }
0x234: {  	v5 =	vld [tilespmem:s28+$0x1460]  }
0x235: {  	v16 =	vld [tilespmem:s25+$0xC00];
	v3 =	vadd.f32 v4, v3  }
0x236: {  	v4 =	vadd.f32 v13, v10;
	v10 =	vld [tilespmem:s31+$0xC60]  }
0x237: {  	v13 =	vld [tilespmem:s14+$0x820];
	v3 =	vadd.f32 v8, v3  }
0x238: {  	v4 =	vadd.f32 v14, v4;
	v8 =	vld [tilespmem:s4+$0xC00]  }
0x239: {  	v9 =	vadd.f32 v15, v9;
	v14 =	vld [tilespmem:s16+$0x820];
	v3 =	vadd.f32 v5, v3  }
0x23a: {  	v4 =	vadd.f32 v11, v4;
	v5 =	vld [tilespmem:s5+$0xC00]  }
0x23b: {  	v9 =	vadd.f32 v16, v9;
	v11 =	vld [tilespmem:s26+$0x820];
	v3 =	vadd.f32 v10, v3  }
0x23c: {  	v10 =	vld [tilespmem:s6+$0xC00]  }
0x23d: {  	v4 =	vadd.f32 v13, v4;
	v8 =	vadd.f32 v8, v9;
	v9 =	vld [tilespmem:s7+$0xC00];
	[tilespmem:s18+$0x60] =	vst v3  }
0x23e: {  	v3 =	vld [tilespmem:s28+$0xC70]  }
0x23f: {  	v4 =	vadd.f32 v14, v4;
	v5 =	vadd.f32 v5, v8;
	v8 =	vld [tilespmem:s28+$0xCF0]  }
0x240: {  	v13 =	vld [tilespmem:s8+$0xC00]  }
0x241: {  	v4 =	vadd.f32 v11, v4;
	v5 =	vadd.f32 v10, v5;
	v10 =	vld [tilespmem:s1+$0xC70];
	s1 =	smov.u32 s25;
	s25 =	smov.u32 s17  }
0x242: {  	v11 =	vld [tilespmem:s24+$0x1400]  }
0x243: {  	s2 =	sadd.s32 $0x100, s2;
	v4 =	vadd.f32 v12, v4;
	v5 =	vadd.f32 v9, v5;
	v9 =	vld [tilespmem:s0+$0xC70];
	s0 =	smov.u32 s4;
	s4 =	smov.u32 s15  }
0x244: {  	s17 =	sand.u32 $0x300, s2;
	s15 =	sand.u32 $0x7800, s3;
	v12 =	vld [tilespmem:s9+$0xC00];
	v8 =	vadd.f32 v8, v3  }
0x245: {  	s15 =	sor.u32 s17, s15;
	v4 =	vadd.f32 v7, v4;
	v5 =	vadd.f32 v13, v5;
	v7 =	vld [tilespmem:s22+$0xC70];
	s22 =	smov.u32 s5;
	s5 =	smov.u32 s14  }
0x246: {  	v3 =	vld [tilespmem:s15+$0x800];
	v8 =	vadd.f32 v10, v8  }
0x247: {  	v6 =	vadd.f32 v6, v4;
	v5 =	vadd.f32 v11, v5;
	v10 =	vld [tilespmem:s23+$0xC70];
	s23 =	smov.u32 s6;
	s6 =	smov.u32 s16  }
0x248: {  	v4 =	vld [tilespmem:s15+$0x880];
	v8 =	vadd.f32 v9, v8  }
0x249: {  	[tilespmem:s13+$0xFFFFFC20] =	vst v6;
	v5 =	vadd.f32 v12, v5;
	v6 =	vld [tilespmem:s29+$0xC70];
	s29 =	smov.u32 s7;
	s7 =	smov.u32 s26  }
0x24a: {  	v9 =	vld [tilespmem:s11+$0x830];
	v7 =	vadd.f32 v7, v8  }
0x24b: {  	[tilespmem:s10+$0x0] =	vst v5;
	v5 =	vld [tilespmem:s30+$0xC70];
	s30 =	smov.u32 s8;
	s8 =	smov.u32 s12  }
0x24c: {  	v8 =	vld [tilespmem:s24+$0xC10];
	v7 =	vadd.f32 v10, v7  }
0x24d: {  	v10 =	vld [tilespmem:s28+$0x1470];
	s28 =	smov.u32 s24;
	s24 =	smov.u32 s11;
	s11 =	smov.u32 s15  }
0x24e: {  	v11 =	vld [tilespmem:s28+$0xC90];
	v6 =	vadd.f32 v6, v7  }
0x24f: {  	v7 =	vld [tilespmem:s31+$0xC70];
	s31 =	smov.u32 s9;
	s9 =	smov.u32 s20  }
0x250: {  	v12 =	vld [tilespmem:s1+$0xC10];
	v5 =	vadd.f32 v5, v6  }
0x251: {  	v6 =	vld [tilespmem:s24+$0x8B0]  }
0x252: {  	v13 =	vld [tilespmem:s0+$0xC10];
	v5 =	vadd.f32 v10, v5  }
0x253: {  	v10 =	vld [tilespmem:s25+$0x830];
	v8 =	vadd.f32 v11, v8  }
0x254: {  	v11 =	vld [tilespmem:s22+$0xC10];
	v5 =	vadd.f32 v7, v5  }
0x255: {  	v7 =	vld [tilespmem:s4+$0x830];
	v8 =	vadd.f32 v12, v8  }
0x256: {  	v12 =	vld [tilespmem:s23+$0xC10];
	[tilespmem:s18+$0x70] =	vst v5;
	s18 =	smov.u32 s10;
	s10 =	smov.u32 s13  }
0x257: {  	v5 =	vadd.f32 v6, v9;
	v6 =	vld [tilespmem:s5+$0x830];
	v8 =	vadd.f32 v13, v8  }
0x258: {  	v9 =	vld [tilespmem:s29+$0xC10]  }
0x259: {  	v5 =	vadd.f32 v10, v5;
	v10 =	vld [tilespmem:s6+$0x830];
	v8 =	vadd.f32 v11, v8  }
0x25a: {  	v11 =	vld [tilespmem:s30+$0xC10]  }
0x25b: {  	s21 =	sadd.s32 $0x500, s21;
	v5 =	vadd.f32 v7, v5;
	v7 =	vld [tilespmem:s7+$0x830];
	v8 =	vadd.f32 v12, v8  }
0x25c: {  	s14 =	sadd.s32 $0x600, s3;
	s12 =	sadd.s32 $0x700, s3;
	s15 =	sadd.s32 $0xFFFFFF00, s21;
	v12 =	vld [tilespmem:s28+$0x1410]  }
0x25d: {  	s16 =	sadd.s32 $0x500, s3;
	s12 =	sand.u32 $0xF800, s12;
	s15 =	sand.u32 $0x380, s15;
	v5 =	vadd.f32 v6, v5;
	v6 =	vld [tilespmem:s8+$0x830];
	v8 =	vadd.f32 v9, v8  }
0x25e: {  	s17 =	sadd.s32 $0x400, s3;
	s20 =	sadd.s32 $0xFFFFFE80, s21;
	s12 =	sor.u32 s15, s12;
	v9 =	vld [tilespmem:s31+$0xC10]  }
0x25f: {  	s14 =	sand.u32 $0xF800, s14;
	s15 =	sadd.s32 $0x300, s3;
	s20 =	sand.u32 $0x300, s20;
	v5 =	vadd.f32 v10, v5;
	v13 =	vld [tilespmem:s12+$0x800];
	v8 =	vadd.f32 v11, v8  }
0x260: {  	s19 =	sadd.s32 $0xFFFFFE00, s21;
	s16 =	sand.u32 $0xF800, s16;
	s26 =	sor.u32 s20, s14;
	v10 =	vld [tilespmem:s24+$0x1030]  }
0x261: {  	s19 =	sand.u32 $0x380, s19;
	s14 =	sand.u32 $0xF800, s17;
	s17 =	sadd.s32 $0xFFFFFD80, s21;
	v5 =	vadd.f32 v7, v5;
	v11 =	vld [tilespmem:s26+$0x800];
	v7 =	vadd.f32 v12, v8  }
0x262: {  	s16 =	sor.u32 s19, s16;
	s20 =	sadd.s32 $0xFFFFFD00, s21;
	s17 =	sand.u32 $0x300, s17;
	v8 =	vld [tilespmem:s9+$0x830]  }
0x263: {  	s15 =	sand.u32 $0xF800, s15;
	s19 =	sand.u32 $0x380, s20;
	s14 =	sor.u32 s17, s14;
	v5 =	vadd.f32 v6, v5;
	v12 =	vld [tilespmem:s16+$0x800];
	v6 =	vadd.f32 v9, v7  }
0x264: {  	s15 =	sor.u32 s19, s15;
	v7 =	vld [tilespmem:s14+$0x800]  }
0x265: {  	s17 =	sadd.s32 $0x200, s3;
	s19 =	sadd.s32 $0xFFFFFC80, s21;
	v9 =	vld [tilespmem:s15+$0x800];
	v5 =	vadd.f32 v10, v5;
	[tilespmem:s18+$0x10] =	vst v6  }
0x266: {  	s17 =	sand.u32 $0xF800, s17;
	s19 =	sand.u32 $0x300, s19;
	v6 =	vld [tilespmem:s28+$0xC20]  }
0x267: {  	s17 =	sor.u32 s19, s17;
	v5 =	vadd.f32 v8, v5;
	v8 =	vld [tilespmem:s28+$0xCA0]  }
0x268: {  	v10 =	vld [tilespmem:s17+$0x800]  }
0x269: {  	[tilespmem:s13+$0xFFFFFC30] =	vst v5;
	v5 =	vld [tilespmem:s1+$0xC20]  }
0x26a: {  	v14 =	vld [tilespmem:s24+$0x840]  }
0x26b: {  	v15 =	vld [tilespmem:s0+$0xC20]  }
0x26c: {  	v16 =	vld [tilespmem:s24+$0x8C0];
	v6 =	vadd.f32 v8, v6  }
0x26d: {  	v8 =	vld [tilespmem:s22+$0xC20]  }
0x26e: {  	v17 =	vld [tilespmem:s25+$0x840];
	v5 =	vadd.f32 v5, v6  }
0x26f: {  	v3 =	vadd.f32 v4, v3;
	v4 =	vld [tilespmem:s23+$0xC20]  }
0x270: {  	v6 =	vld [tilespmem:s4+$0x840];
	v5 =	vadd.f32 v15, v5  }
0x271: {  	v3 =	vadd.f32 v10, v3;
	v10 =	vld [tilespmem:s29+$0xC20]  }
0x272: {  	v14 =	vadd.f32 v16, v14;
	v15 =	vld [tilespmem:s5+$0x840];
	v5 =	vadd.f32 v8, v5  }
0x273: {  	v3 =	vadd.f32 v9, v3;
	v8 =	vld [tilespmem:s30+$0xC20]  }
0x274: {  	v9 =	vadd.f32 v17, v14;
	v14 =	vld [tilespmem:s6+$0x840];
	v4 =	vadd.f32 v4, v5  }
0x275: {  	v3 =	vadd.f32 v7, v3;
	v5 =	vld [tilespmem:s28+$0x1420]  }
0x276: {  	v6 =	vadd.f32 v6, v9;
	v7 =	vld [tilespmem:s7+$0x840];
	v4 =	vadd.f32 v10, v4  }
0x277: {  	s19 =	sadd.s32 $0x900, s3;
	v3 =	vadd.f32 v12, v3;
	v9 =	vld [tilespmem:s31+$0xC20]  }
0x278: {  	s20 =	sand.u32 $0x380, s21;
	s19 =	sand.u32 $0xF800, s19;
	v6 =	vadd.f32 v15, v6;
	v10 =	vld [tilespmem:s11+$0x1000];
	v4 =	vadd.f32 v8, v4  }
0x279: {  	s20 =	sor.u32 s20, s19;
	v3 =	vadd.f32 v11, v3;
	v8 =	vld [tilespmem:s8+$0x840]  }
0x27a: {  	v6 =	vadd.f32 v14, v6;
	v11 =	vld [tilespmem:s20+$0x800];
	v4 =	vadd.f32 v5, v4  }
0x27b: {  	v3 =	vadd.f32 v13, v3;
	v5 =	vld [tilespmem:s24+$0x1040]  }
0x27c: {  	v6 =	vadd.f32 v7, v6;
	v4 =	vadd.f32 v9, v4  }
0x27d: {  	v7 =	vld [tilespmem:s9+$0x840]  }
0x27e: {  	v3 =	vadd.f32 v10, v3;
	v6 =	vadd.f32 v8, v6;
	[tilespmem:s18+$0x20] =	vst v4  }
0x27f: {  	v4 =	vld [tilespmem:s28+$0xC30]  }
0x280: {  	v3 =	vadd.f32 v11, v3;
	v5 =	vadd.f32 v5, v6;
	v6 =	vld [tilespmem:s28+$0xCB0]  }
0x281: {  	s13 =	sadd.s32 $0x80, s13  }
0x282: {  	[tilespmem:s13+$0xFFFFFC00] =	vst v3;
	v5 =	vadd.f32 v7, v5;
	v7 =	vld [tilespmem:s1+$0xC30]  }
0x283: {  	v3 =	vld [tilespmem:s20+$0x810]  }
0x284: {  	[tilespmem:s10+$0xFFFFFC40] =	vst v5;
	v5 =	vld [tilespmem:s0+$0xC30]  }
0x285: {  	v8 =	vld [tilespmem:s24+$0x850];
	v4 =	vadd.f32 v6, v4  }
0x286: {  	v6 =	vld [tilespmem:s22+$0xC30]  }
0x287: {  	v9 =	vld [tilespmem:s24+$0x8D0];
	v4 =	vadd.f32 v7, v4  }
0x288: {  	v7 =	vld [tilespmem:s23+$0xC30]  }
0x289: {  	v10 =	vld [tilespmem:s25+$0x850];
	v4 =	vadd.f32 v5, v4  }
0x28a: {  	v5 =	vld [tilespmem:s29+$0xC30]  }
0x28b: {  	v11 =	vld [tilespmem:s4+$0x850];
	v4 =	vadd.f32 v6, v4  }
0x28c: {  	v6 =	vld [tilespmem:s30+$0xC30]  }
0x28d: {  	v8 =	vadd.f32 v9, v8;
	v9 =	vld [tilespmem:s5+$0x850];
	v4 =	vadd.f32 v7, v4  }
0x28e: {  	v7 =	vld [tilespmem:s28+$0x1430]  }
0x28f: {  	v8 =	vadd.f32 v10, v8;
	v10 =	vld [tilespmem:s6+$0x850];
	v4 =	vadd.f32 v5, v4  }
0x290: {  	v5 =	vld [tilespmem:s31+$0xC30]  }
0x291: {  	v8 =	vadd.f32 v11, v8;
	v12 =	vld [tilespmem:s16+$0x810];
	v4 =	vadd.f32 v6, v4  }
0x292: {  	v6 =	vld [tilespmem:s7+$0x850]  }
0x293: {  	v8 =	vadd.f32 v9, v8;
	v11 =	vld [tilespmem:s14+$0x810];
	v4 =	vadd.f32 v7, v4  }
0x294: {  	v7 =	vld [tilespmem:s8+$0x850]  }
0x295: {  	v8 =	vadd.f32 v10, v8;
	v9 =	vld [tilespmem:s15+$0x810];
	v4 =	vadd.f32 v5, v4  }
0x296: {  	v5 =	vld [tilespmem:s24+$0x1050]  }
0x297: {  	v6 =	vadd.f32 v6, v8;
	v8 =	vld [tilespmem:s9+$0x850];
	[tilespmem:s18+$0x30] =	vst v4  }
0x298: {  	v4 =	vld [tilespmem:s28+$0xC40]  }
0x299: {  	v6 =	vadd.f32 v7, v6;
	v7 =	vld [tilespmem:s28+$0xCC0]  }
0x29a: {  	v10 =	vld [tilespmem:s17+$0x810]  }
0x29b: {  	v5 =	vadd.f32 v5, v6;
	v6 =	vld [tilespmem:s1+$0xC40]  }
0x29c: {  	v13 =	vld [tilespmem:s11+$0x810]  }
0x29d: {  	v5 =	vadd.f32 v8, v5;
	v8 =	vld [tilespmem:s0+$0xC40]  }
0x29e: {  	v14 =	vld [tilespmem:s11+$0x890];
	v4 =	vadd.f32 v7, v4  }
0x29f: {  	[tilespmem:s10+$0xFFFFFC50] =	vst v5;
	v5 =	vld [tilespmem:s22+$0xC40]  }
0x2a0: {  	v7 =	vld [tilespmem:s24+$0x860];
	v4 =	vadd.f32 v6, v4  }
0x2a1: {  	v6 =	vld [tilespmem:s23+$0xC40]  }
0x2a2: {  	v15 =	vld [tilespmem:s24+$0x8E0];
	v4 =	vadd.f32 v8, v4  }
0x2a3: {  	v8 =	vld [tilespmem:s29+$0xC40]  }
0x2a4: {  	v16 =	vld [tilespmem:s25+$0x860];
	v4 =	vadd.f32 v5, v4  }
0x2a5: {  	v5 =	vadd.f32 v14, v13;
	v13 =	vld [tilespmem:s30+$0xC40]  }
0x2a6: {  	v14 =	vld [tilespmem:s4+$0x860];
	v4 =	vadd.f32 v6, v4  }
0x2a7: {  	v5 =	vadd.f32 v10, v5;
	v6 =	vld [tilespmem:s28+$0x1440]  }
0x2a8: {  	v7 =	vadd.f32 v15, v7;
	v10 =	vld [tilespmem:s5+$0x860];
	v4 =	vadd.f32 v8, v4  }
0x2a9: {  	v5 =	vadd.f32 v9, v5;
	v8 =	vld [tilespmem:s31+$0xC40]  }
0x2aa: {  	v7 =	vadd.f32 v16, v7;
	v9 =	vld [tilespmem:s26+$0x810];
	v4 =	vadd.f32 v13, v4  }
0x2ab: {  	v5 =	vadd.f32 v11, v5;
	v11 =	vld [tilespmem:s6+$0x860]  }
0x2ac: {  	v7 =	vadd.f32 v14, v7;
	v13 =	vld [tilespmem:s12+$0x810];
	v4 =	vadd.f32 v6, v4  }
0x2ad: {  	v5 =	vadd.f32 v12, v5;
	v6 =	vld [tilespmem:s7+$0x860]  }
0x2ae: {  	v7 =	vadd.f32 v10, v7;
	v12 =	vld [tilespmem:s11+$0x1010];
	v4 =	vadd.f32 v8, v4  }
0x2af: {  	v8 =	vld [tilespmem:s8+$0x860]  }
0x2b0: {  	v5 =	vadd.f32 v9, v5;
	v7 =	vadd.f32 v11, v7;
	v9 =	vld [tilespmem:s24+$0x1060];
	[tilespmem:s18+$0x40] =	vst v4  }
0x2b1: {  	v4 =	vld [tilespmem:s28+$0xC50]  }
0x2b2: {  	v5 =	vadd.f32 v13, v5;
	v6 =	vadd.f32 v6, v7;
	v7 =	vld [tilespmem:s28+$0xCD0]  }
0x2b3: {  	v10 =	vld [tilespmem:s9+$0x860]  }
0x2b4: {  	v5 =	vadd.f32 v12, v5;
	v6 =	vadd.f32 v8, v6;
	v8 =	vld [tilespmem:s1+$0xC50];
	_ =	sdelay $0x1  }
0x2b5: {  	v3 =	vadd.f32 v3, v5;
	v5 =	vadd.f32 v9, v6;
	v9 =	vld [tilespmem:s0+$0xC50]  }
0x2b6: {  	v4 =	vadd.f32 v7, v4  }
0x2b7: {  	[tilespmem:s13+$0xFFFFFC10] =	vst v3;
	v3 =	vadd.f32 v10, v5;
	v5 =	vld [tilespmem:s22+$0xC50]  }
0x2b8: {  	v6 =	vld [tilespmem:s20+$0x820];
	v4 =	vadd.f32 v8, v4  }
0x2b9: {  	[tilespmem:s10+$0xFFFFFC60] =	vst v3;
	v3 =	vld [tilespmem:s23+$0xC50]  }
0x2ba: {  	v10 =	vld [tilespmem:s24+$0x870];
	v4 =	vadd.f32 v9, v4  }
0x2bb: {  	v7 =	vld [tilespmem:s29+$0xC50]  }
0x2bc: {  	v11 =	vld [tilespmem:s24+$0x8F0];
	v4 =	vadd.f32 v5, v4  }
0x2bd: {  	v5 =	vld [tilespmem:s30+$0xC50]  }
0x2be: {  	v9 =	vld [tilespmem:s25+$0x870];
	v3 =	vadd.f32 v3, v4  }
.Ltmp0:
0x2bf: {  	v4 =	vld [tilespmem:s28+$0x1450];
	(pc) =	sbr.rel @p0 .LBB2_3-.Ltmp0, $4  }
0x2c0: {  	v8 =	vld [tilespmem:s4+$0x870];
	v12 =	vadd.f32 v7, v3  }
0x2c1: {  	v3 =	vld [tilespmem:s31+$0xC50]  }
0x2c2: {  	v11 =	vadd.f32 v11, v10;
	v7 =	vld [tilespmem:s11+$0x1020];
	v5 =	vadd.f32 v5, v12  }
0x2c3: {  	s3 =	sadd.s32 $0xA00, s3;
	v10 =	vld [tilespmem:s5+$0x870]  }
0x2c4: {  	v12 =	vld [tilespmem:s11+$0x820]  }
0x2c5: {  	v13 =	vld [tilespmem:s11+$0x8A0];
	_ =	sdelay $0x1  }
0x2c6: {  	v14 =	vld [tilespmem:s17+$0x820];
	_ =	sdelay $0x1  }
0x2c7: {  	v15 =	vld [tilespmem:s15+$0x820]  }
0x2c8: {  	v12 =	vadd.f32 v13, v12  }
0x2c9: {  	v31 =	vld [tilespmem:s14+$0x820]  }
0x2ca: {  	v12 =	vadd.f32 v14, v12  }
0x2cb: {  	v32 =	vld [tilespmem:s16+$0x820]  }
0x2cc: {  	v12 =	vadd.f32 v15, v12  }
0x2cd: {  	v33 =	vld [tilespmem:s26+$0x820]  }
0x2ce: {  	v12 =	vadd.f32 v31, v12  }
0x2cf: {  	v34 =	vld [tilespmem:s12+$0x820]  }
0x2d0: {  	v12 =	vadd.f32 v32, v12;
	_ =	sdelay $0x1  }
0x2d1: {  	v12 =	vadd.f32 v33, v12;
	_ =	sdelay $0x1  }
0x2d2: {  	v12 =	vadd.f32 v34, v12;
	_ =	sdelay $0x1  }
0x2d3: {  	v7 =	vadd.f32 v7, v12;
	_ =	sdelay $0x1  }
0x2d4: {  	v6 =	vadd.f32 v6, v7;
	_ =	sdelay $0x1  }
0x2d5: {  	[tilespmem:s13+$0xFFFFFC20] =	vst v6  }
0x2d6: {  	v6 =	vld [tilespmem:s11+$0x830]  }
0x2d7: {  	v35 =	vld [tilespmem:s11+$0x8B0];
	_ =	sdelay $0x1  }
0x2d8: {  	v36 =	vld [tilespmem:s17+$0x830];
	_ =	sdelay $0x1  }
0x2d9: {  	v37 =	vld [tilespmem:s15+$0x830]  }
0x2da: {  	v6 =	vadd.f32 v35, v6  }
0x2db: {  	v38 =	vld [tilespmem:s14+$0x830]  }
0x2dc: {  	v6 =	vadd.f32 v36, v6  }
0x2dd: {  	v39 =	vld [tilespmem:s16+$0x830]  }
0x2de: {  	v6 =	vadd.f32 v37, v6  }
0x2df: {  	v40 =	vld [tilespmem:s26+$0x830]  }
0x2e0: {  	v6 =	vadd.f32 v38, v6  }
0x2e1: {  	v41 =	vld [tilespmem:s12+$0x830]  }
0x2e2: {  	v6 =	vadd.f32 v39, v6  }
0x2e3: {  	v42 =	vld [tilespmem:s11+$0x1030]  }
0x2e4: {  	v6 =	vadd.f32 v40, v6  }
0x2e5: {  	v43 =	vld [tilespmem:s20+$0x830]  }
0x2e6: {  	v6 =	vadd.f32 v41, v6;
	_ =	sdelay $0x1  }
0x2e7: {  	v6 =	vadd.f32 v42, v6;
	_ =	sdelay $0x1  }
0x2e8: {  	v6 =	vadd.f32 v43, v6;
	_ =	sdelay $0x1  }
0x2e9: {  	[tilespmem:s13+$0xFFFFFC30] =	vst v6  }
0x2ea: {  	v6 =	vld [tilespmem:s11+$0x840]  }
0x2eb: {  	v44 =	vld [tilespmem:s11+$0x8C0];
	_ =	sdelay $0x1  }
0x2ec: {  	v45 =	vld [tilespmem:s17+$0x840];
	_ =	sdelay $0x1  }
0x2ed: {  	v46 =	vld [tilespmem:s15+$0x840]  }
0x2ee: {  	v6 =	vadd.f32 v44, v6  }
0x2ef: {  	v47 =	vld [tilespmem:s14+$0x840]  }
0x2f0: {  	v6 =	vadd.f32 v45, v6  }
0x2f1: {  	v48 =	vld [tilespmem:s16+$0x840]  }
0x2f2: {  	v6 =	vadd.f32 v46, v6  }
0x2f3: {  	v49 =	vld [tilespmem:s26+$0x840]  }
0x2f4: {  	v6 =	vadd.f32 v47, v6  }
0x2f5: {  	v50 =	vld [tilespmem:s12+$0x840]  }
0x2f6: {  	v6 =	vadd.f32 v48, v6  }
0x2f7: {  	v51 =	vld [tilespmem:s11+$0x1040]  }
0x2f8: {  	v6 =	vadd.f32 v49, v6  }
0x2f9: {  	v52 =	vld [tilespmem:s20+$0x840]  }
0x2fa: {  	v6 =	vadd.f32 v50, v6;
	_ =	sdelay $0x1  }
0x2fb: {  	v6 =	vadd.f32 v51, v6;
	_ =	sdelay $0x1  }
0x2fc: {  	v6 =	vadd.f32 v52, v6;
	_ =	sdelay $0x1  }
0x2fd: {  	[tilespmem:s13+$0xFFFFFC40] =	vst v6  }
0x2fe: {  	v6 =	vld [tilespmem:s11+$0x850]  }
0x2ff: {  	v53 =	vld [tilespmem:s11+$0x8D0];
	_ =	sdelay $0x1  }
0x300: {  	v54 =	vld [tilespmem:s17+$0x850];
	_ =	sdelay $0x1  }
0x301: {  	v55 =	vld [tilespmem:s15+$0x850]  }
0x302: {  	v6 =	vadd.f32 v53, v6  }
0x303: {  	v56 =	vld [tilespmem:s14+$0x850]  }
0x304: {  	v6 =	vadd.f32 v54, v6  }
0x305: {  	v57 =	vld [tilespmem:s16+$0x850]  }
0x306: {  	v6 =	vadd.f32 v55, v6  }
0x307: {  	v58 =	vld [tilespmem:s26+$0x850]  }
0x308: {  	v6 =	vadd.f32 v56, v6  }
0x309: {  	v59 =	vld [tilespmem:s12+$0x850]  }
0x30a: {  	v6 =	vadd.f32 v57, v6  }
0x30b: {  	v60 =	vld [tilespmem:s11+$0x1050]  }
0x30c: {  	v6 =	vadd.f32 v58, v6  }
0x30d: {  	v61 =	vld [tilespmem:s20+$0x850]  }
0x30e: {  	v6 =	vadd.f32 v59, v6;
	_ =	sdelay $0x1  }
0x30f: {  	v6 =	vadd.f32 v60, v6;
	_ =	sdelay $0x1  }
0x310: {  	v6 =	vadd.f32 v61, v6;
	_ =	sdelay $0x1  }
0x311: {  	[tilespmem:s13+$0xFFFFFC50] =	vst v6  }
0x312: {  	v6 =	vld [tilespmem:s11+$0x860]  }
0x313: {  	v62 =	vld [tilespmem:s11+$0x8E0];
	_ =	sdelay $0x1  }
0x314: {  	v63 =	vld [tilespmem:s17+$0x860];
	_ =	sdelay $0x1  }
0x315: {  	v16 =	vld [tilespmem:s15+$0x860]  }
0x316: {  	v6 =	vadd.f32 v62, v6  }
0x317: {  	v17 =	vld [tilespmem:s14+$0x860]  }
0x318: {  	v6 =	vadd.f32 v63, v6  }
0x319: {  	v18 =	vld [tilespmem:s16+$0x860]  }
0x31a: {  	v9 =	vadd.f32 v9, v11;
	v26 =	vld [tilespmem:s6+$0x870];
	v6 =	vadd.f32 v16, v6  }
0x31b: {  	v19 =	vld [tilespmem:s26+$0x860]  }
0x31c: {  	v29 =	vld [tilespmem:s7+$0x870];
	v27 =	vadd.f32 v8, v9;
	v6 =	vadd.f32 v17, v6  }
0x31d: {  	v20 =	vld [tilespmem:s12+$0x860]  }
0x31e: {  	v31 =	vld [tilespmem:s8+$0x870];
	v7 =	vadd.f32 v10, v27;
	v6 =	vadd.f32 v18, v6  }
0x31f: {  	v21 =	vld [tilespmem:s11+$0x1060]  }
0x320: {  	v33 =	vld [tilespmem:s24+$0x1070];
	v7 =	vadd.f32 v26, v7;
	v6 =	vadd.f32 v19, v6  }
0x321: {  	v22 =	vld [tilespmem:s20+$0x860]  }
0x322: {  	v7 =	vadd.f32 v29, v7;
	v6 =	vadd.f32 v20, v6  }
0x323: {  	v35 =	vld [tilespmem:s9+$0x870]  }
0x324: {  	v7 =	vadd.f32 v31, v7;
	v6 =	vadd.f32 v21, v6;
	_ =	sdelay $0x1  }
0x325: {  	v7 =	vadd.f32 v33, v7;
	v6 =	vadd.f32 v22, v6;
	_ =	sdelay $0x1  }
0x326: {  	v7 =	vadd.f32 v35, v7;
	[tilespmem:s13+$0xFFFFFC60] =	vst v6  }
0x327: {  	v6 =	vld [tilespmem:s11+$0x870]  }
0x328: {  	[tilespmem:s10+$0xFFFFFC70] =	vst v7;
	v23 =	vld [tilespmem:s11+$0x8F0]  }
0x329: {  	v7 =	vld [tilespmem:s24+$0xC00]  }
0x32a: {  	v24 =	vld [tilespmem:s17+$0x870]  }
0x32b: {  	v38 =	vld [tilespmem:s24+$0xC80]  }
0x32c: {  	v25 =	vld [tilespmem:s15+$0x870]  }
0x32d: {  	v39 =	vld [tilespmem:s25+$0xC00];
	v6 =	vadd.f32 v23, v6  }
0x32e: {  	v28 =	vld [tilespmem:s14+$0x870]  }
0x32f: {  	v41 =	vld [tilespmem:s4+$0xC00];
	v6 =	vadd.f32 v24, v6  }
0x330: {  	v30 =	vld [tilespmem:s16+$0x870]  }
0x331: {  	v7 =	vadd.f32 v38, v7;
	v43 =	vld [tilespmem:s5+$0xC00];
	v6 =	vadd.f32 v25, v6  }
0x332: {  	v32 =	vld [tilespmem:s26+$0x870]  }
0x333: {  	v7 =	vadd.f32 v39, v7;
	v45 =	vld [tilespmem:s6+$0xC00];
	v6 =	vadd.f32 v28, v6  }
0x334: {  	v34 =	vld [tilespmem:s12+$0x870]  }
0x335: {  	v7 =	vadd.f32 v41, v7;
	v47 =	vld [tilespmem:s7+$0xC00];
	v6 =	vadd.f32 v30, v6  }
0x336: {  	v36 =	vld [tilespmem:s11+$0x1070]  }
0x337: {  	v7 =	vadd.f32 v43, v7;
	v49 =	vld [tilespmem:s8+$0xC00];
	v6 =	vadd.f32 v32, v6  }
0x338: {  	v37 =	vld [tilespmem:s20+$0x870]  }
0x339: {  	v7 =	vadd.f32 v45, v7;
	v6 =	vadd.f32 v34, v6  }
0x33a: {  	v51 =	vld [tilespmem:s24+$0x1400]  }
0x33b: {  	v7 =	vadd.f32 v47, v7;
	v6 =	vadd.f32 v36, v6  }
0x33c: {  	v53 =	vld [tilespmem:s9+$0xC00]  }
0x33d: {  	v7 =	vadd.f32 v49, v7;
	v6 =	vadd.f32 v37, v6;
	_ =	sdelay $0x1  }
0x33e: {  	v7 =	vadd.f32 v51, v7;
	[tilespmem:s13+$0xFFFFFC70] =	vst v6  }
0x33f: {  	v6 =	vld [tilespmem:s11+$0xC00]  }
0x340: {  	v7 =	vadd.f32 v53, v7;
	v40 =	vld [tilespmem:s11+$0xC80];
	_ =	sdelay $0x1  }
0x341: {  	[tilespmem:s10+$0x0] =	vst v7;
	v42 =	vld [tilespmem:s17+$0xC00]  }
0x342: {  	v7 =	vld [tilespmem:s24+$0xC10]  }
0x343: {  	v44 =	vld [tilespmem:s15+$0xC00]  }
0x344: {  	v56 =	vld [tilespmem:s24+$0xC90];
	v6 =	vadd.f32 v40, v6  }
0x345: {  	v46 =	vld [tilespmem:s14+$0xC00]  }
0x346: {  	v57 =	vld [tilespmem:s25+$0xC10];
	v6 =	vadd.f32 v42, v6  }
0x347: {  	v48 =	vld [tilespmem:s16+$0xC00]  }
0x348: {  	v59 =	vld [tilespmem:s4+$0xC10];
	v6 =	vadd.f32 v44, v6  }
0x349: {  	v50 =	vld [tilespmem:s26+$0xC00]  }
0x34a: {  	v7 =	vadd.f32 v56, v7;
	v61 =	vld [tilespmem:s5+$0xC10];
	v6 =	vadd.f32 v46, v6  }
0x34b: {  	v52 =	vld [tilespmem:s12+$0xC00]  }
0x34c: {  	v7 =	vadd.f32 v57, v7;
	v63 =	vld [tilespmem:s6+$0xC10];
	v6 =	vadd.f32 v48, v6  }
0x34d: {  	v54 =	vld [tilespmem:s11+$0x1400]  }
0x34e: {  	v7 =	vadd.f32 v59, v7;
	v17 =	vld [tilespmem:s7+$0xC10];
	v6 =	vadd.f32 v50, v6  }
0x34f: {  	v55 =	vld [tilespmem:s20+$0xC00]  }
0x350: {  	v7 =	vadd.f32 v61, v7;
	v6 =	vadd.f32 v52, v6  }
0x351: {  	v19 =	vld [tilespmem:s8+$0xC10]  }
0x352: {  	v7 =	vadd.f32 v63, v7;
	v6 =	vadd.f32 v54, v6  }
0x353: {  	v21 =	vld [tilespmem:s24+$0x1410]  }
0x354: {  	v7 =	vadd.f32 v17, v7;
	v6 =	vadd.f32 v55, v6  }
0x355: {  	v23 =	vld [tilespmem:s9+$0xC10]  }
0x356: {  	v7 =	vadd.f32 v19, v7;
	[tilespmem:s13+$0x0] =	vst v6  }
0x357: {  	v6 =	vld [tilespmem:s11+$0xC10]  }
0x358: {  	v7 =	vadd.f32 v21, v7;
	v58 =	vld [tilespmem:s11+$0xC90];
	_ =	sdelay $0x1  }
0x359: {  	v7 =	vadd.f32 v23, v7;
	v60 =	vld [tilespmem:s17+$0xC10];
	_ =	sdelay $0x1  }
0x35a: {  	[tilespmem:s10+$0x10] =	vst v7;
	v62 =	vld [tilespmem:s15+$0xC10]  }
0x35b: {  	v7 =	vld [tilespmem:s24+$0xC20];
	v6 =	vadd.f32 v58, v6  }
0x35c: {  	v16 =	vld [tilespmem:s14+$0xC10]  }
0x35d: {  	v26 =	vld [tilespmem:s24+$0xCA0];
	v6 =	vadd.f32 v60, v6  }
0x35e: {  	v18 =	vld [tilespmem:s16+$0xC10]  }
0x35f: {  	v27 =	vld [tilespmem:s25+$0xC20];
	v6 =	vadd.f32 v62, v6  }
0x360: {  	v20 =	vld [tilespmem:s26+$0xC10]  }
0x361: {  	v29 =	vld [tilespmem:s4+$0xC20];
	v6 =	vadd.f32 v16, v6  }
0x362: {  	v22 =	vld [tilespmem:s12+$0xC10]  }
0x363: {  	v31 =	vld [tilespmem:s5+$0xC20];
	v7 =	vadd.f32 v26, v7;
	v6 =	vadd.f32 v18, v6  }
0x364: {  	v24 =	vld [tilespmem:s11+$0x1410]  }
0x365: {  	v33 =	vld [tilespmem:s6+$0xC20];
	v7 =	vadd.f32 v27, v7;
	v6 =	vadd.f32 v20, v6  }
0x366: {  	v25 =	vld [tilespmem:s20+$0xC10]  }
0x367: {  	v7 =	vadd.f32 v29, v7;
	v6 =	vadd.f32 v22, v6  }
0x368: {  	v35 =	vld [tilespmem:s7+$0xC20]  }
0x369: {  	v7 =	vadd.f32 v31, v7;
	v6 =	vadd.f32 v24, v6  }
0x36a: {  	v37 =	vld [tilespmem:s8+$0xC20]  }
0x36b: {  	v7 =	vadd.f32 v33, v7;
	v6 =	vadd.f32 v25, v6  }
0x36c: {  	v39 =	vld [tilespmem:s24+$0x1420]  }
0x36d: {  	v41 =	vld [tilespmem:s9+$0xC20];
	v7 =	vadd.f32 v35, v7;
	[tilespmem:s13+$0x10] =	vst v6  }
0x36e: {  	v6 =	vld [tilespmem:s11+$0xC20]  }
0x36f: {  	v7 =	vadd.f32 v37, v7;
	v28 =	vld [tilespmem:s11+$0xCA0];
	_ =	sdelay $0x1  }
0x370: {  	v7 =	vadd.f32 v39, v7;
	v30 =	vld [tilespmem:s17+$0xC20];
	_ =	sdelay $0x1  }
0x371: {  	v7 =	vadd.f32 v41, v7;
	v32 =	vld [tilespmem:s15+$0xC20]  }
0x372: {  	v6 =	vadd.f32 v28, v6  }
0x373: {  	[tilespmem:s10+$0x20] =	vst v7;
	v34 =	vld [tilespmem:s14+$0xC20]  }
0x374: {  	v7 =	vld [tilespmem:s24+$0xC30];
	v6 =	vadd.f32 v30, v6  }
0x375: {  	v36 =	vld [tilespmem:s16+$0xC20]  }
0x376: {  	v44 =	vld [tilespmem:s24+$0xCB0];
	v6 =	vadd.f32 v32, v6  }
0x377: {  	v38 =	vld [tilespmem:s26+$0xC20]  }
0x378: {  	v45 =	vld [tilespmem:s25+$0xC30];
	v6 =	vadd.f32 v34, v6  }
0x379: {  	v40 =	vld [tilespmem:s12+$0xC20]  }
0x37a: {  	v47 =	vld [tilespmem:s4+$0xC30];
	v6 =	vadd.f32 v36, v6  }
0x37b: {  	v42 =	vld [tilespmem:s11+$0x1420]  }
0x37c: {  	v49 =	vld [tilespmem:s5+$0xC30];
	v7 =	vadd.f32 v44, v7;
	v6 =	vadd.f32 v38, v6  }
0x37d: {  	v43 =	vld [tilespmem:s20+$0xC20]  }
0x37e: {  	v7 =	vadd.f32 v45, v7;
	v6 =	vadd.f32 v40, v6  }
0x37f: {  	v51 =	vld [tilespmem:s6+$0xC30]  }
0x380: {  	v7 =	vadd.f32 v47, v7;
	v6 =	vadd.f32 v42, v6  }
0x381: {  	v53 =	vld [tilespmem:s7+$0xC30]  }
0x382: {  	v7 =	vadd.f32 v49, v7;
	v6 =	vadd.f32 v43, v6  }
0x383: {  	v55 =	vld [tilespmem:s8+$0xC30]  }
0x384: {  	v4 =	vadd.f32 v4, v5;
	v56 =	vadd.f32 v51, v7;
	v58 =	vld [tilespmem:s24+$0x1430];
	[tilespmem:s13+$0x20] =	vst v6  }
0x385: {  	v6 =	vld [tilespmem:s11+$0xC30]  }
0x386: {  	v3 =	vadd.f32 v3, v4;
	v59 =	vadd.f32 v53, v56;
	v46 =	vld [tilespmem:s11+$0xCB0]  }
0x387: {  	v61 =	vld [tilespmem:s9+$0xC30]  }
0x388: {  	[tilespmem:s18+$0x50] =	vst v3;
	v3 =	vadd.f32 v55, v59;
	v48 =	vld [tilespmem:s17+$0xC30];
	_ =	sdelay $0x1  }
0x389: {  	v3 =	vadd.f32 v58, v3;
	v50 =	vld [tilespmem:s15+$0xC30]  }
0x38a: {  	v6 =	vadd.f32 v46, v6  }
0x38b: {  	v3 =	vadd.f32 v61, v3;
	v52 =	vld [tilespmem:s14+$0xC30]  }
0x38c: {  	v6 =	vadd.f32 v48, v6  }
0x38d: {  	[tilespmem:s10+$0x30] =	vst v3;
	v54 =	vld [tilespmem:s16+$0xC30]  }
0x38e: {  	v3 =	vld [tilespmem:s24+$0xC40];
	v6 =	vadd.f32 v50, v6  }
0x38f: {  	v57 =	vld [tilespmem:s26+$0xC30]  }
0x390: {  	v22 =	vld [tilespmem:s24+$0xCC0];
	v6 =	vadd.f32 v52, v6  }
0x391: {  	v60 =	vld [tilespmem:s12+$0xC30]  }
0x392: {  	v23 =	vld [tilespmem:s25+$0xC40];
	v6 =	vadd.f32 v54, v6  }
0x393: {  	v62 =	vld [tilespmem:s11+$0x1430]  }
0x394: {  	v25 =	vld [tilespmem:s4+$0xC40];
	v6 =	vadd.f32 v57, v6  }
0x395: {  	v17 =	vld [tilespmem:s20+$0xC30]  }
0x396: {  	v3 =	vadd.f32 v22, v3;
	v5 =	vadd.f32 v60, v6  }
0x397: {  	v27 =	vld [tilespmem:s5+$0xC40]  }
0x398: {  	v3 =	vadd.f32 v23, v3;
	v4 =	vadd.f32 v62, v5  }
0x399: {  	v29 =	vld [tilespmem:s6+$0xC40]  }
0x39a: {  	v63 =	vld [tilespmem:s28+$0xC60];
	v3 =	vadd.f32 v25, v3;
	v4 =	vadd.f32 v17, v4  }
0x39b: {  	v31 =	vld [tilespmem:s7+$0xC40]  }
0x39c: {  	v33 =	vld [tilespmem:s8+$0xC40];
	v3 =	vadd.f32 v27, v3;
	[tilespmem:s13+$0x30] =	vst v4  }
0x39d: {  	v4 =	vld [tilespmem:s11+$0xC40]  }
0x39e: {  	v3 =	vadd.f32 v29, v3;
	v24 =	vld [tilespmem:s11+$0xCC0]  }
0x39f: {  	v35 =	vld [tilespmem:s24+$0x1440]  }
0x3a0: {  	v3 =	vadd.f32 v31, v3;
	v26 =	vld [tilespmem:s17+$0xC40]  }
0x3a1: {  	v37 =	vld [tilespmem:s9+$0xC40]  }
0x3a2: {  	v3 =	vadd.f32 v33, v3;
	v28 =	vld [tilespmem:s15+$0xC40]  }
0x3a3: {  	v19 =	vld [tilespmem:s1+$0xC60];
	v4 =	vadd.f32 v24, v4  }
0x3a4: {  	v3 =	vadd.f32 v35, v3;
	v30 =	vld [tilespmem:s14+$0xC40]  }
0x3a5: {  	v21 =	vld [tilespmem:s22+$0xC60];
	v4 =	vadd.f32 v26, v4  }
0x3a6: {  	v3 =	vadd.f32 v37, v3;
	v32 =	vld [tilespmem:s16+$0xC40]  }
0x3a7: {  	v39 =	vld [tilespmem:s23+$0xC60];
	v4 =	vadd.f32 v28, v4  }
0x3a8: {  	[tilespmem:s10+$0x40] =	vst v3;
	v34 =	vld [tilespmem:s26+$0xC40]  }
0x3a9: {  	v3 =	vld [tilespmem:s24+$0xC50];
	v4 =	vadd.f32 v30, v4  }
0x3aa: {  	v36 =	vld [tilespmem:s12+$0xC40]  }
0x3ab: {  	v45 =	vld [tilespmem:s24+$0xCD0];
	v4 =	vadd.f32 v32, v4  }
0x3ac: {  	v38 =	vld [tilespmem:s11+$0x1440]  }
0x3ad: {  	v46 =	vld [tilespmem:s25+$0xC50];
	v4 =	vadd.f32 v34, v4  }
0x3ae: {  	v40 =	vld [tilespmem:s20+$0xC40]  }
0x3af: {  	v41 =	vld [tilespmem:s29+$0xC60];
	v4 =	vadd.f32 v36, v4  }
0x3b0: {  	v16 =	vld [tilespmem:s4+$0xC50]  }
0x3b1: {  	v18 =	vld [tilespmem:s28+$0xCE0];
	v3 =	vadd.f32 v45, v3;
	v4 =	vadd.f32 v38, v4  }
0x3b2: {  	v49 =	vld [tilespmem:s5+$0xC50]  }
0x3b3: {  	v20 =	vld [tilespmem:s0+$0xC60];
	v3 =	vadd.f32 v46, v3;
	v4 =	vadd.f32 v40, v4  }
0x3b4: {  	v51 =	vld [tilespmem:s6+$0xC50]  }
0x3b5: {  	v53 =	vld [tilespmem:s7+$0xC50];
	v3 =	vadd.f32 v16, v3;
	[tilespmem:s13+$0x40] =	vst v4  }
0x3b6: {  	v4 =	vld [tilespmem:s11+$0xC50]  }
0x3b7: {  	v3 =	vadd.f32 v49, v3;
	v47 =	vld [tilespmem:s11+$0xCD0]  }
0x3b8: {  	v8 =	vadd.f32 v18, v63;
	v55 =	vld [tilespmem:s8+$0xC50]  }
0x3b9: {  	v3 =	vadd.f32 v51, v3;
	v48 =	vld [tilespmem:s17+$0xC50]  }
0x3ba: {  	v57 =	vld [tilespmem:s24+$0x1450];
	v6 =	vadd.f32 v19, v8  }
0x3bb: {  	v3 =	vadd.f32 v53, v3;
	v50 =	vld [tilespmem:s15+$0xC50]  }
0x3bc: {  	v59 =	vld [tilespmem:s9+$0xC50];
	v6 =	vadd.f32 v20, v6;
	v4 =	vadd.f32 v47, v4  }
0x3bd: {  	v3 =	vadd.f32 v55, v3;
	v52 =	vld [tilespmem:s14+$0xC50]  }
0x3be: {  	v42 =	vld [tilespmem:s30+$0xC60];
	v5 =	vadd.f32 v21, v6;
	v4 =	vadd.f32 v48, v4  }
0x3bf: {  	v3 =	vadd.f32 v57, v3;
	v54 =	vld [tilespmem:s16+$0xC50]  }
0x3c0: {  	v43 =	vld [tilespmem:s28+$0x1460];
	v5 =	vadd.f32 v39, v5;
	v4 =	vadd.f32 v50, v4  }
0x3c1: {  	v3 =	vadd.f32 v59, v3;
	v56 =	vld [tilespmem:s26+$0xC50]  }
0x3c2: {  	v44 =	vld [tilespmem:s31+$0xC60];
	v5 =	vadd.f32 v41, v5;
	v4 =	vadd.f32 v52, v4  }
0x3c3: {  	[tilespmem:s10+$0x50] =	vst v3;
	v58 =	vld [tilespmem:s12+$0xC50]  }
0x3c4: {  	v5 =	vadd.f32 v42, v5;
	v3 =	vld [tilespmem:s24+$0xC60];
	v4 =	vadd.f32 v54, v4  }
0x3c5: {  	v60 =	vld [tilespmem:s11+$0x1450]  }
0x3c6: {  	v23 =	vld [tilespmem:s24+$0xCE0];
	v5 =	vadd.f32 v43, v5;
	v4 =	vadd.f32 v56, v4  }
0x3c7: {  	v61 =	vld [tilespmem:s20+$0xC50]  }
0x3c8: {  	v24 =	vld [tilespmem:s25+$0xC60];
	v5 =	vadd.f32 v44, v5;
	v4 =	vadd.f32 v58, v4  }
0x3c9: {  	v26 =	vld [tilespmem:s4+$0xC60]  }
0x3ca: {  	[tilespmem:s18+$0x60] =	vst v5;
	v28 =	vld [tilespmem:s5+$0xC60];
	v4 =	vadd.f32 v60, v4  }
0x3cb: {  	v62 =	vld [tilespmem:s1+$0xC70]  }
0x3cc: {  	v63 =	vld [tilespmem:s0+$0xC70];
	v4 =	vadd.f32 v61, v4  }
0x3cd: {  	v21 =	vld [tilespmem:s22+$0xC70]  }
0x3ce: {  	v22 =	vld [tilespmem:s23+$0xC70];
	[tilespmem:s13+$0x50] =	vst v4  }
0x3cf: {  	v4 =	vld [tilespmem:s11+$0xC60]  }
0x3d0: {  	v25 =	vld [tilespmem:s11+$0xCE0]  }
0x3d1: {  	v3 =	vadd.f32 v23, v3;
	v42 =	vld [tilespmem:s30+$0xC70]  }
0x3d2: {  	v27 =	vld [tilespmem:s17+$0xC60]  }
0x3d3: {  	v3 =	vadd.f32 v24, v3;
	v30 =	vld [tilespmem:s6+$0xC60]  }
0x3d4: {  	v29 =	vld [tilespmem:s15+$0xC60]  }
0x3d5: {  	v3 =	vadd.f32 v26, v3;
	v32 =	vld [tilespmem:s7+$0xC60];
	v4 =	vadd.f32 v25, v4  }
0x3d6: {  	v31 =	vld [tilespmem:s14+$0xC60]  }
0x3d7: {  	v3 =	vadd.f32 v28, v3;
	v34 =	vld [tilespmem:s8+$0xC60];
	v4 =	vadd.f32 v27, v4  }
0x3d8: {  	v33 =	vld [tilespmem:s16+$0xC60]  }
0x3d9: {  	v3 =	vadd.f32 v30, v3;
	v36 =	vld [tilespmem:s24+$0x1460];
	v4 =	vadd.f32 v29, v4  }
0x3da: {  	v35 =	vld [tilespmem:s26+$0xC60]  }
0x3db: {  	v3 =	vadd.f32 v32, v3;
	v38 =	vld [tilespmem:s9+$0xC60];
	v4 =	vadd.f32 v31, v4  }
0x3dc: {  	v37 =	vld [tilespmem:s12+$0xC60]  }
0x3dd: {  	v43 =	vld [tilespmem:s28+$0xC70];
	v3 =	vadd.f32 v34, v3;
	v4 =	vadd.f32 v33, v4  }
0x3de: {  	v39 =	vld [tilespmem:s11+$0x1460]  }
0x3df: {  	v44 =	vld [tilespmem:s28+$0xCF0];
	v3 =	vadd.f32 v36, v3;
	v4 =	vadd.f32 v35, v4  }
0x3e0: {  	v41 =	vld [tilespmem:s20+$0xC60]  }
0x3e1: {  	v45 =	vld [tilespmem:s28+$0x1470];
	v3 =	vadd.f32 v38, v3;
	v4 =	vadd.f32 v37, v4  }
0x3e2: {  	v46 =	vld [tilespmem:s31+$0xC70]  }
0x3e3: {  	v40 =	vld [tilespmem:s29+$0xC70];
	[tilespmem:s10+$0x60] =	vst v3;
	v4 =	vadd.f32 v39, v4  }
0x3e4: {  	v47 =	vld [tilespmem:s24+$0xC70]  }
0x3e5: {  	v48 =	vld [tilespmem:s24+$0xCF0];
	v3 =	vadd.f32 v41, v4  }
0x3e6: {  	v17 =	vld [tilespmem:s25+$0xC70]  }
0x3e7: {  	v19 =	vld [tilespmem:s4+$0xC70];
	[tilespmem:s13+$0x60] =	vst v3  }
0x3e8: {  	v3 =	vld [tilespmem:s11+$0xC70]  }
0x3e9: {  	v10 =	vadd.f32 v44, v43;
	v49 =	vld [tilespmem:s11+$0xCF0]  }
0x3ea: {  	v51 =	vld [tilespmem:s5+$0xC70];
	v4 =	vadd.f32 v48, v47  }
0x3eb: {  	v6 =	vadd.f32 v62, v10;
	v18 =	vld [tilespmem:s17+$0xC70]  }
0x3ec: {  	v53 =	vld [tilespmem:s6+$0xC70];
	v4 =	vadd.f32 v17, v4  }
0x3ed: {  	v6 =	vadd.f32 v63, v6;
	v50 =	vld [tilespmem:s15+$0xC70]  }
0x3ee: {  	v55 =	vld [tilespmem:s7+$0xC70];
	v4 =	vadd.f32 v19, v4;
	v3 =	vadd.f32 v49, v3  }
0x3ef: {  	v6 =	vadd.f32 v21, v6;
	v52 =	vld [tilespmem:s14+$0xC70]  }
0x3f0: {  	v57 =	vld [tilespmem:s8+$0xC70];
	v4 =	vadd.f32 v51, v4;
	v3 =	vadd.f32 v18, v3  }
0x3f1: {  	v6 =	vadd.f32 v22, v6;
	v54 =	vld [tilespmem:s16+$0xC70]  }
0x3f2: {  	v59 =	vld [tilespmem:s24+$0x1470];
	v4 =	vadd.f32 v53, v4;
	v3 =	vadd.f32 v50, v3  }
0x3f3: {  	v6 =	vadd.f32 v40, v6;
	v56 =	vld [tilespmem:s26+$0xC70]  }
0x3f4: {  	v61 =	vld [tilespmem:s9+$0xC70];
	v4 =	vadd.f32 v55, v4;
	v3 =	vadd.f32 v52, v3  }
0x3f5: {  	v6 =	vadd.f32 v42, v6;
	v58 =	vld [tilespmem:s12+$0xC70]  }
0x3f6: {  	v4 =	vadd.f32 v57, v4;
	v3 =	vadd.f32 v54, v3  }
0x3f7: {  	v63 =	vadd.f32 v45, v6;
	v60 =	vld [tilespmem:s11+$0x1470]  }
0x3f8: {  	v4 =	vadd.f32 v59, v4;
	v3 =	vadd.f32 v56, v3  }
0x3f9: {  	v5 =	vadd.f32 v46, v63;
	v62 =	vld [tilespmem:s20+$0xC70]  }
0x3fa: {  	v4 =	vadd.f32 v61, v4;
	v3 =	vadd.f32 v58, v3  }
0x3fb: {  	[tilespmem:s18+$0x70] =	vst v5  }
0x3fc: {  	[tilespmem:s10+$0x70] =	vst v4;
	v3 =	vadd.f32 v60, v3  }
0x3fd: {  	s2 =	rddreg [dreg:$0x19]  }
0x3fe: {  	p0 =	seq.s32 s2, $0x7;
	v3 =	vadd.f32 v62, v3  }
.Ltmp1:
0x3ff: {  	_ = 	snop;
	(pc) =	sbr.rel @p0 .LBB2_6-.Ltmp1, $4  }
0x400: {  	[tilespmem:s13+$0x70] =	vst v3  }
0x401: {  	s29 =	sshll.u32 s2, $0x9;
	s30 =	rddreg [dreg:$0x14]  }
0x402: {  	s31 =	simm.s32 $0x0;
	s3 =	rddreg [dreg:$0x1b];
	s0 =	sadd.s32 s29, s30  }
0x403: {  	[hbm4b:s0+s31] =	stream.linear.scatter [tilespmem:s3], [sflag:$0x4], $0x800, $0x38;
	[tilespmem:$0x12800] =	vst v63  }
0x404: {  	s0 =	sshll.u32 s2, $0x8  }
0x405: {  	s0 =	sand.u32 $0x3FFFFF00, s0  }
0x406: {  	v3 =	vld [tilespmem:s0+$0x100];
	_ =	sdelay $0x4  }
0x407: {  	v4 =	vshll.u32 v3, $0x1  }
0x408: {  	v3 =	vand.u32 $0x7, v3;
	v4 =	vand.u32 $0xFFFFFFF0, v4  }
0x409: {  	v3 =	vor.u32 v3, v4  }
0x40a: {  	v4 =	vperm.xlane v3, v0;
	_ =	sdelay $0x1  }
0x40b: {  	v3 =	vperm.xlane v3, v2;
	v4 =	vadd.s32 v1, v4;
	_ =	sdelay $0x1  }
0x40c: {  	v3 =	vadd.s32 v1, v3;
	_ =	sdelay $0x1  }
0x40d: {  	s1 =	rddreg [dreg:$0x1];
	s21 =	simm.s32 $0x0;
	s3 =	simm.s32 $0x800  }
0x40e: {  	[tilespmem:s3], [sflag:$0x1] =	stream.indirect_vreg.gather [hbm4b:s1+s21], $0x80, v4, vm0, $0xb8;
	[tilespmem:$0x12800] =	vst v63  }
0x40f: {  	s22 =	simm.s32 $0x1000  }
0x410: {  	[tilespmem:s22], [sflag:$0x1] =	stream.indirect_vreg.gather [hbm4b:s1+s21], $0x80, v3, vm0, $0xb8;
	[tilespmem:$0x12800] =	vst v63  }
0x411: {  	v3 =	vld [tilespmem:s0+$0x110];
	_ =	sdelay $0x4  }
0x412: {  	v60 =	vshll.u32 v3, $0x1  }
0x413: {  	v3 =	vand.u32 $0x7, v3;
	v4 =	vand.u32 $0xFFFFFFF0, v60  }
0x414: {  	v3 =	vor.u32 v3, v4  }
0x415: {  	v4 =	vperm.xlane v3, v0;
	_ =	sdelay $0x1  }
0x416: {  	v3 =	vperm.xlane v3, v2;
	v4 =	vadd.s32 v1, v4;
	_ =	sdelay $0x1  }
0x417: {  	v3 =	vadd.s32 v1, v3;
	_ =	sdelay $0x1  }
0x418: {  	s23 =	simm.s32 $0x1800  }
0x419: {  	[tilespmem:s23], [sflag:$0x1] =	stream.indirect_vreg.gather [hbm4b:s1+s21], $0x80, v4, vm0, $0xb8;
	[tilespmem:$0x12800] =	vst v63  }
0x41a: {  	s24 =	simm.s32 $0x2000  }
0x41b: {  	[tilespmem:s24], [sflag:$0x1] =	stream.indirect_vreg.gather [hbm4b:s1+s21], $0x80, v3, vm0, $0xb8;
	[tilespmem:$0x12800] =	vst v63  }
0x41c: {  	v3 =	vld [tilespmem:s0+$0x120];
	_ =	sdelay $0x4  }
0x41d: {  	v61 =	vshll.u32 v3, $0x1  }
0x41e: {  	v3 =	vand.u32 $0x7, v3;
	v4 =	vand.u32 $0xFFFFFFF0, v61  }
0x41f: {  	v3 =	vor.u32 v3, v4  }
0x420: {  	v4 =	vperm.xlane v3, v0;
	_ =	sdelay $0x1  }
0x421: {  	v3 =	vperm.xlane v3, v2;
	v4 =	vadd.s32 v1, v4;
	_ =	sdelay $0x1  }
0x422: {  	v3 =	vadd.s32 v1, v3;
	_ =	sdelay $0x1  }
0x423: {  	s25 =	simm.s32 $0x2800  }
0x424: {  	[tilespmem:s25], [sflag:$0x1] =	stream.indirect_vreg.gather [hbm4b:s1+s21], $0x80, v4, vm0, $0xb8;
	[tilespmem:$0x12800] =	vst v63  }
0x425: {  	s26 =	simm.s32 $0x3000  }
0x426: {  	[tilespmem:s26], [sflag:$0x1] =	stream.indirect_vreg.gather [hbm4b:s1+s21], $0x80, v3, vm0, $0xb8;
	[tilespmem:$0x12800] =	vst v63  }
0x427: {  	v3 =	vld [tilespmem:s0+$0x130];
	_ =	sdelay $0x4  }
0x428: {  	v62 =	vshll.u32 v3, $0x1  }
0x429: {  	v3 =	vand.u32 $0x7, v3;
	v4 =	vand.u32 $0xFFFFFFF0, v62  }
0x42a: {  	v3 =	vor.u32 v3, v4  }
0x42b: {  	v4 =	vperm.xlane v3, v0;
	_ =	sdelay $0x1  }
0x42c: {  	v3 =	vperm.xlane v3, v2;
	v4 =	vadd.s32 v1, v4;
	_ =	sdelay $0x1  }
0x42d: {  	v3 =	vadd.s32 v1, v3;
	_ =	sdelay $0x1  }
0x42e: {  	s28 =	simm.s32 $0x3800  }
0x42f: {  	[tilespmem:s28], [sflag:$0x1] =	stream.indirect_vreg.gather [hbm4b:s1+s21], $0x80, v4, vm0, $0xb8;
	[tilespmem:$0x12800] =	vst v63  }
0x430: {  	s29 =	simm.s32 $0x4000  }
0x431: {  	[tilespmem:s29], [sflag:$0x1] =	stream.indirect_vreg.gather [hbm4b:s1+s21], $0x80, v3, vm0, $0xb8;
	[tilespmem:$0x12800] =	vst v63  }
0x432: {  	v3 =	vld [tilespmem:s0+$0x140];
	_ =	sdelay $0x4  }
0x433: {  	v63 =	vshll.u32 v3, $0x1  }
0x434: {  	v3 =	vand.u32 $0x7, v3;
	v4 =	vand.u32 $0xFFFFFFF0, v63  }
0x435: {  	v3 =	vor.u32 v3, v4  }
0x436: {  	v4 =	vperm.xlane v3, v0;
	_ =	sdelay $0x1  }
0x437: {  	v3 =	vperm.xlane v3, v2;
	v4 =	vadd.s32 v1, v4;
	_ =	sdelay $0x1  }
0x438: {  	v3 =	vadd.s32 v1, v3;
	_ =	sdelay $0x1  }
0x439: {  	s30 =	simm.s32 $0x4800  }
0x43a: {  	[tilespmem:s30], [sflag:$0x1] =	stream.indirect_vreg.gather [hbm4b:s1+s21], $0x80, v4, vm0, $0xb8;
	[tilespmem:$0x12800] =	vst v63  }
0x43b: {  	s31 =	simm.s32 $0x5000  }
0x43c: {  	[tilespmem:s31], [sflag:$0x1] =	stream.indirect_vreg.gather [hbm4b:s1+s21], $0x80, v3, vm0, $0xb8;
	[tilespmem:$0x12800] =	vst v63  }
.LBB2_6:
0x43d: {  	s2 =	simm.s32 $0x2  }
0x43e: {  	s0 =	simm.s32 $0x0;
	_ =	swait.ge [sflag:s2], $0x5000  }
0x43f: {  	s1 =	sand.u32 $0x7800, s0;
	s0 =	sand.u32 $0x300, s0;
	[sflag:s2] =	ssyncset.done $0x0  }
0x440: {  	s28 =	sor.u32 s0, s1;
	[sflag:s2] =	ssyncadd.s32 $0xFFFFB000  }
0x441: {  	s13 =	simm.s32 $0x200;
	s14 =	simm.s32 $0x100;
	v3 =	vld [tilespmem:s28+$0x5800]  }
0x442: {  	s0 =	sand.u32 $0xF800, s13;
	s1 =	sand.u32 $0x300, s14;
	v4 =	vld [tilespmem:s28+$0x5880]  }
0x443: {  	s15 =	simm.s32 $0x300;
	s3 =	simm.s32 $0x180;
	s1 =	sor.u32 s1, s0  }
0x444: {  	s16 =	sand.u32 $0xF800, s15;
	s17 =	sand.u32 $0x380, s3;
	v5 =	vld [tilespmem:s1+$0x5800]  }
0x445: {  	s18 =	simm.s32 $0x400;
	s4 =	simm.s32 $0x200;
	s0 =	sor.u32 s17, s16  }
0x446: {  	s19 =	sand.u32 $0xF800, s18;
	s20 =	sand.u32 $0x300, s4;
	v6 =	vld [tilespmem:s0+$0x5800]  }
0x447: {  	s21 =	simm.s32 $0x500;
	s5 =	simm.s32 $0x280;
	s22 =	sor.u32 s20, s19;
	v3 =	vadd.f32 v4, v3  }
0x448: {  	s23 =	sand.u32 $0xF800, s21;
	s24 =	sand.u32 $0x380, s5;
	v4 =	vld [tilespmem:s22+$0x5800]  }
0x449: {  	s25 =	simm.s32 $0x600;
	s26 =	simm.s32 $0x300;
	s23 =	sor.u32 s24, s23;
	v3 =	vadd.f32 v5, v3  }
0x44a: {  	s4 =	sand.u32 $0xF800, s25;
	s5 =	sand.u32 $0x300, s26;
	v5 =	vld [tilespmem:s23+$0x5800]  }
0x44b: {  	s6 =	simm.s32 $0x700;
	s7 =	simm.s32 $0x380;
	s29 =	sor.u32 s5, s4;
	v3 =	vadd.f32 v6, v3  }
0x44c: {  	s8 =	sand.u32 $0xF800, s6;
	s9 =	sand.u32 $0x380, s7;
	v6 =	vld [tilespmem:s29+$0x5800]  }
0x44d: {  	s30 =	sor.u32 s9, s8;
	v3 =	vadd.f32 v4, v3  }
0x44e: {  	v4 =	vld [tilespmem:s30+$0x5800]  }
0x44f: {  	s10 =	simm.s32 $0x480;
	s11 =	simm.s32 $0x900;
	v3 =	vadd.f32 v5, v3  }
0x450: {  	s3 =	sand.u32 $0xF800, s11;
	s2 =	sand.u32 $0x380, s10;
	v5 =	vld [tilespmem:s28+$0x6000]  }
0x451: {  	s31 =	sor.u32 s2, s3;
	v3 =	vadd.f32 v6, v3  }
0x452: {  	v6 =	vld [tilespmem:s31+$0x5800]  }
0x453: {  	v3 =	vadd.f32 v4, v3;
	_ =	sdelay $0x1  }
0x454: {  	v3 =	vadd.f32 v5, v3;
	_ =	sdelay $0x1  }
0x455: {  	v3 =	vadd.f32 v6, v3  }
0x456: {  	s18 =	rddreg [dreg:$0x18]  }
0x457: {  	[tilespmem:s18+$0xFFFFFB90] =	vst v3  }
0x458: {  	v3 =	vld [tilespmem:s28+$0x5810]  }
0x459: {  	v4 =	vld [tilespmem:s28+$0x5890];
	_ =	sdelay $0x1  }
0x45a: {  	v5 =	vld [tilespmem:s1+$0x5810];
	_ =	sdelay $0x1  }
0x45b: {  	v6 =	vld [tilespmem:s0+$0x5810]  }
0x45c: {  	v3 =	vadd.f32 v4, v3  }
0x45d: {  	v4 =	vld [tilespmem:s22+$0x5810]  }
0x45e: {  	v3 =	vadd.f32 v5, v3  }
0x45f: {  	v5 =	vld [tilespmem:s23+$0x5810]  }
0x460: {  	v3 =	vadd.f32 v6, v3  }
0x461: {  	v6 =	vld [tilespmem:s29+$0x5810]  }
0x462: {  	v3 =	vadd.f32 v4, v3  }
0x463: {  	v4 =	vld [tilespmem:s30+$0x5810]  }
0x464: {  	v3 =	vadd.f32 v5, v3  }
0x465: {  	v5 =	vld [tilespmem:s28+$0x6010]  }
0x466: {  	v3 =	vadd.f32 v6, v3  }
0x467: {  	v6 =	vld [tilespmem:s31+$0x5810]  }
0x468: {  	v3 =	vadd.f32 v4, v3;
	_ =	sdelay $0x1  }
0x469: {  	v3 =	vadd.f32 v5, v3;
	_ =	sdelay $0x1  }
0x46a: {  	v3 =	vadd.f32 v6, v3;
	_ =	sdelay $0x1  }
0x46b: {  	[tilespmem:s18+$0xFFFFFBA0] =	vst v3  }
0x46c: {  	v3 =	vld [tilespmem:s28+$0x5820]  }
0x46d: {  	v4 =	vld [tilespmem:s28+$0x58A0];
	_ =	sdelay $0x1  }
0x46e: {  	v5 =	vld [tilespmem:s1+$0x5820];
	_ =	sdelay $0x1  }
0x46f: {  	v6 =	vld [tilespmem:s0+$0x5820]  }
0x470: {  	v3 =	vadd.f32 v4, v3  }
0x471: {  	v4 =	vld [tilespmem:s22+$0x5820]  }
0x472: {  	v3 =	vadd.f32 v5, v3  }
0x473: {  	v5 =	vld [tilespmem:s23+$0x5820]  }
0x474: {  	v3 =	vadd.f32 v6, v3  }
0x475: {  	v6 =	vld [tilespmem:s29+$0x5820]  }
0x476: {  	v3 =	vadd.f32 v4, v3  }
0x477: {  	v4 =	vld [tilespmem:s30+$0x5820]  }
0x478: {  	v3 =	vadd.f32 v5, v3  }
0x479: {  	v5 =	vld [tilespmem:s28+$0x6020]  }
0x47a: {  	v3 =	vadd.f32 v6, v3  }
0x47b: {  	v6 =	vld [tilespmem:s31+$0x5820]  }
0x47c: {  	v3 =	vadd.f32 v4, v3;
	_ =	sdelay $0x1  }
0x47d: {  	v3 =	vadd.f32 v5, v3;
	_ =	sdelay $0x1  }
0x47e: {  	v3 =	vadd.f32 v6, v3;
	_ =	sdelay $0x1  }
0x47f: {  	[tilespmem:s18+$0xFFFFFBB0] =	vst v3  }
0x480: {  	v3 =	vld [tilespmem:s28+$0x5830]  }
0x481: {  	v4 =	vld [tilespmem:s28+$0x58B0];
	_ =	sdelay $0x1  }
0x482: {  	v5 =	vld [tilespmem:s1+$0x5830];
	_ =	sdelay $0x1  }
0x483: {  	v6 =	vld [tilespmem:s0+$0x5830]  }
0x484: {  	v3 =	vadd.f32 v4, v3  }
0x485: {  	v4 =	vld [tilespmem:s22+$0x5830]  }
0x486: {  	v3 =	vadd.f32 v5, v3  }
0x487: {  	v5 =	vld [tilespmem:s23+$0x5830]  }
0x488: {  	v3 =	vadd.f32 v6, v3  }
0x489: {  	v6 =	vld [tilespmem:s29+$0x5830]  }
0x48a: {  	v3 =	vadd.f32 v4, v3  }
0x48b: {  	v4 =	vld [tilespmem:s30+$0x5830]  }
0x48c: {  	v3 =	vadd.f32 v5, v3  }
0x48d: {  	v5 =	vld [tilespmem:s28+$0x6030]  }
0x48e: {  	v3 =	vadd.f32 v6, v3  }
0x48f: {  	v6 =	vld [tilespmem:s31+$0x5830]  }
0x490: {  	v3 =	vadd.f32 v4, v3;
	_ =	sdelay $0x1  }
0x491: {  	v3 =	vadd.f32 v5, v3;
	_ =	sdelay $0x1  }
0x492: {  	v3 =	vadd.f32 v6, v3;
	_ =	sdelay $0x1  }
0x493: {  	[tilespmem:s18+$0xFFFFFBC0] =	vst v3  }
0x494: {  	v3 =	vld [tilespmem:s28+$0x5840]  }
0x495: {  	v4 =	vld [tilespmem:s28+$0x58C0];
	_ =	sdelay $0x1  }
0x496: {  	v5 =	vld [tilespmem:s1+$0x5840];
	_ =	sdelay $0x1  }
0x497: {  	v6 =	vld [tilespmem:s0+$0x5840]  }
0x498: {  	v3 =	vadd.f32 v4, v3  }
0x499: {  	v4 =	vld [tilespmem:s22+$0x5840]  }
0x49a: {  	v3 =	vadd.f32 v5, v3  }
0x49b: {  	v5 =	vld [tilespmem:s23+$0x5840]  }
0x49c: {  	v3 =	vadd.f32 v6, v3  }
0x49d: {  	v6 =	vld [tilespmem:s29+$0x5840]  }
0x49e: {  	v3 =	vadd.f32 v4, v3  }
0x49f: {  	v4 =	vld [tilespmem:s30+$0x5840]  }
0x4a0: {  	v3 =	vadd.f32 v5, v3  }
0x4a1: {  	v5 =	vld [tilespmem:s28+$0x6040]  }
0x4a2: {  	v3 =	vadd.f32 v6, v3  }
0x4a3: {  	v6 =	vld [tilespmem:s31+$0x5840]  }
0x4a4: {  	v3 =	vadd.f32 v4, v3;
	_ =	sdelay $0x1  }
0x4a5: {  	v3 =	vadd.f32 v5, v3;
	_ =	sdelay $0x1  }
0x4a6: {  	v3 =	vadd.f32 v6, v3;
	_ =	sdelay $0x1  }
0x4a7: {  	[tilespmem:s18+$0xFFFFFBD0] =	vst v3  }
0x4a8: {  	v3 =	vld [tilespmem:s28+$0x5850]  }
0x4a9: {  	v4 =	vld [tilespmem:s28+$0x58D0];
	_ =	sdelay $0x1  }
0x4aa: {  	v5 =	vld [tilespmem:s1+$0x5850];
	_ =	sdelay $0x1  }
0x4ab: {  	v6 =	vld [tilespmem:s0+$0x5850]  }
0x4ac: {  	v3 =	vadd.f32 v4, v3  }
0x4ad: {  	v4 =	vld [tilespmem:s22+$0x5850]  }
0x4ae: {  	v3 =	vadd.f32 v5, v3  }
0x4af: {  	v5 =	vld [tilespmem:s23+$0x5850]  }
0x4b0: {  	v3 =	vadd.f32 v6, v3  }
0x4b1: {  	v6 =	vld [tilespmem:s29+$0x5850]  }
0x4b2: {  	v3 =	vadd.f32 v4, v3  }
0x4b3: {  	v4 =	vld [tilespmem:s30+$0x5850]  }
0x4b4: {  	v3 =	vadd.f32 v5, v3  }
0x4b5: {  	v5 =	vld [tilespmem:s28+$0x6050]  }
0x4b6: {  	v3 =	vadd.f32 v6, v3  }
0x4b7: {  	v6 =	vld [tilespmem:s31+$0x5850]  }
0x4b8: {  	v3 =	vadd.f32 v4, v3  }
0x4b9: {  	s12 =	simm.s32 $0xA00;
	s13 =	simm.s32 $0x100  }
0x4ba: {  	s2 =	sand.u32 $0x7800, s12;
	s3 =	sand.u32 $0x300, s13;
	v3 =	vadd.f32 v5, v3  }
0x4bb: {  	s15 =	simm.s32 $0x600;
	s14 =	simm.s32 $0xC00;
	s24 =	sor.u32 s3, s2  }
0x4bc: {  	s2 =	sand.u32 $0xF800, s14;
	s3 =	sand.u32 $0x300, s15;
	v4 =	vld [tilespmem:s24+$0x5800];
	v3 =	vadd.f32 v6, v3  }
0x4bd: {  	s25 =	sor.u32 s3, s2;
	v5 =	vld [tilespmem:s24+$0x5880]  }
0x4be: {  	s16 =	simm.s32 $0xD00;
	s17 =	simm.s32 $0x680;
	v6 =	vld [tilespmem:s25+$0x5800];
	[tilespmem:s18+$0xFFFFFBE0] =	vst v3  }
0x4bf: {  	s2 =	sand.u32 $0xF800, s16;
	s3 =	sand.u32 $0x380, s17;
	v3 =	vld [tilespmem:s28+$0x5860]  }
0x4c0: {  	s6 =	simm.s32 $0x700;
	s19 =	simm.s32 $0xE00;
	s4 =	sor.u32 s3, s2;
	v7 =	vld [tilespmem:s28+$0x58E0]  }
0x4c1: {  	s21 =	sand.u32 $0x300, s6;
	s20 =	sand.u32 $0xF800, s19;
	v8 =	vld [tilespmem:s4+$0x5800]  }
0x4c2: {  	s26 =	simm.s32 $0xF00;
	s7 =	simm.s32 $0x780;
	s5 =	sor.u32 s21, s20;
	v9 =	vld [tilespmem:s1+$0x5860]  }
0x4c3: {  	s6 =	sand.u32 $0xF800, s26;
	s9 =	sand.u32 $0x380, s7;
	v10 =	vld [tilespmem:s5+$0x5800];
	v4 =	vadd.f32 v5, v4  }
0x4c4: {  	s6 =	sor.u32 s9, s6;
	v5 =	vld [tilespmem:s0+$0x5860]  }
0x4c5: {  	s8 =	simm.s32 $0x800;
	s10 =	simm.s32 $0x1000;
	s9 =	simm.s32 $0x880;
	v11 =	vld [tilespmem:s6+$0x5800];
	v4 =	vadd.f32 v6, v4;
	v3 =	vadd.f32 v7, v3  }
0x4c6: {  	s11 =	sand.u32 $0xF800, s10;
	s12 =	sand.u32 $0x300, s8;
	s13 =	simm.s32 $0x1100;
	v6 =	vld [tilespmem:s22+$0x5860]  }
0x4c7: {  	s7 =	sor.u32 s12, s11;
	s14 =	sand.u32 $0xF800, s13;
	s15 =	sand.u32 $0x380, s9;
	v4 =	vadd.f32 v8, v4;
	v8 =	vld [tilespmem:s23+$0x5860];
	v3 =	vadd.f32 v9, v3  }
0x4c8: {  	s8 =	sor.u32 s15, s14;
	v7 =	vld [tilespmem:s7+$0x5800]  }
0x4c9: {  	v4 =	vadd.f32 v10, v4;
	v9 =	vld [tilespmem:s8+$0x5800];
	v3 =	vadd.f32 v5, v3  }
0x4ca: {  	s16 =	simm.s32 $0x980;
	s17 =	simm.s32 $0x1300;
	v5 =	vld [tilespmem:s29+$0x5860]  }
0x4cb: {  	s3 =	sand.u32 $0xF800, s17;
	s2 =	sand.u32 $0x380, s16;
	v10 =	vld [tilespmem:s24+$0x6000];
	v4 =	vadd.f32 v11, v4;
	v3 =	vadd.f32 v6, v3  }
0x4cc: {  	s9 =	sor.u32 s2, s3;
	v6 =	vld [tilespmem:s30+$0x5860]  }
0x4cd: {  	v4 =	vadd.f32 v7, v4;
	v7 =	vld [tilespmem:s9+$0x5800];
	v3 =	vadd.f32 v8, v3  }
0x4ce: {  	v8 =	vld [tilespmem:s28+$0x6060]  }
0x4cf: {  	v4 =	vadd.f32 v9, v4;
	v3 =	vadd.f32 v5, v3  }
0x4d0: {  	v5 =	vld [tilespmem:s31+$0x5860]  }
0x4d1: {  	v4 =	vadd.f32 v10, v4;
	v3 =	vadd.f32 v6, v3;
	_ =	sdelay $0x1  }
0x4d2: {  	v4 =	vadd.f32 v7, v4;
	v3 =	vadd.f32 v8, v3  }
0x4d3: {  	s10 =	sadd.s32 $0x80, s18  }
0x4d4: {  	[tilespmem:s10+$0xFFFFFB90] =	vst v4;
	v3 =	vadd.f32 v5, v3  }
0x4d5: {  	v4 =	vld [tilespmem:s24+$0x5810]  }
0x4d6: {  	v5 =	vld [tilespmem:s24+$0x5890];
	[tilespmem:s18+$0xFFFFFBF0] =	vst v3  }
0x4d7: {  	v3 =	vld [tilespmem:s28+$0x5870]  }
0x4d8: {  	v6 =	vld [tilespmem:s28+$0x58F0]  }
0x4d9: {  	v7 =	vld [tilespmem:s25+$0x5810]  }
0x4da: {  	v8 =	vld [tilespmem:s1+$0x5870]  }
0x4db: {  	v9 =	vld [tilespmem:s4+$0x5810]  }
0x4dc: {  	v4 =	vadd.f32 v5, v4;
	v5 =	vld [tilespmem:s0+$0x5870]  }
0x4dd: {  	v10 =	vld [tilespmem:s5+$0x5810];
	v3 =	vadd.f32 v6, v3  }
0x4de: {  	v4 =	vadd.f32 v7, v4;
	v6 =	vld [tilespmem:s22+$0x5870]  }
0x4df: {  	v7 =	vld [tilespmem:s6+$0x5810];
	v3 =	vadd.f32 v8, v3  }
0x4e0: {  	v4 =	vadd.f32 v9, v4;
	v8 =	vld [tilespmem:s23+$0x5870]  }
0x4e1: {  	v9 =	vld [tilespmem:s7+$0x5810];
	v3 =	vadd.f32 v5, v3  }
0x4e2: {  	v4 =	vadd.f32 v10, v4;
	v5 =	vld [tilespmem:s29+$0x5870]  }
0x4e3: {  	v10 =	vld [tilespmem:s8+$0x5810];
	v3 =	vadd.f32 v6, v3  }
0x4e4: {  	v4 =	vadd.f32 v7, v4;
	v6 =	vld [tilespmem:s30+$0x5870]  }
0x4e5: {  	v7 =	vld [tilespmem:s24+$0x6010];
	v3 =	vadd.f32 v8, v3  }
0x4e6: {  	v4 =	vadd.f32 v9, v4;
	v8 =	vld [tilespmem:s28+$0x6070]  }
0x4e7: {  	v9 =	vld [tilespmem:s9+$0x5810];
	v3 =	vadd.f32 v5, v3  }
0x4e8: {  	v4 =	vadd.f32 v10, v4;
	v5 =	vld [tilespmem:s31+$0x5870]  }
0x4e9: {  	v3 =	vadd.f32 v6, v3  }
0x4ea: {  	v4 =	vadd.f32 v7, v4  }
0x4eb: {  	v3 =	vadd.f32 v8, v3  }
0x4ec: {  	v4 =	vadd.f32 v9, v4  }
0x4ed: {  	v3 =	vadd.f32 v5, v3  }
0x4ee: {  	[tilespmem:s10+$0xFFFFFBA0] =	vst v4  }
0x4ef: {  	v4 =	vld [tilespmem:s24+$0x5820];
	[tilespmem:s18+$0xFFFFFC00] =	vst v3  }
0x4f0: {  	v3 =	vld [tilespmem:s28+$0x5C00]  }
0x4f1: {  	v5 =	vld [tilespmem:s28+$0x5C80]  }
0x4f2: {  	v6 =	vld [tilespmem:s24+$0x58A0]  }
0x4f3: {  	v7 =	vld [tilespmem:s1+$0x5C00]  }
0x4f4: {  	v8 =	vld [tilespmem:s25+$0x5820]  }
0x4f5: {  	v9 =	vld [tilespmem:s0+$0x5C00]  }
0x4f6: {  	v10 =	vld [tilespmem:s4+$0x5820];
	v3 =	vadd.f32 v5, v3  }
0x4f7: {  	v5 =	vld [tilespmem:s22+$0x5C00]  }
0x4f8: {  	v4 =	vadd.f32 v6, v4;
	v6 =	vld [tilespmem:s5+$0x5820];
	v3 =	vadd.f32 v7, v3  }
0x4f9: {  	v7 =	vld [tilespmem:s23+$0x5C00]  }
0x4fa: {  	v4 =	vadd.f32 v8, v4;
	v8 =	vld [tilespmem:s6+$0x5820];
	v3 =	vadd.f32 v9, v3  }
0x4fb: {  	v9 =	vld [tilespmem:s29+$0x5C00]  }
0x4fc: {  	v4 =	vadd.f32 v10, v4;
	v10 =	vld [tilespmem:s7+$0x5820];
	v3 =	vadd.f32 v5, v3  }
0x4fd: {  	v5 =	vld [tilespmem:s30+$0x5C00]  }
0x4fe: {  	v11 =	vld [tilespmem:s8+$0x5820];
	v4 =	vadd.f32 v6, v4;
	v3 =	vadd.f32 v7, v3  }
0x4ff: {  	v6 =	vld [tilespmem:s28+$0x6400]  }
0x500: {  	v4 =	vadd.f32 v8, v4;
	v8 =	vld [tilespmem:s31+$0x5C00];
	v3 =	vadd.f32 v9, v3  }
0x501: {  	s19 =	simm.s32 $0x1400;
	s12 =	simm.s32 $0x1B00;
	s13 =	simm.s32 $0xD80;
	v7 =	vld [tilespmem:s24+$0x6020]  }
0x502: {  	s20 =	simm.s32 $0x1A00;
	s12 =	sand.u32 $0xF800, s12;
	s13 =	sand.u32 $0x380, s13;
	v4 =	vadd.f32 v10, v4;
	v3 =	vadd.f32 v5, v3  }
0x503: {  	s14 =	simm.s32 $0x1900;
	s16 =	simm.s32 $0xD00;
	s12 =	sor.u32 s13, s12;
	v5 =	vld [tilespmem:s9+$0x5820]  }
0x504: {  	s14 =	sand.u32 $0xF800, s14;
	s17 =	simm.s32 $0xC80;
	s2 =	simm.s32 $0x200;
	v4 =	vadd.f32 v11, v4;
	v3 =	vadd.f32 v6, v3  }
0x505: {  	s3 =	sand.u32 $0x7800, s19;
	s16 =	sand.u32 $0x300, s16;
	s11 =	sand.u32 $0x300, s2  }
0x506: {  	s19 =	sand.u32 $0x380, s17;
	s11 =	sor.u32 s11, s3;
	s3 =	sand.u32 $0xF800, s20;
	v4 =	vadd.f32 v7, v4;
	v3 =	vadd.f32 v8, v3  }
0x507: {  	v13 =	vld [tilespmem:s12+$0x5800];
	s26 =	sor.u32 s16, s3;
	s16 =	sor.u32 s19, s14  }
0x508: {  	v51 =	vld [tilespmem:s16+$0x5800];
	v4 =	vadd.f32 v5, v4;
	[tilespmem:s18+$0xFFFFFF90] =	vst v3  }
0x509: {  	v3 =	vld [tilespmem:s28+$0x5C10]  }
0x50a: {  	[tilespmem:s10+$0xFFFFFBB0] =	vst v4;
	v4 =	vld [tilespmem:s28+$0x5C90]  }
0x50b: {  	v8 =	vld [tilespmem:s1+$0x5C10]  }
0x50c: {  	v10 =	vld [tilespmem:s0+$0x5C10]  }
0x50d: {  	v7 =	vld [tilespmem:s24+$0x5830]  }
0x50e: {  	v9 =	vld [tilespmem:s24+$0x58B0]  }
0x50f: {  	v11 =	vld [tilespmem:s25+$0x5830];
	v3 =	vadd.f32 v4, v3  }
0x510: {  	v4 =	vld [tilespmem:s22+$0x5C10]  }
0x511: {  	v12 =	vld [tilespmem:s4+$0x5830];
	v3 =	vadd.f32 v8, v3  }
0x512: {  	v8 =	vld [tilespmem:s23+$0x5C10]  }
0x513: {  	v7 =	vadd.f32 v9, v7;
	v9 =	vld [tilespmem:s5+$0x5830];
	v3 =	vadd.f32 v10, v3  }
0x514: {  	v10 =	vld [tilespmem:s29+$0x5C10]  }
0x515: {  	v7 =	vadd.f32 v11, v7;
	v11 =	vld [tilespmem:s6+$0x5830];
	v3 =	vadd.f32 v4, v3  }
0x516: {  	v4 =	vld [tilespmem:s30+$0x5C10]  }
0x517: {  	v50 =	vld [tilespmem:s7+$0x5830];
	v7 =	vadd.f32 v12, v7;
	v3 =	vadd.f32 v8, v3  }
0x518: {  	v8 =	vld [tilespmem:s28+$0x6410]  }
0x519: {  	v7 =	vadd.f32 v9, v7;
	v9 =	vld [tilespmem:s8+$0x5830];
	v3 =	vadd.f32 v10, v3  }
0x51a: {  	v10 =	vld [tilespmem:s31+$0x5C10]  }
0x51b: {  	v6 =	vld [tilespmem:s11+$0x5800];
	v7 =	vadd.f32 v11, v7;
	v3 =	vadd.f32 v4, v3  }
0x51c: {  	v4 =	vld [tilespmem:s24+$0x6030]  }
0x51d: {  	s21 =	simm.s32 $0xC00;
	s15 =	simm.s32 $0x1800;
	s13 =	simm.s32 $0x1700;
	v5 =	vld [tilespmem:s11+$0x5880];
	v7 =	vadd.f32 v50, v7;
	v3 =	vadd.f32 v8, v3  }
0x51e: {  	s20 =	simm.s32 $0xB80;
	s3 =	sand.u32 $0xF800, s15;
	s15 =	sand.u32 $0x300, s21;
	v8 =	vld [tilespmem:s9+$0x5830]  }
0x51f: {  	s13 =	sand.u32 $0xF800, s13;
	s21 =	sand.u32 $0x380, s20;
	s14 =	sor.u32 s15, s3;
	v11 =	vld [tilespmem:s26+$0x5800];
	v7 =	vadd.f32 v9, v7;
	v3 =	vadd.f32 v10, v3  }
0x520: {  	s15 =	sor.u32 s21, s13;
	v9 =	vld [tilespmem:s14+$0x5800]  }
0x521: {  	s17 =	simm.s32 $0xB00;
	s13 =	simm.s32 $0x1600;
	v10 =	vld [tilespmem:s15+$0x5800];
	v4 =	vadd.f32 v4, v7;
	[tilespmem:s18+$0xFFFFFFA0] =	vst v3  }
0x522: {  	s3 =	sand.u32 $0xF800, s13;
	s13 =	sand.u32 $0x300, s17;
	v3 =	vld [tilespmem:s28+$0x5C20]  }
0x523: {  	s17 =	sor.u32 s13, s3;
	v4 =	vadd.f32 v8, v4;
	v7 =	vld [tilespmem:s28+$0x5CA0]  }
0x524: {  	v8 =	vld [tilespmem:s17+$0x5800]  }
0x525: {  	[tilespmem:s10+$0xFFFFFBC0] =	vst v4;
	v4 =	vld [tilespmem:s1+$0x5C20]  }
0x526: {  	v15 =	vld [tilespmem:s0+$0x5C20]  }
0x527: {  	v14 =	vld [tilespmem:s24+$0x5840]  }
0x528: {  	v16 =	vld [tilespmem:s24+$0x58C0];
	v3 =	vadd.f32 v7, v3  }
0x529: {  	v7 =	vld [tilespmem:s22+$0x5C20]  }
0x52a: {  	v17 =	vld [tilespmem:s25+$0x5840];
	v3 =	vadd.f32 v4, v3  }
0x52b: {  	v4 =	vadd.f32 v5, v6;
	v5 =	vld [tilespmem:s23+$0x5C20]  }
0x52c: {  	v6 =	vld [tilespmem:s4+$0x5840];
	v3 =	vadd.f32 v15, v3  }
0x52d: {  	v4 =	vadd.f32 v8, v4;
	v8 =	vld [tilespmem:s29+$0x5C20]  }
0x52e: {  	v52 =	vld [tilespmem:s5+$0x5840];
	v14 =	vadd.f32 v16, v14;
	v3 =	vadd.f32 v7, v3  }
0x52f: {  	v4 =	vadd.f32 v10, v4;
	v7 =	vld [tilespmem:s30+$0x5C20]  }
0x530: {  	v53 =	vld [tilespmem:s6+$0x5840];
	v10 =	vadd.f32 v17, v14;
	v3 =	vadd.f32 v5, v3  }
0x531: {  	v4 =	vadd.f32 v9, v4;
	v5 =	vld [tilespmem:s28+$0x6420]  }
0x532: {  	v6 =	vadd.f32 v6, v10;
	v9 =	vld [tilespmem:s7+$0x5840];
	v3 =	vadd.f32 v8, v3  }
0x533: {  	s19 =	simm.s32 $0x1D00;
	s21 =	simm.s32 $0xE80;
	v4 =	vadd.f32 v51, v4;
	v8 =	vld [tilespmem:s31+$0x5C20]  }
0x534: {  	s20 =	sand.u32 $0x380, s21;
	s3 =	sand.u32 $0xF800, s19;
	v10 =	vld [tilespmem:s11+$0x6000];
	v6 =	vadd.f32 v52, v6;
	v3 =	vadd.f32 v7, v3  }
0x535: {  	s20 =	sor.u32 s20, s3;
	v4 =	vadd.f32 v11, v4;
	v7 =	vld [tilespmem:s8+$0x5840]  }
0x536: {  	v11 =	vld [tilespmem:s20+$0x5800];
	v6 =	vadd.f32 v53, v6;
	v3 =	vadd.f32 v5, v3  }
0x537: {  	v4 =	vadd.f32 v13, v4;
	v5 =	vld [tilespmem:s24+$0x6040]  }
0x538: {  	v6 =	vadd.f32 v9, v6;
	v3 =	vadd.f32 v8, v3  }
0x539: {  	v8 =	vld [tilespmem:s9+$0x5840]  }
0x53a: {  	v4 =	vadd.f32 v10, v4;
	v6 =	vadd.f32 v7, v6;
	[tilespmem:s18+$0xFFFFFFB0] =	vst v3  }
0x53b: {  	v3 =	vld [tilespmem:s28+$0x5C30]  }
0x53c: {  	v4 =	vadd.f32 v11, v4;
	v5 =	vadd.f32 v5, v6;
	v6 =	vld [tilespmem:s28+$0x5CB0]  }
0x53d: {  	s13 =	sadd.s32 $0x80, s10  }
0x53e: {  	[tilespmem:s13+$0xFFFFFB90] =	vst v4;
	v4 =	vadd.f32 v8, v5;
	v5 =	vld [tilespmem:s1+$0x5C30]  }
0x53f: {  	v7 =	vld [tilespmem:s20+$0x5810]  }
0x540: {  	[tilespmem:s10+$0xFFFFFBD0] =	vst v4;
	v4 =	vld [tilespmem:s0+$0x5C30]  }
0x541: {  	v8 =	vld [tilespmem:s24+$0x5850];
	v3 =	vadd.f32 v6, v3  }
0x542: {  	v6 =	vld [tilespmem:s22+$0x5C30]  }
0x543: {  	v9 =	vld [tilespmem:s24+$0x58D0];
	v3 =	vadd.f32 v5, v3  }
0x544: {  	v5 =	vld [tilespmem:s23+$0x5C30]  }
0x545: {  	v10 =	vld [tilespmem:s25+$0x5850];
	v3 =	vadd.f32 v4, v3  }
0x546: {  	v4 =	vld [tilespmem:s29+$0x5C30]  }
0x547: {  	v11 =	vld [tilespmem:s4+$0x5850];
	v3 =	vadd.f32 v6, v3  }
0x548: {  	v6 =	vld [tilespmem:s30+$0x5C30]  }
0x549: {  	v8 =	vadd.f32 v9, v8;
	v9 =	vld [tilespmem:s5+$0x5850];
	v3 =	vadd.f32 v5, v3  }
0x54a: {  	v5 =	vld [tilespmem:s28+$0x6430]  }
0x54b: {  	v8 =	vadd.f32 v10, v8;
	v10 =	vld [tilespmem:s6+$0x5850];
	v3 =	vadd.f32 v4, v3  }
0x54c: {  	v4 =	vld [tilespmem:s31+$0x5C30]  }
0x54d: {  	v54 =	vld [tilespmem:s16+$0x5810];
	v8 =	vadd.f32 v11, v8;
	v3 =	vadd.f32 v6, v3  }
0x54e: {  	v6 =	vld [tilespmem:s7+$0x5850]  }
0x54f: {  	v55 =	vld [tilespmem:s11+$0x5810];
	v8 =	vadd.f32 v9, v8;
	v3 =	vadd.f32 v5, v3  }
0x550: {  	v5 =	vld [tilespmem:s8+$0x5850]  }
0x551: {  	v56 =	vld [tilespmem:s11+$0x5890];
	v8 =	vadd.f32 v10, v8;
	v3 =	vadd.f32 v4, v3  }
0x552: {  	v4 =	vld [tilespmem:s24+$0x6050]  }
0x553: {  	v6 =	vadd.f32 v6, v8;
	v8 =	vld [tilespmem:s9+$0x5850];
	[tilespmem:s18+$0xFFFFFFC0] =	vst v3  }
0x554: {  	v3 =	vld [tilespmem:s28+$0x5C40]  }
0x555: {  	v5 =	vadd.f32 v5, v6;
	v6 =	vld [tilespmem:s28+$0x5CC0]  }
0x556: {  	v11 =	vld [tilespmem:s14+$0x5810]  }
0x557: {  	v4 =	vadd.f32 v4, v5;
	v5 =	vld [tilespmem:s1+$0x5C40]  }
0x558: {  	v9 =	vld [tilespmem:s15+$0x5810]  }
0x559: {  	v4 =	vadd.f32 v8, v4;
	v8 =	vld [tilespmem:s0+$0x5C40]  }
0x55a: {  	v10 =	vld [tilespmem:s17+$0x5810];
	v3 =	vadd.f32 v6, v3  }
0x55b: {  	[tilespmem:s10+$0xFFFFFBE0] =	vst v4;
	v4 =	vld [tilespmem:s22+$0x5C40]  }
0x55c: {  	v6 =	vld [tilespmem:s24+$0x5860];
	v3 =	vadd.f32 v5, v3  }
0x55d: {  	v5 =	vld [tilespmem:s23+$0x5C40]  }
0x55e: {  	v57 =	vld [tilespmem:s24+$0x58E0];
	v3 =	vadd.f32 v8, v3  }
0x55f: {  	v8 =	vld [tilespmem:s29+$0x5C40]  }
0x560: {  	v58 =	vld [tilespmem:s25+$0x5860];
	v3 =	vadd.f32 v4, v3  }
0x561: {  	v59 =	vld [tilespmem:s30+$0x5C40];
	v4 =	vadd.f32 v56, v55  }
0x562: {  	v60 =	vld [tilespmem:s4+$0x5860];
	v3 =	vadd.f32 v5, v3  }
0x563: {  	v6 =	vadd.f32 v57, v6;
	v4 =	vadd.f32 v10, v4;
	v5 =	vld [tilespmem:s28+$0x6440]  }
0x564: {  	v10 =	vld [tilespmem:s5+$0x5860];
	v3 =	vadd.f32 v8, v3  }
0x565: {  	v6 =	vadd.f32 v58, v6;
	v4 =	vadd.f32 v9, v4;
	v8 =	vld [tilespmem:s31+$0x5C40]  }
0x566: {  	v9 =	vld [tilespmem:s26+$0x5810];
	v3 =	vadd.f32 v59, v3  }
0x567: {  	v6 =	vadd.f32 v60, v6;
	v4 =	vadd.f32 v11, v4;
	v11 =	vld [tilespmem:s6+$0x5860]  }
0x568: {  	v61 =	vld [tilespmem:s12+$0x5810];
	v3 =	vadd.f32 v5, v3  }
0x569: {  	v6 =	vadd.f32 v10, v6;
	v5 =	vld [tilespmem:s7+$0x5860]  }
0x56a: {  	v62 =	vld [tilespmem:s11+$0x6010];
	v4 =	vadd.f32 v54, v4;
	v3 =	vadd.f32 v8, v3  }
0x56b: {  	v8 =	vld [tilespmem:s8+$0x5860]  }
0x56c: {  	v4 =	vadd.f32 v9, v4;
	v9 =	vld [tilespmem:s24+$0x6060];
	v6 =	vadd.f32 v11, v6;
	[tilespmem:s18+$0xFFFFFFD0] =	vst v3  }
0x56d: {  	v3 =	vld [tilespmem:s28+$0x5C50]  }
0x56e: {  	v4 =	vadd.f32 v61, v4;
	v5 =	vadd.f32 v5, v6;
	v6 =	vld [tilespmem:s28+$0x5CD0]  }
0x56f: {  	v10 =	vld [tilespmem:s9+$0x5860]  }
0x570: {  	v4 =	vadd.f32 v62, v4;
	v5 =	vadd.f32 v8, v5;
	v8 =	vld [tilespmem:s1+$0x5C50];
	_ =	sdelay $0x1  }
0x571: {  	v4 =	vadd.f32 v7, v4;
	v7 =	vld [tilespmem:s0+$0x5C50];
	v5 =	vadd.f32 v9, v5  }
0x572: {  	v3 =	vadd.f32 v6, v3  }
0x573: {  	[tilespmem:s13+$0xFFFFFBA0] =	vst v4;
	v4 =	vadd.f32 v10, v5;
	v5 =	vld [tilespmem:s22+$0x5C50]  }
0x574: {  	v6 =	vld [tilespmem:s20+$0x5820];
	v3 =	vadd.f32 v8, v3  }
0x575: {  	[tilespmem:s10+$0xFFFFFBF0] =	vst v4;
	v4 =	vld [tilespmem:s23+$0x5C50]  }
0x576: {  	v10 =	vld [tilespmem:s24+$0x5870];
	v3 =	vadd.f32 v7, v3  }
0x577: {  	v7 =	vld [tilespmem:s29+$0x5C50]  }
0x578: {  	v11 =	vld [tilespmem:s24+$0x58F0];
	v3 =	vadd.f32 v5, v3  }
0x579: {  	v5 =	vld [tilespmem:s30+$0x5C50]  }
0x57a: {  	v9 =	vld [tilespmem:s25+$0x5870];
	s19 =	rddreg [dreg:$0x1a];
	v3 =	vadd.f32 v4, v3  }
0x57b: {  	s3 =	sshll.u32 s19, $0xB;
	v4 =	vld [tilespmem:s28+$0x6450]  }
0x57c: {  	v8 =	vld [tilespmem:s4+$0x5870];
	s3 =	sand.u32 $0x3FFFF800, s3;
	v63 =	vadd.f32 v7, v3  }
0x57d: {  	s3 =	sadd.s32 $0xA800, s3;
	v3 =	vld [tilespmem:s31+$0x5C50]  }
0x57e: {  	v11 =	vadd.f32 v11, v10;
	v7 =	vld [tilespmem:s11+$0x6020];
	[dreg:$0x1c] =	wrdreg s3;
	v5 =	vadd.f32 v5, v63  }
0x57f: {  	s3 =	simm.s32 $0x1E00;
	v10 =	vld [tilespmem:s5+$0x5870]  }
.LBB2_7:
0x580: {  	p0 =	sne.s32 s3, $0x4600;
	v12 =	vld [tilespmem:s12+$0x5820];
	v9 =	vadd.f32 v9, v11;
	v4 =	vadd.f32 v4, v5  }
0x581: {  	v5 =	vld [tilespmem:s6+$0x5870]  }
0x582: {  	v11 =	vld [tilespmem:s15+$0x5820];
	v8 =	vadd.f32 v8, v9;
	v3 =	vadd.f32 v3, v4  }
0x583: {  	v4 =	vld [tilespmem:s7+$0x5870]  }
0x584: {  	v8 =	vadd.f32 v10, v8;
	v9 =	vld [tilespmem:s8+$0x5870];
	[tilespmem:s18+$0xFFFFFFE0] =	vst v3  }
0x585: {  	v3 =	vld [tilespmem:s28+$0x5C60]  }
0x586: {  	v5 =	vadd.f32 v5, v8;
	v8 =	vld [tilespmem:s28+$0x5CE0]  }
0x587: {  	v10 =	vld [tilespmem:s24+$0x6070]  }
0x588: {  	v4 =	vadd.f32 v4, v5;
	v5 =	vld [tilespmem:s1+$0x5C60]  }
0x589: {  	v13 =	vld [tilespmem:s9+$0x5870]  }
0x58a: {  	v4 =	vadd.f32 v9, v4;
	v9 =	vld [tilespmem:s0+$0x5C60]  }
0x58b: {  	v14 =	vld [tilespmem:s17+$0x5820];
	v3 =	vadd.f32 v8, v3  }
0x58c: {  	v4 =	vadd.f32 v10, v4;
	v8 =	vld [tilespmem:s22+$0x5C60]  }
0x58d: {  	v10 =	vld [tilespmem:s11+$0x5820];
	v3 =	vadd.f32 v5, v3  }
0x58e: {  	v4 =	vadd.f32 v13, v4;
	v5 =	vld [tilespmem:s23+$0x5C60]  }
0x58f: {  	v13 =	vld [tilespmem:s11+$0x58A0];
	v3 =	vadd.f32 v9, v3  }
0x590: {  	[tilespmem:s10+$0xFFFFFC00] =	vst v4;
	v4 =	vld [tilespmem:s29+$0x5C60]  }
0x591: {  	v9 =	vld [tilespmem:s24+$0x5C00];
	v3 =	vadd.f32 v8, v3  }
0x592: {  	v8 =	vld [tilespmem:s30+$0x5C60]  }
0x593: {  	v15 =	vld [tilespmem:s24+$0x5C80];
	v3 =	vadd.f32 v5, v3  }
0x594: {  	v5 =	vld [tilespmem:s28+$0x6460]  }
0x595: {  	v16 =	vld [tilespmem:s25+$0x5C00];
	v3 =	vadd.f32 v4, v3  }
0x596: {  	v4 =	vadd.f32 v13, v10;
	v10 =	vld [tilespmem:s31+$0x5C60]  }
0x597: {  	v13 =	vld [tilespmem:s14+$0x5820];
	v3 =	vadd.f32 v8, v3  }
0x598: {  	v4 =	vadd.f32 v14, v4;
	v8 =	vld [tilespmem:s4+$0x5C00]  }
0x599: {  	v9 =	vadd.f32 v15, v9;
	v14 =	vld [tilespmem:s16+$0x5820];
	v3 =	vadd.f32 v5, v3  }
0x59a: {  	v4 =	vadd.f32 v11, v4;
	v5 =	vld [tilespmem:s5+$0x5C00]  }
0x59b: {  	v9 =	vadd.f32 v16, v9;
	v11 =	vld [tilespmem:s26+$0x5820];
	v3 =	vadd.f32 v10, v3  }
0x59c: {  	v10 =	vld [tilespmem:s6+$0x5C00]  }
0x59d: {  	v4 =	vadd.f32 v13, v4;
	v8 =	vadd.f32 v8, v9;
	v9 =	vld [tilespmem:s7+$0x5C00];
	[tilespmem:s18+$0xFFFFFFF0] =	vst v3  }
0x59e: {  	v3 =	vld [tilespmem:s28+$0x5C70]  }
0x59f: {  	v4 =	vadd.f32 v14, v4;
	v5 =	vadd.f32 v5, v8;
	v8 =	vld [tilespmem:s28+$0x5CF0]  }
0x5a0: {  	v13 =	vld [tilespmem:s8+$0x5C00]  }
0x5a1: {  	v4 =	vadd.f32 v11, v4;
	v5 =	vadd.f32 v10, v5;
	v10 =	vld [tilespmem:s1+$0x5C70];
	s1 =	smov.u32 s25;
	s25 =	smov.u32 s17  }
0x5a2: {  	v11 =	vld [tilespmem:s24+$0x6400]  }
0x5a3: {  	s2 =	sadd.s32 $0x100, s2;
	v4 =	vadd.f32 v12, v4;
	v5 =	vadd.f32 v9, v5;
	v9 =	vld [tilespmem:s0+$0x5C70];
	s0 =	smov.u32 s4;
	s4 =	smov.u32 s15  }
0x5a4: {  	s17 =	sand.u32 $0x300, s2;
	s15 =	sand.u32 $0x7800, s3;
	v12 =	vld [tilespmem:s9+$0x5C00];
	v8 =	vadd.f32 v8, v3  }
0x5a5: {  	s15 =	sor.u32 s17, s15;
	v4 =	vadd.f32 v7, v4;
	v5 =	vadd.f32 v13, v5;
	v7 =	vld [tilespmem:s22+$0x5C70];
	s22 =	smov.u32 s5;
	s5 =	smov.u32 s14  }
0x5a6: {  	v3 =	vld [tilespmem:s15+$0x5800];
	v8 =	vadd.f32 v10, v8  }
0x5a7: {  	v6 =	vadd.f32 v6, v4;
	v5 =	vadd.f32 v11, v5;
	v10 =	vld [tilespmem:s23+$0x5C70];
	s23 =	smov.u32 s6;
	s6 =	smov.u32 s16  }
0x5a8: {  	v4 =	vld [tilespmem:s15+$0x5880];
	v8 =	vadd.f32 v9, v8  }
0x5a9: {  	[tilespmem:s13+$0xFFFFFBB0] =	vst v6;
	v5 =	vadd.f32 v12, v5;
	v6 =	vld [tilespmem:s29+$0x5C70];
	s29 =	smov.u32 s7;
	s7 =	smov.u32 s26  }
0x5aa: {  	v9 =	vld [tilespmem:s11+$0x5830];
	v7 =	vadd.f32 v7, v8  }
0x5ab: {  	[tilespmem:s10+$0xFFFFFF90] =	vst v5;
	v5 =	vld [tilespmem:s30+$0x5C70];
	s30 =	smov.u32 s8;
	s8 =	smov.u32 s12  }
0x5ac: {  	v8 =	vld [tilespmem:s24+$0x5C10];
	v7 =	vadd.f32 v10, v7  }
0x5ad: {  	v10 =	vld [tilespmem:s28+$0x6470];
	s28 =	smov.u32 s24;
	s24 =	smov.u32 s11;
	s11 =	smov.u32 s15  }
0x5ae: {  	v11 =	vld [tilespmem:s28+$0x5C90];
	v6 =	vadd.f32 v6, v7  }
0x5af: {  	v7 =	vld [tilespmem:s31+$0x5C70];
	s31 =	smov.u32 s9;
	s9 =	smov.u32 s20  }
0x5b0: {  	v12 =	vld [tilespmem:s1+$0x5C10];
	v5 =	vadd.f32 v5, v6  }
0x5b1: {  	v6 =	vld [tilespmem:s24+$0x58B0]  }
0x5b2: {  	v13 =	vld [tilespmem:s0+$0x5C10];
	v5 =	vadd.f32 v10, v5  }
0x5b3: {  	v10 =	vld [tilespmem:s25+$0x5830];
	v8 =	vadd.f32 v11, v8  }
0x5b4: {  	v11 =	vld [tilespmem:s22+$0x5C10];
	v5 =	vadd.f32 v7, v5  }
0x5b5: {  	v7 =	vld [tilespmem:s4+$0x5830];
	v8 =	vadd.f32 v12, v8  }
0x5b6: {  	v12 =	vld [tilespmem:s23+$0x5C10];
	[tilespmem:s18+$0x0] =	vst v5;
	s18 =	smov.u32 s10;
	s10 =	smov.u32 s13  }
0x5b7: {  	v5 =	vadd.f32 v6, v9;
	v6 =	vld [tilespmem:s5+$0x5830];
	v8 =	vadd.f32 v13, v8  }
0x5b8: {  	v9 =	vld [tilespmem:s29+$0x5C10]  }
0x5b9: {  	v5 =	vadd.f32 v10, v5;
	v10 =	vld [tilespmem:s6+$0x5830];
	v8 =	vadd.f32 v11, v8  }
0x5ba: {  	v11 =	vld [tilespmem:s30+$0x5C10]  }
0x5bb: {  	s21 =	sadd.s32 $0x500, s21;
	v5 =	vadd.f32 v7, v5;
	v7 =	vld [tilespmem:s7+$0x5830];
	v8 =	vadd.f32 v12, v8  }
0x5bc: {  	s14 =	sadd.s32 $0x600, s3;
	s12 =	sadd.s32 $0x700, s3;
	s15 =	sadd.s32 $0xFFFFFF00, s21;
	v12 =	vld [tilespmem:s28+$0x6410]  }
0x5bd: {  	s16 =	sadd.s32 $0x500, s3;
	s12 =	sand.u32 $0xF800, s12;
	s15 =	sand.u32 $0x380, s15;
	v5 =	vadd.f32 v6, v5;
	v6 =	vld [tilespmem:s8+$0x5830];
	v8 =	vadd.f32 v9, v8  }
0x5be: {  	s19 =	sadd.s32 $0xFFFFFE80, s21;
	s17 =	sadd.s32 $0x400, s3;
	s12 =	sor.u32 s15, s12;
	v9 =	vld [tilespmem:s31+$0x5C10]  }
0x5bf: {  	s19 =	sand.u32 $0x300, s19;
	s14 =	sand.u32 $0xF800, s14;
	s15 =	sadd.s32 $0x300, s3;
	v5 =	vadd.f32 v10, v5;
	v13 =	vld [tilespmem:s12+$0x5800];
	v8 =	vadd.f32 v11, v8  }
0x5c0: {  	s16 =	sand.u32 $0xF800, s16;
	s26 =	sor.u32 s19, s14;
	s20 =	sadd.s32 $0xFFFFFE00, s21;
	v10 =	vld [tilespmem:s24+$0x6030]  }
0x5c1: {  	s14 =	sand.u32 $0xF800, s17;
	s17 =	sadd.s32 $0xFFFFFD80, s21;
	s19 =	sand.u32 $0x380, s20;
	v5 =	vadd.f32 v7, v5;
	v11 =	vld [tilespmem:s26+$0x5800];
	v7 =	vadd.f32 v12, v8  }
0x5c2: {  	s17 =	sand.u32 $0x300, s17;
	s20 =	sadd.s32 $0xFFFFFD00, s21;
	s16 =	sor.u32 s19, s16;
	v8 =	vld [tilespmem:s9+$0x5830]  }
0x5c3: {  	s14 =	sor.u32 s17, s14;
	s15 =	sand.u32 $0xF800, s15;
	s19 =	sand.u32 $0x380, s20;
	v5 =	vadd.f32 v6, v5;
	v12 =	vld [tilespmem:s16+$0x5800];
	v6 =	vadd.f32 v9, v7  }
0x5c4: {  	s15 =	sor.u32 s19, s15;
	v7 =	vld [tilespmem:s14+$0x5800]  }
0x5c5: {  	s17 =	sadd.s32 $0x200, s3;
	s19 =	sadd.s32 $0xFFFFFC80, s21;
	v9 =	vld [tilespmem:s15+$0x5800];
	v5 =	vadd.f32 v10, v5;
	[tilespmem:s18+$0xFFFFFFA0] =	vst v6  }
0x5c6: {  	s17 =	sand.u32 $0xF800, s17;
	s19 =	sand.u32 $0x300, s19;
	v6 =	vld [tilespmem:s28+$0x5C20]  }
0x5c7: {  	s17 =	sor.u32 s19, s17;
	v5 =	vadd.f32 v8, v5;
	v8 =	vld [tilespmem:s28+$0x5CA0]  }
0x5c8: {  	v10 =	vld [tilespmem:s17+$0x5800]  }
0x5c9: {  	[tilespmem:s13+$0xFFFFFBC0] =	vst v5;
	v5 =	vld [tilespmem:s1+$0x5C20]  }
0x5ca: {  	v14 =	vld [tilespmem:s24+$0x5840]  }
0x5cb: {  	v15 =	vld [tilespmem:s0+$0x5C20]  }
0x5cc: {  	v16 =	vld [tilespmem:s24+$0x58C0];
	v6 =	vadd.f32 v8, v6  }
0x5cd: {  	v8 =	vld [tilespmem:s22+$0x5C20]  }
0x5ce: {  	v17 =	vld [tilespmem:s25+$0x5840];
	v5 =	vadd.f32 v5, v6  }
0x5cf: {  	v3 =	vadd.f32 v4, v3;
	v4 =	vld [tilespmem:s23+$0x5C20]  }
0x5d0: {  	v6 =	vld [tilespmem:s4+$0x5840];
	v5 =	vadd.f32 v15, v5  }
0x5d1: {  	v3 =	vadd.f32 v10, v3;
	v10 =	vld [tilespmem:s29+$0x5C20]  }
0x5d2: {  	v14 =	vadd.f32 v16, v14;
	v15 =	vld [tilespmem:s5+$0x5840];
	v5 =	vadd.f32 v8, v5  }
0x5d3: {  	v3 =	vadd.f32 v9, v3;
	v8 =	vld [tilespmem:s30+$0x5C20]  }
0x5d4: {  	v9 =	vadd.f32 v17, v14;
	v14 =	vld [tilespmem:s6+$0x5840];
	v4 =	vadd.f32 v4, v5  }
0x5d5: {  	v3 =	vadd.f32 v7, v3;
	v5 =	vld [tilespmem:s28+$0x6420]  }
0x5d6: {  	v6 =	vadd.f32 v6, v9;
	v7 =	vld [tilespmem:s7+$0x5840];
	v4 =	vadd.f32 v10, v4  }
0x5d7: {  	s19 =	sadd.s32 $0x900, s3;
	v3 =	vadd.f32 v12, v3;
	v9 =	vld [tilespmem:s31+$0x5C20]  }
0x5d8: {  	s20 =	sand.u32 $0x380, s21;
	s19 =	sand.u32 $0xF800, s19;
	v6 =	vadd.f32 v15, v6;
	v10 =	vld [tilespmem:s11+$0x6000];
	v4 =	vadd.f32 v8, v4  }
0x5d9: {  	s20 =	sor.u32 s20, s19;
	v3 =	vadd.f32 v11, v3;
	v8 =	vld [tilespmem:s8+$0x5840]  }
0x5da: {  	v6 =	vadd.f32 v14, v6;
	v11 =	vld [tilespmem:s20+$0x5800];
	v4 =	vadd.f32 v5, v4  }
0x5db: {  	v3 =	vadd.f32 v13, v3;
	v5 =	vld [tilespmem:s24+$0x6040]  }
0x5dc: {  	v6 =	vadd.f32 v7, v6;
	v4 =	vadd.f32 v9, v4  }
0x5dd: {  	v7 =	vld [tilespmem:s9+$0x5840]  }
0x5de: {  	v3 =	vadd.f32 v10, v3;
	v6 =	vadd.f32 v8, v6;
	[tilespmem:s18+$0xFFFFFFB0] =	vst v4  }
0x5df: {  	v4 =	vld [tilespmem:s28+$0x5C30]  }
0x5e0: {  	v3 =	vadd.f32 v11, v3;
	v5 =	vadd.f32 v5, v6;
	v6 =	vld [tilespmem:s28+$0x5CB0]  }
0x5e1: {  	s13 =	sadd.s32 $0x80, s13  }
0x5e2: {  	[tilespmem:s13+$0xFFFFFB90] =	vst v3;
	v5 =	vadd.f32 v7, v5;
	v7 =	vld [tilespmem:s1+$0x5C30]  }
0x5e3: {  	v3 =	vld [tilespmem:s20+$0x5810]  }
0x5e4: {  	[tilespmem:s10+$0xFFFFFBD0] =	vst v5;
	v5 =	vld [tilespmem:s0+$0x5C30]  }
0x5e5: {  	v8 =	vld [tilespmem:s24+$0x5850];
	v4 =	vadd.f32 v6, v4  }
0x5e6: {  	v6 =	vld [tilespmem:s22+$0x5C30]  }
0x5e7: {  	v9 =	vld [tilespmem:s24+$0x58D0];
	v4 =	vadd.f32 v7, v4  }
0x5e8: {  	v7 =	vld [tilespmem:s23+$0x5C30]  }
0x5e9: {  	v10 =	vld [tilespmem:s25+$0x5850];
	v4 =	vadd.f32 v5, v4  }
0x5ea: {  	v5 =	vld [tilespmem:s29+$0x5C30]  }
0x5eb: {  	v11 =	vld [tilespmem:s4+$0x5850];
	v4 =	vadd.f32 v6, v4  }
0x5ec: {  	v6 =	vld [tilespmem:s30+$0x5C30]  }
0x5ed: {  	v8 =	vadd.f32 v9, v8;
	v9 =	vld [tilespmem:s5+$0x5850];
	v4 =	vadd.f32 v7, v4  }
0x5ee: {  	v7 =	vld [tilespmem:s28+$0x6430]  }
0x5ef: {  	v8 =	vadd.f32 v10, v8;
	v10 =	vld [tilespmem:s6+$0x5850];
	v4 =	vadd.f32 v5, v4  }
0x5f0: {  	v5 =	vld [tilespmem:s31+$0x5C30]  }
0x5f1: {  	v8 =	vadd.f32 v11, v8;
	v12 =	vld [tilespmem:s16+$0x5810];
	v4 =	vadd.f32 v6, v4  }
0x5f2: {  	v6 =	vld [tilespmem:s7+$0x5850]  }
0x5f3: {  	v8 =	vadd.f32 v9, v8;
	v11 =	vld [tilespmem:s14+$0x5810];
	v4 =	vadd.f32 v7, v4  }
0x5f4: {  	v7 =	vld [tilespmem:s8+$0x5850]  }
0x5f5: {  	v8 =	vadd.f32 v10, v8;
	v9 =	vld [tilespmem:s15+$0x5810];
	v4 =	vadd.f32 v5, v4  }
0x5f6: {  	v5 =	vld [tilespmem:s24+$0x6050]  }
0x5f7: {  	v6 =	vadd.f32 v6, v8;
	v8 =	vld [tilespmem:s9+$0x5850];
	[tilespmem:s18+$0xFFFFFFC0] =	vst v4  }
0x5f8: {  	v4 =	vld [tilespmem:s28+$0x5C40]  }
0x5f9: {  	v6 =	vadd.f32 v7, v6;
	v7 =	vld [tilespmem:s28+$0x5CC0]  }
0x5fa: {  	v10 =	vld [tilespmem:s17+$0x5810]  }
0x5fb: {  	v5 =	vadd.f32 v5, v6;
	v6 =	vld [tilespmem:s1+$0x5C40]  }
0x5fc: {  	v13 =	vld [tilespmem:s11+$0x5810]  }
0x5fd: {  	v5 =	vadd.f32 v8, v5;
	v8 =	vld [tilespmem:s0+$0x5C40]  }
0x5fe: {  	v14 =	vld [tilespmem:s11+$0x5890];
	v4 =	vadd.f32 v7, v4  }
0x5ff: {  	[tilespmem:s10+$0xFFFFFBE0] =	vst v5;
	v5 =	vld [tilespmem:s22+$0x5C40]  }
0x600: {  	v7 =	vld [tilespmem:s24+$0x5860];
	v4 =	vadd.f32 v6, v4  }
0x601: {  	v6 =	vld [tilespmem:s23+$0x5C40]  }
0x602: {  	v15 =	vld [tilespmem:s24+$0x58E0];
	v4 =	vadd.f32 v8, v4  }
0x603: {  	v8 =	vld [tilespmem:s29+$0x5C40]  }
0x604: {  	v16 =	vld [tilespmem:s25+$0x5860];
	v4 =	vadd.f32 v5, v4  }
0x605: {  	v5 =	vadd.f32 v14, v13;
	v13 =	vld [tilespmem:s30+$0x5C40]  }
0x606: {  	v14 =	vld [tilespmem:s4+$0x5860];
	v4 =	vadd.f32 v6, v4  }
0x607: {  	v5 =	vadd.f32 v10, v5;
	v6 =	vld [tilespmem:s28+$0x6440]  }
0x608: {  	v7 =	vadd.f32 v15, v7;
	v10 =	vld [tilespmem:s5+$0x5860];
	v4 =	vadd.f32 v8, v4  }
0x609: {  	v5 =	vadd.f32 v9, v5;
	v8 =	vld [tilespmem:s31+$0x5C40]  }
0x60a: {  	v7 =	vadd.f32 v16, v7;
	v9 =	vld [tilespmem:s26+$0x5810];
	v4 =	vadd.f32 v13, v4  }
0x60b: {  	v5 =	vadd.f32 v11, v5;
	v11 =	vld [tilespmem:s6+$0x5860]  }
0x60c: {  	v7 =	vadd.f32 v14, v7;
	v13 =	vld [tilespmem:s12+$0x5810];
	v4 =	vadd.f32 v6, v4  }
0x60d: {  	v5 =	vadd.f32 v12, v5;
	v6 =	vld [tilespmem:s7+$0x5860]  }
0x60e: {  	v7 =	vadd.f32 v10, v7;
	v12 =	vld [tilespmem:s11+$0x6010];
	v4 =	vadd.f32 v8, v4  }
0x60f: {  	v8 =	vld [tilespmem:s8+$0x5860]  }
0x610: {  	v5 =	vadd.f32 v9, v5;
	v7 =	vadd.f32 v11, v7;
	v9 =	vld [tilespmem:s24+$0x6060];
	[tilespmem:s18+$0xFFFFFFD0] =	vst v4  }
0x611: {  	v4 =	vld [tilespmem:s28+$0x5C50]  }
0x612: {  	v5 =	vadd.f32 v13, v5;
	v6 =	vadd.f32 v6, v7;
	v7 =	vld [tilespmem:s28+$0x5CD0]  }
0x613: {  	v10 =	vld [tilespmem:s9+$0x5860]  }
0x614: {  	v5 =	vadd.f32 v12, v5;
	v6 =	vadd.f32 v8, v6;
	v8 =	vld [tilespmem:s1+$0x5C50];
	_ =	sdelay $0x1  }
0x615: {  	v3 =	vadd.f32 v3, v5;
	v5 =	vadd.f32 v9, v6;
	v9 =	vld [tilespmem:s0+$0x5C50]  }
0x616: {  	v4 =	vadd.f32 v7, v4  }
0x617: {  	[tilespmem:s13+$0xFFFFFBA0] =	vst v3;
	v3 =	vadd.f32 v10, v5;
	v5 =	vld [tilespmem:s22+$0x5C50]  }
0x618: {  	v6 =	vld [tilespmem:s20+$0x5820];
	v4 =	vadd.f32 v8, v4  }
0x619: {  	[tilespmem:s10+$0xFFFFFBF0] =	vst v3;
	v3 =	vld [tilespmem:s23+$0x5C50]  }
0x61a: {  	v10 =	vld [tilespmem:s24+$0x5870];
	v4 =	vadd.f32 v9, v4  }
0x61b: {  	v7 =	vld [tilespmem:s29+$0x5C50]  }
0x61c: {  	v11 =	vld [tilespmem:s24+$0x58F0];
	v4 =	vadd.f32 v5, v4  }
0x61d: {  	v5 =	vld [tilespmem:s30+$0x5C50]  }
0x61e: {  	v9 =	vld [tilespmem:s25+$0x5870];
	v3 =	vadd.f32 v3, v4  }
.Ltmp2:
0x61f: {  	v4 =	vld [tilespmem:s28+$0x6450];
	(pc) =	sbr.rel @p0 .LBB2_7-.Ltmp2, $4  }
0x620: {  	v8 =	vld [tilespmem:s4+$0x5870];
	v12 =	vadd.f32 v7, v3  }
0x621: {  	v3 =	vld [tilespmem:s31+$0x5C50]  }
0x622: {  	v11 =	vadd.f32 v11, v10;
	v7 =	vld [tilespmem:s11+$0x6020];
	v5 =	vadd.f32 v5, v12  }
0x623: {  	s3 =	sadd.s32 $0xA00, s3;
	v10 =	vld [tilespmem:s5+$0x5870]  }
0x624: {  	v12 =	vld [tilespmem:s11+$0x5820]  }
0x625: {  	v13 =	vld [tilespmem:s11+$0x58A0];
	_ =	sdelay $0x1  }
0x626: {  	v14 =	vld [tilespmem:s17+$0x5820];
	_ =	sdelay $0x1  }
0x627: {  	v15 =	vld [tilespmem:s15+$0x5820]  }
0x628: {  	v12 =	vadd.f32 v13, v12  }
0x629: {  	v31 =	vld [tilespmem:s14+$0x5820]  }
0x62a: {  	v12 =	vadd.f32 v14, v12  }
0x62b: {  	v32 =	vld [tilespmem:s16+$0x5820]  }
0x62c: {  	v12 =	vadd.f32 v15, v12  }
0x62d: {  	v33 =	vld [tilespmem:s26+$0x5820]  }
0x62e: {  	v12 =	vadd.f32 v31, v12  }
0x62f: {  	v34 =	vld [tilespmem:s12+$0x5820]  }
0x630: {  	v12 =	vadd.f32 v32, v12;
	_ =	sdelay $0x1  }
0x631: {  	v12 =	vadd.f32 v33, v12;
	_ =	sdelay $0x1  }
0x632: {  	v12 =	vadd.f32 v34, v12;
	_ =	sdelay $0x1  }
0x633: {  	v7 =	vadd.f32 v7, v12;
	_ =	sdelay $0x1  }
0x634: {  	v6 =	vadd.f32 v6, v7;
	_ =	sdelay $0x1  }
0x635: {  	[tilespmem:s13+$0xFFFFFBB0] =	vst v6  }
0x636: {  	v6 =	vld [tilespmem:s11+$0x5830]  }
0x637: {  	v35 =	vld [tilespmem:s11+$0x58B0];
	_ =	sdelay $0x1  }
0x638: {  	v36 =	vld [tilespmem:s17+$0x5830];
	_ =	sdelay $0x1  }
0x639: {  	v37 =	vld [tilespmem:s15+$0x5830]  }
0x63a: {  	v6 =	vadd.f32 v35, v6  }
0x63b: {  	v38 =	vld [tilespmem:s14+$0x5830]  }
0x63c: {  	v6 =	vadd.f32 v36, v6  }
0x63d: {  	v39 =	vld [tilespmem:s16+$0x5830]  }
0x63e: {  	v6 =	vadd.f32 v37, v6  }
0x63f: {  	v40 =	vld [tilespmem:s26+$0x5830]  }
0x640: {  	v6 =	vadd.f32 v38, v6  }
0x641: {  	v41 =	vld [tilespmem:s12+$0x5830]  }
0x642: {  	v6 =	vadd.f32 v39, v6  }
0x643: {  	v42 =	vld [tilespmem:s11+$0x6030]  }
0x644: {  	v6 =	vadd.f32 v40, v6  }
0x645: {  	v43 =	vld [tilespmem:s20+$0x5830]  }
0x646: {  	v6 =	vadd.f32 v41, v6;
	_ =	sdelay $0x1  }
0x647: {  	v6 =	vadd.f32 v42, v6;
	_ =	sdelay $0x1  }
0x648: {  	v6 =	vadd.f32 v43, v6;
	_ =	sdelay $0x1  }
0x649: {  	[tilespmem:s13+$0xFFFFFBC0] =	vst v6  }
0x64a: {  	v6 =	vld [tilespmem:s11+$0x5840]  }
0x64b: {  	v44 =	vld [tilespmem:s11+$0x58C0];
	_ =	sdelay $0x1  }
0x64c: {  	v45 =	vld [tilespmem:s17+$0x5840];
	_ =	sdelay $0x1  }
0x64d: {  	v46 =	vld [tilespmem:s15+$0x5840]  }
0x64e: {  	v6 =	vadd.f32 v44, v6  }
0x64f: {  	v47 =	vld [tilespmem:s14+$0x5840]  }
0x650: {  	v6 =	vadd.f32 v45, v6  }
0x651: {  	v48 =	vld [tilespmem:s16+$0x5840]  }
0x652: {  	v6 =	vadd.f32 v46, v6  }
0x653: {  	v49 =	vld [tilespmem:s26+$0x5840]  }
0x654: {  	v6 =	vadd.f32 v47, v6  }
0x655: {  	v50 =	vld [tilespmem:s12+$0x5840]  }
0x656: {  	v6 =	vadd.f32 v48, v6  }
0x657: {  	v51 =	vld [tilespmem:s11+$0x6040]  }
0x658: {  	v6 =	vadd.f32 v49, v6  }
0x659: {  	v52 =	vld [tilespmem:s20+$0x5840]  }
0x65a: {  	v6 =	vadd.f32 v50, v6;
	_ =	sdelay $0x1  }
0x65b: {  	v6 =	vadd.f32 v51, v6;
	_ =	sdelay $0x1  }
0x65c: {  	v6 =	vadd.f32 v52, v6;
	_ =	sdelay $0x1  }
0x65d: {  	[tilespmem:s13+$0xFFFFFBD0] =	vst v6  }
0x65e: {  	v6 =	vld [tilespmem:s11+$0x5850]  }
0x65f: {  	v53 =	vld [tilespmem:s11+$0x58D0];
	_ =	sdelay $0x1  }
0x660: {  	v54 =	vld [tilespmem:s17+$0x5850];
	_ =	sdelay $0x1  }
0x661: {  	v55 =	vld [tilespmem:s15+$0x5850]  }
0x662: {  	v6 =	vadd.f32 v53, v6  }
0x663: {  	v56 =	vld [tilespmem:s14+$0x5850]  }
0x664: {  	v6 =	vadd.f32 v54, v6  }
0x665: {  	v57 =	vld [tilespmem:s16+$0x5850]  }
0x666: {  	v6 =	vadd.f32 v55, v6  }
0x667: {  	v58 =	vld [tilespmem:s26+$0x5850]  }
0x668: {  	v6 =	vadd.f32 v56, v6  }
0x669: {  	v59 =	vld [tilespmem:s12+$0x5850]  }
0x66a: {  	v6 =	vadd.f32 v57, v6  }
0x66b: {  	v60 =	vld [tilespmem:s11+$0x6050]  }
0x66c: {  	v6 =	vadd.f32 v58, v6  }
0x66d: {  	v61 =	vld [tilespmem:s20+$0x5850]  }
0x66e: {  	v6 =	vadd.f32 v59, v6;
	_ =	sdelay $0x1  }
0x66f: {  	v6 =	vadd.f32 v60, v6;
	_ =	sdelay $0x1  }
0x670: {  	v6 =	vadd.f32 v61, v6;
	_ =	sdelay $0x1  }
0x671: {  	[tilespmem:s13+$0xFFFFFBE0] =	vst v6  }
0x672: {  	v6 =	vld [tilespmem:s11+$0x5860]  }
0x673: {  	v62 =	vld [tilespmem:s11+$0x58E0];
	_ =	sdelay $0x1  }
0x674: {  	v63 =	vld [tilespmem:s17+$0x5860];
	_ =	sdelay $0x1  }
0x675: {  	v16 =	vld [tilespmem:s15+$0x5860]  }
0x676: {  	v6 =	vadd.f32 v62, v6  }
0x677: {  	v17 =	vld [tilespmem:s14+$0x5860]  }
0x678: {  	v6 =	vadd.f32 v63, v6  }
0x679: {  	v18 =	vld [tilespmem:s16+$0x5860]  }
0x67a: {  	v6 =	vadd.f32 v16, v6  }
0x67b: {  	v19 =	vld [tilespmem:s26+$0x5860]  }
0x67c: {  	v6 =	vadd.f32 v17, v6  }
0x67d: {  	v20 =	vld [tilespmem:s12+$0x5860]  }
0x67e: {  	v6 =	vadd.f32 v18, v6  }
0x67f: {  	v21 =	vld [tilespmem:s11+$0x6060]  }
0x680: {  	v6 =	vadd.f32 v19, v6  }
0x681: {  	v22 =	vld [tilespmem:s20+$0x5860]  }
0x682: {  	v6 =	vadd.f32 v20, v6;
	_ =	sdelay $0x1  }
0x683: {  	v6 =	vadd.f32 v21, v6;
	_ =	sdelay $0x1  }
0x684: {  	v6 =	vadd.f32 v22, v6;
	_ =	sdelay $0x1  }
0x685: {  	[tilespmem:s13+$0xFFFFFBF0] =	vst v6  }
0x686: {  	v6 =	vld [tilespmem:s11+$0x5870]  }
0x687: {  	v9 =	vadd.f32 v9, v11;
	v23 =	vld [tilespmem:s11+$0x58F0]  }
0x688: {  	v26 =	vld [tilespmem:s6+$0x5870]  }
0x689: {  	v27 =	vadd.f32 v8, v9;
	v24 =	vld [tilespmem:s17+$0x5870]  }
0x68a: {  	v29 =	vld [tilespmem:s7+$0x5870]  }
0x68b: {  	v7 =	vadd.f32 v10, v27;
	v25 =	vld [tilespmem:s15+$0x5870]  }
0x68c: {  	v31 =	vld [tilespmem:s8+$0x5870];
	v6 =	vadd.f32 v23, v6  }
0x68d: {  	v7 =	vadd.f32 v26, v7;
	v28 =	vld [tilespmem:s14+$0x5870]  }
0x68e: {  	v33 =	vld [tilespmem:s24+$0x6070];
	v6 =	vadd.f32 v24, v6  }
0x68f: {  	v7 =	vadd.f32 v29, v7;
	v30 =	vld [tilespmem:s16+$0x5870]  }
0x690: {  	v35 =	vld [tilespmem:s9+$0x5870];
	v6 =	vadd.f32 v25, v6  }
0x691: {  	v7 =	vadd.f32 v31, v7;
	v32 =	vld [tilespmem:s26+$0x5870]  }
0x692: {  	v6 =	vadd.f32 v28, v6  }
0x693: {  	v7 =	vadd.f32 v33, v7;
	v34 =	vld [tilespmem:s12+$0x5870]  }
0x694: {  	v6 =	vadd.f32 v30, v6  }
0x695: {  	v7 =	vadd.f32 v35, v7;
	v36 =	vld [tilespmem:s11+$0x6070]  }
0x696: {  	v6 =	vadd.f32 v32, v6  }
0x697: {  	[tilespmem:s10+$0xFFFFFC00] =	vst v7;
	v37 =	vld [tilespmem:s20+$0x5870]  }
0x698: {  	v7 =	vld [tilespmem:s24+$0x5C00];
	v6 =	vadd.f32 v34, v6  }
0x699: {  	v38 =	vld [tilespmem:s24+$0x5C80]  }
0x69a: {  	v6 =	vadd.f32 v36, v6  }
0x69b: {  	v39 =	vld [tilespmem:s25+$0x5C00]  }
0x69c: {  	v6 =	vadd.f32 v37, v6  }
0x69d: {  	v41 =	vld [tilespmem:s4+$0x5C00]  }
0x69e: {  	v7 =	vadd.f32 v38, v7;
	v43 =	vld [tilespmem:s5+$0x5C00];
	[tilespmem:s13+$0xFFFFFC00] =	vst v6  }
0x69f: {  	v6 =	vld [tilespmem:s11+$0x5C00]  }
0x6a0: {  	v7 =	vadd.f32 v39, v7;
	v40 =	vld [tilespmem:s11+$0x5C80]  }
0x6a1: {  	v45 =	vld [tilespmem:s6+$0x5C00]  }
0x6a2: {  	v7 =	vadd.f32 v41, v7;
	v42 =	vld [tilespmem:s17+$0x5C00]  }
0x6a3: {  	v47 =	vld [tilespmem:s7+$0x5C00]  }
0x6a4: {  	v7 =	vadd.f32 v43, v7;
	v44 =	vld [tilespmem:s15+$0x5C00]  }
0x6a5: {  	v49 =	vld [tilespmem:s8+$0x5C00];
	v6 =	vadd.f32 v40, v6  }
0x6a6: {  	v7 =	vadd.f32 v45, v7;
	v46 =	vld [tilespmem:s14+$0x5C00]  }
0x6a7: {  	v51 =	vld [tilespmem:s24+$0x6400];
	v6 =	vadd.f32 v42, v6  }
0x6a8: {  	v7 =	vadd.f32 v47, v7;
	v48 =	vld [tilespmem:s16+$0x5C00]  }
0x6a9: {  	v53 =	vld [tilespmem:s9+$0x5C00];
	v6 =	vadd.f32 v44, v6  }
0x6aa: {  	v7 =	vadd.f32 v49, v7;
	v50 =	vld [tilespmem:s26+$0x5C00]  }
0x6ab: {  	v6 =	vadd.f32 v46, v6  }
0x6ac: {  	v7 =	vadd.f32 v51, v7;
	v52 =	vld [tilespmem:s12+$0x5C00]  }
0x6ad: {  	v6 =	vadd.f32 v48, v6  }
0x6ae: {  	v7 =	vadd.f32 v53, v7;
	v54 =	vld [tilespmem:s11+$0x6400]  }
0x6af: {  	v6 =	vadd.f32 v50, v6  }
0x6b0: {  	[tilespmem:s10+$0xFFFFFF90] =	vst v7;
	v55 =	vld [tilespmem:s20+$0x5C00]  }
0x6b1: {  	v7 =	vld [tilespmem:s24+$0x5C10];
	v6 =	vadd.f32 v52, v6  }
0x6b2: {  	v56 =	vld [tilespmem:s24+$0x5C90]  }
0x6b3: {  	v6 =	vadd.f32 v54, v6  }
0x6b4: {  	v57 =	vld [tilespmem:s25+$0x5C10]  }
0x6b5: {  	v6 =	vadd.f32 v55, v6  }
0x6b6: {  	v59 =	vld [tilespmem:s4+$0x5C10]  }
0x6b7: {  	v7 =	vadd.f32 v56, v7;
	v61 =	vld [tilespmem:s5+$0x5C10];
	[tilespmem:s13+$0xFFFFFF90] =	vst v6  }
0x6b8: {  	v6 =	vld [tilespmem:s11+$0x5C10]  }
0x6b9: {  	v7 =	vadd.f32 v57, v7;
	v58 =	vld [tilespmem:s11+$0x5C90]  }
0x6ba: {  	v63 =	vld [tilespmem:s6+$0x5C10]  }
0x6bb: {  	v7 =	vadd.f32 v59, v7;
	v60 =	vld [tilespmem:s17+$0x5C10]  }
0x6bc: {  	v17 =	vld [tilespmem:s7+$0x5C10]  }
0x6bd: {  	v7 =	vadd.f32 v61, v7;
	v62 =	vld [tilespmem:s15+$0x5C10]  }
0x6be: {  	v19 =	vld [tilespmem:s8+$0x5C10];
	v6 =	vadd.f32 v58, v6  }
0x6bf: {  	v7 =	vadd.f32 v63, v7;
	v16 =	vld [tilespmem:s14+$0x5C10]  }
0x6c0: {  	v21 =	vld [tilespmem:s24+$0x6410];
	v6 =	vadd.f32 v60, v6  }
0x6c1: {  	v7 =	vadd.f32 v17, v7;
	v18 =	vld [tilespmem:s16+$0x5C10]  }
0x6c2: {  	v23 =	vld [tilespmem:s9+$0x5C10];
	v6 =	vadd.f32 v62, v6  }
0x6c3: {  	v7 =	vadd.f32 v19, v7;
	v20 =	vld [tilespmem:s26+$0x5C10]  }
0x6c4: {  	v6 =	vadd.f32 v16, v6  }
0x6c5: {  	v7 =	vadd.f32 v21, v7;
	v22 =	vld [tilespmem:s12+$0x5C10]  }
0x6c6: {  	v6 =	vadd.f32 v18, v6  }
0x6c7: {  	v7 =	vadd.f32 v23, v7;
	v24 =	vld [tilespmem:s11+$0x6410]  }
0x6c8: {  	v6 =	vadd.f32 v20, v6  }
0x6c9: {  	[tilespmem:s10+$0xFFFFFFA0] =	vst v7;
	v25 =	vld [tilespmem:s20+$0x5C10]  }
0x6ca: {  	v7 =	vld [tilespmem:s24+$0x5C20];
	v6 =	vadd.f32 v22, v6  }
0x6cb: {  	v26 =	vld [tilespmem:s24+$0x5CA0]  }
0x6cc: {  	v6 =	vadd.f32 v24, v6  }
0x6cd: {  	v27 =	vld [tilespmem:s25+$0x5C20]  }
0x6ce: {  	v6 =	vadd.f32 v25, v6  }
0x6cf: {  	v29 =	vld [tilespmem:s4+$0x5C20]  }
0x6d0: {  	v31 =	vld [tilespmem:s5+$0x5C20];
	v7 =	vadd.f32 v26, v7;
	[tilespmem:s13+$0xFFFFFFA0] =	vst v6  }
0x6d1: {  	v6 =	vld [tilespmem:s11+$0x5C20]  }
0x6d2: {  	v7 =	vadd.f32 v27, v7;
	v28 =	vld [tilespmem:s11+$0x5CA0]  }
0x6d3: {  	v33 =	vld [tilespmem:s6+$0x5C20]  }
0x6d4: {  	v7 =	vadd.f32 v29, v7;
	v30 =	vld [tilespmem:s17+$0x5C20]  }
0x6d5: {  	v35 =	vld [tilespmem:s7+$0x5C20]  }
0x6d6: {  	v7 =	vadd.f32 v31, v7;
	v32 =	vld [tilespmem:s15+$0x5C20]  }
0x6d7: {  	v37 =	vld [tilespmem:s8+$0x5C20];
	v6 =	vadd.f32 v28, v6  }
0x6d8: {  	v7 =	vadd.f32 v33, v7;
	v34 =	vld [tilespmem:s14+$0x5C20]  }
0x6d9: {  	v39 =	vld [tilespmem:s24+$0x6420];
	v6 =	vadd.f32 v30, v6  }
0x6da: {  	v7 =	vadd.f32 v35, v7;
	v36 =	vld [tilespmem:s16+$0x5C20]  }
0x6db: {  	v41 =	vld [tilespmem:s9+$0x5C20];
	v6 =	vadd.f32 v32, v6  }
0x6dc: {  	v7 =	vadd.f32 v37, v7;
	v38 =	vld [tilespmem:s26+$0x5C20]  }
0x6dd: {  	v6 =	vadd.f32 v34, v6  }
0x6de: {  	v7 =	vadd.f32 v39, v7;
	v40 =	vld [tilespmem:s12+$0x5C20]  }
0x6df: {  	v6 =	vadd.f32 v36, v6  }
0x6e0: {  	v7 =	vadd.f32 v41, v7;
	v42 =	vld [tilespmem:s11+$0x6420]  }
0x6e1: {  	v6 =	vadd.f32 v38, v6  }
0x6e2: {  	[tilespmem:s10+$0xFFFFFFB0] =	vst v7;
	v43 =	vld [tilespmem:s20+$0x5C20]  }
0x6e3: {  	v7 =	vld [tilespmem:s24+$0x5C30];
	v6 =	vadd.f32 v40, v6  }
0x6e4: {  	v44 =	vld [tilespmem:s24+$0x5CB0]  }
0x6e5: {  	v6 =	vadd.f32 v42, v6  }
0x6e6: {  	v45 =	vld [tilespmem:s25+$0x5C30]  }
0x6e7: {  	v6 =	vadd.f32 v43, v6  }
0x6e8: {  	v47 =	vld [tilespmem:s4+$0x5C30]  }
0x6e9: {  	v49 =	vld [tilespmem:s5+$0x5C30];
	v7 =	vadd.f32 v44, v7;
	[tilespmem:s13+$0xFFFFFFB0] =	vst v6  }
0x6ea: {  	v6 =	vld [tilespmem:s11+$0x5C30]  }
0x6eb: {  	v7 =	vadd.f32 v45, v7;
	v46 =	vld [tilespmem:s11+$0x5CB0]  }
0x6ec: {  	v51 =	vld [tilespmem:s6+$0x5C30]  }
0x6ed: {  	v7 =	vadd.f32 v47, v7;
	v48 =	vld [tilespmem:s17+$0x5C30]  }
0x6ee: {  	v53 =	vld [tilespmem:s7+$0x5C30]  }
0x6ef: {  	v7 =	vadd.f32 v49, v7;
	v50 =	vld [tilespmem:s15+$0x5C30]  }
0x6f0: {  	v55 =	vld [tilespmem:s8+$0x5C30];
	v6 =	vadd.f32 v46, v6  }
0x6f1: {  	v4 =	vadd.f32 v4, v5;
	v56 =	vadd.f32 v51, v7;
	v52 =	vld [tilespmem:s14+$0x5C30]  }
0x6f2: {  	v58 =	vld [tilespmem:s24+$0x6430];
	v6 =	vadd.f32 v48, v6  }
0x6f3: {  	v3 =	vadd.f32 v3, v4;
	v59 =	vadd.f32 v53, v56;
	v54 =	vld [tilespmem:s16+$0x5C30]  }
0x6f4: {  	v61 =	vld [tilespmem:s9+$0x5C30];
	v6 =	vadd.f32 v50, v6  }
0x6f5: {  	[tilespmem:s18+$0xFFFFFFE0] =	vst v3;
	v3 =	vadd.f32 v55, v59;
	v57 =	vld [tilespmem:s26+$0x5C30]  }
0x6f6: {  	v6 =	vadd.f32 v52, v6  }
0x6f7: {  	v3 =	vadd.f32 v58, v3;
	v60 =	vld [tilespmem:s12+$0x5C30]  }
0x6f8: {  	v6 =	vadd.f32 v54, v6  }
0x6f9: {  	v3 =	vadd.f32 v61, v3;
	v62 =	vld [tilespmem:s11+$0x6430]  }
0x6fa: {  	v63 =	vld [tilespmem:s28+$0x5C60];
	v6 =	vadd.f32 v57, v6  }
0x6fb: {  	[tilespmem:s10+$0xFFFFFFC0] =	vst v3;
	v17 =	vld [tilespmem:s20+$0x5C30]  }
0x6fc: {  	v3 =	vld [tilespmem:s24+$0x5C40];
	v5 =	vadd.f32 v60, v6  }
0x6fd: {  	v22 =	vld [tilespmem:s24+$0x5CC0]  }
0x6fe: {  	v19 =	vld [tilespmem:s1+$0x5C60];
	v4 =	vadd.f32 v62, v5  }
0x6ff: {  	v23 =	vld [tilespmem:s25+$0x5C40]  }
0x700: {  	v21 =	vld [tilespmem:s22+$0x5C60];
	v4 =	vadd.f32 v17, v4  }
0x701: {  	v25 =	vld [tilespmem:s4+$0x5C40]  }
0x702: {  	v27 =	vld [tilespmem:s5+$0x5C40];
	v3 =	vadd.f32 v22, v3;
	[tilespmem:s13+$0xFFFFFFC0] =	vst v4  }
0x703: {  	v4 =	vld [tilespmem:s11+$0x5C40]  }
0x704: {  	v3 =	vadd.f32 v23, v3;
	v24 =	vld [tilespmem:s11+$0x5CC0]  }
0x705: {  	v29 =	vld [tilespmem:s6+$0x5C40]  }
0x706: {  	v3 =	vadd.f32 v25, v3;
	v26 =	vld [tilespmem:s17+$0x5C40]  }
0x707: {  	v31 =	vld [tilespmem:s7+$0x5C40]  }
0x708: {  	v3 =	vadd.f32 v27, v3;
	v28 =	vld [tilespmem:s15+$0x5C40]  }
0x709: {  	v33 =	vld [tilespmem:s8+$0x5C40];
	v4 =	vadd.f32 v24, v4  }
0x70a: {  	v3 =	vadd.f32 v29, v3;
	v30 =	vld [tilespmem:s14+$0x5C40]  }
0x70b: {  	v35 =	vld [tilespmem:s24+$0x6440];
	v4 =	vadd.f32 v26, v4  }
0x70c: {  	v3 =	vadd.f32 v31, v3;
	v32 =	vld [tilespmem:s16+$0x5C40]  }
0x70d: {  	v37 =	vld [tilespmem:s9+$0x5C40];
	v4 =	vadd.f32 v28, v4  }
0x70e: {  	v3 =	vadd.f32 v33, v3;
	v34 =	vld [tilespmem:s26+$0x5C40]  }
0x70f: {  	v39 =	vld [tilespmem:s23+$0x5C60];
	v4 =	vadd.f32 v30, v4  }
0x710: {  	v3 =	vadd.f32 v35, v3;
	v36 =	vld [tilespmem:s12+$0x5C40]  }
0x711: {  	v41 =	vld [tilespmem:s29+$0x5C60];
	v4 =	vadd.f32 v32, v4  }
0x712: {  	v3 =	vadd.f32 v37, v3;
	v38 =	vld [tilespmem:s11+$0x6440]  }
0x713: {  	v18 =	vld [tilespmem:s28+$0x5CE0];
	v4 =	vadd.f32 v34, v4  }
0x714: {  	[tilespmem:s10+$0xFFFFFFD0] =	vst v3;
	v40 =	vld [tilespmem:s20+$0x5C40]  }
0x715: {  	v3 =	vld [tilespmem:s24+$0x5C50];
	v4 =	vadd.f32 v36, v4  }
0x716: {  	v45 =	vld [tilespmem:s24+$0x5CD0]  }
0x717: {  	v20 =	vld [tilespmem:s0+$0x5C60];
	v4 =	vadd.f32 v38, v4  }
0x718: {  	v46 =	vld [tilespmem:s25+$0x5C50]  }
0x719: {  	v16 =	vld [tilespmem:s4+$0x5C50];
	v4 =	vadd.f32 v40, v4  }
0x71a: {  	v49 =	vld [tilespmem:s5+$0x5C50]  }
0x71b: {  	v51 =	vld [tilespmem:s6+$0x5C50];
	v3 =	vadd.f32 v45, v3;
	[tilespmem:s13+$0xFFFFFFD0] =	vst v4  }
0x71c: {  	v4 =	vld [tilespmem:s11+$0x5C50]  }
0x71d: {  	v3 =	vadd.f32 v46, v3;
	v47 =	vld [tilespmem:s11+$0x5CD0]  }
0x71e: {  	v53 =	vld [tilespmem:s7+$0x5C50]  }
0x71f: {  	v3 =	vadd.f32 v16, v3;
	v48 =	vld [tilespmem:s17+$0x5C50]  }
0x720: {  	v8 =	vadd.f32 v18, v63;
	v55 =	vld [tilespmem:s8+$0x5C50]  }
0x721: {  	v3 =	vadd.f32 v49, v3;
	v50 =	vld [tilespmem:s15+$0x5C50]  }
0x722: {  	v59 =	vld [tilespmem:s9+$0x5C50];
	v6 =	vadd.f32 v19, v8;
	v4 =	vadd.f32 v47, v4  }
0x723: {  	v3 =	vadd.f32 v51, v3;
	v52 =	vld [tilespmem:s14+$0x5C50]  }
0x724: {  	v57 =	vld [tilespmem:s24+$0x6450];
	v6 =	vadd.f32 v20, v6;
	v4 =	vadd.f32 v48, v4  }
0x725: {  	v3 =	vadd.f32 v53, v3;
	v54 =	vld [tilespmem:s16+$0x5C50]  }
0x726: {  	v42 =	vld [tilespmem:s30+$0x5C60];
	v5 =	vadd.f32 v21, v6;
	v4 =	vadd.f32 v50, v4  }
0x727: {  	v3 =	vadd.f32 v55, v3;
	v56 =	vld [tilespmem:s26+$0x5C50]  }
0x728: {  	v43 =	vld [tilespmem:s28+$0x6460];
	v5 =	vadd.f32 v39, v5;
	v4 =	vadd.f32 v52, v4  }
0x729: {  	v3 =	vadd.f32 v57, v3;
	v58 =	vld [tilespmem:s12+$0x5C50]  }
0x72a: {  	v44 =	vld [tilespmem:s31+$0x5C60];
	v5 =	vadd.f32 v41, v5;
	v4 =	vadd.f32 v54, v4  }
0x72b: {  	v3 =	vadd.f32 v59, v3;
	v60 =	vld [tilespmem:s11+$0x6450]  }
0x72c: {  	v5 =	vadd.f32 v42, v5;
	v4 =	vadd.f32 v56, v4  }
0x72d: {  	[tilespmem:s10+$0xFFFFFFE0] =	vst v3;
	v61 =	vld [tilespmem:s20+$0x5C50]  }
0x72e: {  	v3 =	vld [tilespmem:s24+$0x5C60];
	v5 =	vadd.f32 v43, v5;
	v4 =	vadd.f32 v58, v4  }
0x72f: {  	v23 =	vld [tilespmem:s24+$0x5CE0]  }
0x730: {  	v24 =	vld [tilespmem:s25+$0x5C60];
	v5 =	vadd.f32 v44, v5;
	v4 =	vadd.f32 v60, v4  }
0x731: {  	v26 =	vld [tilespmem:s4+$0x5C60]  }
0x732: {  	[tilespmem:s18+$0xFFFFFFF0] =	vst v5;
	v28 =	vld [tilespmem:s5+$0x5C60];
	v4 =	vadd.f32 v61, v4  }
0x733: {  	v62 =	vld [tilespmem:s1+$0x5C70]  }
0x734: {  	v63 =	vld [tilespmem:s0+$0x5C70];
	[tilespmem:s13+$0xFFFFFFE0] =	vst v4  }
0x735: {  	v4 =	vld [tilespmem:s11+$0x5C60]  }
0x736: {  	v25 =	vld [tilespmem:s11+$0x5CE0]  }
0x737: {  	v21 =	vld [tilespmem:s22+$0x5C70]  }
0x738: {  	v27 =	vld [tilespmem:s17+$0x5C60]  }
0x739: {  	v3 =	vadd.f32 v23, v3;
	v22 =	vld [tilespmem:s23+$0x5C70]  }
0x73a: {  	v29 =	vld [tilespmem:s15+$0x5C60]  }
0x73b: {  	v3 =	vadd.f32 v24, v3;
	v30 =	vld [tilespmem:s6+$0x5C60];
	v4 =	vadd.f32 v25, v4  }
0x73c: {  	v31 =	vld [tilespmem:s14+$0x5C60]  }
0x73d: {  	v3 =	vadd.f32 v26, v3;
	v32 =	vld [tilespmem:s7+$0x5C60];
	v4 =	vadd.f32 v27, v4  }
0x73e: {  	v33 =	vld [tilespmem:s16+$0x5C60]  }
0x73f: {  	v3 =	vadd.f32 v28, v3;
	v34 =	vld [tilespmem:s8+$0x5C60];
	v4 =	vadd.f32 v29, v4  }
0x740: {  	v35 =	vld [tilespmem:s26+$0x5C60]  }
0x741: {  	v3 =	vadd.f32 v30, v3;
	v36 =	vld [tilespmem:s24+$0x6460];
	v4 =	vadd.f32 v31, v4  }
0x742: {  	v37 =	vld [tilespmem:s12+$0x5C60]  }
0x743: {  	v3 =	vadd.f32 v32, v3;
	v38 =	vld [tilespmem:s9+$0x5C60];
	v4 =	vadd.f32 v33, v4  }
0x744: {  	v39 =	vld [tilespmem:s11+$0x6460]  }
0x745: {  	v42 =	vld [tilespmem:s30+$0x5C70];
	v3 =	vadd.f32 v34, v3;
	v4 =	vadd.f32 v35, v4  }
0x746: {  	v41 =	vld [tilespmem:s20+$0x5C60]  }
0x747: {  	v43 =	vld [tilespmem:s28+$0x5C70];
	v3 =	vadd.f32 v36, v3;
	v4 =	vadd.f32 v37, v4  }
0x748: {  	v44 =	vld [tilespmem:s28+$0x5CF0]  }
0x749: {  	v45 =	vld [tilespmem:s28+$0x6470];
	v3 =	vadd.f32 v38, v3;
	v4 =	vadd.f32 v39, v4  }
0x74a: {  	v46 =	vld [tilespmem:s31+$0x5C70]  }
0x74b: {  	v40 =	vld [tilespmem:s29+$0x5C70];
	[tilespmem:s10+$0xFFFFFFF0] =	vst v3;
	v3 =	vadd.f32 v41, v4  }
0x74c: {  	v47 =	vld [tilespmem:s24+$0x5C70]  }
0x74d: {  	v48 =	vld [tilespmem:s24+$0x5CF0];
	[tilespmem:s13+$0xFFFFFFF0] =	vst v3  }
0x74e: {  	v3 =	vld [tilespmem:s11+$0x5C70]  }
0x74f: {  	v49 =	vld [tilespmem:s11+$0x5CF0]  }
0x750: {  	v17 =	vld [tilespmem:s25+$0x5C70]  }
0x751: {  	v18 =	vld [tilespmem:s17+$0x5C70]  }
0x752: {  	v10 =	vadd.f32 v44, v43;
	v19 =	vld [tilespmem:s4+$0x5C70]  }
0x753: {  	v4 =	vadd.f32 v48, v47;
	v50 =	vld [tilespmem:s15+$0x5C70]  }
0x754: {  	v6 =	vadd.f32 v62, v10;
	v51 =	vld [tilespmem:s5+$0x5C70];
	v3 =	vadd.f32 v49, v3  }
0x755: {  	v4 =	vadd.f32 v17, v4;
	v52 =	vld [tilespmem:s14+$0x5C70]  }
0x756: {  	v6 =	vadd.f32 v63, v6;
	v53 =	vld [tilespmem:s6+$0x5C70];
	v3 =	vadd.f32 v18, v3  }
0x757: {  	v54 =	vld [tilespmem:s16+$0x5C70];
	v4 =	vadd.f32 v19, v4  }
0x758: {  	v6 =	vadd.f32 v21, v6;
	v55 =	vld [tilespmem:s7+$0x5C70];
	v3 =	vadd.f32 v50, v3  }
0x759: {  	v56 =	vld [tilespmem:s26+$0x5C70];
	v4 =	vadd.f32 v51, v4  }
0x75a: {  	v6 =	vadd.f32 v22, v6;
	v57 =	vld [tilespmem:s8+$0x5C70];
	v3 =	vadd.f32 v52, v3  }
0x75b: {  	v58 =	vld [tilespmem:s12+$0x5C70];
	v4 =	vadd.f32 v53, v4  }
0x75c: {  	v6 =	vadd.f32 v40, v6;
	v59 =	vld [tilespmem:s24+$0x6470];
	v3 =	vadd.f32 v54, v3  }
0x75d: {  	v60 =	vld [tilespmem:s11+$0x6470];
	v4 =	vadd.f32 v55, v4  }
0x75e: {  	v6 =	vadd.f32 v42, v6;
	v61 =	vld [tilespmem:s9+$0x5C70];
	v3 =	vadd.f32 v56, v3  }
0x75f: {  	v62 =	vld [tilespmem:s20+$0x5C70];
	v4 =	vadd.f32 v57, v4  }
0x760: {  	v63 =	vadd.f32 v45, v6;
	v3 =	vadd.f32 v58, v3  }
0x761: {  	v4 =	vadd.f32 v59, v4  }
0x762: {  	v5 =	vadd.f32 v46, v63;
	v3 =	vadd.f32 v60, v3  }
0x763: {  	v4 =	vadd.f32 v61, v4  }
0x764: {  	[tilespmem:s18+$0x0] =	vst v5;
	v3 =	vadd.f32 v62, v3  }
0x765: {  	[tilespmem:s10+$0x0] =	vst v4  }
0x766: {  	s28 =	rddreg [dreg:$0x1a];
	[tilespmem:s13+$0x0] =	vst v3  }
0x767: {  	s19 =	rddreg [dreg:$0x19]  }
0x768: {  	s19 =	sadd.s32 $0x1, s19  }
0x769: {  	s29 =	rddreg [dreg:$0x14];
	p0 =	sne.s32 s19, $0x8  }
.Ltmp3:
0x76a: {  	s0 =	sshll.u32 s28, $0x8;
	s2 =	rddreg [dreg:$0x1c];
	(pc) =	sbr.rel @p0 .LBB2_2-.Ltmp3, $4  }
0x76b: {  	s30 =	simm.s32 $0x0;
	s31 =	rddreg [dreg:$0x18];
	s0 =	sadd.s32 s0, s29  }
0x76c: {  	[hbm4b:s0+s30] =	stream.linear.scatter [tilespmem:s2], [sflag:$0x4], $0x800, $0x38;
	[tilespmem:$0x12800] =	vst v63  }
0x76d: {  	s18 =	rddreg [dreg:$0x17];
	s0 =	sadd.s32 $0x1000, s31  }
0x76e: {  	s18 =	sadd.s32 $0x1000, s18;
	[dreg:$0x18] =	wrdreg s0  }
0x76f: {  	s1 =	simm.s32 $0x4  }
0x770: {  	_ =	swait.ge [sflag:s1], $0x800  }
0x771: {  	[sflag:s1] =	ssyncset.done $0x0  }
0x772: {  	[sflag:s1] =	ssyncadd.s32 $0xFFFFF800  }
0x773: {  	_ =	swait.ge [sflag:s1], $0x800  }
0x774: {  	[sflag:s1] =	ssyncset.done $0x0  }
0x775: {  	[sflag:s1] =	ssyncadd.s32 $0xFFFFF800  }
0x776: {  	_ =	swait.ge [sflag:s1], $0x800  }
0x777: {  	[sflag:s1] =	ssyncset.done $0x0  }
0x778: {  	[sflag:s1] =	ssyncadd.s32 $0xFFFFF800  }
0x779: {  	_ =	swait.ge [sflag:s1], $0x800  }
0x77a: {  	[sflag:s1] =	ssyncset.done $0x0  }
0x77b: {  	[sflag:s1] =	ssyncadd.s32 $0xFFFFF800  }
0x77c: {  	_ =	swait.ge [sflag:s1], $0x800  }
0x77d: {  	[sflag:s1] =	ssyncset.done $0x0  }
0x77e: {  	[sflag:s1] =	ssyncadd.s32 $0xFFFFF800  }
0x77f: {  	_ =	swait.ge [sflag:s1], $0x800  }
0x780: {  	[sflag:s1] =	ssyncset.done $0x0  }
0x781: {  	[sflag:s1] =	ssyncadd.s32 $0xFFFFF800  }
0x782: {  	_ =	swait.ge [sflag:s1], $0x800  }
0x783: {  	[sflag:s1] =	ssyncset.done $0x0  }
0x784: {  	[sflag:s1] =	ssyncadd.s32 $0xFFFFF800  }
0x785: {  	_ =	swait.ge [sflag:s1], $0x800  }
0x786: {  	[sflag:s1] =	ssyncset.done $0x0  }
0x787: {  	[sflag:s1] =	ssyncadd.s32 $0xFFFFF800  }
0x788: {  	_ =	swait.ge [sflag:s1], $0x800  }
0x789: {  	[sflag:s1] =	ssyncset.done $0x0  }
0x78a: {  	[sflag:s1] =	ssyncadd.s32 $0xFFFFF800  }
0x78b: {  	_ =	swait.ge [sflag:s1], $0x800  }
0x78c: {  	[sflag:s1] =	ssyncset.done $0x0  }
0x78d: {  	[sflag:s1] =	ssyncadd.s32 $0xFFFFF800  }
0x78e: {  	_ =	swait.ge [sflag:s1], $0x800  }
0x78f: {  	[sflag:s1] =	ssyncset.done $0x0  }
0x790: {  	[sflag:s1] =	ssyncadd.s32 $0xFFFFF800  }
0x791: {  	_ =	swait.ge [sflag:s1], $0x800  }
0x792: {  	[sflag:s1] =	ssyncset.done $0x0  }
0x793: {  	[sflag:s1] =	ssyncadd.s32 $0xFFFFF800  }
0x794: {  	_ =	swait.ge [sflag:s1], $0x800  }
0x795: {  	[sflag:s1] =	ssyncset.done $0x0  }
0x796: {  	[sflag:s1] =	ssyncadd.s32 $0xFFFFF800  }
0x797: {  	_ =	swait.ge [sflag:s1], $0x800  }
0x798: {  	[sflag:s1] =	ssyncset.done $0x0  }
0x799: {  	[sflag:s1] =	ssyncadd.s32 $0xFFFFF800  }
0x79a: {  	_ =	swait.ge [sflag:s1], $0x800  }
0x79b: {  	[sflag:s1] =	ssyncset.done $0x0  }
0x79c: {  	[sflag:s1] =	ssyncadd.s32 $0xFFFFF800  }
0x79d: {  	_ =	swait.ge [sflag:s1], $0x800  }
0x79e: {  	s2 =	rddreg [dreg:$0x16]  }
0x79f: {  	s0 =	rddreg [dreg:$0x15];
	s2 =	sadd.s32 $0x1, s2  }
0x7a0: {  	p0 =	sne.s32 s2, s0  }
.Ltmp4:
0x7a1: {  	_ = 	snop;
	(pc) =	sbr.rel @p0 .LBB2_1-.Ltmp4, $3  }
0x7a2: {  	_ =	sdelay $0x1  }
0x7a3: {  	[sflag:s1] =	ssyncset.done $0x0  }
0x7a4: {  	[sflag:s1] =	ssyncadd.s32 $0xFFFFF800  }
0x7a5: {  	_ =	sfence.sel $0x180000  }
0x7a6: {  	[bflag:$0x0] =	sbarrier.arrive $0xFFFF  }
0x7a7: {  	_ =	strace $0x90000047  }
0x7a8: {  	s0 =	stileid.u32;
	[bflag:$0x2] =	sbarrier.arrive $0xFFFF  }
0x7a9: {  	p0 =	sne.s32 s0, $0x0;
	s0 =	rddreg [dreg:$0x3]  }
0x7aa: {  	s0 =	sadd.s32 @!p0 $0x100000, s0  }
0x7ab: {  	[sflag:s0] =	ssyncadd.tile.s32 @!p0 $0x1;
	_ =	shalt  }
.Lfunc_end2:
_tile_overlayer_lowered:
.L_overlay_start_2:
0x7ac: {  	(tag) =	ssettag $0x2  }
0x7ad: {  	s0 =	rddreg [dreg:$0x0];
	s2 =	stileid.u32  }
0x7ae: {  	s1 =	rddreg [dreg:$0x1];
	p0 =	sne.s32 s2, $0x0  }
0x7af: {  	s3 =	rddreg [dreg:$0x2];
	[bflag:$0x3] =	sbarrier.arrive $0xFFFF;
	s2 =	simm.s32 @!p0 $0x1C05  }
0x7b0: {  	[timem:s3], [sflag:s2] =	dma.local @!p0 [hbm:s0], s1  }
0x7b1: {  	s0 =	simm.s32 @!p0 $0x5  }
0x7b2: {  	_ =	swait.ge @!p0 [sflag:s0], s1  }
0x7b3: {  	s1 =	ssub.s32 @!p0 $0x0, s1;
	[sflag:s0] =	ssyncset.done @!p0 $0x0  }
0x7b4: {  	[sflag:s0] =	ssyncadd.s32 @!p0 s1  }
0x7b5: {  	[bflag:$0x3] =	sbarrier.arrive $0xFFFF  }
0x7b6: {  	_ =	shalt  }

</sc_bundles>
